<compile_context>
chip_gen: v7x
topology: tpu7x:2x2x1
jax: 0.10.2.dev20260603
libtpu: 0.0.44.dev20260713+nightly
codegen_flags: <defaults>
</compile_context>

<pallas_src>
import jax
import jax.numpy as jnp
from jax import lax
from jax.experimental import pallas as pl
from jax.experimental.pallas import tpu as pltpu
from jax.experimental.pallas import tpu_sc as plsc

N = 10000
E = 320000
D = 128
H = 128
O = 64

NC = 2
NS = 16
NW = NC * NS
B = 128
CH = 8

EP = ((E + NW * B * CH - 1) // (NW * B * CH)) * (NW * B * CH)
NROW = EP // B
C0 = 10
C1 = 10
ROWS0 = C0 * CH
ROWS1 = C1 * CH

NP = 10240
NPT = NP // NS
NPAD = NP
NR = 80
NCNT = NR * B

_mesh = plsc.VectorSubcoreMesh(
    core_axis_name="c", subcore_axis_name="s", num_cores=NC, num_subcores=NS
)


def _agg_pipeline(feat, src2d, dst2d, agg_sh, c, s,
                  idx_s, idx_d, rows0, rows1, gs0, gs1, ss0, ss1,
                  cnt_v=None):
    bufs = (rows0, rows1)
    gsems = (gs0, gs1)
    ssems = (ss0, ss1)
    ones16 = jnp.ones((16,), jnp.float32)
    base = jnp.where(c == 0, s * ROWS0, NS * ROWS0 + s * ROWS1)
    nch = jnp.where(c == 0, C0, C1)

    def step(j, carry):
        row0 = base + j * CH
        pltpu.sync_copy(src2d.at[pl.ds(row0, CH)], idx_s)
        pltpu.sync_copy(dst2d.at[pl.ds(row0, CH)], idx_d)
        g = {}
        sc = {}
        g[0] = pltpu.async_copy(feat.at[idx_s.at[0]], bufs[0], gsems[0])
        for k in range(CH):
            if k + 1 < CH:
                if k >= 1:
                    sc[k - 1].wait()
                g[k + 1] = pltpu.async_copy(
                    feat.at[idx_s.at[k + 1]], bufs[(k + 1) % 2],
                    gsems[(k + 1) % 2])
            if cnt_v is not None:
                for gi in range(B // 16):
                    idxv = idx_d[k, pl.ds(gi * 16, 16)]
                    plsc.addupdate_scatter(cnt_v, [idxv], ones16)
            g[k].wait()
            sc[k] = pltpu.async_copy(bufs[k % 2], agg_sh.at[idx_d.at[k]],
                                     ssems[k % 2], add=True)
        sc[CH - 2].wait()
        sc[CH - 1].wait()
        return carry

    lax.fori_loop(0, nch, step, 0)


def _sc_agg1_body(feat, src2d, dst2d, zero_agg, zero_cnt,
                  agg_out, cnt_out,
                  idx_s, idx_d, rows0, rows1, cnt_v, agg_sh,
                  gs0, gs1, ss0, ss1):
    c = lax.axis_index("c")
    s = lax.axis_index("s")
    tid = c * NS + s
    r0 = s * NPT
    pltpu.sync_copy(zero_agg.at[pl.ds(r0, NPT)], agg_sh.at[pl.ds(r0, NPT)])
    pltpu.sync_copy(zero_cnt, cnt_v)
    plsc.subcore_barrier()
    _agg_pipeline(feat, src2d, dst2d, agg_sh, c, s,
                  idx_s, idx_d, rows0, rows1, gs0, gs1, ss0, ss1, cnt_v)
    plsc.subcore_barrier()
    pltpu.sync_copy(agg_sh.at[pl.ds(r0, NPT)], agg_out.at[c, pl.ds(r0, NPT)])
    pltpu.sync_copy(cnt_v, cnt_out.at[pl.ds(tid * NCNT, NCNT)])


def _sc_agg2_body(feat, src2d, dst2d, zero_agg,
                  agg_out,
                  idx_s, idx_d, rows0, rows1, agg_sh,
                  gs0, gs1, ss0, ss1):
    c = lax.axis_index("c")
    s = lax.axis_index("s")
    tid = c * NS + s
    r0 = s * NPT
    pltpu.sync_copy(zero_agg.at[pl.ds(r0, NPT)], agg_sh.at[pl.ds(r0, NPT)])
    plsc.subcore_barrier()
    _agg_pipeline(feat, src2d, dst2d, agg_sh, c, s,
                  idx_s, idx_d, rows0, rows1, gs0, gs1, ss0, ss1)
    plsc.subcore_barrier()
    pltpu.sync_copy(agg_sh.at[pl.ds(r0, NPT)], agg_out.at[c, pl.ds(r0, NPT)])


_sc_agg1 = pl.kernel(
    _sc_agg1_body,
    out_type=[
        jax.ShapeDtypeStruct((NC, NP, D), jnp.float32),
        jax.ShapeDtypeStruct((NW * NCNT,), jnp.float32),
    ],
    mesh=_mesh,
    compiler_params=pltpu.CompilerParams(needs_layout_passes=False),
    scratch_types=[
        pltpu.VMEM((CH, B), jnp.int32),
        pltpu.VMEM((CH, B), jnp.int32),
        pltpu.VMEM((B, D), jnp.float32),
        pltpu.VMEM((B, D), jnp.float32),
        pltpu.VMEM((NCNT,), jnp.float32),
        pltpu.VMEM_SHARED((NP, D), jnp.float32),
        pltpu.SemaphoreType.DMA,
        pltpu.SemaphoreType.DMA,
        pltpu.SemaphoreType.DMA,
        pltpu.SemaphoreType.DMA,
    ],
)

_sc_agg2 = pl.kernel(
    _sc_agg2_body,
    out_type=jax.ShapeDtypeStruct((NC, NP, H), jnp.float32),
    mesh=_mesh,
    scratch_types=[
        pltpu.VMEM((CH, B), jnp.int32),
        pltpu.VMEM((CH, B), jnp.int32),
        pltpu.VMEM((B, H), jnp.float32),
        pltpu.VMEM((B, H), jnp.float32),
        pltpu.VMEM_SHARED((NP, H), jnp.float32),
        pltpu.SemaphoreType.DMA,
        pltpu.SemaphoreType.DMA,
        pltpu.SemaphoreType.DMA,
        pltpu.SemaphoreType.DMA,
    ],
)

_BR = 1280
_KR = _BR // B


PAD_E = EP - E


def _cnt_col(cntp):
    cnt = jnp.sum(cntp[:, :, 0, :], axis=0)
    base = pl.program_id(0) * _BR
    cols = []
    for r in range(_KR):
        rowid = base + r * B + lax.iota(jnp.int32, B)
        c = cnt[r] - jnp.where(rowid < PAD_E, 1.0, 0.0)
        cols.append(jnp.maximum(c, 1.0).reshape(B, 1))
    return jnp.concatenate(cols, axis=0)


def _tc1_body(aggp, cntp, x, wl, bl, wr, out):
    agg = aggp[0] + aggp[1]
    mean = agg / _cnt_col(cntp)
    r = lax.dot_general(mean, wl[...], (((1,), (1,)), ((), ())),
                        preferred_element_type=jnp.float32)
    r = r + bl[...]
    r = r + lax.dot_general(x[...], wr[...], (((1,), (1,)), ((), ())),
                            preferred_element_type=jnp.float32)
    rowid = pl.program_id(0) * _BR + lax.broadcasted_iota(jnp.int32, (_BR, 1), 0)
    out[...] = jnp.where(rowid < N, jnp.maximum(r, 0.0), 0.0)


def _tc2_body(aggp, cntp, h, wl, bl, wr, wlin, blin, out):
    agg = aggp[0] + aggp[1]
    mean = agg / _cnt_col(cntp)
    r = lax.dot_general(mean, wl[...], (((1,), (1,)), ((), ())),
                        preferred_element_type=jnp.float32)
    r = r + bl[...]
    r = r + lax.dot_general(h[...], wr[...], (((1,), (1,)), ((), ())),
                            preferred_element_type=jnp.float32)
    logits = lax.dot_general(r, wlin[...], (((1,), (1,)), ((), ())),
                             preferred_element_type=jnp.float32)
    logits = logits + blin[...]
    m = jnp.max(logits, axis=1, keepdims=True)
    lse = jnp.log(jnp.sum(jnp.exp(logits - m), axis=1, keepdims=True)) + m
    out[...] = logits - lse


def _tc1(agg_parts, cnt_parts, xp, W_l1, b_l1, W_r1):
    return pl.pallas_call(
        _tc1_body,
        grid=(NPAD // _BR,),
        in_specs=[
            pl.BlockSpec((NC, _BR, D), lambda i: (0, i, 0)),
            pl.BlockSpec((NW, _KR, 1, B), lambda i: (0, i, 0, 0)),
            pl.BlockSpec((_BR, D), lambda i: (i, 0)),
            pl.BlockSpec((H, D), lambda i: (0, 0)),
            pl.BlockSpec((1, H), lambda i: (0, 0)),
            pl.BlockSpec((H, D), lambda i: (0, 0)),
        ],
        out_specs=pl.BlockSpec((_BR, H), lambda i: (i, 0)),
        out_shape=jax.ShapeDtypeStruct((NPAD, H), jnp.float32),
    )(agg_parts, cnt_parts, xp, W_l1, b_l1.reshape(1, H), W_r1)


def _tc2(agg_parts, cnt_parts, h, W_l2, b_l2, W_r2, W_lin, b_lin):
    return pl.pallas_call(
        _tc2_body,
        grid=(NPAD // _BR,),
        in_specs=[
            pl.BlockSpec((NC, _BR, H), lambda i: (0, i, 0)),
            pl.BlockSpec((NW, _KR, 1, B), lambda i: (0, i, 0, 0)),
            pl.BlockSpec((_BR, H), lambda i: (i, 0)),
            pl.BlockSpec((H, H), lambda i: (0, 0)),
            pl.BlockSpec((1, H), lambda i: (0, 0)),
            pl.BlockSpec((H, H), lambda i: (0, 0)),
            pl.BlockSpec((O, H), lambda i: (0, 0)),
            pl.BlockSpec((1, O), lambda i: (0, 0)),
        ],
        out_specs=pl.BlockSpec((_BR, O), lambda i: (i, 0)),
        out_shape=jax.ShapeDtypeStruct((NPAD, O), jnp.float32),
    )(agg_parts, cnt_parts, h, W_l2, b_l2.reshape(1, H), W_r2,
      W_lin, b_lin.reshape(1, O))


def kernel(x, edge_index, W_l1, b_l1, W_r1, W_l2, b_l2, W_r2, W_lin, b_lin):
    src = edge_index[0]
    dst = edge_index[1]
    pad = EP - E
    pad_src = N + (jnp.arange(pad, dtype=jnp.int32) % (NP - N))
    src2d = jnp.concatenate([src, pad_src]).reshape(NROW, B)
    pad_dst = jnp.arange(pad, dtype=jnp.int32)
    dst2d = jnp.concatenate([dst, pad_dst]).reshape(NROW, B)
    src2d = src2d.reshape(NROW // NW, NW, B).transpose(1, 0, 2).reshape(NROW, B)
    dst2d = dst2d.reshape(NROW // NW, NW, B).transpose(1, 0, 2).reshape(NROW, B)
    xp = jnp.pad(x, ((0, NPAD - N), (0, 0)))
    zero_agg = jnp.zeros((NP, D), jnp.float32)
    zero_cnt = jnp.zeros((NCNT,), jnp.float32)

    agg1, cnt = _sc_agg1(xp, src2d, dst2d, zero_agg, zero_cnt)
    cnt4 = cnt.reshape(NW, NR, 1, B)
    h = _tc1(agg1, cnt4, xp, W_l1, b_l1, W_r1)
    agg2 = _sc_agg2(h, src2d, dst2d, zero_agg)
    out = _tc2(agg2, cnt4, h, W_l2, b_l2, W_r2, W_lin, b_lin)
    return out[:N]

# --- scband reference (transcript-rebuilt; emitter-appended) ---
"""Pipeline reference for scband-model-38963943309488 (READ-ONLY COPY).

The authoritative reference and input builder live on the scoring server;
editing this copy changes nothing except your own understanding.
"""

import jax, jax.numpy as jnp
import numpy as np

N = 10000
E = 320000
D = 128
H = 128
O = 64


def setup_inputs(seed: int = 0) -> dict:
    key = jax.random.key(seed)
    ks = jax.random.split(key, 12)
    x = jax.random.normal(ks[0], (N, D), dtype=jnp.float32)
    edge_index = jax.random.randint(ks[1], (2, E), 0, N, dtype=jnp.int32)
    # SAGEConv layer 1 (in=D, out=H): lin_l (with bias), lin_r (no bias)
    W_l1 = jax.random.normal(ks[2], (H, D), dtype=jnp.float32) * 0.05
    b_l1 = jnp.zeros((H,), dtype=jnp.float32)
    W_r1 = jax.random.normal(ks[3], (H, D), dtype=jnp.float32) * 0.05
    # SAGEConv layer 2 (in=H, out=H)
    W_l2 = jax.random.normal(ks[4], (H, H), dtype=jnp.float32) * 0.05
    b_l2 = jnp.zeros((H,), dtype=jnp.float32)
    W_r2 = jax.random.normal(ks[5], (H, H), dtype=jnp.float32) * 0.05
    # Final Linear (in=H, out=O)
    W_lin = jax.random.normal(ks[6], (O, H), dtype=jnp.float32) * 0.05
    b_lin = jnp.zeros((O,), dtype=jnp.float32)
    return {"x": x, "edge_index": edge_index,
            "W_l1": W_l1, "b_l1": b_l1, "W_r1": W_r1,
            "W_l2": W_l2, "b_l2": b_l2, "W_r2": W_r2,
            "W_lin": W_lin, "b_lin": b_lin}


def _sage_conv(x, edge_index, W_l, b_l, W_r):
    # PyG SAGEConv with mean aggregation:
    # out = lin_l(mean_{j in N(i)} x_j) + lin_r(x_i)
    src = edge_index[0]
    dst = edge_index[1]
    msg = x[src]  # gather (SparseCore)
    agg = jax.ops.segment_sum(msg, dst, num_segments=N)  # scatter-add
    cnt = jax.ops.segment_sum(jnp.ones((E,), dtype=x.dtype), dst, num_segments=N)
    mean = agg / jnp.clip(cnt, 1.0, None)[:, None]
    return mean @ W_l.T + b_l + x @ W_r.T


def reference(x, edge_index, W_l1, b_l1, W_r1, W_l2, b_l2, W_r2, W_lin, b_lin):
    h = _sage_conv(x, edge_index, W_l1, b_l1, W_r1)
    h = jax.nn.relu(h)
    h = _sage_conv(h, edge_index, W_l2, b_l2, W_r2)
    out = h @ W_lin.T + b_lin
    return jax.nn.log_softmax(out, axis=1)

if __name__ == "__main__":
    import jax
    _d = setup_inputs()
    print(jax.jit(kernel)(*tuple(_d.values())))

</pallas_src>

<mosaic_0001>
#map = affine_map<(d0, d1) -> (0, 0)>
#map1 = affine_map<(d0, d1) -> (0, 0, 0)>
module attributes {stable_mosaic.version = 14 : i64} {
  func.func @_sc_agg2_body(%arg0: i32, %arg1: i32, %arg2: memref<10240x128xf32, #tpu.memory_space<hbm>>, %arg3: memref<2560x128xi32, #tpu.memory_space<hbm>>, %arg4: memref<2560x128xi32, #tpu.memory_space<hbm>>, %arg5: memref<10240x128xf32, #tpu.memory_space<hbm>>, %arg6: memref<2x10240x128xf32, #tpu.memory_space<hbm>>, %arg7: memref<8x128xi32, #tpu.memory_space<vmem>>, %arg8: memref<8x128xi32, #tpu.memory_space<vmem>>, %arg9: memref<128x128xf32, #tpu.memory_space<vmem>>, %arg10: memref<128x128xf32, #tpu.memory_space<vmem>>, %arg11: memref<10240x128xf32, #tpu.memory_space<vmem_shared>>, %arg12: memref<!tpu.dma_semaphore, #tpu.memory_space<semaphore_mem>>, %arg13: memref<!tpu.dma_semaphore, #tpu.memory_space<semaphore_mem>>, %arg14: memref<!tpu.dma_semaphore, #tpu.memory_space<semaphore_mem>>, %arg15: memref<!tpu.dma_semaphore, #tpu.memory_space<semaphore_mem>>) attributes {dimension_semantics = [#tpu.dimension_semantics<core_parallel>, #tpu.dimension_semantics<subcore_parallel>], iteration_bounds = array<i64: 2, 16>, scalar_prefetch = 0 : i64, scratch_operands = 9 : i64, tpu.core_type = #tpu.core_type<sc_vector_subcore>, window_params = [{transform_indices = #map}, {transform_indices = #map}, {transform_indices = #map}, {transform_indices = #map}, {transform_indices = #map1}]} {
    %mul3A = arith.constant 16 : i32
    %mul3A_0 = arith.muli %arg0, %mul3A : i32
    %add3A = arith.addi %mul3A_0, %arg1 : i32
    %mul3A_1 = arith.constant 640 : i32
    %mul3A_2 = arith.muli %arg1, %mul3A_1 : i32
    "tpu.region"() ({
      %run_scoped3A = tpu.sem_alloc : memref<!tpu.dma_semaphore, #tpu.memory_space<semaphore_mem>>
      %dma_start3A = arith.constant 0 : i32
      %dma_start3A_25 = tpu.memref_slice %arg11[%mul3A_2, %dma_start3A] : memref<10240x128xf32, #tpu.memory_space<vmem_shared>> -> memref<640x128xf32, #tpu.memory_space<vmem_shared>>
      %dma_start3A_26 = arith.constant 0 : i32
      %dma_start3A_27 = tpu.memref_slice %arg5[%mul3A_2, %dma_start3A_26] : memref<10240x128xf32, #tpu.memory_space<hbm>> -> memref<640x128xf32, #tpu.memory_space<hbm>>
      tpu.enqueue_dma source(%dma_start3A_27 : memref<640x128xf32, #tpu.memory_space<hbm>>) target(%dma_start3A_25 : memref<640x128xf32, #tpu.memory_space<vmem_shared>>) target_semaphore(%run_scoped3A : memref<!tpu.dma_semaphore, #tpu.memory_space<semaphore_mem>>)
      %dma_wait3A = arith.constant 0 : i32
      %dma_wait3A_28 = tpu.memref_slice %arg11[%mul3A_2, %dma_wait3A] : memref<10240x128xf32, #tpu.memory_space<vmem_shared>> -> memref<640x128xf32, #tpu.memory_space<vmem_shared>>
      %dma_wait3A_29 = arith.constant 0 : i32
      %dma_wait3A_30 = tpu.memref_slice %arg5[%mul3A_2, %dma_wait3A_29] : memref<10240x128xf32, #tpu.memory_space<hbm>> -> memref<640x128xf32, #tpu.memory_space<hbm>>
      tpu.wait_dma2 semaphore(%run_scoped3A : memref<!tpu.dma_semaphore, #tpu.memory_space<semaphore_mem>>) src(%dma_wait3A_30 : memref<640x128xf32, #tpu.memory_space<hbm>>) dst(%dma_wait3A_28 : memref<640x128xf32, #tpu.memory_space<vmem_shared>>)
      tpu.yield
    }) : () -> ()
    %barrier3A = arith.constant 0 : index
    tpu.barrier barrier_id(%barrier3A)
    %broadcast_in_dim3A = arith.constant 1.000000e+00 : f32
    %broadcast_in_dim3A_3 = vector.broadcast %broadcast_in_dim3A : f32 to vector<16xf32>
    %eq3A = arith.constant 0 : i32
    %eq3A_4 = arith.cmpi eq, %arg0, %eq3A : i32
    %mul3A_5 = arith.constant 80 : i32
    %mul3A_6 = arith.muli %arg1, %mul3A_5 : i32
    %mul3A_7 = arith.constant 80 : i32
    %mul3A_8 = arith.muli %arg1, %mul3A_7 : i32
    %add3A_9 = arith.constant 1280 : i32
    %add3A_10 = arith.addi %add3A_9, %mul3A_8 : i32
    %select_n3A = arith.select %eq3A_4, %mul3A_6, %add3A_10 : i32
    %eq3A_11 = arith.constant 0 : i32
    %eq3A_12 = arith.cmpi eq, %arg0, %eq3A_11 : i32
    %jit3A = arith.constant 10 : i32
    %jit3A_13 = arith.constant 10 : i32
    %select_n3A_14 = arith.select %eq3A_12, %jit3A, %jit3A_13 : i32
    %while3A = arith.constant 0 : i32
    %while3A_15 = arith.constant 0 : i32
    %while3A_16 = arith.subi %select_n3A_14, %while3A_15 : i32
    %while3A_17 = arith.addi %while3A_15, %while3A_16 : i32
    %while3A_18 = arith.constant 1 : i32
    %while3A_19 = arith.divsi %while3A_16, %while3A_18 : i32
    %while3A_20 = arith.muli %while3A_19, %while3A_18 : i32
    %while3A_21 = arith.addi %while3A_15, %while3A_20 : i32
    %while3A_22 = arith.constant 1 : i32
    scf.for %while3A_25 = %while3A_15 to %while3A_21 step %while3A_22  : i32 {
      %mul3A_26 = arith.constant 8 : i32
      %mul3A_27 = arith.muli %while3A_25, %mul3A_26 : i32
      %add3A_28 = arith.addi %select_n3A, %mul3A_27 : i32
      "tpu.region"() ({
        %run_scoped3A = tpu.sem_alloc : memref<!tpu.dma_semaphore, #tpu.memory_space<semaphore_mem>>
        %dma_start3A_251 = arith.constant 0 : i32
        %dma_start3A_252 = tpu.memref_slice %arg3[%add3A_28, %dma_start3A_251] : memref<2560x128xi32, #tpu.memory_space<hbm>> -> memref<8x128xi32, #tpu.memory_space<hbm>>
        %dma_start3A_253 = arith.constant 0 : i32
        %dma_start3A_254 = tpu.memref_slice %arg3[%add3A_28, %dma_start3A_253] : memref<2560x128xi32, #tpu.memory_space<hbm>> -> memref<8x128xi32, #tpu.memory_space<hbm>>
        tpu.enqueue_dma source(%dma_start3A_254 : memref<8x128xi32, #tpu.memory_space<hbm>>) target(%arg7 : memref<8x128xi32, #tpu.memory_space<vmem>>) target_semaphore(%run_scoped3A : memref<!tpu.dma_semaphore, #tpu.memory_space<semaphore_mem>>)
        %dma_wait3A_255 = arith.constant 0 : i32
        %dma_wait3A_256 = tpu.memref_slice %arg3[%add3A_28, %dma_wait3A_255] : memref<2560x128xi32, #tpu.memory_space<hbm>> -> memref<8x128xi32, #tpu.memory_space<hbm>>
        %dma_wait3A_257 = arith.constant 0 : i32
        %dma_wait3A_258 = tpu.memref_slice %arg3[%add3A_28, %dma_wait3A_257] : memref<2560x128xi32, #tpu.memory_space<hbm>> -> memref<8x128xi32, #tpu.memory_space<hbm>>
        tpu.wait_dma2 semaphore(%run_scoped3A : memref<!tpu.dma_semaphore, #tpu.memory_space<semaphore_mem>>) src(%dma_wait3A_258 : memref<8x128xi32, #tpu.memory_space<hbm>>) dst(%arg7 : memref<8x128xi32, #tpu.memory_space<vmem>>)
        tpu.yield
      }) : () -> ()
      "tpu.region"() ({
        %run_scoped3A = tpu.sem_alloc : memref<!tpu.dma_semaphore, #tpu.memory_space<semaphore_mem>>
        %dma_start3A_251 = arith.constant 0 : i32
        %dma_start3A_252 = tpu.memref_slice %arg4[%add3A_28, %dma_start3A_251] : memref<2560x128xi32, #tpu.memory_space<hbm>> -> memref<8x128xi32, #tpu.memory_space<hbm>>
        %dma_start3A_253 = arith.constant 0 : i32
        %dma_start3A_254 = tpu.memref_slice %arg4[%add3A_28, %dma_start3A_253] : memref<2560x128xi32, #tpu.memory_space<hbm>> -> memref<8x128xi32, #tpu.memory_space<hbm>>
        tpu.enqueue_dma source(%dma_start3A_254 : memref<8x128xi32, #tpu.memory_space<hbm>>) target(%arg8 : memref<8x128xi32, #tpu.memory_space<vmem>>) target_semaphore(%run_scoped3A : memref<!tpu.dma_semaphore, #tpu.memory_space<semaphore_mem>>)
        %dma_wait3A_255 = arith.constant 0 : i32
        %dma_wait3A_256 = tpu.memref_slice %arg4[%add3A_28, %dma_wait3A_255] : memref<2560x128xi32, #tpu.memory_space<hbm>> -> memref<8x128xi32, #tpu.memory_space<hbm>>
        %dma_wait3A_257 = arith.constant 0 : i32
        %dma_wait3A_258 = tpu.memref_slice %arg4[%add3A_28, %dma_wait3A_257] : memref<2560x128xi32, #tpu.memory_space<hbm>> -> memref<8x128xi32, #tpu.memory_space<hbm>>
        tpu.wait_dma2 semaphore(%run_scoped3A : memref<!tpu.dma_semaphore, #tpu.memory_space<semaphore_mem>>) src(%dma_wait3A_258 : memref<8x128xi32, #tpu.memory_space<hbm>>) dst(%arg8 : memref<8x128xi32, #tpu.memory_space<vmem>>)
        tpu.yield
      }) : () -> ()
      %dma_start3A = arith.constant 0 : i32
      %dma_start3A_29 = arith.constant 0 : i32
      %dma_start3A_30 = tpu.memref_slice %arg7[%dma_start3A, %dma_start3A_29] : memref<8x128xi32, #tpu.memory_space<vmem>> -> memref<1x128xi32, #tpu.memory_space<vmem>>
      %dma_start3A_31 = tpu.memref_squeeze %dma_start3A_30 : memref<1x128xi32, #tpu.memory_space<vmem>> -> memref<128xi32, #tpu.memory_space<vmem>>
      %dma_start3A_32 = arith.constant 0 : i32
      %dma_start3A_33 = arith.constant 0 : i32
      %dma_start3A_34 = tpu.memref_slice %arg2[%dma_start3A_32, %dma_start3A_33] : memref<10240x128xf32, #tpu.memory_space<hbm>> -> memref<10240x128xf32, #tpu.memory_space<hbm>>
      tpu.enqueue_indirect_dma source(%dma_start3A_34 : memref<10240x128xf32, #tpu.memory_space<hbm>>) target(%arg9 : memref<128x128xf32, #tpu.memory_space<vmem>>) offsets(%dma_start3A_31 : memref<128xi32, #tpu.memory_space<vmem>>) semaphore(%arg12 : memref<!tpu.dma_semaphore, #tpu.memory_space<semaphore_mem>>)
      %dma_start3A_35 = arith.constant 1 : i32
      %dma_start3A_36 = arith.constant 0 : i32
      %dma_start3A_37 = tpu.memref_slice %arg7[%dma_start3A_35, %dma_start3A_36] : memref<8x128xi32, #tpu.memory_space<vmem>> -> memref<1x128xi32, #tpu.memory_space<vmem>>
      %dma_start3A_38 = tpu.memref_squeeze %dma_start3A_37 : memref<1x128xi32, #tpu.memory_space<vmem>> -> memref<128xi32, #tpu.memory_space<vmem>>
      %dma_start3A_39 = arith.constant 0 : i32
      %dma_start3A_40 = arith.constant 0 : i32
      %dma_start3A_41 = tpu.memref_slice %arg2[%dma_start3A_39, %dma_start3A_40] : memref<10240x128xf32, #tpu.memory_space<hbm>> -> memref<10240x128xf32, #tpu.memory_space<hbm>>
      tpu.enqueue_indirect_dma source(%dma_start3A_41 : memref<10240x128xf32, #tpu.memory_space<hbm>>) target(%arg10 : memref<128x128xf32, #tpu.memory_space<vmem>>) offsets(%dma_start3A_38 : memref<128xi32, #tpu.memory_space<vmem>>) semaphore(%arg13 : memref<!tpu.dma_semaphore, #tpu.memory_space<semaphore_mem>>)
      %dma_wait3A = arith.constant 0 : i32
      %dma_wait3A_42 = arith.constant 0 : i32
      %dma_wait3A_43 = tpu.memref_slice %arg7[%dma_wait3A, %dma_wait3A_42] : memref<8x128xi32, #tpu.memory_space<vmem>> -> memref<1x128xi32, #tpu.memory_space<vmem>>
      %dma_wait3A_44 = tpu.memref_squeeze %dma_wait3A_43 : memref<1x128xi32, #tpu.memory_space<vmem>> -> memref<128xi32, #tpu.memory_space<vmem>>
      %dma_wait3A_45 = arith.constant 0 : i32
      %dma_wait3A_46 = arith.constant 0 : i32
      %dma_wait3A_47 = tpu.memref_slice %arg2[%dma_wait3A_45, %dma_wait3A_46] : memref<10240x128xf32, #tpu.memory_space<hbm>> -> memref<10240x128xf32, #tpu.memory_space<hbm>>
      tpu.wait_indirect_dma semaphore(%arg12 : memref<!tpu.dma_semaphore, #tpu.memory_space<semaphore_mem>>) src(%dma_wait3A_47 : memref<10240x128xf32, #tpu.memory_space<hbm>>) dst(%arg9 : memref<128x128xf32, #tpu.memory_space<vmem>>)
      %dma_start3A_48 = arith.constant 0 : i32
      %dma_start3A_49 = arith.constant 0 : i32
      %dma_start3A_50 = tpu.memref_slice %arg8[%dma_start3A_48, %dma_start3A_49] : memref<8x128xi32, #tpu.memory_space<vmem>> -> memref<1x128xi32, #tpu.memory_space<vmem>>
      %dma_start3A_51 = tpu.memref_squeeze %dma_start3A_50 : memref<1x128xi32, #tpu.memory_space<vmem>> -> memref<128xi32, #tpu.memory_space<vmem>>
      %dma_start3A_52 = arith.constant 0 : i32
      %dma_start3A_53 = arith.constant 0 : i32
      %dma_start3A_54 = tpu.memref_slice %arg11[%dma_start3A_52, %dma_start3A_53] : memref<10240x128xf32, #tpu.memory_space<vmem_shared>> -> memref<10240x128xf32, #tpu.memory_space<vmem_shared>>
      tpu.enqueue_indirect_dma source(%arg9 : memref<128x128xf32, #tpu.memory_space<vmem>>) target(%dma_start3A_54 : memref<10240x128xf32, #tpu.memory_space<vmem_shared>>) offsets(%dma_start3A_51 : memref<128xi32, #tpu.memory_space<vmem>>) semaphore(%arg14 : memref<!tpu.dma_semaphore, #tpu.memory_space<semaphore_mem>>) {add = true}
      %dma_wait3A_55 = arith.constant 0 : i32
      %dma_wait3A_56 = arith.constant 0 : i32
      %dma_wait3A_57 = tpu.memref_slice %arg8[%dma_wait3A_55, %dma_wait3A_56] : memref<8x128xi32, #tpu.memory_space<vmem>> -> memref<1x128xi32, #tpu.memory_space<vmem>>
      %dma_wait3A_58 = tpu.memref_squeeze %dma_wait3A_57 : memref<1x128xi32, #tpu.memory_space<vmem>> -> memref<128xi32, #tpu.memory_space<vmem>>
      %dma_wait3A_59 = arith.constant 0 : i32
      %dma_wait3A_60 = arith.constant 0 : i32
      %dma_wait3A_61 = tpu.memref_slice %arg11[%dma_wait3A_59, %dma_wait3A_60] : memref<10240x128xf32, #tpu.memory_space<vmem_shared>> -> memref<10240x128xf32, #tpu.memory_space<vmem_shared>>
      tpu.wait_indirect_dma semaphore(%arg14 : memref<!tpu.dma_semaphore, #tpu.memory_space<semaphore_mem>>) src(%arg9 : memref<128x128xf32, #tpu.memory_space<vmem>>) dst(%dma_wait3A_61 : memref<10240x128xf32, #tpu.memory_space<vmem_shared>>)
      %dma_start3A_62 = arith.constant 2 : i32
      %dma_start3A_63 = arith.constant 0 : i32
      %dma_start3A_64 = tpu.memref_slice %arg7[%dma_start3A_62, %dma_start3A_63] : memref<8x128xi32, #tpu.memory_space<vmem>> -> memref<1x128xi32, #tpu.memory_space<vmem>>
      %dma_start3A_65 = tpu.memref_squeeze %dma_start3A_64 : memref<1x128xi32, #tpu.memory_space<vmem>> -> memref<128xi32, #tpu.memory_space<vmem>>
      %dma_start3A_66 = arith.constant 0 : i32
      %dma_start3A_67 = arith.constant 0 : i32
      %dma_start3A_68 = tpu.memref_slice %arg2[%dma_start3A_66, %dma_start3A_67] : memref<10240x128xf32, #tpu.memory_space<hbm>> -> memref<10240x128xf32, #tpu.memory_space<hbm>>
      tpu.enqueue_indirect_dma source(%dma_start3A_68 : memref<10240x128xf32, #tpu.memory_space<hbm>>) target(%arg9 : memref<128x128xf32, #tpu.memory_space<vmem>>) offsets(%dma_start3A_65 : memref<128xi32, #tpu.memory_space<vmem>>) semaphore(%arg12 : memref<!tpu.dma_semaphore, #tpu.memory_space<semaphore_mem>>)
      %dma_wait3A_69 = arith.constant 1 : i32
      %dma_wait3A_70 = arith.constant 0 : i32
      %dma_wait3A_71 = tpu.memref_slice %arg7[%dma_wait3A_69, %dma_wait3A_70] : memref<8x128xi32, #tpu.memory_space<vmem>> -> memref<1x128xi32, #tpu.memory_space<vmem>>
      %dma_wait3A_72 = tpu.memref_squeeze %dma_wait3A_71 : memref<1x128xi32, #tpu.memory_space<vmem>> -> memref<128xi32, #tpu.memory_space<vmem>>
      %dma_wait3A_73 = arith.constant 0 : i32
      %dma_wait3A_74 = arith.constant 0 : i32
      %dma_wait3A_75 = tpu.memref_slice %arg2[%dma_wait3A_73, %dma_wait3A_74] : memref<10240x128xf32, #tpu.memory_space<hbm>> -> memref<10240x128xf32, #tpu.memory_space<hbm>>
      tpu.wait_indirect_dma semaphore(%arg13 : memref<!tpu.dma_semaphore, #tpu.memory_space<semaphore_mem>>) src(%dma_wait3A_75 : memref<10240x128xf32, #tpu.memory_space<hbm>>) dst(%arg10 : memref<128x128xf32, #tpu.memory_space<vmem>>)
      %dma_start3A_76 = arith.constant 1 : i32
      %dma_start3A_77 = arith.constant 0 : i32
      %dma_start3A_78 = tpu.memref_slice %arg8[%dma_start3A_76, %dma_start3A_77] : memref<8x128xi32, #tpu.memory_space<vmem>> -> memref<1x128xi32, #tpu.memory_space<vmem>>
      %dma_start3A_79 = tpu.memref_squeeze %dma_start3A_78 : memref<1x128xi32, #tpu.memory_space<vmem>> -> memref<128xi32, #tpu.memory_space<vmem>>
      %dma_start3A_80 = arith.constant 0 : i32
      %dma_start3A_81 = arith.constant 0 : i32
      %dma_start3A_82 = tpu.memref_slice %arg11[%dma_start3A_80, %dma_start3A_81] : memref<10240x128xf32, #tpu.memory_space<vmem_shared>> -> memref<10240x128xf32, #tpu.memory_space<vmem_shared>>
      tpu.enqueue_indirect_dma source(%arg10 : memref<128x128xf32, #tpu.memory_space<vmem>>) target(%dma_start3A_82 : memref<10240x128xf32, #tpu.memory_space<vmem_shared>>) offsets(%dma_start3A_79 : memref<128xi32, #tpu.memory_space<vmem>>) semaphore(%arg15 : memref<!tpu.dma_semaphore, #tpu.memory_space<semaphore_mem>>) {add = true}
      %dma_wait3A_83 = arith.constant 1 : i32
      %dma_wait3A_84 = arith.constant 0 : i32
      %dma_wait3A_85 = tpu.memref_slice %arg8[%dma_wait3A_83, %dma_wait3A_84] : memref<8x128xi32, #tpu.memory_space<vmem>> -> memref<1x128xi32, #tpu.memory_space<vmem>>
      %dma_wait3A_86 = tpu.memref_squeeze %dma_wait3A_85 : memref<1x128xi32, #tpu.memory_space<vmem>> -> memref<128xi32, #tpu.memory_space<vmem>>
      %dma_wait3A_87 = arith.constant 0 : i32
      %dma_wait3A_88 = arith.constant 0 : i32
      %dma_wait3A_89 = tpu.memref_slice %arg11[%dma_wait3A_87, %dma_wait3A_88] : memref<10240x128xf32, #tpu.memory_space<vmem_shared>> -> memref<10240x128xf32, #tpu.memory_space<vmem_shared>>
      tpu.wait_indirect_dma semaphore(%arg15 : memref<!tpu.dma_semaphore, #tpu.memory_space<semaphore_mem>>) src(%arg10 : memref<128x128xf32, #tpu.memory_space<vmem>>) dst(%dma_wait3A_89 : memref<10240x128xf32, #tpu.memory_space<vmem_shared>>)
      %dma_start3A_90 = arith.constant 3 : i32
      %dma_start3A_91 = arith.constant 0 : i32
      %dma_start3A_92 = tpu.memref_slice %arg7[%dma_start3A_90, %dma_start3A_91] : memref<8x128xi32, #tpu.memory_space<vmem>> -> memref<1x128xi32, #tpu.memory_space<vmem>>
      %dma_start3A_93 = tpu.memref_squeeze %dma_start3A_92 : memref<1x128xi32, #tpu.memory_space<vmem>> -> memref<128xi32, #tpu.memory_space<vmem>>
      %dma_start3A_94 = arith.constant 0 : i32
      %dma_start3A_95 = arith.constant 0 : i32
      %dma_start3A_96 = tpu.memref_slice %arg2[%dma_start3A_94, %dma_start3A_95] : memref<10240x128xf32, #tpu.memory_space<hbm>> -> memref<10240x128xf32, #tpu.memory_space<hbm>>
      tpu.enqueue_indirect_dma source(%dma_start3A_96 : memref<10240x128xf32, #tpu.memory_space<hbm>>) target(%arg10 : memref<128x128xf32, #tpu.memory_space<vmem>>) offsets(%dma_start3A_93 : memref<128xi32, #tpu.memory_space<vmem>>) semaphore(%arg13 : memref<!tpu.dma_semaphore, #tpu.memory_space<semaphore_mem>>)
      %dma_wait3A_97 = arith.constant 2 : i32
      %dma_wait3A_98 = arith.constant 0 : i32
      %dma_wait3A_99 = tpu.memref_slice %arg7[%dma_wait3A_97, %dma_wait3A_98] : memref<8x128xi32, #tpu.memory_space<vmem>> -> memref<1x128xi32, #tpu.memory_space<vmem>>
      %dma_wait3A_100 = tpu.memref_squeeze %dma_wait3A_99 : memref<1x128xi32, #tpu.memory_space<vmem>> -> memref<128xi32, #tpu.memory_space<vmem>>
      %dma_wait3A_101 = arith.constant 0 : i32
      %dma_wait3A_102 = arith.constant 0 : i32
      %dma_wait3A_103 = tpu.memref_slice %arg2[%dma_wait3A_101, %dma_wait3A_102] : memref<10240x128xf32, #tpu.memory_space<hbm>> -> memref<10240x128xf32, #tpu.memory_space<hbm>>
      tpu.wait_indirect_dma semaphore(%arg12 : memref<!tpu.dma_semaphore, #tpu.memory_space<semaphore_mem>>) src(%dma_wait3A_103 : memref<10240x128xf32, #tpu.memory_space<hbm>>) dst(%arg9 : memref<128x128xf32, #tpu.memory_space<vmem>>)
      %dma_start3A_104 = arith.constant 2 : i32
      %dma_start3A_105 = arith.constant 0 : i32
      %dma_start3A_106 = tpu.memref_slice %arg8[%dma_start3A_104, %dma_start3A_105] : memref<8x128xi32, #tpu.memory_space<vmem>> -> memref<1x128xi32, #tpu.memory_space<vmem>>
      %dma_start3A_107 = tpu.memref_squeeze %dma_start3A_106 : memref<1x128xi32, #tpu.memory_space<vmem>> -> memref<128xi32, #tpu.memory_space<vmem>>
      %dma_start3A_108 = arith.constant 0 : i32
      %dma_start3A_109 = arith.constant 0 : i32
      %dma_start3A_110 = tpu.memref_slice %arg11[%dma_start3A_108, %dma_start3A_109] : memref<10240x128xf32, #tpu.memory_space<vmem_shared>> -> memref<10240x128xf32, #tpu.memory_space<vmem_shared>>
      tpu.enqueue_indirect_dma source(%arg9 : memref<128x128xf32, #tpu.memory_space<vmem>>) target(%dma_start3A_110 : memref<10240x128xf32, #tpu.memory_space<vmem_shared>>) offsets(%dma_start3A_107 : memref<128xi32, #tpu.memory_space<vmem>>) semaphore(%arg14 : memref<!tpu.dma_semaphore, #tpu.memory_space<semaphore_mem>>) {add = true}
      %dma_wait3A_111 = arith.constant 2 : i32
      %dma_wait3A_112 = arith.constant 0 : i32
      %dma_wait3A_113 = tpu.memref_slice %arg8[%dma_wait3A_111, %dma_wait3A_112] : memref<8x128xi32, #tpu.memory_space<vmem>> -> memref<1x128xi32, #tpu.memory_space<vmem>>
      %dma_wait3A_114 = tpu.memref_squeeze %dma_wait3A_113 : memref<1x128xi32, #tpu.memory_space<vmem>> -> memref<128xi32, #tpu.memory_space<vmem>>
      %dma_wait3A_115 = arith.constant 0 : i32
      %dma_wait3A_116 = arith.constant 0 : i32
      %dma_wait3A_117 = tpu.memref_slice %arg11[%dma_wait3A_115, %dma_wait3A_116] : memref<10240x128xf32, #tpu.memory_space<vmem_shared>> -> memref<10240x128xf32, #tpu.memory_space<vmem_shared>>
      tpu.wait_indirect_dma semaphore(%arg14 : memref<!tpu.dma_semaphore, #tpu.memory_space<semaphore_mem>>) src(%arg9 : memref<128x128xf32, #tpu.memory_space<vmem>>) dst(%dma_wait3A_117 : memref<10240x128xf32, #tpu.memory_space<vmem_shared>>)
      %dma_start3A_118 = arith.constant 4 : i32
      %dma_start3A_119 = arith.constant 0 : i32
      %dma_start3A_120 = tpu.memref_slice %arg7[%dma_start3A_118, %dma_start3A_119] : memref<8x128xi32, #tpu.memory_space<vmem>> -> memref<1x128xi32, #tpu.memory_space<vmem>>
      %dma_start3A_121 = tpu.memref_squeeze %dma_start3A_120 : memref<1x128xi32, #tpu.memory_space<vmem>> -> memref<128xi32, #tpu.memory_space<vmem>>
      %dma_start3A_122 = arith.constant 0 : i32
      %dma_start3A_123 = arith.constant 0 : i32
      %dma_start3A_124 = tpu.memref_slice %arg2[%dma_start3A_122, %dma_start3A_123] : memref<10240x128xf32, #tpu.memory_space<hbm>> -> memref<10240x128xf32, #tpu.memory_space<hbm>>
      tpu.enqueue_indirect_dma source(%dma_start3A_124 : memref<10240x128xf32, #tpu.memory_space<hbm>>) target(%arg9 : memref<128x128xf32, #tpu.memory_space<vmem>>) offsets(%dma_start3A_121 : memref<128xi32, #tpu.memory_space<vmem>>) semaphore(%arg12 : memref<!tpu.dma_semaphore, #tpu.memory_space<semaphore_mem>>)
      %dma_wait3A_125 = arith.constant 3 : i32
      %dma_wait3A_126 = arith.constant 0 : i32
      %dma_wait3A_127 = tpu.memref_slice %arg7[%dma_wait3A_125, %dma_wait3A_126] : memref<8x128xi32, #tpu.memory_space<vmem>> -> memref<1x128xi32, #tpu.memory_space<vmem>>
      %dma_wait3A_128 = tpu.memref_squeeze %dma_wait3A_127 : memref<1x128xi32, #tpu.memory_space<vmem>> -> memref<128xi32, #tpu.memory_space<vmem>>
      %dma_wait3A_129 = arith.constant 0 : i32
      %dma_wait3A_130 = arith.constant 0 : i32
      %dma_wait3A_131 = tpu.memref_slice %arg2[%dma_wait3A_129, %dma_wait3A_130] : memref<10240x128xf32, #tpu.memory_space<hbm>> -> memref<10240x128xf32, #tpu.memory_space<hbm>>
      tpu.wait_indirect_dma semaphore(%arg13 : memref<!tpu.dma_semaphore, #tpu.memory_space<semaphore_mem>>) src(%dma_wait3A_131 : memref<10240x128xf32, #tpu.memory_space<hbm>>) dst(%arg10 : memref<128x128xf32, #tpu.memory_space<vmem>>)
      %dma_start3A_132 = arith.constant 3 : i32
      %dma_start3A_133 = arith.constant 0 : i32
      %dma_start3A_134 = tpu.memref_slice %arg8[%dma_start3A_132, %dma_start3A_133] : memref<8x128xi32, #tpu.memory_space<vmem>> -> memref<1x128xi32, #tpu.memory_space<vmem>>
      %dma_start3A_135 = tpu.memref_squeeze %dma_start3A_134 : memref<1x128xi32, #tpu.memory_space<vmem>> -> memref<128xi32, #tpu.memory_space<vmem>>
      %dma_start3A_136 = arith.constant 0 : i32
      %dma_start3A_137 = arith.constant 0 : i32
      %dma_start3A_138 = tpu.memref_slice %arg11[%dma_start3A_136, %dma_start3A_137] : memref<10240x128xf32, #tpu.memory_space<vmem_shared>> -> memref<10240x128xf32, #tpu.memory_space<vmem_shared>>
      tpu.enqueue_indirect_dma source(%arg10 : memref<128x128xf32, #tpu.memory_space<vmem>>) target(%dma_start3A_138 : memref<10240x128xf32, #tpu.memory_space<vmem_shared>>) offsets(%dma_start3A_135 : memref<128xi32, #tpu.memory_space<vmem>>) semaphore(%arg15 : memref<!tpu.dma_semaphore, #tpu.memory_space<semaphore_mem>>) {add = true}
      %dma_wait3A_139 = arith.constant 3 : i32
      %dma_wait3A_140 = arith.constant 0 : i32
      %dma_wait3A_141 = tpu.memref_slice %arg8[%dma_wait3A_139, %dma_wait3A_140] : memref<8x128xi32, #tpu.memory_space<vmem>> -> memref<1x128xi32, #tpu.memory_space<vmem>>
      %dma_wait3A_142 = tpu.memref_squeeze %dma_wait3A_141 : memref<1x128xi32, #tpu.memory_space<vmem>> -> memref<128xi32, #tpu.memory_space<vmem>>
      %dma_wait3A_143 = arith.constant 0 : i32
      %dma_wait3A_144 = arith.constant 0 : i32
      %dma_wait3A_145 = tpu.memref_slice %arg11[%dma_wait3A_143, %dma_wait3A_144] : memref<10240x128xf32, #tpu.memory_space<vmem_shared>> -> memref<10240x128xf32, #tpu.memory_space<vmem_shared>>
      tpu.wait_indirect_dma semaphore(%arg15 : memref<!tpu.dma_semaphore, #tpu.memory_space<semaphore_mem>>) src(%arg10 : memref<128x128xf32, #tpu.memory_space<vmem>>) dst(%dma_wait3A_145 : memref<10240x128xf32, #tpu.memory_space<vmem_shared>>)
      %dma_start3A_146 = arith.constant 5 : i32
      %dma_start3A_147 = arith.constant 0 : i32
      %dma_start3A_148 = tpu.memref_slice %arg7[%dma_start3A_146, %dma_start3A_147] : memref<8x128xi32, #tpu.memory_space<vmem>> -> memref<1x128xi32, #tpu.memory_space<vmem>>
      %dma_start3A_149 = tpu.memref_squeeze %dma_start3A_148 : memref<1x128xi32, #tpu.memory_space<vmem>> -> memref<128xi32, #tpu.memory_space<vmem>>
      %dma_start3A_150 = arith.constant 0 : i32
      %dma_start3A_151 = arith.constant 0 : i32
      %dma_start3A_152 = tpu.memref_slice %arg2[%dma_start3A_150, %dma_start3A_151] : memref<10240x128xf32, #tpu.memory_space<hbm>> -> memref<10240x128xf32, #tpu.memory_space<hbm>>
      tpu.enqueue_indirect_dma source(%dma_start3A_152 : memref<10240x128xf32, #tpu.memory_space<hbm>>) target(%arg10 : memref<128x128xf32, #tpu.memory_space<vmem>>) offsets(%dma_start3A_149 : memref<128xi32, #tpu.memory_space<vmem>>) semaphore(%arg13 : memref<!tpu.dma_semaphore, #tpu.memory_space<semaphore_mem>>)
      %dma_wait3A_153 = arith.constant 4 : i32
      %dma_wait3A_154 = arith.constant 0 : i32
      %dma_wait3A_155 = tpu.memref_slice %arg7[%dma_wait3A_153, %dma_wait3A_154] : memref<8x128xi32, #tpu.memory_space<vmem>> -> memref<1x128xi32, #tpu.memory_space<vmem>>
      %dma_wait3A_156 = tpu.memref_squeeze %dma_wait3A_155 : memref<1x128xi32, #tpu.memory_space<vmem>> -> memref<128xi32, #tpu.memory_space<vmem>>
      %dma_wait3A_157 = arith.constant 0 : i32
      %dma_wait3A_158 = arith.constant 0 : i32
      %dma_wait3A_159 = tpu.memref_slice %arg2[%dma_wait3A_157, %dma_wait3A_158] : memref<10240x128xf32, #tpu.memory_space<hbm>> -> memref<10240x128xf32, #tpu.memory_space<hbm>>
      tpu.wait_indirect_dma semaphore(%arg12 : memref<!tpu.dma_semaphore, #tpu.memory_space<semaphore_mem>>) src(%dma_wait3A_159 : memref<10240x128xf32, #tpu.memory_space<hbm>>) dst(%arg9 : memref<128x128xf32, #tpu.memory_space<vmem>>)
      %dma_start3A_160 = arith.constant 4 : i32
      %dma_start3A_161 = arith.constant 0 : i32
      %dma_start3A_162 = tpu.memref_slice %arg8[%dma_start3A_160, %dma_start3A_161] : memref<8x128xi32, #tpu.memory_space<vmem>> -> memref<1x128xi32, #tpu.memory_space<vmem>>
      %dma_start3A_163 = tpu.memref_squeeze %dma_start3A_162 : memref<1x128xi32, #tpu.memory_space<vmem>> -> memref<128xi32, #tpu.memory_space<vmem>>
      %dma_start3A_164 = arith.constant 0 : i32
      %dma_start3A_165 = arith.constant 0 : i32
      %dma_start3A_166 = tpu.memref_slice %arg11[%dma_start3A_164, %dma_start3A_165] : memref<10240x128xf32, #tpu.memory_space<vmem_shared>> -> memref<10240x128xf32, #tpu.memory_space<vmem_shared>>
      tpu.enqueue_indirect_dma source(%arg9 : memref<128x128xf32, #tpu.memory_space<vmem>>) target(%dma_start3A_166 : memref<10240x128xf32, #tpu.memory_space<vmem_shared>>) offsets(%dma_start3A_163 : memref<128xi32, #tpu.memory_space<vmem>>) semaphore(%arg14 : memref<!tpu.dma_semaphore, #tpu.memory_space<semaphore_mem>>) {add = true}
      %dma_wait3A_167 = arith.constant 4 : i32
      %dma_wait3A_168 = arith.constant 0 : i32
      %dma_wait3A_169 = tpu.memref_slice %arg8[%dma_wait3A_167, %dma_wait3A_168] : memref<8x128xi32, #tpu.memory_space<vmem>> -> memref<1x128xi32, #tpu.memory_space<vmem>>
      %dma_wait3A_170 = tpu.memref_squeeze %dma_wait3A_169 : memref<1x128xi32, #tpu.memory_space<vmem>> -> memref<128xi32, #tpu.memory_space<vmem>>
      %dma_wait3A_171 = arith.constant 0 : i32
      %dma_wait3A_172 = arith.constant 0 : i32
      %dma_wait3A_173 = tpu.memref_slice %arg11[%dma_wait3A_171, %dma_wait3A_172] : memref<10240x128xf32, #tpu.memory_space<vmem_shared>> -> memref<10240x128xf32, #tpu.memory_space<vmem_shared>>
      tpu.wait_indirect_dma semaphore(%arg14 : memref<!tpu.dma_semaphore, #tpu.memory_space<semaphore_mem>>) src(%arg9 : memref<128x128xf32, #tpu.memory_space<vmem>>) dst(%dma_wait3A_173 : memref<10240x128xf32, #tpu.memory_space<vmem_shared>>)
      %dma_start3A_174 = arith.constant 6 : i32
      %dma_start3A_175 = arith.constant 0 : i32
      %dma_start3A_176 = tpu.memref_slice %arg7[%dma_start3A_174, %dma_start3A_175] : memref<8x128xi32, #tpu.memory_space<vmem>> -> memref<1x128xi32, #tpu.memory_space<vmem>>
      %dma_start3A_177 = tpu.memref_squeeze %dma_start3A_176 : memref<1x128xi32, #tpu.memory_space<vmem>> -> memref<128xi32, #tpu.memory_space<vmem>>
      %dma_start3A_178 = arith.constant 0 : i32
      %dma_start3A_179 = arith.constant 0 : i32
      %dma_start3A_180 = tpu.memref_slice %arg2[%dma_start3A_178, %dma_start3A_179] : memref<10240x128xf32, #tpu.memory_space<hbm>> -> memref<10240x128xf32, #tpu.memory_space<hbm>>
      tpu.enqueue_indirect_dma source(%dma_start3A_180 : memref<10240x128xf32, #tpu.memory_space<hbm>>) target(%arg9 : memref<128x128xf32, #tpu.memory_space<vmem>>) offsets(%dma_start3A_177 : memref<128xi32, #tpu.memory_space<vmem>>) semaphore(%arg12 : memref<!tpu.dma_semaphore, #tpu.memory_space<semaphore_mem>>)
      %dma_wait3A_181 = arith.constant 5 : i32
      %dma_wait3A_182 = arith.constant 0 : i32
      %dma_wait3A_183 = tpu.memref_slice %arg7[%dma_wait3A_181, %dma_wait3A_182] : memref<8x128xi32, #tpu.memory_space<vmem>> -> memref<1x128xi32, #tpu.memory_space<vmem>>
      %dma_wait3A_184 = tpu.memref_squeeze %dma_wait3A_183 : memref<1x128xi32, #tpu.memory_space<vmem>> -> memref<128xi32, #tpu.memory_space<vmem>>
      %dma_wait3A_185 = arith.constant 0 : i32
      %dma_wait3A_186 = arith.constant 0 : i32
      %dma_wait3A_187 = tpu.memref_slice %arg2[%dma_wait3A_185, %dma_wait3A_186] : memref<10240x128xf32, #tpu.memory_space<hbm>> -> memref<10240x128xf32, #tpu.memory_space<hbm>>
      tpu.wait_indirect_dma semaphore(%arg13 : memref<!tpu.dma_semaphore, #tpu.memory_space<semaphore_mem>>) src(%dma_wait3A_187 : memref<10240x128xf32, #tpu.memory_space<hbm>>) dst(%arg10 : memref<128x128xf32, #tpu.memory_space<vmem>>)
      %dma_start3A_188 = arith.constant 5 : i32
      %dma_start3A_189 = arith.constant 0 : i32
      %dma_start3A_190 = tpu.memref_slice %arg8[%dma_start3A_188, %dma_start3A_189] : memref<8x128xi32, #tpu.memory_space<vmem>> -> memref<1x128xi32, #tpu.memory_space<vmem>>
      %dma_start3A_191 = tpu.memref_squeeze %dma_start3A_190 : memref<1x128xi32, #tpu.memory_space<vmem>> -> memref<128xi32, #tpu.memory_space<vmem>>
      %dma_start3A_192 = arith.constant 0 : i32
      %dma_start3A_193 = arith.constant 0 : i32
      %dma_start3A_194 = tpu.memref_slice %arg11[%dma_start3A_192, %dma_start3A_193] : memref<10240x128xf32, #tpu.memory_space<vmem_shared>> -> memref<10240x128xf32, #tpu.memory_space<vmem_shared>>
      tpu.enqueue_indirect_dma source(%arg10 : memref<128x128xf32, #tpu.memory_space<vmem>>) target(%dma_start3A_194 : memref<10240x128xf32, #tpu.memory_space<vmem_shared>>) offsets(%dma_start3A_191 : memref<128xi32, #tpu.memory_space<vmem>>) semaphore(%arg15 : memref<!tpu.dma_semaphore, #tpu.memory_space<semaphore_mem>>) {add = true}
      %dma_wait3A_195 = arith.constant 5 : i32
      %dma_wait3A_196 = arith.constant 0 : i32
      %dma_wait3A_197 = tpu.memref_slice %arg8[%dma_wait3A_195, %dma_wait3A_196] : memref<8x128xi32, #tpu.memory_space<vmem>> -> memref<1x128xi32, #tpu.memory_space<vmem>>
      %dma_wait3A_198 = tpu.memref_squeeze %dma_wait3A_197 : memref<1x128xi32, #tpu.memory_space<vmem>> -> memref<128xi32, #tpu.memory_space<vmem>>
      %dma_wait3A_199 = arith.constant 0 : i32
      %dma_wait3A_200 = arith.constant 0 : i32
      %dma_wait3A_201 = tpu.memref_slice %arg11[%dma_wait3A_199, %dma_wait3A_200] : memref<10240x128xf32, #tpu.memory_space<vmem_shared>> -> memref<10240x128xf32, #tpu.memory_space<vmem_shared>>
      tpu.wait_indirect_dma semaphore(%arg15 : memref<!tpu.dma_semaphore, #tpu.memory_space<semaphore_mem>>) src(%arg10 : memref<128x128xf32, #tpu.memory_space<vmem>>) dst(%dma_wait3A_201 : memref<10240x128xf32, #tpu.memory_space<vmem_shared>>)
      %dma_start3A_202 = arith.constant 7 : i32
      %dma_start3A_203 = arith.constant 0 : i32
      %dma_start3A_204 = tpu.memref_slice %arg7[%dma_start3A_202, %dma_start3A_203] : memref<8x128xi32, #tpu.memory_space<vmem>> -> memref<1x128xi32, #tpu.memory_space<vmem>>
      %dma_start3A_205 = tpu.memref_squeeze %dma_start3A_204 : memref<1x128xi32, #tpu.memory_space<vmem>> -> memref<128xi32, #tpu.memory_space<vmem>>
      %dma_start3A_206 = arith.constant 0 : i32
      %dma_start3A_207 = arith.constant 0 : i32
      %dma_start3A_208 = tpu.memref_slice %arg2[%dma_start3A_206, %dma_start3A_207] : memref<10240x128xf32, #tpu.memory_space<hbm>> -> memref<10240x128xf32, #tpu.memory_space<hbm>>
      tpu.enqueue_indirect_dma source(%dma_start3A_208 : memref<10240x128xf32, #tpu.memory_space<hbm>>) target(%arg10 : memref<128x128xf32, #tpu.memory_space<vmem>>) offsets(%dma_start3A_205 : memref<128xi32, #tpu.memory_space<vmem>>) semaphore(%arg13 : memref<!tpu.dma_semaphore, #tpu.memory_space<semaphore_mem>>)
      %dma_wait3A_209 = arith.constant 6 : i32
      %dma_wait3A_210 = arith.constant 0 : i32
      %dma_wait3A_211 = tpu.memref_slice %arg7[%dma_wait3A_209, %dma_wait3A_210] : memref<8x128xi32, #tpu.memory_space<vmem>> -> memref<1x128xi32, #tpu.memory_space<vmem>>
      %dma_wait3A_212 = tpu.memref_squeeze %dma_wait3A_211 : memref<1x128xi32, #tpu.memory_space<vmem>> -> memref<128xi32, #tpu.memory_space<vmem>>
      %dma_wait3A_213 = arith.constant 0 : i32
      %dma_wait3A_214 = arith.constant 0 : i32
      %dma_wait3A_215 = tpu.memref_slice %arg2[%dma_wait3A_213, %dma_wait3A_214] : memref<10240x128xf32, #tpu.memory_space<hbm>> -> memref<10240x128xf32, #tpu.memory_space<hbm>>
      tpu.wait_indirect_dma semaphore(%arg12 : memref<!tpu.dma_semaphore, #tpu.memory_space<semaphore_mem>>) src(%dma_wait3A_215 : memref<10240x128xf32, #tpu.memory_space<hbm>>) dst(%arg9 : memref<128x128xf32, #tpu.memory_space<vmem>>)
      %dma_start3A_216 = arith.constant 6 : i32
      %dma_start3A_217 = arith.constant 0 : i32
      %dma_start3A_218 = tpu.memref_slice %arg8[%dma_start3A_216, %dma_start3A_217] : memref<8x128xi32, #tpu.memory_space<vmem>> -> memref<1x128xi32, #tpu.memory_space<vmem>>
      %dma_start3A_219 = tpu.memref_squeeze %dma_start3A_218 : memref<1x128xi32, #tpu.memory_space<vmem>> -> memref<128xi32, #tpu.memory_space<vmem>>
      %dma_start3A_220 = arith.constant 0 : i32
      %dma_start3A_221 = arith.constant 0 : i32
      %dma_start3A_222 = tpu.memref_slice %arg11[%dma_start3A_220, %dma_start3A_221] : memref<10240x128xf32, #tpu.memory_space<vmem_shared>> -> memref<10240x128xf32, #tpu.memory_space<vmem_shared>>
      tpu.enqueue_indirect_dma source(%arg9 : memref<128x128xf32, #tpu.memory_space<vmem>>) target(%dma_start3A_222 : memref<10240x128xf32, #tpu.memory_space<vmem_shared>>) offsets(%dma_start3A_219 : memref<128xi32, #tpu.memory_space<vmem>>) semaphore(%arg14 : memref<!tpu.dma_semaphore, #tpu.memory_space<semaphore_mem>>) {add = true}
      %dma_wait3A_223 = arith.constant 7 : i32
      %dma_wait3A_224 = arith.constant 0 : i32
      %dma_wait3A_225 = tpu.memref_slice %arg7[%dma_wait3A_223, %dma_wait3A_224] : memref<8x128xi32, #tpu.memory_space<vmem>> -> memref<1x128xi32, #tpu.memory_space<vmem>>
      %dma_wait3A_226 = tpu.memref_squeeze %dma_wait3A_225 : memref<1x128xi32, #tpu.memory_space<vmem>> -> memref<128xi32, #tpu.memory_space<vmem>>
      %dma_wait3A_227 = arith.constant 0 : i32
      %dma_wait3A_228 = arith.constant 0 : i32
      %dma_wait3A_229 = tpu.memref_slice %arg2[%dma_wait3A_227, %dma_wait3A_228] : memref<10240x128xf32, #tpu.memory_space<hbm>> -> memref<10240x128xf32, #tpu.memory_space<hbm>>
      tpu.wait_indirect_dma semaphore(%arg13 : memref<!tpu.dma_semaphore, #tpu.memory_space<semaphore_mem>>) src(%dma_wait3A_229 : memref<10240x128xf32, #tpu.memory_space<hbm>>) dst(%arg10 : memref<128x128xf32, #tpu.memory_space<vmem>>)
      %dma_start3A_230 = arith.constant 7 : i32
      %dma_start3A_231 = arith.constant 0 : i32
      %dma_start3A_232 = tpu.memref_slice %arg8[%dma_start3A_230, %dma_start3A_231] : memref<8x128xi32, #tpu.memory_space<vmem>> -> memref<1x128xi32, #tpu.memory_space<vmem>>
      %dma_start3A_233 = tpu.memref_squeeze %dma_start3A_232 : memref<1x128xi32, #tpu.memory_space<vmem>> -> memref<128xi32, #tpu.memory_space<vmem>>
      %dma_start3A_234 = arith.constant 0 : i32
      %dma_start3A_235 = arith.constant 0 : i32
      %dma_start3A_236 = tpu.memref_slice %arg11[%dma_start3A_234, %dma_start3A_235] : memref<10240x128xf32, #tpu.memory_space<vmem_shared>> -> memref<10240x128xf32, #tpu.memory_space<vmem_shared>>
      tpu.enqueue_indirect_dma source(%arg10 : memref<128x128xf32, #tpu.memory_space<vmem>>) target(%dma_start3A_236 : memref<10240x128xf32, #tpu.memory_space<vmem_shared>>) offsets(%dma_start3A_233 : memref<128xi32, #tpu.memory_space<vmem>>) semaphore(%arg15 : memref<!tpu.dma_semaphore, #tpu.memory_space<semaphore_mem>>) {add = true}
      %dma_wait3A_237 = arith.constant 6 : i32
      %dma_wait3A_238 = arith.constant 0 : i32
      %dma_wait3A_239 = tpu.memref_slice %arg8[%dma_wait3A_237, %dma_wait3A_238] : memref<8x128xi32, #tpu.memory_space<vmem>> -> memref<1x128xi32, #tpu.memory_space<vmem>>
      %dma_wait3A_240 = tpu.memref_squeeze %dma_wait3A_239 : memref<1x128xi32, #tpu.memory_space<vmem>> -> memref<128xi32, #tpu.memory_space<vmem>>
      %dma_wait3A_241 = arith.constant 0 : i32
      %dma_wait3A_242 = arith.constant 0 : i32
      %dma_wait3A_243 = tpu.memref_slice %arg11[%dma_wait3A_241, %dma_wait3A_242] : memref<10240x128xf32, #tpu.memory_space<vmem_shared>> -> memref<10240x128xf32, #tpu.memory_space<vmem_shared>>
      tpu.wait_indirect_dma semaphore(%arg14 : memref<!tpu.dma_semaphore, #tpu.memory_space<semaphore_mem>>) src(%arg9 : memref<128x128xf32, #tpu.memory_space<vmem>>) dst(%dma_wait3A_243 : memref<10240x128xf32, #tpu.memory_space<vmem_shared>>)
      %dma_wait3A_244 = arith.constant 7 : i32
      %dma_wait3A_245 = arith.constant 0 : i32
      %dma_wait3A_246 = tpu.memref_slice %arg8[%dma_wait3A_244, %dma_wait3A_245] : memref<8x128xi32, #tpu.memory_space<vmem>> -> memref<1x128xi32, #tpu.memory_space<vmem>>
      %dma_wait3A_247 = tpu.memref_squeeze %dma_wait3A_246 : memref<1x128xi32, #tpu.memory_space<vmem>> -> memref<128xi32, #tpu.memory_space<vmem>>
      %dma_wait3A_248 = arith.constant 0 : i32
      %dma_wait3A_249 = arith.constant 0 : i32
      %dma_wait3A_250 = tpu.memref_slice %arg11[%dma_wait3A_248, %dma_wait3A_249] : memref<10240x128xf32, #tpu.memory_space<vmem_shared>> -> memref<10240x128xf32, #tpu.memory_space<vmem_shared>>
      tpu.wait_indirect_dma semaphore(%arg15 : memref<!tpu.dma_semaphore, #tpu.memory_space<semaphore_mem>>) src(%arg10 : memref<128x128xf32, #tpu.memory_space<vmem>>) dst(%dma_wait3A_250 : memref<10240x128xf32, #tpu.memory_space<vmem_shared>>)
    }
    %while3A_23 = arith.constant 1 : i32
    scf.for %while3A_25 = %while3A_21 to %while3A_17 step %while3A_23  : i32 {
      %mul3A_26 = arith.constant 8 : i32
      %mul3A_27 = arith.muli %while3A_25, %mul3A_26 : i32
      %add3A_28 = arith.addi %select_n3A, %mul3A_27 : i32
      "tpu.region"() ({
        %run_scoped3A = tpu.sem_alloc : memref<!tpu.dma_semaphore, #tpu.memory_space<semaphore_mem>>
        %dma_start3A_251 = arith.constant 0 : i32
        %dma_start3A_252 = tpu.memref_slice %arg3[%add3A_28, %dma_start3A_251] : memref<2560x128xi32, #tpu.memory_space<hbm>> -> memref<8x128xi32, #tpu.memory_space<hbm>>
        %dma_start3A_253 = arith.constant 0 : i32
        %dma_start3A_254 = tpu.memref_slice %arg3[%add3A_28, %dma_start3A_253] : memref<2560x128xi32, #tpu.memory_space<hbm>> -> memref<8x128xi32, #tpu.memory_space<hbm>>
        tpu.enqueue_dma source(%dma_start3A_254 : memref<8x128xi32, #tpu.memory_space<hbm>>) target(%arg7 : memref<8x128xi32, #tpu.memory_space<vmem>>) target_semaphore(%run_scoped3A : memref<!tpu.dma_semaphore, #tpu.memory_space<semaphore_mem>>)
        %dma_wait3A_255 = arith.constant 0 : i32
        %dma_wait3A_256 = tpu.memref_slice %arg3[%add3A_28, %dma_wait3A_255] : memref<2560x128xi32, #tpu.memory_space<hbm>> -> memref<8x128xi32, #tpu.memory_space<hbm>>
        %dma_wait3A_257 = arith.constant 0 : i32
        %dma_wait3A_258 = tpu.memref_slice %arg3[%add3A_28, %dma_wait3A_257] : memref<2560x128xi32, #tpu.memory_space<hbm>> -> memref<8x128xi32, #tpu.memory_space<hbm>>
        tpu.wait_dma2 semaphore(%run_scoped3A : memref<!tpu.dma_semaphore, #tpu.memory_space<semaphore_mem>>) src(%dma_wait3A_258 : memref<8x128xi32, #tpu.memory_space<hbm>>) dst(%arg7 : memref<8x128xi32, #tpu.memory_space<vmem>>)
        tpu.yield
      }) : () -> ()
      "tpu.region"() ({
        %run_scoped3A = tpu.sem_alloc : memref<!tpu.dma_semaphore, #tpu.memory_space<semaphore_mem>>
        %dma_start3A_251 = arith.constant 0 : i32
        %dma_start3A_252 = tpu.memref_slice %arg4[%add3A_28, %dma_start3A_251] : memref<2560x128xi32, #tpu.memory_space<hbm>> -> memref<8x128xi32, #tpu.memory_space<hbm>>
        %dma_start3A_253 = arith.constant 0 : i32
        %dma_start3A_254 = tpu.memref_slice %arg4[%add3A_28, %dma_start3A_253] : memref<2560x128xi32, #tpu.memory_space<hbm>> -> memref<8x128xi32, #tpu.memory_space<hbm>>
        tpu.enqueue_dma source(%dma_start3A_254 : memref<8x128xi32, #tpu.memory_space<hbm>>) target(%arg8 : memref<8x128xi32, #tpu.memory_space<vmem>>) target_semaphore(%run_scoped3A : memref<!tpu.dma_semaphore, #tpu.memory_space<semaphore_mem>>)
        %dma_wait3A_255 = arith.constant 0 : i32
        %dma_wait3A_256 = tpu.memref_slice %arg4[%add3A_28, %dma_wait3A_255] : memref<2560x128xi32, #tpu.memory_space<hbm>> -> memref<8x128xi32, #tpu.memory_space<hbm>>
        %dma_wait3A_257 = arith.constant 0 : i32
        %dma_wait3A_258 = tpu.memref_slice %arg4[%add3A_28, %dma_wait3A_257] : memref<2560x128xi32, #tpu.memory_space<hbm>> -> memref<8x128xi32, #tpu.memory_space<hbm>>
        tpu.wait_dma2 semaphore(%run_scoped3A : memref<!tpu.dma_semaphore, #tpu.memory_space<semaphore_mem>>) src(%dma_wait3A_258 : memref<8x128xi32, #tpu.memory_space<hbm>>) dst(%arg8 : memref<8x128xi32, #tpu.memory_space<vmem>>)
        tpu.yield
      }) : () -> ()
      %dma_start3A = arith.constant 0 : i32
      %dma_start3A_29 = arith.constant 0 : i32
      %dma_start3A_30 = tpu.memref_slice %arg7[%dma_start3A, %dma_start3A_29] : memref<8x128xi32, #tpu.memory_space<vmem>> -> memref<1x128xi32, #tpu.memory_space<vmem>>
      %dma_start3A_31 = tpu.memref_squeeze %dma_start3A_30 : memref<1x128xi32, #tpu.memory_space<vmem>> -> memref<128xi32, #tpu.memory_space<vmem>>
      %dma_start3A_32 = arith.constant 0 : i32
      %dma_start3A_33 = arith.constant 0 : i32
      %dma_start3A_34 = tpu.memref_slice %arg2[%dma_start3A_32, %dma_start3A_33] : memref<10240x128xf32, #tpu.memory_space<hbm>> -> memref<10240x128xf32, #tpu.memory_space<hbm>>
      tpu.enqueue_indirect_dma source(%dma_start3A_34 : memref<10240x128xf32, #tpu.memory_space<hbm>>) target(%arg9 : memref<128x128xf32, #tpu.memory_space<vmem>>) offsets(%dma_start3A_31 : memref<128xi32, #tpu.memory_space<vmem>>) semaphore(%arg12 : memref<!tpu.dma_semaphore, #tpu.memory_space<semaphore_mem>>)
      %dma_start3A_35 = arith.constant 1 : i32
      %dma_start3A_36 = arith.constant 0 : i32
      %dma_start3A_37 = tpu.memref_slice %arg7[%dma_start3A_35, %dma_start3A_36] : memref<8x128xi32, #tpu.memory_space<vmem>> -> memref<1x128xi32, #tpu.memory_space<vmem>>
      %dma_start3A_38 = tpu.memref_squeeze %dma_start3A_37 : memref<1x128xi32, #tpu.memory_space<vmem>> -> memref<128xi32, #tpu.memory_space<vmem>>
      %dma_start3A_39 = arith.constant 0 : i32
      %dma_start3A_40 = arith.constant 0 : i32
      %dma_start3A_41 = tpu.memref_slice %arg2[%dma_start3A_39, %dma_start3A_40] : memref<10240x128xf32, #tpu.memory_space<hbm>> -> memref<10240x128xf32, #tpu.memory_space<hbm>>
      tpu.enqueue_indirect_dma source(%dma_start3A_41 : memref<10240x128xf32, #tpu.memory_space<hbm>>) target(%arg10 : memref<128x128xf32, #tpu.memory_space<vmem>>) offsets(%dma_start3A_38 : memref<128xi32, #tpu.memory_space<vmem>>) semaphore(%arg13 : memref<!tpu.dma_semaphore, #tpu.memory_space<semaphore_mem>>)
      %dma_wait3A = arith.constant 0 : i32
      %dma_wait3A_42 = arith.constant 0 : i32
      %dma_wait3A_43 = tpu.memref_slice %arg7[%dma_wait3A, %dma_wait3A_42] : memref<8x128xi32, #tpu.memory_space<vmem>> -> memref<1x128xi32, #tpu.memory_space<vmem>>
      %dma_wait3A_44 = tpu.memref_squeeze %dma_wait3A_43 : memref<1x128xi32, #tpu.memory_space<vmem>> -> memref<128xi32, #tpu.memory_space<vmem>>
      %dma_wait3A_45 = arith.constant 0 : i32
      %dma_wait3A_46 = arith.constant 0 : i32
      %dma_wait3A_47 = tpu.memref_slice %arg2[%dma_wait3A_45, %dma_wait3A_46] : memref<10240x128xf32, #tpu.memory_space<hbm>> -> memref<10240x128xf32, #tpu.memory_space<hbm>>
      tpu.wait_indirect_dma semaphore(%arg12 : memref<!tpu.dma_semaphore, #tpu.memory_space<semaphore_mem>>) src(%dma_wait3A_47 : memref<10240x128xf32, #tpu.memory_space<hbm>>) dst(%arg9 : memref<128x128xf32, #tpu.memory_space<vmem>>)
      %dma_start3A_48 = arith.constant 0 : i32
      %dma_start3A_49 = arith.constant 0 : i32
      %dma_start3A_50 = tpu.memref_slice %arg8[%dma_start3A_48, %dma_start3A_49] : memref<8x128xi32, #tpu.memory_space<vmem>> -> memref<1x128xi32, #tpu.memory_space<vmem>>
      %dma_start3A_51 = tpu.memref_squeeze %dma_start3A_50 : memref<1x128xi32, #tpu.memory_space<vmem>> -> memref<128xi32, #tpu.memory_space<vmem>>
      %dma_start3A_52 = arith.constant 0 : i32
      %dma_start3A_53 = arith.constant 0 : i32
      %dma_start3A_54 = tpu.memref_slice %arg11[%dma_start3A_52, %dma_start3A_53] : memref<10240x128xf32, #tpu.memory_space<vmem_shared>> -> memref<10240x128xf32, #tpu.memory_space<vmem_shared>>
      tpu.enqueue_indirect_dma source(%arg9 : memref<128x128xf32, #tpu.memory_space<vmem>>) target(%dma_start3A_54 : memref<10240x128xf32, #tpu.memory_space<vmem_shared>>) offsets(%dma_start3A_51 : memref<128xi32, #tpu.memory_space<vmem>>) semaphore(%arg14 : memref<!tpu.dma_semaphore, #tpu.memory_space<semaphore_mem>>) {add = true}
      %dma_wait3A_55 = arith.constant 0 : i32
      %dma_wait3A_56 = arith.constant 0 : i32
      %dma_wait3A_57 = tpu.memref_slice %arg8[%dma_wait3A_55, %dma_wait3A_56] : memref<8x128xi32, #tpu.memory_space<vmem>> -> memref<1x128xi32, #tpu.memory_space<vmem>>
      %dma_wait3A_58 = tpu.memref_squeeze %dma_wait3A_57 : memref<1x128xi32, #tpu.memory_space<vmem>> -> memref<128xi32, #tpu.memory_space<vmem>>
      %dma_wait3A_59 = arith.constant 0 : i32
      %dma_wait3A_60 = arith.constant 0 : i32
      %dma_wait3A_61 = tpu.memref_slice %arg11[%dma_wait3A_59, %dma_wait3A_60] : memref<10240x128xf32, #tpu.memory_space<vmem_shared>> -> memref<10240x128xf32, #tpu.memory_space<vmem_shared>>
      tpu.wait_indirect_dma semaphore(%arg14 : memref<!tpu.dma_semaphore, #tpu.memory_space<semaphore_mem>>) src(%arg9 : memref<128x128xf32, #tpu.memory_space<vmem>>) dst(%dma_wait3A_61 : memref<10240x128xf32, #tpu.memory_space<vmem_shared>>)
      %dma_start3A_62 = arith.constant 2 : i32
      %dma_start3A_63 = arith.constant 0 : i32
      %dma_start3A_64 = tpu.memref_slice %arg7[%dma_start3A_62, %dma_start3A_63] : memref<8x128xi32, #tpu.memory_space<vmem>> -> memref<1x128xi32, #tpu.memory_space<vmem>>
      %dma_start3A_65 = tpu.memref_squeeze %dma_start3A_64 : memref<1x128xi32, #tpu.memory_space<vmem>> -> memref<128xi32, #tpu.memory_space<vmem>>
      %dma_start3A_66 = arith.constant 0 : i32
      %dma_start3A_67 = arith.constant 0 : i32
      %dma_start3A_68 = tpu.memref_slice %arg2[%dma_start3A_66, %dma_start3A_67] : memref<10240x128xf32, #tpu.memory_space<hbm>> -> memref<10240x128xf32, #tpu.memory_space<hbm>>
      tpu.enqueue_indirect_dma source(%dma_start3A_68 : memref<10240x128xf32, #tpu.memory_space<hbm>>) target(%arg9 : memref<128x128xf32, #tpu.memory_space<vmem>>) offsets(%dma_start3A_65 : memref<128xi32, #tpu.memory_space<vmem>>) semaphore(%arg12 : memref<!tpu.dma_semaphore, #tpu.memory_space<semaphore_mem>>)
      %dma_wait3A_69 = arith.constant 1 : i32
      %dma_wait3A_70 = arith.constant 0 : i32
      %dma_wait3A_71 = tpu.memref_slice %arg7[%dma_wait3A_69, %dma_wait3A_70] : memref<8x128xi32, #tpu.memory_space<vmem>> -> memref<1x128xi32, #tpu.memory_space<vmem>>
      %dma_wait3A_72 = tpu.memref_squeeze %dma_wait3A_71 : memref<1x128xi32, #tpu.memory_space<vmem>> -> memref<128xi32, #tpu.memory_space<vmem>>
      %dma_wait3A_73 = arith.constant 0 : i32
      %dma_wait3A_74 = arith.constant 0 : i32
      %dma_wait3A_75 = tpu.memref_slice %arg2[%dma_wait3A_73, %dma_wait3A_74] : memref<10240x128xf32, #tpu.memory_space<hbm>> -> memref<10240x128xf32, #tpu.memory_space<hbm>>
      tpu.wait_indirect_dma semaphore(%arg13 : memref<!tpu.dma_semaphore, #tpu.memory_space<semaphore_mem>>) src(%dma_wait3A_75 : memref<10240x128xf32, #tpu.memory_space<hbm>>) dst(%arg10 : memref<128x128xf32, #tpu.memory_space<vmem>>)
      %dma_start3A_76 = arith.constant 1 : i32
      %dma_start3A_77 = arith.constant 0 : i32
      %dma_start3A_78 = tpu.memref_slice %arg8[%dma_start3A_76, %dma_start3A_77] : memref<8x128xi32, #tpu.memory_space<vmem>> -> memref<1x128xi32, #tpu.memory_space<vmem>>
      %dma_start3A_79 = tpu.memref_squeeze %dma_start3A_78 : memref<1x128xi32, #tpu.memory_space<vmem>> -> memref<128xi32, #tpu.memory_space<vmem>>
      %dma_start3A_80 = arith.constant 0 : i32
      %dma_start3A_81 = arith.constant 0 : i32
      %dma_start3A_82 = tpu.memref_slice %arg11[%dma_start3A_80, %dma_start3A_81] : memref<10240x128xf32, #tpu.memory_space<vmem_shared>> -> memref<10240x128xf32, #tpu.memory_space<vmem_shared>>
      tpu.enqueue_indirect_dma source(%arg10 : memref<128x128xf32, #tpu.memory_space<vmem>>) target(%dma_start3A_82 : memref<10240x128xf32, #tpu.memory_space<vmem_shared>>) offsets(%dma_start3A_79 : memref<128xi32, #tpu.memory_space<vmem>>) semaphore(%arg15 : memref<!tpu.dma_semaphore, #tpu.memory_space<semaphore_mem>>) {add = true}
      %dma_wait3A_83 = arith.constant 1 : i32
      %dma_wait3A_84 = arith.constant 0 : i32
      %dma_wait3A_85 = tpu.memref_slice %arg8[%dma_wait3A_83, %dma_wait3A_84] : memref<8x128xi32, #tpu.memory_space<vmem>> -> memref<1x128xi32, #tpu.memory_space<vmem>>
      %dma_wait3A_86 = tpu.memref_squeeze %dma_wait3A_85 : memref<1x128xi32, #tpu.memory_space<vmem>> -> memref<128xi32, #tpu.memory_space<vmem>>
      %dma_wait3A_87 = arith.constant 0 : i32
      %dma_wait3A_88 = arith.constant 0 : i32
      %dma_wait3A_89 = tpu.memref_slice %arg11[%dma_wait3A_87, %dma_wait3A_88] : memref<10240x128xf32, #tpu.memory_space<vmem_shared>> -> memref<10240x128xf32, #tpu.memory_space<vmem_shared>>
      tpu.wait_indirect_dma semaphore(%arg15 : memref<!tpu.dma_semaphore, #tpu.memory_space<semaphore_mem>>) src(%arg10 : memref<128x128xf32, #tpu.memory_space<vmem>>) dst(%dma_wait3A_89 : memref<10240x128xf32, #tpu.memory_space<vmem_shared>>)
      %dma_start3A_90 = arith.constant 3 : i32
      %dma_start3A_91 = arith.constant 0 : i32
      %dma_start3A_92 = tpu.memref_slice %arg7[%dma_start3A_90, %dma_start3A_91] : memref<8x128xi32, #tpu.memory_space<vmem>> -> memref<1x128xi32, #tpu.memory_space<vmem>>
      %dma_start3A_93 = tpu.memref_squeeze %dma_start3A_92 : memref<1x128xi32, #tpu.memory_space<vmem>> -> memref<128xi32, #tpu.memory_space<vmem>>
      %dma_start3A_94 = arith.constant 0 : i32
      %dma_start3A_95 = arith.constant 0 : i32
      %dma_start3A_96 = tpu.memref_slice %arg2[%dma_start3A_94, %dma_start3A_95] : memref<10240x128xf32, #tpu.memory_space<hbm>> -> memref<10240x128xf32, #tpu.memory_space<hbm>>
      tpu.enqueue_indirect_dma source(%dma_start3A_96 : memref<10240x128xf32, #tpu.memory_space<hbm>>) target(%arg10 : memref<128x128xf32, #tpu.memory_space<vmem>>) offsets(%dma_start3A_93 : memref<128xi32, #tpu.memory_space<vmem>>) semaphore(%arg13 : memref<!tpu.dma_semaphore, #tpu.memory_space<semaphore_mem>>)
      %dma_wait3A_97 = arith.constant 2 : i32
      %dma_wait3A_98 = arith.constant 0 : i32
      %dma_wait3A_99 = tpu.memref_slice %arg7[%dma_wait3A_97, %dma_wait3A_98] : memref<8x128xi32, #tpu.memory_space<vmem>> -> memref<1x128xi32, #tpu.memory_space<vmem>>
      %dma_wait3A_100 = tpu.memref_squeeze %dma_wait3A_99 : memref<1x128xi32, #tpu.memory_space<vmem>> -> memref<128xi32, #tpu.memory_space<vmem>>
      %dma_wait3A_101 = arith.constant 0 : i32
      %dma_wait3A_102 = arith.constant 0 : i32
      %dma_wait3A_103 = tpu.memref_slice %arg2[%dma_wait3A_101, %dma_wait3A_102] : memref<10240x128xf32, #tpu.memory_space<hbm>> -> memref<10240x128xf32, #tpu.memory_space<hbm>>
      tpu.wait_indirect_dma semaphore(%arg12 : memref<!tpu.dma_semaphore, #tpu.memory_space<semaphore_mem>>) src(%dma_wait3A_103 : memref<10240x128xf32, #tpu.memory_space<hbm>>) dst(%arg9 : memref<128x128xf32, #tpu.memory_space<vmem>>)
      %dma_start3A_104 = arith.constant 2 : i32
      %dma_start3A_105 = arith.constant 0 : i32
      %dma_start3A_106 = tpu.memref_slice %arg8[%dma_start3A_104, %dma_start3A_105] : memref<8x128xi32, #tpu.memory_space<vmem>> -> memref<1x128xi32, #tpu.memory_space<vmem>>
      %dma_start3A_107 = tpu.memref_squeeze %dma_start3A_106 : memref<1x128xi32, #tpu.memory_space<vmem>> -> memref<128xi32, #tpu.memory_space<vmem>>
      %dma_start3A_108 = arith.constant 0 : i32
      %dma_start3A_109 = arith.constant 0 : i32
      %dma_start3A_110 = tpu.memref_slice %arg11[%dma_start3A_108, %dma_start3A_109] : memref<10240x128xf32, #tpu.memory_space<vmem_shared>> -> memref<10240x128xf32, #tpu.memory_space<vmem_shared>>
      tpu.enqueue_indirect_dma source(%arg9 : memref<128x128xf32, #tpu.memory_space<vmem>>) target(%dma_start3A_110 : memref<10240x128xf32, #tpu.memory_space<vmem_shared>>) offsets(%dma_start3A_107 : memref<128xi32, #tpu.memory_space<vmem>>) semaphore(%arg14 : memref<!tpu.dma_semaphore, #tpu.memory_space<semaphore_mem>>) {add = true}
      %dma_wait3A_111 = arith.constant 2 : i32
      %dma_wait3A_112 = arith.constant 0 : i32
      %dma_wait3A_113 = tpu.memref_slice %arg8[%dma_wait3A_111, %dma_wait3A_112] : memref<8x128xi32, #tpu.memory_space<vmem>> -> memref<1x128xi32, #tpu.memory_space<vmem>>
      %dma_wait3A_114 = tpu.memref_squeeze %dma_wait3A_113 : memref<1x128xi32, #tpu.memory_space<vmem>> -> memref<128xi32, #tpu.memory_space<vmem>>
      %dma_wait3A_115 = arith.constant 0 : i32
      %dma_wait3A_116 = arith.constant 0 : i32
      %dma_wait3A_117 = tpu.memref_slice %arg11[%dma_wait3A_115, %dma_wait3A_116] : memref<10240x128xf32, #tpu.memory_space<vmem_shared>> -> memref<10240x128xf32, #tpu.memory_space<vmem_shared>>
      tpu.wait_indirect_dma semaphore(%arg14 : memref<!tpu.dma_semaphore, #tpu.memory_space<semaphore_mem>>) src(%arg9 : memref<128x128xf32, #tpu.memory_space<vmem>>) dst(%dma_wait3A_117 : memref<10240x128xf32, #tpu.memory_space<vmem_shared>>)
      %dma_start3A_118 = arith.constant 4 : i32
      %dma_start3A_119 = arith.constant 0 : i32
      %dma_start3A_120 = tpu.memref_slice %arg7[%dma_start3A_118, %dma_start3A_119] : memref<8x128xi32, #tpu.memory_space<vmem>> -> memref<1x128xi32, #tpu.memory_space<vmem>>
      %dma_start3A_121 = tpu.memref_squeeze %dma_start3A_120 : memref<1x128xi32, #tpu.memory_space<vmem>> -> memref<128xi32, #tpu.memory_space<vmem>>
      %dma_start3A_122 = arith.constant 0 : i32
      %dma_start3A_123 = arith.constant 0 : i32
      %dma_start3A_124 = tpu.memref_slice %arg2[%dma_start3A_122, %dma_start3A_123] : memref<10240x128xf32, #tpu.memory_space<hbm>> -> memref<10240x128xf32, #tpu.memory_space<hbm>>
      tpu.enqueue_indirect_dma source(%dma_start3A_124 : memref<10240x128xf32, #tpu.memory_space<hbm>>) target(%arg9 : memref<128x128xf32, #tpu.memory_space<vmem>>) offsets(%dma_start3A_121 : memref<128xi32, #tpu.memory_space<vmem>>) semaphore(%arg12 : memref<!tpu.dma_semaphore, #tpu.memory_space<semaphore_mem>>)
      %dma_wait3A_125 = arith.constant 3 : i32
      %dma_wait3A_126 = arith.constant 0 : i32
      %dma_wait3A_127 = tpu.memref_slice %arg7[%dma_wait3A_125, %dma_wait3A_126] : memref<8x128xi32, #tpu.memory_space<vmem>> -> memref<1x128xi32, #tpu.memory_space<vmem>>
      %dma_wait3A_128 = tpu.memref_squeeze %dma_wait3A_127 : memref<1x128xi32, #tpu.memory_space<vmem>> -> memref<128xi32, #tpu.memory_space<vmem>>
      %dma_wait3A_129 = arith.constant 0 : i32
      %dma_wait3A_130 = arith.constant 0 : i32
      %dma_wait3A_131 = tpu.memref_slice %arg2[%dma_wait3A_129, %dma_wait3A_130] : memref<10240x128xf32, #tpu.memory_space<hbm>> -> memref<10240x128xf32, #tpu.memory_space<hbm>>
      tpu.wait_indirect_dma semaphore(%arg13 : memref<!tpu.dma_semaphore, #tpu.memory_space<semaphore_mem>>) src(%dma_wait3A_131 : memref<10240x128xf32, #tpu.memory_space<hbm>>) dst(%arg10 : memref<128x128xf32, #tpu.memory_space<vmem>>)
      %dma_start3A_132 = arith.constant 3 : i32
      %dma_start3A_133 = arith.constant 0 : i32
      %dma_start3A_134 = tpu.memref_slice %arg8[%dma_start3A_132, %dma_start3A_133] : memref<8x128xi32, #tpu.memory_space<vmem>> -> memref<1x128xi32, #tpu.memory_space<vmem>>
      %dma_start3A_135 = tpu.memref_squeeze %dma_start3A_134 : memref<1x128xi32, #tpu.memory_space<vmem>> -> memref<128xi32, #tpu.memory_space<vmem>>
      %dma_start3A_136 = arith.constant 0 : i32
      %dma_start3A_137 = arith.constant 0 : i32
      %dma_start3A_138 = tpu.memref_slice %arg11[%dma_start3A_136, %dma_start3A_137] : memref<10240x128xf32, #tpu.memory_space<vmem_shared>> -> memref<10240x128xf32, #tpu.memory_space<vmem_shared>>
      tpu.enqueue_indirect_dma source(%arg10 : memref<128x128xf32, #tpu.memory_space<vmem>>) target(%dma_start3A_138 : memref<10240x128xf32, #tpu.memory_space<vmem_shared>>) offsets(%dma_start3A_135 : memref<128xi32, #tpu.memory_space<vmem>>) semaphore(%arg15 : memref<!tpu.dma_semaphore, #tpu.memory_space<semaphore_mem>>) {add = true}
      %dma_wait3A_139 = arith.constant 3 : i32
      %dma_wait3A_140 = arith.constant 0 : i32
      %dma_wait3A_141 = tpu.memref_slice %arg8[%dma_wait3A_139, %dma_wait3A_140] : memref<8x128xi32, #tpu.memory_space<vmem>> -> memref<1x128xi32, #tpu.memory_space<vmem>>
      %dma_wait3A_142 = tpu.memref_squeeze %dma_wait3A_141 : memref<1x128xi32, #tpu.memory_space<vmem>> -> memref<128xi32, #tpu.memory_space<vmem>>
      %dma_wait3A_143 = arith.constant 0 : i32
      %dma_wait3A_144 = arith.constant 0 : i32
      %dma_wait3A_145 = tpu.memref_slice %arg11[%dma_wait3A_143, %dma_wait3A_144] : memref<10240x128xf32, #tpu.memory_space<vmem_shared>> -> memref<10240x128xf32, #tpu.memory_space<vmem_shared>>
      tpu.wait_indirect_dma semaphore(%arg15 : memref<!tpu.dma_semaphore, #tpu.memory_space<semaphore_mem>>) src(%arg10 : memref<128x128xf32, #tpu.memory_space<vmem>>) dst(%dma_wait3A_145 : memref<10240x128xf32, #tpu.memory_space<vmem_shared>>)
      %dma_start3A_146 = arith.constant 5 : i32
      %dma_start3A_147 = arith.constant 0 : i32
      %dma_start3A_148 = tpu.memref_slice %arg7[%dma_start3A_146, %dma_start3A_147] : memref<8x128xi32, #tpu.memory_space<vmem>> -> memref<1x128xi32, #tpu.memory_space<vmem>>
      %dma_start3A_149 = tpu.memref_squeeze %dma_start3A_148 : memref<1x128xi32, #tpu.memory_space<vmem>> -> memref<128xi32, #tpu.memory_space<vmem>>
      %dma_start3A_150 = arith.constant 0 : i32
      %dma_start3A_151 = arith.constant 0 : i32
      %dma_start3A_152 = tpu.memref_slice %arg2[%dma_start3A_150, %dma_start3A_151] : memref<10240x128xf32, #tpu.memory_space<hbm>> -> memref<10240x128xf32, #tpu.memory_space<hbm>>
      tpu.enqueue_indirect_dma source(%dma_start3A_152 : memref<10240x128xf32, #tpu.memory_space<hbm>>) target(%arg10 : memref<128x128xf32, #tpu.memory_space<vmem>>) offsets(%dma_start3A_149 : memref<128xi32, #tpu.memory_space<vmem>>) semaphore(%arg13 : memref<!tpu.dma_semaphore, #tpu.memory_space<semaphore_mem>>)
      %dma_wait3A_153 = arith.constant 4 : i32
      %dma_wait3A_154 = arith.constant 0 : i32
      %dma_wait3A_155 = tpu.memref_slice %arg7[%dma_wait3A_153, %dma_wait3A_154] : memref<8x128xi32, #tpu.memory_space<vmem>> -> memref<1x128xi32, #tpu.memory_space<vmem>>
      %dma_wait3A_156 = tpu.memref_squeeze %dma_wait3A_155 : memref<1x128xi32, #tpu.memory_space<vmem>> -> memref<128xi32, #tpu.memory_space<vmem>>
      %dma_wait3A_157 = arith.constant 0 : i32
      %dma_wait3A_158 = arith.constant 0 : i32
      %dma_wait3A_159 = tpu.memref_slice %arg2[%dma_wait3A_157, %dma_wait3A_158] : memref<10240x128xf32, #tpu.memory_space<hbm>> -> memref<10240x128xf32, #tpu.memory_space<hbm>>
      tpu.wait_indirect_dma semaphore(%arg12 : memref<!tpu.dma_semaphore, #tpu.memory_space<semaphore_mem>>) src(%dma_wait3A_159 : memref<10240x128xf32, #tpu.memory_space<hbm>>) dst(%arg9 : memref<128x128xf32, #tpu.memory_space<vmem>>)
      %dma_start3A_160 = arith.constant 4 : i32
      %dma_start3A_161 = arith.constant 0 : i32
      %dma_start3A_162 = tpu.memref_slice %arg8[%dma_start3A_160, %dma_start3A_161] : memref<8x128xi32, #tpu.memory_space<vmem>> -> memref<1x128xi32, #tpu.memory_space<vmem>>
      %dma_start3A_163 = tpu.memref_squeeze %dma_start3A_162 : memref<1x128xi32, #tpu.memory_space<vmem>> -> memref<128xi32, #tpu.memory_space<vmem>>
      %dma_start3A_164 = arith.constant 0 : i32
      %dma_start3A_165 = arith.constant 0 : i32
      %dma_start3A_166 = tpu.memref_slice %arg11[%dma_start3A_164, %dma_start3A_165] : memref<10240x128xf32, #tpu.memory_space<vmem_shared>> -> memref<10240x128xf32, #tpu.memory_space<vmem_shared>>
      tpu.enqueue_indirect_dma source(%arg9 : memref<128x128xf32, #tpu.memory_space<vmem>>) target(%dma_start3A_166 : memref<10240x128xf32, #tpu.memory_space<vmem_shared>>) offsets(%dma_start3A_163 : memref<128xi32, #tpu.memory_space<vmem>>) semaphore(%arg14 : memref<!tpu.dma_semaphore, #tpu.memory_space<semaphore_mem>>) {add = true}
      %dma_wait3A_167 = arith.constant 4 : i32
      %dma_wait3A_168 = arith.constant 0 : i32
      %dma_wait3A_169 = tpu.memref_slice %arg8[%dma_wait3A_167, %dma_wait3A_168] : memref<8x128xi32, #tpu.memory_space<vmem>> -> memref<1x128xi32, #tpu.memory_space<vmem>>
      %dma_wait3A_170 = tpu.memref_squeeze %dma_wait3A_169 : memref<1x128xi32, #tpu.memory_space<vmem>> -> memref<128xi32, #tpu.memory_space<vmem>>
      %dma_wait3A_171 = arith.constant 0 : i32
      %dma_wait3A_172 = arith.constant 0 : i32
      %dma_wait3A_173 = tpu.memref_slice %arg11[%dma_wait3A_171, %dma_wait3A_172] : memref<10240x128xf32, #tpu.memory_space<vmem_shared>> -> memref<10240x128xf32, #tpu.memory_space<vmem_shared>>
      tpu.wait_indirect_dma semaphore(%arg14 : memref<!tpu.dma_semaphore, #tpu.memory_space<semaphore_mem>>) src(%arg9 : memref<128x128xf32, #tpu.memory_space<vmem>>) dst(%dma_wait3A_173 : memref<10240x128xf32, #tpu.memory_space<vmem_shared>>)
      %dma_start3A_174 = arith.constant 6 : i32
      %dma_start3A_175 = arith.constant 0 : i32
      %dma_start3A_176 = tpu.memref_slice %arg7[%dma_start3A_174, %dma_start3A_175] : memref<8x128xi32, #tpu.memory_space<vmem>> -> memref<1x128xi32, #tpu.memory_space<vmem>>
      %dma_start3A_177 = tpu.memref_squeeze %dma_start3A_176 : memref<1x128xi32, #tpu.memory_space<vmem>> -> memref<128xi32, #tpu.memory_space<vmem>>
      %dma_start3A_178 = arith.constant 0 : i32
      %dma_start3A_179 = arith.constant 0 : i32
      %dma_start3A_180 = tpu.memref_slice %arg2[%dma_start3A_178, %dma_start3A_179] : memref<10240x128xf32, #tpu.memory_space<hbm>> -> memref<10240x128xf32, #tpu.memory_space<hbm>>
      tpu.enqueue_indirect_dma source(%dma_start3A_180 : memref<10240x128xf32, #tpu.memory_space<hbm>>) target(%arg9 : memref<128x128xf32, #tpu.memory_space<vmem>>) offsets(%dma_start3A_177 : memref<128xi32, #tpu.memory_space<vmem>>) semaphore(%arg12 : memref<!tpu.dma_semaphore, #tpu.memory_space<semaphore_mem>>)
      %dma_wait3A_181 = arith.constant 5 : i32
      %dma_wait3A_182 = arith.constant 0 : i32
      %dma_wait3A_183 = tpu.memref_slice %arg7[%dma_wait3A_181, %dma_wait3A_182] : memref<8x128xi32, #tpu.memory_space<vmem>> -> memref<1x128xi32, #tpu.memory_space<vmem>>
      %dma_wait3A_184 = tpu.memref_squeeze %dma_wait3A_183 : memref<1x128xi32, #tpu.memory_space<vmem>> -> memref<128xi32, #tpu.memory_space<vmem>>
      %dma_wait3A_185 = arith.constant 0 : i32
      %dma_wait3A_186 = arith.constant 0 : i32
      %dma_wait3A_187 = tpu.memref_slice %arg2[%dma_wait3A_185, %dma_wait3A_186] : memref<10240x128xf32, #tpu.memory_space<hbm>> -> memref<10240x128xf32, #tpu.memory_space<hbm>>
      tpu.wait_indirect_dma semaphore(%arg13 : memref<!tpu.dma_semaphore, #tpu.memory_space<semaphore_mem>>) src(%dma_wait3A_187 : memref<10240x128xf32, #tpu.memory_space<hbm>>) dst(%arg10 : memref<128x128xf32, #tpu.memory_space<vmem>>)
      %dma_start3A_188 = arith.constant 5 : i32
      %dma_start3A_189 = arith.constant 0 : i32
      %dma_start3A_190 = tpu.memref_slice %arg8[%dma_start3A_188, %dma_start3A_189] : memref<8x128xi32, #tpu.memory_space<vmem>> -> memref<1x128xi32, #tpu.memory_space<vmem>>
      %dma_start3A_191 = tpu.memref_squeeze %dma_start3A_190 : memref<1x128xi32, #tpu.memory_space<vmem>> -> memref<128xi32, #tpu.memory_space<vmem>>
      %dma_start3A_192 = arith.constant 0 : i32
      %dma_start3A_193 = arith.constant 0 : i32
      %dma_start3A_194 = tpu.memref_slice %arg11[%dma_start3A_192, %dma_start3A_193] : memref<10240x128xf32, #tpu.memory_space<vmem_shared>> -> memref<10240x128xf32, #tpu.memory_space<vmem_shared>>
      tpu.enqueue_indirect_dma source(%arg10 : memref<128x128xf32, #tpu.memory_space<vmem>>) target(%dma_start3A_194 : memref<10240x128xf32, #tpu.memory_space<vmem_shared>>) offsets(%dma_start3A_191 : memref<128xi32, #tpu.memory_space<vmem>>) semaphore(%arg15 : memref<!tpu.dma_semaphore, #tpu.memory_space<semaphore_mem>>) {add = true}
      %dma_wait3A_195 = arith.constant 5 : i32
      %dma_wait3A_196 = arith.constant 0 : i32
      %dma_wait3A_197 = tpu.memref_slice %arg8[%dma_wait3A_195, %dma_wait3A_196] : memref<8x128xi32, #tpu.memory_space<vmem>> -> memref<1x128xi32, #tpu.memory_space<vmem>>
      %dma_wait3A_198 = tpu.memref_squeeze %dma_wait3A_197 : memref<1x128xi32, #tpu.memory_space<vmem>> -> memref<128xi32, #tpu.memory_space<vmem>>
      %dma_wait3A_199 = arith.constant 0 : i32
      %dma_wait3A_200 = arith.constant 0 : i32
      %dma_wait3A_201 = tpu.memref_slice %arg11[%dma_wait3A_199, %dma_wait3A_200] : memref<10240x128xf32, #tpu.memory_space<vmem_shared>> -> memref<10240x128xf32, #tpu.memory_space<vmem_shared>>
      tpu.wait_indirect_dma semaphore(%arg15 : memref<!tpu.dma_semaphore, #tpu.memory_space<semaphore_mem>>) src(%arg10 : memref<128x128xf32, #tpu.memory_space<vmem>>) dst(%dma_wait3A_201 : memref<10240x128xf32, #tpu.memory_space<vmem_shared>>)
      %dma_start3A_202 = arith.constant 7 : i32
      %dma_start3A_203 = arith.constant 0 : i32
      %dma_start3A_204 = tpu.memref_slice %arg7[%dma_start3A_202, %dma_start3A_203] : memref<8x128xi32, #tpu.memory_space<vmem>> -> memref<1x128xi32, #tpu.memory_space<vmem>>
      %dma_start3A_205 = tpu.memref_squeeze %dma_start3A_204 : memref<1x128xi32, #tpu.memory_space<vmem>> -> memref<128xi32, #tpu.memory_space<vmem>>
      %dma_start3A_206 = arith.constant 0 : i32
      %dma_start3A_207 = arith.constant 0 : i32
      %dma_start3A_208 = tpu.memref_slice %arg2[%dma_start3A_206, %dma_start3A_207] : memref<10240x128xf32, #tpu.memory_space<hbm>> -> memref<10240x128xf32, #tpu.memory_space<hbm>>
      tpu.enqueue_indirect_dma source(%dma_start3A_208 : memref<10240x128xf32, #tpu.memory_space<hbm>>) target(%arg10 : memref<128x128xf32, #tpu.memory_space<vmem>>) offsets(%dma_start3A_205 : memref<128xi32, #tpu.memory_space<vmem>>) semaphore(%arg13 : memref<!tpu.dma_semaphore, #tpu.memory_space<semaphore_mem>>)
      %dma_wait3A_209 = arith.constant 6 : i32
      %dma_wait3A_210 = arith.constant 0 : i32
      %dma_wait3A_211 = tpu.memref_slice %arg7[%dma_wait3A_209, %dma_wait3A_210] : memref<8x128xi32, #tpu.memory_space<vmem>> -> memref<1x128xi32, #tpu.memory_space<vmem>>
      %dma_wait3A_212 = tpu.memref_squeeze %dma_wait3A_211 : memref<1x128xi32, #tpu.memory_space<vmem>> -> memref<128xi32, #tpu.memory_space<vmem>>
      %dma_wait3A_213 = arith.constant 0 : i32
      %dma_wait3A_214 = arith.constant 0 : i32
      %dma_wait3A_215 = tpu.memref_slice %arg2[%dma_wait3A_213, %dma_wait3A_214] : memref<10240x128xf32, #tpu.memory_space<hbm>> -> memref<10240x128xf32, #tpu.memory_space<hbm>>
      tpu.wait_indirect_dma semaphore(%arg12 : memref<!tpu.dma_semaphore, #tpu.memory_space<semaphore_mem>>) src(%dma_wait3A_215 : memref<10240x128xf32, #tpu.memory_space<hbm>>) dst(%arg9 : memref<128x128xf32, #tpu.memory_space<vmem>>)
      %dma_start3A_216 = arith.constant 6 : i32
      %dma_start3A_217 = arith.constant 0 : i32
      %dma_start3A_218 = tpu.memref_slice %arg8[%dma_start3A_216, %dma_start3A_217] : memref<8x128xi32, #tpu.memory_space<vmem>> -> memref<1x128xi32, #tpu.memory_space<vmem>>
      %dma_start3A_219 = tpu.memref_squeeze %dma_start3A_218 : memref<1x128xi32, #tpu.memory_space<vmem>> -> memref<128xi32, #tpu.memory_space<vmem>>
      %dma_start3A_220 = arith.constant 0 : i32
      %dma_start3A_221 = arith.constant 0 : i32
      %dma_start3A_222 = tpu.memref_slice %arg11[%dma_start3A_220, %dma_start3A_221] : memref<10240x128xf32, #tpu.memory_space<vmem_shared>> -> memref<10240x128xf32, #tpu.memory_space<vmem_shared>>
      tpu.enqueue_indirect_dma source(%arg9 : memref<128x128xf32, #tpu.memory_space<vmem>>) target(%dma_start3A_222 : memref<10240x128xf32, #tpu.memory_space<vmem_shared>>) offsets(%dma_start3A_219 : memref<128xi32, #tpu.memory_space<vmem>>) semaphore(%arg14 : memref<!tpu.dma_semaphore, #tpu.memory_space<semaphore_mem>>) {add = true}
      %dma_wait3A_223 = arith.constant 7 : i32
      %dma_wait3A_224 = arith.constant 0 : i32
      %dma_wait3A_225 = tpu.memref_slice %arg7[%dma_wait3A_223, %dma_wait3A_224] : memref<8x128xi32, #tpu.memory_space<vmem>> -> memref<1x128xi32, #tpu.memory_space<vmem>>
      %dma_wait3A_226 = tpu.memref_squeeze %dma_wait3A_225 : memref<1x128xi32, #tpu.memory_space<vmem>> -> memref<128xi32, #tpu.memory_space<vmem>>
      %dma_wait3A_227 = arith.constant 0 : i32
      %dma_wait3A_228 = arith.constant 0 : i32
      %dma_wait3A_229 = tpu.memref_slice %arg2[%dma_wait3A_227, %dma_wait3A_228] : memref<10240x128xf32, #tpu.memory_space<hbm>> -> memref<10240x128xf32, #tpu.memory_space<hbm>>
      tpu.wait_indirect_dma semaphore(%arg13 : memref<!tpu.dma_semaphore, #tpu.memory_space<semaphore_mem>>) src(%dma_wait3A_229 : memref<10240x128xf32, #tpu.memory_space<hbm>>) dst(%arg10 : memref<128x128xf32, #tpu.memory_space<vmem>>)
      %dma_start3A_230 = arith.constant 7 : i32
      %dma_start3A_231 = arith.constant 0 : i32
      %dma_start3A_232 = tpu.memref_slice %arg8[%dma_start3A_230, %dma_start3A_231] : memref<8x128xi32, #tpu.memory_space<vmem>> -> memref<1x128xi32, #tpu.memory_space<vmem>>
      %dma_start3A_233 = tpu.memref_squeeze %dma_start3A_232 : memref<1x128xi32, #tpu.memory_space<vmem>> -> memref<128xi32, #tpu.memory_space<vmem>>
      %dma_start3A_234 = arith.constant 0 : i32
      %dma_start3A_235 = arith.constant 0 : i32
      %dma_start3A_236 = tpu.memref_slice %arg11[%dma_start3A_234, %dma_start3A_235] : memref<10240x128xf32, #tpu.memory_space<vmem_shared>> -> memref<10240x128xf32, #tpu.memory_space<vmem_shared>>
      tpu.enqueue_indirect_dma source(%arg10 : memref<128x128xf32, #tpu.memory_space<vmem>>) target(%dma_start3A_236 : memref<10240x128xf32, #tpu.memory_space<vmem_shared>>) offsets(%dma_start3A_233 : memref<128xi32, #tpu.memory_space<vmem>>) semaphore(%arg15 : memref<!tpu.dma_semaphore, #tpu.memory_space<semaphore_mem>>) {add = true}
      %dma_wait3A_237 = arith.constant 6 : i32
      %dma_wait3A_238 = arith.constant 0 : i32
      %dma_wait3A_239 = tpu.memref_slice %arg8[%dma_wait3A_237, %dma_wait3A_238] : memref<8x128xi32, #tpu.memory_space<vmem>> -> memref<1x128xi32, #tpu.memory_space<vmem>>
      %dma_wait3A_240 = tpu.memref_squeeze %dma_wait3A_239 : memref<1x128xi32, #tpu.memory_space<vmem>> -> memref<128xi32, #tpu.memory_space<vmem>>
      %dma_wait3A_241 = arith.constant 0 : i32
      %dma_wait3A_242 = arith.constant 0 : i32
      %dma_wait3A_243 = tpu.memref_slice %arg11[%dma_wait3A_241, %dma_wait3A_242] : memref<10240x128xf32, #tpu.memory_space<vmem_shared>> -> memref<10240x128xf32, #tpu.memory_space<vmem_shared>>
      tpu.wait_indirect_dma semaphore(%arg14 : memref<!tpu.dma_semaphore, #tpu.memory_space<semaphore_mem>>) src(%arg9 : memref<128x128xf32, #tpu.memory_space<vmem>>) dst(%dma_wait3A_243 : memref<10240x128xf32, #tpu.memory_space<vmem_shared>>)
      %dma_wait3A_244 = arith.constant 7 : i32
      %dma_wait3A_245 = arith.constant 0 : i32
      %dma_wait3A_246 = tpu.memref_slice %arg8[%dma_wait3A_244, %dma_wait3A_245] : memref<8x128xi32, #tpu.memory_space<vmem>> -> memref<1x128xi32, #tpu.memory_space<vmem>>
      %dma_wait3A_247 = tpu.memref_squeeze %dma_wait3A_246 : memref<1x128xi32, #tpu.memory_space<vmem>> -> memref<128xi32, #tpu.memory_space<vmem>>
      %dma_wait3A_248 = arith.constant 0 : i32
      %dma_wait3A_249 = arith.constant 0 : i32
      %dma_wait3A_250 = tpu.memref_slice %arg11[%dma_wait3A_248, %dma_wait3A_249] : memref<10240x128xf32, #tpu.memory_space<vmem_shared>> -> memref<10240x128xf32, #tpu.memory_space<vmem_shared>>
      tpu.wait_indirect_dma semaphore(%arg15 : memref<!tpu.dma_semaphore, #tpu.memory_space<semaphore_mem>>) src(%arg10 : memref<128x128xf32, #tpu.memory_space<vmem>>) dst(%dma_wait3A_250 : memref<10240x128xf32, #tpu.memory_space<vmem_shared>>)
    }
    %barrier3A_24 = arith.constant 0 : index
    tpu.barrier barrier_id(%barrier3A_24)
    "tpu.region"() ({
      %run_scoped3A = tpu.sem_alloc : memref<!tpu.dma_semaphore, #tpu.memory_space<semaphore_mem>>
      %dma_start3A = arith.constant 0 : i32
      %dma_start3A_25 = tpu.memref_slice %arg6[%arg0, %mul3A_2, %dma_start3A] : memref<2x10240x128xf32, #tpu.memory_space<hbm>> -> memref<1x640x128xf32, #tpu.memory_space<hbm>>
      %dma_start3A_26 = tpu.memref_squeeze %dma_start3A_25 : memref<1x640x128xf32, #tpu.memory_space<hbm>> -> memref<640x128xf32, #tpu.memory_space<hbm>>
      %dma_start3A_27 = arith.constant 0 : i32
      %dma_start3A_28 = tpu.memref_slice %arg11[%mul3A_2, %dma_start3A_27] : memref<10240x128xf32, #tpu.memory_space<vmem_shared>> -> memref<640x128xf32, #tpu.memory_space<vmem_shared>>
      tpu.enqueue_dma source(%dma_start3A_28 : memref<640x128xf32, #tpu.memory_space<vmem_shared>>) target(%dma_start3A_26 : memref<640x128xf32, #tpu.memory_space<hbm>>) target_semaphore(%run_scoped3A : memref<!tpu.dma_semaphore, #tpu.memory_space<semaphore_mem>>)
      %dma_wait3A = arith.constant 0 : i32
      %dma_wait3A_29 = tpu.memref_slice %arg6[%arg0, %mul3A_2, %dma_wait3A] : memref<2x10240x128xf32, #tpu.memory_space<hbm>> -> memref<1x640x128xf32, #tpu.memory_space<hbm>>
      %dma_wait3A_30 = tpu.memref_squeeze %dma_wait3A_29 : memref<1x640x128xf32, #tpu.memory_space<hbm>> -> memref<640x128xf32, #tpu.memory_space<hbm>>
      %dma_wait3A_31 = arith.constant 0 : i32
      %dma_wait3A_32 = tpu.memref_slice %arg11[%mul3A_2, %dma_wait3A_31] : memref<10240x128xf32, #tpu.memory_space<vmem_shared>> -> memref<640x128xf32, #tpu.memory_space<vmem_shared>>
      tpu.wait_dma2 semaphore(%run_scoped3A : memref<!tpu.dma_semaphore, #tpu.memory_space<semaphore_mem>>) src(%dma_wait3A_32 : memref<640x128xf32, #tpu.memory_space<vmem_shared>>) dst(%dma_wait3A_30 : memref<640x128xf32, #tpu.memory_space<hbm>>)
      tpu.yield
    }) : () -> ()
    return
  }
}

#map = affine_map<(d0, d1) -> (0, 0)>
#map1 = affine_map<(d0, d1) -> (0)>
#map2 = affine_map<(d0, d1) -> (0, 0, 0)>
module attributes {stable_mosaic.version = 14 : i64} {
  func.func @_sc_agg1_body(%arg0: i32, %arg1: i32, %arg2: memref<10240x128xf32, #tpu.memory_space<hbm>>, %arg3: memref<2560x128xi32, #tpu.memory_space<hbm>>, %arg4: memref<2560x128xi32, #tpu.memory_space<hbm>>, %arg5: memref<10240x128xf32, #tpu.memory_space<hbm>>, %arg6: memref<10240xf32, #tpu.memory_space<hbm>>, %arg7: memref<2x10240x128xf32, #tpu.memory_space<hbm>>, %arg8: memref<327680xf32, #tpu.memory_space<hbm>>, %arg9: memref<8x128xi32, #tpu.memory_space<vmem>>, %arg10: memref<8x128xi32, #tpu.memory_space<vmem>>, %arg11: memref<128x128xf32, #tpu.memory_space<vmem>>, %arg12: memref<128x128xf32, #tpu.memory_space<vmem>>, %arg13: memref<10240xf32, #tpu.memory_space<vmem>>, %arg14: memref<10240x128xf32, #tpu.memory_space<vmem_shared>>, %arg15: memref<!tpu.dma_semaphore, #tpu.memory_space<semaphore_mem>>, %arg16: memref<!tpu.dma_semaphore, #tpu.memory_space<semaphore_mem>>, %arg17: memref<!tpu.dma_semaphore, #tpu.memory_space<semaphore_mem>>, %arg18: memref<!tpu.dma_semaphore, #tpu.memory_space<semaphore_mem>>) attributes {dimension_semantics = [#tpu.dimension_semantics<core_parallel>, #tpu.dimension_semantics<subcore_parallel>], iteration_bounds = array<i64: 2, 16>, scalar_prefetch = 0 : i64, scratch_operands = 10 : i64, tpu.core_type = #tpu.core_type<sc_vector_subcore>, window_params = [{transform_indices = #map}, {transform_indices = #map}, {transform_indices = #map}, {transform_indices = #map}, {transform_indices = #map1}, {transform_indices = #map2}, {transform_indices = #map1}]} {
    %mul3A = arith.constant 16 : i32
    %mul3A_0 = arith.muli %arg0, %mul3A : i32
    %add3A = arith.addi %mul3A_0, %arg1 : i32
    %mul3A_1 = arith.constant 640 : i32
    %mul3A_2 = arith.muli %arg1, %mul3A_1 : i32
    "tpu.region"() ({
      %run_scoped3A = tpu.sem_alloc : memref<!tpu.dma_semaphore, #tpu.memory_space<semaphore_mem>>
      %dma_start3A = arith.constant 0 : i32
      %dma_start3A_27 = tpu.memref_slice %arg14[%mul3A_2, %dma_start3A] : memref<10240x128xf32, #tpu.memory_space<vmem_shared>> -> memref<640x128xf32, #tpu.memory_space<vmem_shared>>
      %dma_start3A_28 = arith.constant 0 : i32
      %dma_start3A_29 = tpu.memref_slice %arg5[%mul3A_2, %dma_start3A_28] : memref<10240x128xf32, #tpu.memory_space<hbm>> -> memref<640x128xf32, #tpu.memory_space<hbm>>
      tpu.enqueue_dma source(%dma_start3A_29 : memref<640x128xf32, #tpu.memory_space<hbm>>) target(%dma_start3A_27 : memref<640x128xf32, #tpu.memory_space<vmem_shared>>) target_semaphore(%run_scoped3A : memref<!tpu.dma_semaphore, #tpu.memory_space<semaphore_mem>>)
      %dma_wait3A = arith.constant 0 : i32
      %dma_wait3A_30 = tpu.memref_slice %arg14[%mul3A_2, %dma_wait3A] : memref<10240x128xf32, #tpu.memory_space<vmem_shared>> -> memref<640x128xf32, #tpu.memory_space<vmem_shared>>
      %dma_wait3A_31 = arith.constant 0 : i32
      %dma_wait3A_32 = tpu.memref_slice %arg5[%mul3A_2, %dma_wait3A_31] : memref<10240x128xf32, #tpu.memory_space<hbm>> -> memref<640x128xf32, #tpu.memory_space<hbm>>
      tpu.wait_dma2 semaphore(%run_scoped3A : memref<!tpu.dma_semaphore, #tpu.memory_space<semaphore_mem>>) src(%dma_wait3A_32 : memref<640x128xf32, #tpu.memory_space<hbm>>) dst(%dma_wait3A_30 : memref<640x128xf32, #tpu.memory_space<vmem_shared>>)
      tpu.yield
    }) : () -> ()
    "tpu.region"() ({
      %run_scoped3A = tpu.sem_alloc : memref<!tpu.dma_semaphore, #tpu.memory_space<semaphore_mem>>
      tpu.enqueue_dma source(%arg6 : memref<10240xf32, #tpu.memory_space<hbm>>) target(%arg13 : memref<10240xf32, #tpu.memory_space<vmem>>) target_semaphore(%run_scoped3A : memref<!tpu.dma_semaphore, #tpu.memory_space<semaphore_mem>>)
      tpu.wait_dma2 semaphore(%run_scoped3A : memref<!tpu.dma_semaphore, #tpu.memory_space<semaphore_mem>>) src(%arg6 : memref<10240xf32, #tpu.memory_space<hbm>>) dst(%arg13 : memref<10240xf32, #tpu.memory_space<vmem>>)
      tpu.yield
    }) : () -> ()
    %barrier3A = arith.constant 0 : index
    tpu.barrier barrier_id(%barrier3A)
    %broadcast_in_dim3A = arith.constant 1.000000e+00 : f32
    %broadcast_in_dim3A_3 = vector.broadcast %broadcast_in_dim3A : f32 to vector<16xf32>
    %eq3A = arith.constant 0 : i32
    %eq3A_4 = arith.cmpi eq, %arg0, %eq3A : i32
    %mul3A_5 = arith.constant 80 : i32
    %mul3A_6 = arith.muli %arg1, %mul3A_5 : i32
    %mul3A_7 = arith.constant 80 : i32
    %mul3A_8 = arith.muli %arg1, %mul3A_7 : i32
    %add3A_9 = arith.constant 1280 : i32
    %add3A_10 = arith.addi %add3A_9, %mul3A_8 : i32
    %select_n3A = arith.select %eq3A_4, %mul3A_6, %add3A_10 : i32
    %eq3A_11 = arith.constant 0 : i32
    %eq3A_12 = arith.cmpi eq, %arg0, %eq3A_11 : i32
    %jit3A = arith.constant 10 : i32
    %jit3A_13 = arith.constant 10 : i32
    %select_n3A_14 = arith.select %eq3A_12, %jit3A, %jit3A_13 : i32
    %while3A = arith.constant 0 : i32
    %while3A_15 = arith.constant 0 : i32
    %while3A_16 = arith.subi %select_n3A_14, %while3A_15 : i32
    %while3A_17 = arith.addi %while3A_15, %while3A_16 : i32
    %while3A_18 = arith.constant 1 : i32
    %while3A_19 = arith.divsi %while3A_16, %while3A_18 : i32
    %while3A_20 = arith.muli %while3A_19, %while3A_18 : i32
    %while3A_21 = arith.addi %while3A_15, %while3A_20 : i32
    %while3A_22 = arith.constant 1 : i32
    scf.for %while3A_27 = %while3A_15 to %while3A_21 step %while3A_22  : i32 {
      %mul3A_28 = arith.constant 8 : i32
      %mul3A_29 = arith.muli %while3A_27, %mul3A_28 : i32
      %add3A_30 = arith.addi %select_n3A, %mul3A_29 : i32
      "tpu.region"() ({
        %run_scoped3A = tpu.sem_alloc : memref<!tpu.dma_semaphore, #tpu.memory_space<semaphore_mem>>
        %dma_start3A_508 = arith.constant 0 : i32
        %dma_start3A_509 = tpu.memref_slice %arg3[%add3A_30, %dma_start3A_508] : memref<2560x128xi32, #tpu.memory_space<hbm>> -> memref<8x128xi32, #tpu.memory_space<hbm>>
        %dma_start3A_510 = arith.constant 0 : i32
        %dma_start3A_511 = tpu.memref_slice %arg3[%add3A_30, %dma_start3A_510] : memref<2560x128xi32, #tpu.memory_space<hbm>> -> memref<8x128xi32, #tpu.memory_space<hbm>>
        tpu.enqueue_dma source(%dma_start3A_511 : memref<8x128xi32, #tpu.memory_space<hbm>>) target(%arg9 : memref<8x128xi32, #tpu.memory_space<vmem>>) target_semaphore(%run_scoped3A : memref<!tpu.dma_semaphore, #tpu.memory_space<semaphore_mem>>)
        %dma_wait3A_512 = arith.constant 0 : i32
        %dma_wait3A_513 = tpu.memref_slice %arg3[%add3A_30, %dma_wait3A_512] : memref<2560x128xi32, #tpu.memory_space<hbm>> -> memref<8x128xi32, #tpu.memory_space<hbm>>
        %dma_wait3A_514 = arith.constant 0 : i32
        %dma_wait3A_515 = tpu.memref_slice %arg3[%add3A_30, %dma_wait3A_514] : memref<2560x128xi32, #tpu.memory_space<hbm>> -> memref<8x128xi32, #tpu.memory_space<hbm>>
        tpu.wait_dma2 semaphore(%run_scoped3A : memref<!tpu.dma_semaphore, #tpu.memory_space<semaphore_mem>>) src(%dma_wait3A_515 : memref<8x128xi32, #tpu.memory_space<hbm>>) dst(%arg9 : memref<8x128xi32, #tpu.memory_space<vmem>>)
        tpu.yield
      }) : () -> ()
      "tpu.region"() ({
        %run_scoped3A = tpu.sem_alloc : memref<!tpu.dma_semaphore, #tpu.memory_space<semaphore_mem>>
        %dma_start3A_508 = arith.constant 0 : i32
        %dma_start3A_509 = tpu.memref_slice %arg4[%add3A_30, %dma_start3A_508] : memref<2560x128xi32, #tpu.memory_space<hbm>> -> memref<8x128xi32, #tpu.memory_space<hbm>>
        %dma_start3A_510 = arith.constant 0 : i32
        %dma_start3A_511 = tpu.memref_slice %arg4[%add3A_30, %dma_start3A_510] : memref<2560x128xi32, #tpu.memory_space<hbm>> -> memref<8x128xi32, #tpu.memory_space<hbm>>
        tpu.enqueue_dma source(%dma_start3A_511 : memref<8x128xi32, #tpu.memory_space<hbm>>) target(%arg10 : memref<8x128xi32, #tpu.memory_space<vmem>>) target_semaphore(%run_scoped3A : memref<!tpu.dma_semaphore, #tpu.memory_space<semaphore_mem>>)
        %dma_wait3A_512 = arith.constant 0 : i32
        %dma_wait3A_513 = tpu.memref_slice %arg4[%add3A_30, %dma_wait3A_512] : memref<2560x128xi32, #tpu.memory_space<hbm>> -> memref<8x128xi32, #tpu.memory_space<hbm>>
        %dma_wait3A_514 = arith.constant 0 : i32
        %dma_wait3A_515 = tpu.memref_slice %arg4[%add3A_30, %dma_wait3A_514] : memref<2560x128xi32, #tpu.memory_space<hbm>> -> memref<8x128xi32, #tpu.memory_space<hbm>>
        tpu.wait_dma2 semaphore(%run_scoped3A : memref<!tpu.dma_semaphore, #tpu.memory_space<semaphore_mem>>) src(%dma_wait3A_515 : memref<8x128xi32, #tpu.memory_space<hbm>>) dst(%arg10 : memref<8x128xi32, #tpu.memory_space<vmem>>)
        tpu.yield
      }) : () -> ()
      %dma_start3A = arith.constant 0 : i32
      %dma_start3A_31 = arith.constant 0 : i32
      %dma_start3A_32 = tpu.memref_slice %arg9[%dma_start3A, %dma_start3A_31] : memref<8x128xi32, #tpu.memory_space<vmem>> -> memref<1x128xi32, #tpu.memory_space<vmem>>
      %dma_start3A_33 = tpu.memref_squeeze %dma_start3A_32 : memref<1x128xi32, #tpu.memory_space<vmem>> -> memref<128xi32, #tpu.memory_space<vmem>>
      %dma_start3A_34 = arith.constant 0 : i32
      %dma_start3A_35 = arith.constant 0 : i32
      %dma_start3A_36 = tpu.memref_slice %arg2[%dma_start3A_34, %dma_start3A_35] : memref<10240x128xf32, #tpu.memory_space<hbm>> -> memref<10240x128xf32, #tpu.memory_space<hbm>>
      tpu.enqueue_indirect_dma source(%dma_start3A_36 : memref<10240x128xf32, #tpu.memory_space<hbm>>) target(%arg11 : memref<128x128xf32, #tpu.memory_space<vmem>>) offsets(%dma_start3A_33 : memref<128xi32, #tpu.memory_space<vmem>>) semaphore(%arg15 : memref<!tpu.dma_semaphore, #tpu.memory_space<semaphore_mem>>)
      %dma_start3A_37 = arith.constant 1 : i32
      %dma_start3A_38 = arith.constant 0 : i32
      %dma_start3A_39 = tpu.memref_slice %arg9[%dma_start3A_37, %dma_start3A_38] : memref<8x128xi32, #tpu.memory_space<vmem>> -> memref<1x128xi32, #tpu.memory_space<vmem>>
      %dma_start3A_40 = tpu.memref_squeeze %dma_start3A_39 : memref<1x128xi32, #tpu.memory_space<vmem>> -> memref<128xi32, #tpu.memory_space<vmem>>
      %dma_start3A_41 = arith.constant 0 : i32
      %dma_start3A_42 = arith.constant 0 : i32
      %dma_start3A_43 = tpu.memref_slice %arg2[%dma_start3A_41, %dma_start3A_42] : memref<10240x128xf32, #tpu.memory_space<hbm>> -> memref<10240x128xf32, #tpu.memory_space<hbm>>
      tpu.enqueue_indirect_dma source(%dma_start3A_43 : memref<10240x128xf32, #tpu.memory_space<hbm>>) target(%arg12 : memref<128x128xf32, #tpu.memory_space<vmem>>) offsets(%dma_start3A_40 : memref<128xi32, #tpu.memory_space<vmem>>) semaphore(%arg16 : memref<!tpu.dma_semaphore, #tpu.memory_space<semaphore_mem>>)
      %get3A = arith.constant 0 : i32
      %get3A_44 = arith.index_cast %get3A : i32 to index
      %get3A_45 = arith.constant 0 : index
      %get3A_46 = tpu.vector_load %arg10[%get3A_44, %get3A_45] {strides = array<i32>} : memref<8x128xi32, #tpu.memory_space<vmem>>, vector<16xi32>,
      tpu.vector_store_idx %arg13[%get3A_46], %broadcast_in_dim3A_3 {add = true} : memref<10240xf32, #tpu.memory_space<vmem>>[vector<16xi32>], vector<16xf32>,
      %get3A_47 = arith.constant 0 : i32
      %get3A_48 = arith.index_cast %get3A_47 : i32 to index
      %get3A_49 = arith.constant 16 : index
      %get3A_50 = tpu.vector_load %arg10[%get3A_48, %get3A_49] {strides = array<i32>} : memref<8x128xi32, #tpu.memory_space<vmem>>, vector<16xi32>,
      tpu.vector_store_idx %arg13[%get3A_50], %broadcast_in_dim3A_3 {add = true} : memref<10240xf32, #tpu.memory_space<vmem>>[vector<16xi32>], vector<16xf32>,
      %get3A_51 = arith.constant 0 : i32
      %get3A_52 = arith.index_cast %get3A_51 : i32 to index
      %get3A_53 = arith.constant 32 : index
      %get3A_54 = tpu.vector_load %arg10[%get3A_52, %get3A_53] {strides = array<i32>} : memref<8x128xi32, #tpu.memory_space<vmem>>, vector<16xi32>,
      tpu.vector_store_idx %arg13[%get3A_54], %broadcast_in_dim3A_3 {add = true} : memref<10240xf32, #tpu.memory_space<vmem>>[vector<16xi32>], vector<16xf32>,
      %get3A_55 = arith.constant 0 : i32
      %get3A_56 = arith.index_cast %get3A_55 : i32 to index
      %get3A_57 = arith.constant 48 : index
      %get3A_58 = tpu.vector_load %arg10[%get3A_56, %get3A_57] {strides = array<i32>} : memref<8x128xi32, #tpu.memory_space<vmem>>, vector<16xi32>,
      tpu.vector_store_idx %arg13[%get3A_58], %broadcast_in_dim3A_3 {add = true} : memref<10240xf32, #tpu.memory_space<vmem>>[vector<16xi32>], vector<16xf32>,
      %get3A_59 = arith.constant 0 : i32
      %get3A_60 = arith.index_cast %get3A_59 : i32 to index
      %get3A_61 = arith.constant 64 : index
      %get3A_62 = tpu.vector_load %arg10[%get3A_60, %get3A_61] {strides = array<i32>} : memref<8x128xi32, #tpu.memory_space<vmem>>, vector<16xi32>,
      tpu.vector_store_idx %arg13[%get3A_62], %broadcast_in_dim3A_3 {add = true} : memref<10240xf32, #tpu.memory_space<vmem>>[vector<16xi32>], vector<16xf32>,
      %get3A_63 = arith.constant 0 : i32
      %get3A_64 = arith.index_cast %get3A_63 : i32 to index
      %get3A_65 = arith.constant 80 : index
      %get3A_66 = tpu.vector_load %arg10[%get3A_64, %get3A_65] {strides = array<i32>} : memref<8x128xi32, #tpu.memory_space<vmem>>, vector<16xi32>,
      tpu.vector_store_idx %arg13[%get3A_66], %broadcast_in_dim3A_3 {add = true} : memref<10240xf32, #tpu.memory_space<vmem>>[vector<16xi32>], vector<16xf32>,
      %get3A_67 = arith.constant 0 : i32
      %get3A_68 = arith.index_cast %get3A_67 : i32 to index
      %get3A_69 = arith.constant 96 : index
      %get3A_70 = tpu.vector_load %arg10[%get3A_68, %get3A_69] {strides = array<i32>} : memref<8x128xi32, #tpu.memory_space<vmem>>, vector<16xi32>,
      tpu.vector_store_idx %arg13[%get3A_70], %broadcast_in_dim3A_3 {add = true} : memref<10240xf32, #tpu.memory_space<vmem>>[vector<16xi32>], vector<16xf32>,
      %get3A_71 = arith.constant 0 : i32
      %get3A_72 = arith.index_cast %get3A_71 : i32 to index
      %get3A_73 = arith.constant 112 : index
      %get3A_74 = tpu.vector_load %arg10[%get3A_72, %get3A_73] {strides = array<i32>} : memref<8x128xi32, #tpu.memory_space<vmem>>, vector<16xi32>,
      tpu.vector_store_idx %arg13[%get3A_74], %broadcast_in_dim3A_3 {add = true} : memref<10240xf32, #tpu.memory_space<vmem>>[vector<16xi32>], vector<16xf32>,
      %dma_wait3A = arith.constant 0 : i32
      %dma_wait3A_75 = arith.constant 0 : i32
      %dma_wait3A_76 = tpu.memref_slice %arg9[%dma_wait3A, %dma_wait3A_75] : memref<8x128xi32, #tpu.memory_space<vmem>> -> memref<1x128xi32, #tpu.memory_space<vmem>>
      %dma_wait3A_77 = tpu.memref_squeeze %dma_wait3A_76 : memref<1x128xi32, #tpu.memory_space<vmem>> -> memref<128xi32, #tpu.memory_space<vmem>>
      %dma_wait3A_78 = arith.constant 0 : i32
      %dma_wait3A_79 = arith.constant 0 : i32
      %dma_wait3A_80 = tpu.memref_slice %arg2[%dma_wait3A_78, %dma_wait3A_79] : memref<10240x128xf32, #tpu.memory_space<hbm>> -> memref<10240x128xf32, #tpu.memory_space<hbm>>
      tpu.wait_indirect_dma semaphore(%arg15 : memref<!tpu.dma_semaphore, #tpu.memory_space<semaphore_mem>>) src(%dma_wait3A_80 : memref<10240x128xf32, #tpu.memory_space<hbm>>) dst(%arg11 : memref<128x128xf32, #tpu.memory_space<vmem>>)
      %dma_start3A_81 = arith.constant 0 : i32
      %dma_start3A_82 = arith.constant 0 : i32
      %dma_start3A_83 = tpu.memref_slice %arg10[%dma_start3A_81, %dma_start3A_82] : memref<8x128xi32, #tpu.memory_space<vmem>> -> memref<1x128xi32, #tpu.memory_space<vmem>>
      %dma_start3A_84 = tpu.memref_squeeze %dma_start3A_83 : memref<1x128xi32, #tpu.memory_space<vmem>> -> memref<128xi32, #tpu.memory_space<vmem>>
      %dma_start3A_85 = arith.constant 0 : i32
      %dma_start3A_86 = arith.constant 0 : i32
      %dma_start3A_87 = tpu.memref_slice %arg14[%dma_start3A_85, %dma_start3A_86] : memref<10240x128xf32, #tpu.memory_space<vmem_shared>> -> memref<10240x128xf32, #tpu.memory_space<vmem_shared>>
      tpu.enqueue_indirect_dma source(%arg11 : memref<128x128xf32, #tpu.memory_space<vmem>>) target(%dma_start3A_87 : memref<10240x128xf32, #tpu.memory_space<vmem_shared>>) offsets(%dma_start3A_84 : memref<128xi32, #tpu.memory_space<vmem>>) semaphore(%arg17 : memref<!tpu.dma_semaphore, #tpu.memory_space<semaphore_mem>>) {add = true}
      %dma_wait3A_88 = arith.constant 0 : i32
      %dma_wait3A_89 = arith.constant 0 : i32
      %dma_wait3A_90 = tpu.memref_slice %arg10[%dma_wait3A_88, %dma_wait3A_89] : memref<8x128xi32, #tpu.memory_space<vmem>> -> memref<1x128xi32, #tpu.memory_space<vmem>>
      %dma_wait3A_91 = tpu.memref_squeeze %dma_wait3A_90 : memref<1x128xi32, #tpu.memory_space<vmem>> -> memref<128xi32, #tpu.memory_space<vmem>>
      %dma_wait3A_92 = arith.constant 0 : i32
      %dma_wait3A_93 = arith.constant 0 : i32
      %dma_wait3A_94 = tpu.memref_slice %arg14[%dma_wait3A_92, %dma_wait3A_93] : memref<10240x128xf32, #tpu.memory_space<vmem_shared>> -> memref<10240x128xf32, #tpu.memory_space<vmem_shared>>
      tpu.wait_indirect_dma semaphore(%arg17 : memref<!tpu.dma_semaphore, #tpu.memory_space<semaphore_mem>>) src(%arg11 : memref<128x128xf32, #tpu.memory_space<vmem>>) dst(%dma_wait3A_94 : memref<10240x128xf32, #tpu.memory_space<vmem_shared>>)
      %dma_start3A_95 = arith.constant 2 : i32
      %dma_start3A_96 = arith.constant 0 : i32
      %dma_start3A_97 = tpu.memref_slice %arg9[%dma_start3A_95, %dma_start3A_96] : memref<8x128xi32, #tpu.memory_space<vmem>> -> memref<1x128xi32, #tpu.memory_space<vmem>>
      %dma_start3A_98 = tpu.memref_squeeze %dma_start3A_97 : memref<1x128xi32, #tpu.memory_space<vmem>> -> memref<128xi32, #tpu.memory_space<vmem>>
      %dma_start3A_99 = arith.constant 0 : i32
      %dma_start3A_100 = arith.constant 0 : i32
      %dma_start3A_101 = tpu.memref_slice %arg2[%dma_start3A_99, %dma_start3A_100] : memref<10240x128xf32, #tpu.memory_space<hbm>> -> memref<10240x128xf32, #tpu.memory_space<hbm>>
      tpu.enqueue_indirect_dma source(%dma_start3A_101 : memref<10240x128xf32, #tpu.memory_space<hbm>>) target(%arg11 : memref<128x128xf32, #tpu.memory_space<vmem>>) offsets(%dma_start3A_98 : memref<128xi32, #tpu.memory_space<vmem>>) semaphore(%arg15 : memref<!tpu.dma_semaphore, #tpu.memory_space<semaphore_mem>>)
      %get3A_102 = arith.constant 1 : i32
      %get3A_103 = arith.index_cast %get3A_102 : i32 to index
      %get3A_104 = arith.constant 0 : index
      %get3A_105 = tpu.vector_load %arg10[%get3A_103, %get3A_104] {strides = array<i32>} : memref<8x128xi32, #tpu.memory_space<vmem>>, vector<16xi32>,
      tpu.vector_store_idx %arg13[%get3A_105], %broadcast_in_dim3A_3 {add = true} : memref<10240xf32, #tpu.memory_space<vmem>>[vector<16xi32>], vector<16xf32>,
      %get3A_106 = arith.constant 1 : i32
      %get3A_107 = arith.index_cast %get3A_106 : i32 to index
      %get3A_108 = arith.constant 16 : index
      %get3A_109 = tpu.vector_load %arg10[%get3A_107, %get3A_108] {strides = array<i32>} : memref<8x128xi32, #tpu.memory_space<vmem>>, vector<16xi32>,
      tpu.vector_store_idx %arg13[%get3A_109], %broadcast_in_dim3A_3 {add = true} : memref<10240xf32, #tpu.memory_space<vmem>>[vector<16xi32>], vector<16xf32>,
      %get3A_110 = arith.constant 1 : i32
      %get3A_111 = arith.index_cast %get3A_110 : i32 to index
      %get3A_112 = arith.constant 32 : index
      %get3A_113 = tpu.vector_load %arg10[%get3A_111, %get3A_112] {strides = array<i32>} : memref<8x128xi32, #tpu.memory_space<vmem>>, vector<16xi32>,
      tpu.vector_store_idx %arg13[%get3A_113], %broadcast_in_dim3A_3 {add = true} : memref<10240xf32, #tpu.memory_space<vmem>>[vector<16xi32>], vector<16xf32>,
      %get3A_114 = arith.constant 1 : i32
      %get3A_115 = arith.index_cast %get3A_114 : i32 to index
      %get3A_116 = arith.constant 48 : index
      %get3A_117 = tpu.vector_load %arg10[%get3A_115, %get3A_116] {strides = array<i32>} : memref<8x128xi32, #tpu.memory_space<vmem>>, vector<16xi32>,
      tpu.vector_store_idx %arg13[%get3A_117], %broadcast_in_dim3A_3 {add = true} : memref<10240xf32, #tpu.memory_space<vmem>>[vector<16xi32>], vector<16xf32>,
      %get3A_118 = arith.constant 1 : i32
      %get3A_119 = arith.index_cast %get3A_118 : i32 to index
      %get3A_120 = arith.constant 64 : index
      %get3A_121 = tpu.vector_load %arg10[%get3A_119, %get3A_120] {strides = array<i32>} : memref<8x128xi32, #tpu.memory_space<vmem>>, vector<16xi32>,
      tpu.vector_store_idx %arg13[%get3A_121], %broadcast_in_dim3A_3 {add = true} : memref<10240xf32, #tpu.memory_space<vmem>>[vector<16xi32>], vector<16xf32>,
      %get3A_122 = arith.constant 1 : i32
      %get3A_123 = arith.index_cast %get3A_122 : i32 to index
      %get3A_124 = arith.constant 80 : index
      %get3A_125 = tpu.vector_load %arg10[%get3A_123, %get3A_124] {strides = array<i32>} : memref<8x128xi32, #tpu.memory_space<vmem>>, vector<16xi32>,
      tpu.vector_store_idx %arg13[%get3A_125], %broadcast_in_dim3A_3 {add = true} : memref<10240xf32, #tpu.memory_space<vmem>>[vector<16xi32>], vector<16xf32>,
      %get3A_126 = arith.constant 1 : i32
      %get3A_127 = arith.index_cast %get3A_126 : i32 to index
      %get3A_128 = arith.constant 96 : index
      %get3A_129 = tpu.vector_load %arg10[%get3A_127, %get3A_128] {strides = array<i32>} : memref<8x128xi32, #tpu.memory_space<vmem>>, vector<16xi32>,
      tpu.vector_store_idx %arg13[%get3A_129], %broadcast_in_dim3A_3 {add = true} : memref<10240xf32, #tpu.memory_space<vmem>>[vector<16xi32>], vector<16xf32>,
      %get3A_130 = arith.constant 1 : i32
      %get3A_131 = arith.index_cast %get3A_130 : i32 to index
      %get3A_132 = arith.constant 112 : index
      %get3A_133 = tpu.vector_load %arg10[%get3A_131, %get3A_132] {strides = array<i32>} : memref<8x128xi32, #tpu.memory_space<vmem>>, vector<16xi32>,
      tpu.vector_store_idx %arg13[%get3A_133], %broadcast_in_dim3A_3 {add = true} : memref<10240xf32, #tpu.memory_space<vmem>>[vector<16xi32>], vector<16xf32>,
      %dma_wait3A_134 = arith.constant 1 : i32
      %dma_wait3A_135 = arith.constant 0 : i32
      %dma_wait3A_136 = tpu.memref_slice %arg9[%dma_wait3A_134, %dma_wait3A_135] : memref<8x128xi32, #tpu.memory_space<vmem>> -> memref<1x128xi32, #tpu.memory_space<vmem>>
      %dma_wait3A_137 = tpu.memref_squeeze %dma_wait3A_136 : memref<1x128xi32, #tpu.memory_space<vmem>> -> memref<128xi32, #tpu.memory_space<vmem>>
      %dma_wait3A_138 = arith.constant 0 : i32
      %dma_wait3A_139 = arith.constant 0 : i32
      %dma_wait3A_140 = tpu.memref_slice %arg2[%dma_wait3A_138, %dma_wait3A_139] : memref<10240x128xf32, #tpu.memory_space<hbm>> -> memref<10240x128xf32, #tpu.memory_space<hbm>>
      tpu.wait_indirect_dma semaphore(%arg16 : memref<!tpu.dma_semaphore, #tpu.memory_space<semaphore_mem>>) src(%dma_wait3A_140 : memref<10240x128xf32, #tpu.memory_space<hbm>>) dst(%arg12 : memref<128x128xf32, #tpu.memory_space<vmem>>)
      %dma_start3A_141 = arith.constant 1 : i32
      %dma_start3A_142 = arith.constant 0 : i32
      %dma_start3A_143 = tpu.memref_slice %arg10[%dma_start3A_141, %dma_start3A_142] : memref<8x128xi32, #tpu.memory_space<vmem>> -> memref<1x128xi32, #tpu.memory_space<vmem>>
      %dma_start3A_144 = tpu.memref_squeeze %dma_start3A_143 : memref<1x128xi32, #tpu.memory_space<vmem>> -> memref<128xi32, #tpu.memory_space<vmem>>
      %dma_start3A_145 = arith.constant 0 : i32
      %dma_start3A_146 = arith.constant 0 : i32
      %dma_start3A_147 = tpu.memref_slice %arg14[%dma_start3A_145, %dma_start3A_146] : memref<10240x128xf32, #tpu.memory_space<vmem_shared>> -> memref<10240x128xf32, #tpu.memory_space<vmem_shared>>
      tpu.enqueue_indirect_dma source(%arg12 : memref<128x128xf32, #tpu.memory_space<vmem>>) target(%dma_start3A_147 : memref<10240x128xf32, #tpu.memory_space<vmem_shared>>) offsets(%dma_start3A_144 : memref<128xi32, #tpu.memory_space<vmem>>) semaphore(%arg18 : memref<!tpu.dma_semaphore, #tpu.memory_space<semaphore_mem>>) {add = true}
      %dma_wait3A_148 = arith.constant 1 : i32
      %dma_wait3A_149 = arith.constant 0 : i32
      %dma_wait3A_150 = tpu.memref_slice %arg10[%dma_wait3A_148, %dma_wait3A_149] : memref<8x128xi32, #tpu.memory_space<vmem>> -> memref<1x128xi32, #tpu.memory_space<vmem>>
      %dma_wait3A_151 = tpu.memref_squeeze %dma_wait3A_150 : memref<1x128xi32, #tpu.memory_space<vmem>> -> memref<128xi32, #tpu.memory_space<vmem>>
      %dma_wait3A_152 = arith.constant 0 : i32
      %dma_wait3A_153 = arith.constant 0 : i32
      %dma_wait3A_154 = tpu.memref_slice %arg14[%dma_wait3A_152, %dma_wait3A_153] : memref<10240x128xf32, #tpu.memory_space<vmem_shared>> -> memref<10240x128xf32, #tpu.memory_space<vmem_shared>>
      tpu.wait_indirect_dma semaphore(%arg18 : memref<!tpu.dma_semaphore, #tpu.memory_space<semaphore_mem>>) src(%arg12 : memref<128x128xf32, #tpu.memory_space<vmem>>) dst(%dma_wait3A_154 : memref<10240x128xf32, #tpu.memory_space<vmem_shared>>)
      %dma_start3A_155 = arith.constant 3 : i32
      %dma_start3A_156 = arith.constant 0 : i32
      %dma_start3A_157 = tpu.memref_slice %arg9[%dma_start3A_155, %dma_start3A_156] : memref<8x128xi32, #tpu.memory_space<vmem>> -> memref<1x128xi32, #tpu.memory_space<vmem>>
      %dma_start3A_158 = tpu.memref_squeeze %dma_start3A_157 : memref<1x128xi32, #tpu.memory_space<vmem>> -> memref<128xi32, #tpu.memory_space<vmem>>
      %dma_start3A_159 = arith.constant 0 : i32
      %dma_start3A_160 = arith.constant 0 : i32
      %dma_start3A_161 = tpu.memref_slice %arg2[%dma_start3A_159, %dma_start3A_160] : memref<10240x128xf32, #tpu.memory_space<hbm>> -> memref<10240x128xf32, #tpu.memory_space<hbm>>
      tpu.enqueue_indirect_dma source(%dma_start3A_161 : memref<10240x128xf32, #tpu.memory_space<hbm>>) target(%arg12 : memref<128x128xf32, #tpu.memory_space<vmem>>) offsets(%dma_start3A_158 : memref<128xi32, #tpu.memory_space<vmem>>) semaphore(%arg16 : memref<!tpu.dma_semaphore, #tpu.memory_space<semaphore_mem>>)
      %get3A_162 = arith.constant 2 : i32
      %get3A_163 = arith.index_cast %get3A_162 : i32 to index
      %get3A_164 = arith.constant 0 : index
      %get3A_165 = tpu.vector_load %arg10[%get3A_163, %get3A_164] {strides = array<i32>} : memref<8x128xi32, #tpu.memory_space<vmem>>, vector<16xi32>,
      tpu.vector_store_idx %arg13[%get3A_165], %broadcast_in_dim3A_3 {add = true} : memref<10240xf32, #tpu.memory_space<vmem>>[vector<16xi32>], vector<16xf32>,
      %get3A_166 = arith.constant 2 : i32
      %get3A_167 = arith.index_cast %get3A_166 : i32 to index
      %get3A_168 = arith.constant 16 : index
      %get3A_169 = tpu.vector_load %arg10[%get3A_167, %get3A_168] {strides = array<i32>} : memref<8x128xi32, #tpu.memory_space<vmem>>, vector<16xi32>,
      tpu.vector_store_idx %arg13[%get3A_169], %broadcast_in_dim3A_3 {add = true} : memref<10240xf32, #tpu.memory_space<vmem>>[vector<16xi32>], vector<16xf32>,
      %get3A_170 = arith.constant 2 : i32
      %get3A_171 = arith.index_cast %get3A_170 : i32 to index
      %get3A_172 = arith.constant 32 : index
      %get3A_173 = tpu.vector_load %arg10[%get3A_171, %get3A_172] {strides = array<i32>} : memref<8x128xi32, #tpu.memory_space<vmem>>, vector<16xi32>,
      tpu.vector_store_idx %arg13[%get3A_173], %broadcast_in_dim3A_3 {add = true} : memref<10240xf32, #tpu.memory_space<vmem>>[vector<16xi32>], vector<16xf32>,
      %get3A_174 = arith.constant 2 : i32
      %get3A_175 = arith.index_cast %get3A_174 : i32 to index
      %get3A_176 = arith.constant 48 : index
      %get3A_177 = tpu.vector_load %arg10[%get3A_175, %get3A_176] {strides = array<i32>} : memref<8x128xi32, #tpu.memory_space<vmem>>, vector<16xi32>,
      tpu.vector_store_idx %arg13[%get3A_177], %broadcast_in_dim3A_3 {add = true} : memref<10240xf32, #tpu.memory_space<vmem>>[vector<16xi32>], vector<16xf32>,
      %get3A_178 = arith.constant 2 : i32
      %get3A_179 = arith.index_cast %get3A_178 : i32 to index
      %get3A_180 = arith.constant 64 : index
      %get3A_181 = tpu.vector_load %arg10[%get3A_179, %get3A_180] {strides = array<i32>} : memref<8x128xi32, #tpu.memory_space<vmem>>, vector<16xi32>,
      tpu.vector_store_idx %arg13[%get3A_181], %broadcast_in_dim3A_3 {add = true} : memref<10240xf32, #tpu.memory_space<vmem>>[vector<16xi32>], vector<16xf32>,
      %get3A_182 = arith.constant 2 : i32
      %get3A_183 = arith.index_cast %get3A_182 : i32 to index
      %get3A_184 = arith.constant 80 : index
      %get3A_185 = tpu.vector_load %arg10[%get3A_183, %get3A_184] {strides = array<i32>} : memref<8x128xi32, #tpu.memory_space<vmem>>, vector<16xi32>,
      tpu.vector_store_idx %arg13[%get3A_185], %broadcast_in_dim3A_3 {add = true} : memref<10240xf32, #tpu.memory_space<vmem>>[vector<16xi32>], vector<16xf32>,
      %get3A_186 = arith.constant 2 : i32
      %get3A_187 = arith.index_cast %get3A_186 : i32 to index
      %get3A_188 = arith.constant 96 : index
      %get3A_189 = tpu.vector_load %arg10[%get3A_187, %get3A_188] {strides = array<i32>} : memref<8x128xi32, #tpu.memory_space<vmem>>, vector<16xi32>,
      tpu.vector_store_idx %arg13[%get3A_189], %broadcast_in_dim3A_3 {add = true} : memref<10240xf32, #tpu.memory_space<vmem>>[vector<16xi32>], vector<16xf32>,
      %get3A_190 = arith.constant 2 : i32
      %get3A_191 = arith.index_cast %get3A_190 : i32 to index
      %get3A_192 = arith.constant 112 : index
      %get3A_193 = tpu.vector_load %arg10[%get3A_191, %get3A_192] {strides = array<i32>} : memref<8x128xi32, #tpu.memory_space<vmem>>, vector<16xi32>,
      tpu.vector_store_idx %arg13[%get3A_193], %broadcast_in_dim3A_3 {add = true} : memref<10240xf32, #tpu.memory_space<vmem>>[vector<16xi32>], vector<16xf32>,
      %dma_wait3A_194 = arith.constant 2 : i32
      %dma_wait3A_195 = arith.constant 0 : i32
      %dma_wait3A_196 = tpu.memref_slice %arg9[%dma_wait3A_194, %dma_wait3A_195] : memref<8x128xi32, #tpu.memory_space<vmem>> -> memref<1x128xi32, #tpu.memory_space<vmem>>
      %dma_wait3A_197 = tpu.memref_squeeze %dma_wait3A_196 : memref<1x128xi32, #tpu.memory_space<vmem>> -> memref<128xi32, #tpu.memory_space<vmem>>
      %dma_wait3A_198 = arith.constant 0 : i32
      %dma_wait3A_199 = arith.constant 0 : i32
      %dma_wait3A_200 = tpu.memref_slice %arg2[%dma_wait3A_198, %dma_wait3A_199] : memref<10240x128xf32, #tpu.memory_space<hbm>> -> memref<10240x128xf32, #tpu.memory_space<hbm>>
      tpu.wait_indirect_dma semaphore(%arg15 : memref<!tpu.dma_semaphore, #tpu.memory_space<semaphore_mem>>) src(%dma_wait3A_200 : memref<10240x128xf32, #tpu.memory_space<hbm>>) dst(%arg11 : memref<128x128xf32, #tpu.memory_space<vmem>>)
      %dma_start3A_201 = arith.constant 2 : i32
      %dma_start3A_202 = arith.constant 0 : i32
      %dma_start3A_203 = tpu.memref_slice %arg10[%dma_start3A_201, %dma_start3A_202] : memref<8x128xi32, #tpu.memory_space<vmem>> -> memref<1x128xi32, #tpu.memory_space<vmem>>
      %dma_start3A_204 = tpu.memref_squeeze %dma_start3A_203 : memref<1x128xi32, #tpu.memory_space<vmem>> -> memref<128xi32, #tpu.memory_space<vmem>>
      %dma_start3A_205 = arith.constant 0 : i32
      %dma_start3A_206 = arith.constant 0 : i32
      %dma_start3A_207 = tpu.memref_slice %arg14[%dma_start3A_205, %dma_start3A_206] : memref<10240x128xf32, #tpu.memory_space<vmem_shared>> -> memref<10240x128xf32, #tpu.memory_space<vmem_shared>>
      tpu.enqueue_indirect_dma source(%arg11 : memref<128x128xf32, #tpu.memory_space<vmem>>) target(%dma_start3A_207 : memref<10240x128xf32, #tpu.memory_space<vmem_shared>>) offsets(%dma_start3A_204 : memref<128xi32, #tpu.memory_space<vmem>>) semaphore(%arg17 : memref<!tpu.dma_semaphore, #tpu.memory_space<semaphore_mem>>) {add = true}
      %dma_wait3A_208 = arith.constant 2 : i32
      %dma_wait3A_209 = arith.constant 0 : i32
      %dma_wait3A_210 = tpu.memref_slice %arg10[%dma_wait3A_208, %dma_wait3A_209] : memref<8x128xi32, #tpu.memory_space<vmem>> -> memref<1x128xi32, #tpu.memory_space<vmem>>
      %dma_wait3A_211 = tpu.memref_squeeze %dma_wait3A_210 : memref<1x128xi32, #tpu.memory_space<vmem>> -> memref<128xi32, #tpu.memory_space<vmem>>
      %dma_wait3A_212 = arith.constant 0 : i32
      %dma_wait3A_213 = arith.constant 0 : i32
      %dma_wait3A_214 = tpu.memref_slice %arg14[%dma_wait3A_212, %dma_wait3A_213] : memref<10240x128xf32, #tpu.memory_space<vmem_shared>> -> memref<10240x128xf32, #tpu.memory_space<vmem_shared>>
      tpu.wait_indirect_dma semaphore(%arg17 : memref<!tpu.dma_semaphore, #tpu.memory_space<semaphore_mem>>) src(%arg11 : memref<128x128xf32, #tpu.memory_space<vmem>>) dst(%dma_wait3A_214 : memref<10240x128xf32, #tpu.memory_space<vmem_shared>>)
      %dma_start3A_215 = arith.constant 4 : i32
      %dma_start3A_216 = arith.constant 0 : i32
      %dma_start3A_217 = tpu.memref_slice %arg9[%dma_start3A_215, %dma_start3A_216] : memref<8x128xi32, #tpu.memory_space<vmem>> -> memref<1x128xi32, #tpu.memory_space<vmem>>
      %dma_start3A_218 = tpu.memref_squeeze %dma_start3A_217 : memref<1x128xi32, #tpu.memory_space<vmem>> -> memref<128xi32, #tpu.memory_space<vmem>>
      %dma_start3A_219 = arith.constant 0 : i32
      %dma_start3A_220 = arith.constant 0 : i32
      %dma_start3A_221 = tpu.memref_slice %arg2[%dma_start3A_219, %dma_start3A_220] : memref<10240x128xf32, #tpu.memory_space<hbm>> -> memref<10240x128xf32, #tpu.memory_space<hbm>>
      tpu.enqueue_indirect_dma source(%dma_start3A_221 : memref<10240x128xf32, #tpu.memory_space<hbm>>) target(%arg11 : memref<128x128xf32, #tpu.memory_space<vmem>>) offsets(%dma_start3A_218 : memref<128xi32, #tpu.memory_space<vmem>>) semaphore(%arg15 : memref<!tpu.dma_semaphore, #tpu.memory_space<semaphore_mem>>)
      %get3A_222 = arith.constant 3 : i32
      %get3A_223 = arith.index_cast %get3A_222 : i32 to index
      %get3A_224 = arith.constant 0 : index
      %get3A_225 = tpu.vector_load %arg10[%get3A_223, %get3A_224] {strides = array<i32>} : memref<8x128xi32, #tpu.memory_space<vmem>>, vector<16xi32>,
      tpu.vector_store_idx %arg13[%get3A_225], %broadcast_in_dim3A_3 {add = true} : memref<10240xf32, #tpu.memory_space<vmem>>[vector<16xi32>], vector<16xf32>,
      %get3A_226 = arith.constant 3 : i32
      %get3A_227 = arith.index_cast %get3A_226 : i32 to index
      %get3A_228 = arith.constant 16 : index
      %get3A_229 = tpu.vector_load %arg10[%get3A_227, %get3A_228] {strides = array<i32>} : memref<8x128xi32, #tpu.memory_space<vmem>>, vector<16xi32>,
      tpu.vector_store_idx %arg13[%get3A_229], %broadcast_in_dim3A_3 {add = true} : memref<10240xf32, #tpu.memory_space<vmem>>[vector<16xi32>], vector<16xf32>,
      %get3A_230 = arith.constant 3 : i32
      %get3A_231 = arith.index_cast %get3A_230 : i32 to index
      %get3A_232 = arith.constant 32 : index
      %get3A_233 = tpu.vector_load %arg10[%get3A_231, %get3A_232] {strides = array<i32>} : memref<8x128xi32, #tpu.memory_space<vmem>>, vector<16xi32>,
      tpu.vector_store_idx %arg13[%get3A_233], %broadcast_in_dim3A_3 {add = true} : memref<10240xf32, #tpu.memory_space<vmem>>[vector<16xi32>], vector<16xf32>,
      %get3A_234 = arith.constant 3 : i32
      %get3A_235 = arith.index_cast %get3A_234 : i32 to index
      %get3A_236 = arith.constant 48 : index
      %get3A_237 = tpu.vector_load %arg10[%get3A_235, %get3A_236] {strides = array<i32>} : memref<8x128xi32, #tpu.memory_space<vmem>>, vector<16xi32>,
      tpu.vector_store_idx %arg13[%get3A_237], %broadcast_in_dim3A_3 {add = true} : memref<10240xf32, #tpu.memory_space<vmem>>[vector<16xi32>], vector<16xf32>,
      %get3A_238 = arith.constant 3 : i32
      %get3A_239 = arith.index_cast %get3A_238 : i32 to index
      %get3A_240 = arith.constant 64 : index
      %get3A_241 = tpu.vector_load %arg10[%get3A_239, %get3A_240] {strides = array<i32>} : memref<8x128xi32, #tpu.memory_space<vmem>>, vector<16xi32>,
      tpu.vector_store_idx %arg13[%get3A_241], %broadcast_in_dim3A_3 {add = true} : memref<10240xf32, #tpu.memory_space<vmem>>[vector<16xi32>], vector<16xf32>,
      %get3A_242 = arith.constant 3 : i32
      %get3A_243 = arith.index_cast %get3A_242 : i32 to index
      %get3A_244 = arith.constant 80 : index
      %get3A_245 = tpu.vector_load %arg10[%get3A_243, %get3A_244] {strides = array<i32>} : memref<8x128xi32, #tpu.memory_space<vmem>>, vector<16xi32>,
      tpu.vector_store_idx %arg13[%get3A_245], %broadcast_in_dim3A_3 {add = true} : memref<10240xf32, #tpu.memory_space<vmem>>[vector<16xi32>], vector<16xf32>,
      %get3A_246 = arith.constant 3 : i32
      %get3A_247 = arith.index_cast %get3A_246 : i32 to index
      %get3A_248 = arith.constant 96 : index
      %get3A_249 = tpu.vector_load %arg10[%get3A_247, %get3A_248] {strides = array<i32>} : memref<8x128xi32, #tpu.memory_space<vmem>>, vector<16xi32>,
      tpu.vector_store_idx %arg13[%get3A_249], %broadcast_in_dim3A_3 {add = true} : memref<10240xf32, #tpu.memory_space<vmem>>[vector<16xi32>], vector<16xf32>,
      %get3A_250 = arith.constant 3 : i32
      %get3A_251 = arith.index_cast %get3A_250 : i32 to index
      %get3A_252 = arith.constant 112 : index
      %get3A_253 = tpu.vector_load %arg10[%get3A_251, %get3A_252] {strides = array<i32>} : memref<8x128xi32, #tpu.memory_space<vmem>>, vector<16xi32>,
      tpu.vector_store_idx %arg13[%get3A_253], %broadcast_in_dim3A_3 {add = true} : memref<10240xf32, #tpu.memory_space<vmem>>[vector<16xi32>], vector<16xf32>,
      %dma_wait3A_254 = arith.constant 3 : i32
      %dma_wait3A_255 = arith.constant 0 : i32
      %dma_wait3A_256 = tpu.memref_slice %arg9[%dma_wait3A_254, %dma_wait3A_255] : memref<8x128xi32, #tpu.memory_space<vmem>> -> memref<1x128xi32, #tpu.memory_space<vmem>>
      %dma_wait3A_257 = tpu.memref_squeeze %dma_wait3A_256 : memref<1x128xi32, #tpu.memory_space<vmem>> -> memref<128xi32, #tpu.memory_space<vmem>>
      %dma_wait3A_258 = arith.constant 0 : i32
      %dma_wait3A_259 = arith.constant 0 : i32
      %dma_wait3A_260 = tpu.memref_slice %arg2[%dma_wait3A_258, %dma_wait3A_259] : memref<10240x128xf32, #tpu.memory_space<hbm>> -> memref<10240x128xf32, #tpu.memory_space<hbm>>
      tpu.wait_indirect_dma semaphore(%arg16 : memref<!tpu.dma_semaphore, #tpu.memory_space<semaphore_mem>>) src(%dma_wait3A_260 : memref<10240x128xf32, #tpu.memory_space<hbm>>) dst(%arg12 : memref<128x128xf32, #tpu.memory_space<vmem>>)
      %dma_start3A_261 = arith.constant 3 : i32
      %dma_start3A_262 = arith.constant 0 : i32
      %dma_start3A_263 = tpu.memref_slice %arg10[%dma_start3A_261, %dma_start3A_262] : memref<8x128xi32, #tpu.memory_space<vmem>> -> memref<1x128xi32, #tpu.memory_space<vmem>>
      %dma_start3A_264 = tpu.memref_squeeze %dma_start3A_263 : memref<1x128xi32, #tpu.memory_space<vmem>> -> memref<128xi32, #tpu.memory_space<vmem>>
      %dma_start3A_265 = arith.constant 0 : i32
      %dma_start3A_266 = arith.constant 0 : i32
      %dma_start3A_267 = tpu.memref_slice %arg14[%dma_start3A_265, %dma_start3A_266] : memref<10240x128xf32, #tpu.memory_space<vmem_shared>> -> memref<10240x128xf32, #tpu.memory_space<vmem_shared>>
      tpu.enqueue_indirect_dma source(%arg12 : memref<128x128xf32, #tpu.memory_space<vmem>>) target(%dma_start3A_267 : memref<10240x128xf32, #tpu.memory_space<vmem_shared>>) offsets(%dma_start3A_264 : memref<128xi32, #tpu.memory_space<vmem>>) semaphore(%arg18 : memref<!tpu.dma_semaphore, #tpu.memory_space<semaphore_mem>>) {add = true}
      %dma_wait3A_268 = arith.constant 3 : i32
      %dma_wait3A_269 = arith.constant 0 : i32
      %dma_wait3A_270 = tpu.memref_slice %arg10[%dma_wait3A_268, %dma_wait3A_269] : memref<8x128xi32, #tpu.memory_space<vmem>> -> memref<1x128xi32, #tpu.memory_space<vmem>>
      %dma_wait3A_271 = tpu.memref_squeeze %dma_wait3A_270 : memref<1x128xi32, #tpu.memory_space<vmem>> -> memref<128xi32, #tpu.memory_space<vmem>>
      %dma_wait3A_272 = arith.constant 0 : i32
      %dma_wait3A_273 = arith.constant 0 : i32
      %dma_wait3A_274 = tpu.memref_slice %arg14[%dma_wait3A_272, %dma_wait3A_273] : memref<10240x128xf32, #tpu.memory_space<vmem_shared>> -> memref<10240x128xf32, #tpu.memory_space<vmem_shared>>
      tpu.wait_indirect_dma semaphore(%arg18 : memref<!tpu.dma_semaphore, #tpu.memory_space<semaphore_mem>>) src(%arg12 : memref<128x128xf32, #tpu.memory_space<vmem>>) dst(%dma_wait3A_274 : memref<10240x128xf32, #tpu.memory_space<vmem_shared>>)
      %dma_start3A_275 = arith.constant 5 : i32
      %dma_start3A_276 = arith.constant 0 : i32
      %dma_start3A_277 = tpu.memref_slice %arg9[%dma_start3A_275, %dma_start3A_276] : memref<8x128xi32, #tpu.memory_space<vmem>> -> memref<1x128xi32, #tpu.memory_space<vmem>>
      %dma_start3A_278 = tpu.memref_squeeze %dma_start3A_277 : memref<1x128xi32, #tpu.memory_space<vmem>> -> memref<128xi32, #tpu.memory_space<vmem>>
      %dma_start3A_279 = arith.constant 0 : i32
      %dma_start3A_280 = arith.constant 0 : i32
      %dma_start3A_281 = tpu.memref_slice %arg2[%dma_start3A_279, %dma_start3A_280] : memref<10240x128xf32, #tpu.memory_space<hbm>> -> memref<10240x128xf32, #tpu.memory_space<hbm>>
      tpu.enqueue_indirect_dma source(%dma_start3A_281 : memref<10240x128xf32, #tpu.memory_space<hbm>>) target(%arg12 : memref<128x128xf32, #tpu.memory_space<vmem>>) offsets(%dma_start3A_278 : memref<128xi32, #tpu.memory_space<vmem>>) semaphore(%arg16 : memref<!tpu.dma_semaphore, #tpu.memory_space<semaphore_mem>>)
      %get3A_282 = arith.constant 4 : i32
      %get3A_283 = arith.index_cast %get3A_282 : i32 to index
      %get3A_284 = arith.constant 0 : index
      %get3A_285 = tpu.vector_load %arg10[%get3A_283, %get3A_284] {strides = array<i32>} : memref<8x128xi32, #tpu.memory_space<vmem>>, vector<16xi32>,
      tpu.vector_store_idx %arg13[%get3A_285], %broadcast_in_dim3A_3 {add = true} : memref<10240xf32, #tpu.memory_space<vmem>>[vector<16xi32>], vector<16xf32>,
      %get3A_286 = arith.constant 4 : i32
      %get3A_287 = arith.index_cast %get3A_286 : i32 to index
      %get3A_288 = arith.constant 16 : index
      %get3A_289 = tpu.vector_load %arg10[%get3A_287, %get3A_288] {strides = array<i32>} : memref<8x128xi32, #tpu.memory_space<vmem>>, vector<16xi32>,
      tpu.vector_store_idx %arg13[%get3A_289], %broadcast_in_dim3A_3 {add = true} : memref<10240xf32, #tpu.memory_space<vmem>>[vector<16xi32>], vector<16xf32>,
      %get3A_290 = arith.constant 4 : i32
      %get3A_291 = arith.index_cast %get3A_290 : i32 to index
      %get3A_292 = arith.constant 32 : index
      %get3A_293 = tpu.vector_load %arg10[%get3A_291, %get3A_292] {strides = array<i32>} : memref<8x128xi32, #tpu.memory_space<vmem>>, vector<16xi32>,
      tpu.vector_store_idx %arg13[%get3A_293], %broadcast_in_dim3A_3 {add = true} : memref<10240xf32, #tpu.memory_space<vmem>>[vector<16xi32>], vector<16xf32>,
      %get3A_294 = arith.constant 4 : i32
      %get3A_295 = arith.index_cast %get3A_294 : i32 to index
      %get3A_296 = arith.constant 48 : index
      %get3A_297 = tpu.vector_load %arg10[%get3A_295, %get3A_296] {strides = array<i32>} : memref<8x128xi32, #tpu.memory_space<vmem>>, vector<16xi32>,
      tpu.vector_store_idx %arg13[%get3A_297], %broadcast_in_dim3A_3 {add = true} : memref<10240xf32, #tpu.memory_space<vmem>>[vector<16xi32>], vector<16xf32>,
      %get3A_298 = arith.constant 4 : i32
      %get3A_299 = arith.index_cast %get3A_298 : i32 to index
      %get3A_300 = arith.constant 64 : index
      %get3A_301 = tpu.vector_load %arg10[%get3A_299, %get3A_300] {strides = array<i32>} : memref<8x128xi32, #tpu.memory_space<vmem>>, vector<16xi32>,
      tpu.vector_store_idx %arg13[%get3A_301], %broadcast_in_dim3A_3 {add = true} : memref<10240xf32, #tpu.memory_space<vmem>>[vector<16xi32>], vector<16xf32>,
      %get3A_302 = arith.constant 4 : i32
      %get3A_303 = arith.index_cast %get3A_302 : i32 to index
      %get3A_304 = arith.constant 80 : index
      %get3A_305 = tpu.vector_load %arg10[%get3A_303, %get3A_304] {strides = array<i32>} : memref<8x128xi32, #tpu.memory_space<vmem>>, vector<16xi32>,
      tpu.vector_store_idx %arg13[%get3A_305], %broadcast_in_dim3A_3 {add = true} : memref<10240xf32, #tpu.memory_space<vmem>>[vector<16xi32>], vector<16xf32>,
      %get3A_306 = arith.constant 4 : i32
      %get3A_307 = arith.index_cast %get3A_306 : i32 to index
      %get3A_308 = arith.constant 96 : index
      %get3A_309 = tpu.vector_load %arg10[%get3A_307, %get3A_308] {strides = array<i32>} : memref<8x128xi32, #tpu.memory_space<vmem>>, vector<16xi32>,
      tpu.vector_store_idx %arg13[%get3A_309], %broadcast_in_dim3A_3 {add = true} : memref<10240xf32, #tpu.memory_space<vmem>>[vector<16xi32>], vector<16xf32>,
      %get3A_310 = arith.constant 4 : i32
      %get3A_311 = arith.index_cast %get3A_310 : i32 to index
      %get3A_312 = arith.constant 112 : index
      %get3A_313 = tpu.vector_load %arg10[%get3A_311, %get3A_312] {strides = array<i32>} : memref<8x128xi32, #tpu.memory_space<vmem>>, vector<16xi32>,
      tpu.vector_store_idx %arg13[%get3A_313], %broadcast_in_dim3A_3 {add = true} : memref<10240xf32, #tpu.memory_space<vmem>>[vector<16xi32>], vector<16xf32>,
      %dma_wait3A_314 = arith.constant 4 : i32
      %dma_wait3A_315 = arith.constant 0 : i32
      %dma_wait3A_316 = tpu.memref_slice %arg9[%dma_wait3A_314, %dma_wait3A_315] : memref<8x128xi32, #tpu.memory_space<vmem>> -> memref<1x128xi32, #tpu.memory_space<vmem>>
      %dma_wait3A_317 = tpu.memref_squeeze %dma_wait3A_316 : memref<1x128xi32, #tpu.memory_space<vmem>> -> memref<128xi32, #tpu.memory_space<vmem>>
      %dma_wait3A_318 = arith.constant 0 : i32
      %dma_wait3A_319 = arith.constant 0 : i32
      %dma_wait3A_320 = tpu.memref_slice %arg2[%dma_wait3A_318, %dma_wait3A_319] : memref<10240x128xf32, #tpu.memory_space<hbm>> -> memref<10240x128xf32, #tpu.memory_space<hbm>>
      tpu.wait_indirect_dma semaphore(%arg15 : memref<!tpu.dma_semaphore, #tpu.memory_space<semaphore_mem>>) src(%dma_wait3A_320 : memref<10240x128xf32, #tpu.memory_space<hbm>>) dst(%arg11 : memref<128x128xf32, #tpu.memory_space<vmem>>)
      %dma_start3A_321 = arith.constant 4 : i32
      %dma_start3A_322 = arith.constant 0 : i32
      %dma_start3A_323 = tpu.memref_slice %arg10[%dma_start3A_321, %dma_start3A_322] : memref<8x128xi32, #tpu.memory_space<vmem>> -> memref<1x128xi32, #tpu.memory_space<vmem>>
      %dma_start3A_324 = tpu.memref_squeeze %dma_start3A_323 : memref<1x128xi32, #tpu.memory_space<vmem>> -> memref<128xi32, #tpu.memory_space<vmem>>
      %dma_start3A_325 = arith.constant 0 : i32
      %dma_start3A_326 = arith.constant 0 : i32
      %dma_start3A_327 = tpu.memref_slice %arg14[%dma_start3A_325, %dma_start3A_326] : memref<10240x128xf32, #tpu.memory_space<vmem_shared>> -> memref<10240x128xf32, #tpu.memory_space<vmem_shared>>
      tpu.enqueue_indirect_dma source(%arg11 : memref<128x128xf32, #tpu.memory_space<vmem>>) target(%dma_start3A_327 : memref<10240x128xf32, #tpu.memory_space<vmem_shared>>) offsets(%dma_start3A_324 : memref<128xi32, #tpu.memory_space<vmem>>) semaphore(%arg17 : memref<!tpu.dma_semaphore, #tpu.memory_space<semaphore_mem>>) {add = true}
      %dma_wait3A_328 = arith.constant 4 : i32
      %dma_wait3A_329 = arith.constant 0 : i32
      %dma_wait3A_330 = tpu.memref_slice %arg10[%dma_wait3A_328, %dma_wait3A_329] : memref<8x128xi32, #tpu.memory_space<vmem>> -> memref<1x128xi32, #tpu.memory_space<vmem>>
      %dma_wait3A_331 = tpu.memref_squeeze %dma_wait3A_330 : memref<1x128xi32, #tpu.memory_space<vmem>> -> memref<128xi32, #tpu.memory_space<vmem>>
      %dma_wait3A_332 = arith.constant 0 : i32
      %dma_wait3A_333 = arith.constant 0 : i32
      %dma_wait3A_334 = tpu.memref_slice %arg14[%dma_wait3A_332, %dma_wait3A_333] : memref<10240x128xf32, #tpu.memory_space<vmem_shared>> -> memref<10240x128xf32, #tpu.memory_space<vmem_shared>>
      tpu.wait_indirect_dma semaphore(%arg17 : memref<!tpu.dma_semaphore, #tpu.memory_space<semaphore_mem>>) src(%arg11 : memref<128x128xf32, #tpu.memory_space<vmem>>) dst(%dma_wait3A_334 : memref<10240x128xf32, #tpu.memory_space<vmem_shared>>)
      %dma_start3A_335 = arith.constant 6 : i32
      %dma_start3A_336 = arith.constant 0 : i32
      %dma_start3A_337 = tpu.memref_slice %arg9[%dma_start3A_335, %dma_start3A_336] : memref<8x128xi32, #tpu.memory_space<vmem>> -> memref<1x128xi32, #tpu.memory_space<vmem>>
      %dma_start3A_338 = tpu.memref_squeeze %dma_start3A_337 : memref<1x128xi32, #tpu.memory_space<vmem>> -> memref<128xi32, #tpu.memory_space<vmem>>
      %dma_start3A_339 = arith.constant 0 : i32
      %dma_start3A_340 = arith.constant 0 : i32
      %dma_start3A_341 = tpu.memref_slice %arg2[%dma_start3A_339, %dma_start3A_340] : memref<10240x128xf32, #tpu.memory_space<hbm>> -> memref<10240x128xf32, #tpu.memory_space<hbm>>
      tpu.enqueue_indirect_dma source(%dma_start3A_341 : memref<10240x128xf32, #tpu.memory_space<hbm>>) target(%arg11 : memref<128x128xf32, #tpu.memory_space<vmem>>) offsets(%dma_start3A_338 : memref<128xi32, #tpu.memory_space<vmem>>) semaphore(%arg15 : memref<!tpu.dma_semaphore, #tpu.memory_space<semaphore_mem>>)
      %get3A_342 = arith.constant 5 : i32
      %get3A_343 = arith.index_cast %get3A_342 : i32 to index
      %get3A_344 = arith.constant 0 : index
      %get3A_345 = tpu.vector_load %arg10[%get3A_343, %get3A_344] {strides = array<i32>} : memref<8x128xi32, #tpu.memory_space<vmem>>, vector<16xi32>,
      tpu.vector_store_idx %arg13[%get3A_345], %broadcast_in_dim3A_3 {add = true} : memref<10240xf32, #tpu.memory_space<vmem>>[vector<16xi32>], vector<16xf32>,
      %get3A_346 = arith.constant 5 : i32
      %get3A_347 = arith.index_cast %get3A_346 : i32 to index
      %get3A_348 = arith.constant 16 : index
      %get3A_349 = tpu.vector_load %arg10[%get3A_347, %get3A_348] {strides = array<i32>} : memref<8x128xi32, #tpu.memory_space<vmem>>, vector<16xi32>,
      tpu.vector_store_idx %arg13[%get3A_349], %broadcast_in_dim3A_3 {add = true} : memref<10240xf32, #tpu.memory_space<vmem>>[vector<16xi32>], vector<16xf32>,
      %get3A_350 = arith.constant 5 : i32
      %get3A_351 = arith.index_cast %get3A_350 : i32 to index
      %get3A_352 = arith.constant 32 : index
      %get3A_353 = tpu.vector_load %arg10[%get3A_351, %get3A_352] {strides = array<i32>} : memref<8x128xi32, #tpu.memory_space<vmem>>, vector<16xi32>,
      tpu.vector_store_idx %arg13[%get3A_353], %broadcast_in_dim3A_3 {add = true} : memref<10240xf32, #tpu.memory_space<vmem>>[vector<16xi32>], vector<16xf32>,
      %get3A_354 = arith.constant 5 : i32
      %get3A_355 = arith.index_cast %get3A_354 : i32 to index
      %get3A_356 = arith.constant 48 : index
      %get3A_357 = tpu.vector_load %arg10[%get3A_355, %get3A_356] {strides = array<i32>} : memref<8x128xi32, #tpu.memory_space<vmem>>, vector<16xi32>,
      tpu.vector_store_idx %arg13[%get3A_357], %broadcast_in_dim3A_3 {add = true} : memref<10240xf32, #tpu.memory_space<vmem>>[vector<16xi32>], vector<16xf32>,
      %get3A_358 = arith.constant 5 : i32
      %get3A_359 = arith.index_cast %get3A_358 : i32 to index
      %get3A_360 = arith.constant 64 : index
      %get3A_361 = tpu.vector_load %arg10[%get3A_359, %get3A_360] {strides = array<i32>} : memref<8x128xi32, #tpu.memory_space<vmem>>, vector<16xi32>,
      tpu.vector_store_idx %arg13[%get3A_361], %broadcast_in_dim3A_3 {add = true} : memref<10240xf32, #tpu.memory_space<vmem>>[vector<16xi32>], vector<16xf32>,
      %get3A_362 = arith.constant 5 : i32
      %get3A_363 = arith.index_cast %get3A_362 : i32 to index
      %get3A_364 = arith.constant 80 : index
      %get3A_365 = tpu.vector_load %arg10[%get3A_363, %get3A_364] {strides = array<i32>} : memref<8x128xi32, #tpu.memory_space<vmem>>, vector<16xi32>,
      tpu.vector_store_idx %arg13[%get3A_365], %broadcast_in_dim3A_3 {add = true} : memref<10240xf32, #tpu.memory_space<vmem>>[vector<16xi32>], vector<16xf32>,
      %get3A_366 = arith.constant 5 : i32
      %get3A_367 = arith.index_cast %get3A_366 : i32 to index
      %get3A_368 = arith.constant 96 : index
      %get3A_369 = tpu.vector_load %arg10[%get3A_367, %get3A_368] {strides = array<i32>} : memref<8x128xi32, #tpu.memory_space<vmem>>, vector<16xi32>,
      tpu.vector_store_idx %arg13[%get3A_369], %broadcast_in_dim3A_3 {add = true} : memref<10240xf32, #tpu.memory_space<vmem>>[vector<16xi32>], vector<16xf32>,
      %get3A_370 = arith.constant 5 : i32
      %get3A_371 = arith.index_cast %get3A_370 : i32 to index
      %get3A_372 = arith.constant 112 : index
      %get3A_373 = tpu.vector_load %arg10[%get3A_371, %get3A_372] {strides = array<i32>} : memref<8x128xi32, #tpu.memory_space<vmem>>, vector<16xi32>,
      tpu.vector_store_idx %arg13[%get3A_373], %broadcast_in_dim3A_3 {add = true} : memref<10240xf32, #tpu.memory_space<vmem>>[vector<16xi32>], vector<16xf32>,
      %dma_wait3A_374 = arith.constant 5 : i32
      %dma_wait3A_375 = arith.constant 0 : i32
      %dma_wait3A_376 = tpu.memref_slice %arg9[%dma_wait3A_374, %dma_wait3A_375] : memref<8x128xi32, #tpu.memory_space<vmem>> -> memref<1x128xi32, #tpu.memory_space<vmem>>
      %dma_wait3A_377 = tpu.memref_squeeze %dma_wait3A_376 : memref<1x128xi32, #tpu.memory_space<vmem>> -> memref<128xi32, #tpu.memory_space<vmem>>
      %dma_wait3A_378 = arith.constant 0 : i32
      %dma_wait3A_379 = arith.constant 0 : i32
      %dma_wait3A_380 = tpu.memref_slice %arg2[%dma_wait3A_378, %dma_wait3A_379] : memref<10240x128xf32, #tpu.memory_space<hbm>> -> memref<10240x128xf32, #tpu.memory_space<hbm>>
      tpu.wait_indirect_dma semaphore(%arg16 : memref<!tpu.dma_semaphore, #tpu.memory_space<semaphore_mem>>) src(%dma_wait3A_380 : memref<10240x128xf32, #tpu.memory_space<hbm>>) dst(%arg12 : memref<128x128xf32, #tpu.memory_space<vmem>>)
      %dma_start3A_381 = arith.constant 5 : i32
      %dma_start3A_382 = arith.constant 0 : i32
      %dma_start3A_383 = tpu.memref_slice %arg10[%dma_start3A_381, %dma_start3A_382] : memref<8x128xi32, #tpu.memory_space<vmem>> -> memref<1x128xi32, #tpu.memory_space<vmem>>
      %dma_start3A_384 = tpu.memref_squeeze %dma_start3A_383 : memref<1x128xi32, #tpu.memory_space<vmem>> -> memref<128xi32, #tpu.memory_space<vmem>>
      %dma_start3A_385 = arith.constant 0 : i32
      %dma_start3A_386 = arith.constant 0 : i32
      %dma_start3A_387 = tpu.memref_slice %arg14[%dma_start3A_385, %dma_start3A_386] : memref<10240x128xf32, #tpu.memory_space<vmem_shared>> -> memref<10240x128xf32, #tpu.memory_space<vmem_shared>>
      tpu.enqueue_indirect_dma source(%arg12 : memref<128x128xf32, #tpu.memory_space<vmem>>) target(%dma_start3A_387 : memref<10240x128xf32, #tpu.memory_space<vmem_shared>>) offsets(%dma_start3A_384 : memref<128xi32, #tpu.memory_space<vmem>>) semaphore(%arg18 : memref<!tpu.dma_semaphore, #tpu.memory_space<semaphore_mem>>) {add = true}
      %dma_wait3A_388 = arith.constant 5 : i32
      %dma_wait3A_389 = arith.constant 0 : i32
      %dma_wait3A_390 = tpu.memref_slice %arg10[%dma_wait3A_388, %dma_wait3A_389] : memref<8x128xi32, #tpu.memory_space<vmem>> -> memref<1x128xi32, #tpu.memory_space<vmem>>
      %dma_wait3A_391 = tpu.memref_squeeze %dma_wait3A_390 : memref<1x128xi32, #tpu.memory_space<vmem>> -> memref<128xi32, #tpu.memory_space<vmem>>
      %dma_wait3A_392 = arith.constant 0 : i32
      %dma_wait3A_393 = arith.constant 0 : i32
      %dma_wait3A_394 = tpu.memref_slice %arg14[%dma_wait3A_392, %dma_wait3A_393] : memref<10240x128xf32, #tpu.memory_space<vmem_shared>> -> memref<10240x128xf32, #tpu.memory_space<vmem_shared>>
      tpu.wait_indirect_dma semaphore(%arg18 : memref<!tpu.dma_semaphore, #tpu.memory_space<semaphore_mem>>) src(%arg12 : memref<128x128xf32, #tpu.memory_space<vmem>>) dst(%dma_wait3A_394 : memref<10240x128xf32, #tpu.memory_space<vmem_shared>>)
      %dma_start3A_395 = arith.constant 7 : i32
      %dma_start3A_396 = arith.constant 0 : i32
      %dma_start3A_397 = tpu.memref_slice %arg9[%dma_start3A_395, %dma_start3A_396] : memref<8x128xi32, #tpu.memory_space<vmem>> -> memref<1x128xi32, #tpu.memory_space<vmem>>
      %dma_start3A_398 = tpu.memref_squeeze %dma_start3A_397 : memref<1x128xi32, #tpu.memory_space<vmem>> -> memref<128xi32, #tpu.memory_space<vmem>>
      %dma_start3A_399 = arith.constant 0 : i32
      %dma_start3A_400 = arith.constant 0 : i32
      %dma_start3A_401 = tpu.memref_slice %arg2[%dma_start3A_399, %dma_start3A_400] : memref<10240x128xf32, #tpu.memory_space<hbm>> -> memref<10240x128xf32, #tpu.memory_space<hbm>>
      tpu.enqueue_indirect_dma source(%dma_start3A_401 : memref<10240x128xf32, #tpu.memory_space<hbm>>) target(%arg12 : memref<128x128xf32, #tpu.memory_space<vmem>>) offsets(%dma_start3A_398 : memref<128xi32, #tpu.memory_space<vmem>>) semaphore(%arg16 : memref<!tpu.dma_semaphore, #tpu.memory_space<semaphore_mem>>)
      %get3A_402 = arith.constant 6 : i32
      %get3A_403 = arith.index_cast %get3A_402 : i32 to index
      %get3A_404 = arith.constant 0 : index
      %get3A_405 = tpu.vector_load %arg10[%get3A_403, %get3A_404] {strides = array<i32>} : memref<8x128xi32, #tpu.memory_space<vmem>>, vector<16xi32>,
      tpu.vector_store_idx %arg13[%get3A_405], %broadcast_in_dim3A_3 {add = true} : memref<10240xf32, #tpu.memory_space<vmem>>[vector<16xi32>], vector<16xf32>,
      %get3A_406 = arith.constant 6 : i32
      %get3A_407 = arith.index_cast %get3A_406 : i32 to index
      %get3A_408 = arith.constant 16 : index
      %get3A_409 = tpu.vector_load %arg10[%get3A_407, %get3A_408] {strides = array<i32>} : memref<8x128xi32, #tpu.memory_space<vmem>>, vector<16xi32>,
      tpu.vector_store_idx %arg13[%get3A_409], %broadcast_in_dim3A_3 {add = true} : memref<10240xf32, #tpu.memory_space<vmem>>[vector<16xi32>], vector<16xf32>,
      %get3A_410 = arith.constant 6 : i32
      %get3A_411 = arith.index_cast %get3A_410 : i32 to index
      %get3A_412 = arith.constant 32 : index
      %get3A_413 = tpu.vector_load %arg10[%get3A_411, %get3A_412] {strides = array<i32>} : memref<8x128xi32, #tpu.memory_space<vmem>>, vector<16xi32>,
      tpu.vector_store_idx %arg13[%get3A_413], %broadcast_in_dim3A_3 {add = true} : memref<10240xf32, #tpu.memory_space<vmem>>[vector<16xi32>], vector<16xf32>,
      %get3A_414 = arith.constant 6 : i32
      %get3A_415 = arith.index_cast %get3A_414 : i32 to index
      %get3A_416 = arith.constant 48 : index
      %get3A_417 = tpu.vector_load %arg10[%get3A_415, %get3A_416] {strides = array<i32>} : memref<8x128xi32, #tpu.memory_space<vmem>>, vector<16xi32>,
      tpu.vector_store_idx %arg13[%get3A_417], %broadcast_in_dim3A_3 {add = true} : memref<10240xf32, #tpu.memory_space<vmem>>[vector<16xi32>], vector<16xf32>,
      %get3A_418 = arith.constant 6 : i32
      %get3A_419 = arith.index_cast %get3A_418 : i32 to index
      %get3A_420 = arith.constant 64 : index
      %get3A_421 = tpu.vector_load %arg10[%get3A_419, %get3A_420] {strides = array<i32>} : memref<8x128xi32, #tpu.memory_space<vmem>>, vector<16xi32>,
      tpu.vector_store_idx %arg13[%get3A_421], %broadcast_in_dim3A_3 {add = true} : memref<10240xf32, #tpu.memory_space<vmem>>[vector<16xi32>], vector<16xf32>,
      %get3A_422 = arith.constant 6 : i32
      %get3A_423 = arith.index_cast %get3A_422 : i32 to index
      %get3A_424 = arith.constant 80 : index
      %get3A_425 = tpu.vector_load %arg10[%get3A_423, %get3A_424] {strides = array<i32>} : memref<8x128xi32, #tpu.memory_space<vmem>>, vector<16xi32>,
      tpu.vector_store_idx %arg13[%get3A_425], %broadcast_in_dim3A_3 {add = true} : memref<10240xf32, #tpu.memory_space<vmem>>[vector<16xi32>], vector<16xf32>,
      %get3A_426 = arith.constant 6 : i32
      %get3A_427 = arith.index_cast %get3A_426 : i32 to index
      %get3A_428 = arith.constant 96 : index
      %get3A_429 = tpu.vector_load %arg10[%get3A_427, %get3A_428] {strides = array<i32>} : memref<8x128xi32, #tpu.memory_space<vmem>>, vector<16xi32>,
      tpu.vector_store_idx %arg13[%get3A_429], %broadcast_in_dim3A_3 {add = true} : memref<10240xf32, #tpu.memory_space<vmem>>[vector<16xi32>], vector<16xf32>,
      %get3A_430 = arith.constant 6 : i32
      %get3A_431 = arith.index_cast %get3A_430 : i32 to index
      %get3A_432 = arith.constant 112 : index
      %get3A_433 = tpu.vector_load %arg10[%get3A_431, %get3A_432] {strides = array<i32>} : memref<8x128xi32, #tpu.memory_space<vmem>>, vector<16xi32>,
      tpu.vector_store_idx %arg13[%get3A_433], %broadcast_in_dim3A_3 {add = true} : memref<10240xf32, #tpu.memory_space<vmem>>[vector<16xi32>], vector<16xf32>,
      %dma_wait3A_434 = arith.constant 6 : i32
      %dma_wait3A_435 = arith.constant 0 : i32
      %dma_wait3A_436 = tpu.memref_slice %arg9[%dma_wait3A_434, %dma_wait3A_435] : memref<8x128xi32, #tpu.memory_space<vmem>> -> memref<1x128xi32, #tpu.memory_space<vmem>>
      %dma_wait3A_437 = tpu.memref_squeeze %dma_wait3A_436 : memref<1x128xi32, #tpu.memory_space<vmem>> -> memref<128xi32, #tpu.memory_space<vmem>>
      %dma_wait3A_438 = arith.constant 0 : i32
      %dma_wait3A_439 = arith.constant 0 : i32
      %dma_wait3A_440 = tpu.memref_slice %arg2[%dma_wait3A_438, %dma_wait3A_439] : memref<10240x128xf32, #tpu.memory_space<hbm>> -> memref<10240x128xf32, #tpu.memory_space<hbm>>
      tpu.wait_indirect_dma semaphore(%arg15 : memref<!tpu.dma_semaphore, #tpu.memory_space<semaphore_mem>>) src(%dma_wait3A_440 : memref<10240x128xf32, #tpu.memory_space<hbm>>) dst(%arg11 : memref<128x128xf32, #tpu.memory_space<vmem>>)
      %dma_start3A_441 = arith.constant 6 : i32
      %dma_start3A_442 = arith.constant 0 : i32
      %dma_start3A_443 = tpu.memref_slice %arg10[%dma_start3A_441, %dma_start3A_442] : memref<8x128xi32, #tpu.memory_space<vmem>> -> memref<1x128xi32, #tpu.memory_space<vmem>>
      %dma_start3A_444 = tpu.memref_squeeze %dma_start3A_443 : memref<1x128xi32, #tpu.memory_space<vmem>> -> memref<128xi32, #tpu.memory_space<vmem>>
      %dma_start3A_445 = arith.constant 0 : i32
      %dma_start3A_446 = arith.constant 0 : i32
      %dma_start3A_447 = tpu.memref_slice %arg14[%dma_start3A_445, %dma_start3A_446] : memref<10240x128xf32, #tpu.memory_space<vmem_shared>> -> memref<10240x128xf32, #tpu.memory_space<vmem_shared>>
      tpu.enqueue_indirect_dma source(%arg11 : memref<128x128xf32, #tpu.memory_space<vmem>>) target(%dma_start3A_447 : memref<10240x128xf32, #tpu.memory_space<vmem_shared>>) offsets(%dma_start3A_444 : memref<128xi32, #tpu.memory_space<vmem>>) semaphore(%arg17 : memref<!tpu.dma_semaphore, #tpu.memory_space<semaphore_mem>>) {add = true}
      %get3A_448 = arith.constant 7 : i32
      %get3A_449 = arith.index_cast %get3A_448 : i32 to index
      %get3A_450 = arith.constant 0 : index
      %get3A_451 = tpu.vector_load %arg10[%get3A_449, %get3A_450] {strides = array<i32>} : memref<8x128xi32, #tpu.memory_space<vmem>>, vector<16xi32>,
      tpu.vector_store_idx %arg13[%get3A_451], %broadcast_in_dim3A_3 {add = true} : memref<10240xf32, #tpu.memory_space<vmem>>[vector<16xi32>], vector<16xf32>,
      %get3A_452 = arith.constant 7 : i32
      %get3A_453 = arith.index_cast %get3A_452 : i32 to index
      %get3A_454 = arith.constant 16 : index
      %get3A_455 = tpu.vector_load %arg10[%get3A_453, %get3A_454] {strides = array<i32>} : memref<8x128xi32, #tpu.memory_space<vmem>>, vector<16xi32>,
      tpu.vector_store_idx %arg13[%get3A_455], %broadcast_in_dim3A_3 {add = true} : memref<10240xf32, #tpu.memory_space<vmem>>[vector<16xi32>], vector<16xf32>,
      %get3A_456 = arith.constant 7 : i32
      %get3A_457 = arith.index_cast %get3A_456 : i32 to index
      %get3A_458 = arith.constant 32 : index
      %get3A_459 = tpu.vector_load %arg10[%get3A_457, %get3A_458] {strides = array<i32>} : memref<8x128xi32, #tpu.memory_space<vmem>>, vector<16xi32>,
      tpu.vector_store_idx %arg13[%get3A_459], %broadcast_in_dim3A_3 {add = true} : memref<10240xf32, #tpu.memory_space<vmem>>[vector<16xi32>], vector<16xf32>,
      %get3A_460 = arith.constant 7 : i32
      %get3A_461 = arith.index_cast %get3A_460 : i32 to index
      %get3A_462 = arith.constant 48 : index
      %get3A_463 = tpu.vector_load %arg10[%get3A_461, %get3A_462] {strides = array<i32>} : memref<8x128xi32, #tpu.memory_space<vmem>>, vector<16xi32>,
      tpu.vector_store_idx %arg13[%get3A_463], %broadcast_in_dim3A_3 {add = true} : memref<10240xf32, #tpu.memory_space<vmem>>[vector<16xi32>], vector<16xf32>,
      %get3A_464 = arith.constant 7 : i32
      %get3A_465 = arith.index_cast %get3A_464 : i32 to index
      %get3A_466 = arith.constant 64 : index
      %get3A_467 = tpu.vector_load %arg10[%get3A_465, %get3A_466] {strides = array<i32>} : memref<8x128xi32, #tpu.memory_space<vmem>>, vector<16xi32>,
      tpu.vector_store_idx %arg13[%get3A_467], %broadcast_in_dim3A_3 {add = true} : memref<10240xf32, #tpu.memory_space<vmem>>[vector<16xi32>], vector<16xf32>,
      %get3A_468 = arith.constant 7 : i32
      %get3A_469 = arith.index_cast %get3A_468 : i32 to index
      %get3A_470 = arith.constant 80 : index
      %get3A_471 = tpu.vector_load %arg10[%get3A_469, %get3A_470] {strides = array<i32>} : memref<8x128xi32, #tpu.memory_space<vmem>>, vector<16xi32>,
      tpu.vector_store_idx %arg13[%get3A_471], %broadcast_in_dim3A_3 {add = true} : memref<10240xf32, #tpu.memory_space<vmem>>[vector<16xi32>], vector<16xf32>,
      %get3A_472 = arith.constant 7 : i32
      %get3A_473 = arith.index_cast %get3A_472 : i32 to index
      %get3A_474 = arith.constant 96 : index
      %get3A_475 = tpu.vector_load %arg10[%get3A_473, %get3A_474] {strides = array<i32>} : memref<8x128xi32, #tpu.memory_space<vmem>>, vector<16xi32>,
      tpu.vector_store_idx %arg13[%get3A_475], %broadcast_in_dim3A_3 {add = true} : memref<10240xf32, #tpu.memory_space<vmem>>[vector<16xi32>], vector<16xf32>,
      %get3A_476 = arith.constant 7 : i32
      %get3A_477 = arith.index_cast %get3A_476 : i32 to index
      %get3A_478 = arith.constant 112 : index
      %get3A_479 = tpu.vector_load %arg10[%get3A_477, %get3A_478] {strides = array<i32>} : memref<8x128xi32, #tpu.memory_space<vmem>>, vector<16xi32>,
      tpu.vector_store_idx %arg13[%get3A_479], %broadcast_in_dim3A_3 {add = true} : memref<10240xf32, #tpu.memory_space<vmem>>[vector<16xi32>], vector<16xf32>,
      %dma_wait3A_480 = arith.constant 7 : i32
      %dma_wait3A_481 = arith.constant 0 : i32
      %dma_wait3A_482 = tpu.memref_slice %arg9[%dma_wait3A_480, %dma_wait3A_481] : memref<8x128xi32, #tpu.memory_space<vmem>> -> memref<1x128xi32, #tpu.memory_space<vmem>>
      %dma_wait3A_483 = tpu.memref_squeeze %dma_wait3A_482 : memref<1x128xi32, #tpu.memory_space<vmem>> -> memref<128xi32, #tpu.memory_space<vmem>>
      %dma_wait3A_484 = arith.constant 0 : i32
      %dma_wait3A_485 = arith.constant 0 : i32
      %dma_wait3A_486 = tpu.memref_slice %arg2[%dma_wait3A_484, %dma_wait3A_485] : memref<10240x128xf32, #tpu.memory_space<hbm>> -> memref<10240x128xf32, #tpu.memory_space<hbm>>
      tpu.wait_indirect_dma semaphore(%arg16 : memref<!tpu.dma_semaphore, #tpu.memory_space<semaphore_mem>>) src(%dma_wait3A_486 : memref<10240x128xf32, #tpu.memory_space<hbm>>) dst(%arg12 : memref<128x128xf32, #tpu.memory_space<vmem>>)
      %dma_start3A_487 = arith.constant 7 : i32
      %dma_start3A_488 = arith.constant 0 : i32
      %dma_start3A_489 = tpu.memref_slice %arg10[%dma_start3A_487, %dma_start3A_488] : memref<8x128xi32, #tpu.memory_space<vmem>> -> memref<1x128xi32, #tpu.memory_space<vmem>>
      %dma_start3A_490 = tpu.memref_squeeze %dma_start3A_489 : memref<1x128xi32, #tpu.memory_space<vmem>> -> memref<128xi32, #tpu.memory_space<vmem>>
      %dma_start3A_491 = arith.constant 0 : i32
      %dma_start3A_492 = arith.constant 0 : i32
      %dma_start3A_493 = tpu.memref_slice %arg14[%dma_start3A_491, %dma_start3A_492] : memref<10240x128xf32, #tpu.memory_space<vmem_shared>> -> memref<10240x128xf32, #tpu.memory_space<vmem_shared>>
      tpu.enqueue_indirect_dma source(%arg12 : memref<128x128xf32, #tpu.memory_space<vmem>>) target(%dma_start3A_493 : memref<10240x128xf32, #tpu.memory_space<vmem_shared>>) offsets(%dma_start3A_490 : memref<128xi32, #tpu.memory_space<vmem>>) semaphore(%arg18 : memref<!tpu.dma_semaphore, #tpu.memory_space<semaphore_mem>>) {add = true}
      %dma_wait3A_494 = arith.constant 6 : i32
      %dma_wait3A_495 = arith.constant 0 : i32
      %dma_wait3A_496 = tpu.memref_slice %arg10[%dma_wait3A_494, %dma_wait3A_495] : memref<8x128xi32, #tpu.memory_space<vmem>> -> memref<1x128xi32, #tpu.memory_space<vmem>>
      %dma_wait3A_497 = tpu.memref_squeeze %dma_wait3A_496 : memref<1x128xi32, #tpu.memory_space<vmem>> -> memref<128xi32, #tpu.memory_space<vmem>>
      %dma_wait3A_498 = arith.constant 0 : i32
      %dma_wait3A_499 = arith.constant 0 : i32
      %dma_wait3A_500 = tpu.memref_slice %arg14[%dma_wait3A_498, %dma_wait3A_499] : memref<10240x128xf32, #tpu.memory_space<vmem_shared>> -> memref<10240x128xf32, #tpu.memory_space<vmem_shared>>
      tpu.wait_indirect_dma semaphore(%arg17 : memref<!tpu.dma_semaphore, #tpu.memory_space<semaphore_mem>>) src(%arg11 : memref<128x128xf32, #tpu.memory_space<vmem>>) dst(%dma_wait3A_500 : memref<10240x128xf32, #tpu.memory_space<vmem_shared>>)
      %dma_wait3A_501 = arith.constant 7 : i32
      %dma_wait3A_502 = arith.constant 0 : i32
      %dma_wait3A_503 = tpu.memref_slice %arg10[%dma_wait3A_501, %dma_wait3A_502] : memref<8x128xi32, #tpu.memory_space<vmem>> -> memref<1x128xi32, #tpu.memory_space<vmem>>
      %dma_wait3A_504 = tpu.memref_squeeze %dma_wait3A_503 : memref<1x128xi32, #tpu.memory_space<vmem>> -> memref<128xi32, #tpu.memory_space<vmem>>
      %dma_wait3A_505 = arith.constant 0 : i32
      %dma_wait3A_506 = arith.constant 0 : i32
      %dma_wait3A_507 = tpu.memref_slice %arg14[%dma_wait3A_505, %dma_wait3A_506] : memref<10240x128xf32, #tpu.memory_space<vmem_shared>> -> memref<10240x128xf32, #tpu.memory_space<vmem_shared>>
      tpu.wait_indirect_dma semaphore(%arg18 : memref<!tpu.dma_semaphore, #tpu.memory_space<semaphore_mem>>) src(%arg12 : memref<128x128xf32, #tpu.memory_space<vmem>>) dst(%dma_wait3A_507 : memref<10240x128xf32, #tpu.memory_space<vmem_shared>>)
    }
    %while3A_23 = arith.constant 1 : i32
    scf.for %while3A_27 = %while3A_21 to %while3A_17 step %while3A_23  : i32 {
      %mul3A_28 = arith.constant 8 : i32
      %mul3A_29 = arith.muli %while3A_27, %mul3A_28 : i32
      %add3A_30 = arith.addi %select_n3A, %mul3A_29 : i32
      "tpu.region"() ({
        %run_scoped3A = tpu.sem_alloc : memref<!tpu.dma_semaphore, #tpu.memory_space<semaphore_mem>>
        %dma_start3A_508 = arith.constant 0 : i32
        %dma_start3A_509 = tpu.memref_slice %arg3[%add3A_30, %dma_start3A_508] : memref<2560x128xi32, #tpu.memory_space<hbm>> -> memref<8x128xi32, #tpu.memory_space<hbm>>
        %dma_start3A_510 = arith.constant 0 : i32
        %dma_start3A_511 = tpu.memref_slice %arg3[%add3A_30, %dma_start3A_510] : memref<2560x128xi32, #tpu.memory_space<hbm>> -> memref<8x128xi32, #tpu.memory_space<hbm>>
        tpu.enqueue_dma source(%dma_start3A_511 : memref<8x128xi32, #tpu.memory_space<hbm>>) target(%arg9 : memref<8x128xi32, #tpu.memory_space<vmem>>) target_semaphore(%run_scoped3A : memref<!tpu.dma_semaphore, #tpu.memory_space<semaphore_mem>>)
        %dma_wait3A_512 = arith.constant 0 : i32
        %dma_wait3A_513 = tpu.memref_slice %arg3[%add3A_30, %dma_wait3A_512] : memref<2560x128xi32, #tpu.memory_space<hbm>> -> memref<8x128xi32, #tpu.memory_space<hbm>>
        %dma_wait3A_514 = arith.constant 0 : i32
        %dma_wait3A_515 = tpu.memref_slice %arg3[%add3A_30, %dma_wait3A_514] : memref<2560x128xi32, #tpu.memory_space<hbm>> -> memref<8x128xi32, #tpu.memory_space<hbm>>
        tpu.wait_dma2 semaphore(%run_scoped3A : memref<!tpu.dma_semaphore, #tpu.memory_space<semaphore_mem>>) src(%dma_wait3A_515 : memref<8x128xi32, #tpu.memory_space<hbm>>) dst(%arg9 : memref<8x128xi32, #tpu.memory_space<vmem>>)
        tpu.yield
      }) : () -> ()
      "tpu.region"() ({
        %run_scoped3A = tpu.sem_alloc : memref<!tpu.dma_semaphore, #tpu.memory_space<semaphore_mem>>
        %dma_start3A_508 = arith.constant 0 : i32
        %dma_start3A_509 = tpu.memref_slice %arg4[%add3A_30, %dma_start3A_508] : memref<2560x128xi32, #tpu.memory_space<hbm>> -> memref<8x128xi32, #tpu.memory_space<hbm>>
        %dma_start3A_510 = arith.constant 0 : i32
        %dma_start3A_511 = tpu.memref_slice %arg4[%add3A_30, %dma_start3A_510] : memref<2560x128xi32, #tpu.memory_space<hbm>> -> memref<8x128xi32, #tpu.memory_space<hbm>>
        tpu.enqueue_dma source(%dma_start3A_511 : memref<8x128xi32, #tpu.memory_space<hbm>>) target(%arg10 : memref<8x128xi32, #tpu.memory_space<vmem>>) target_semaphore(%run_scoped3A : memref<!tpu.dma_semaphore, #tpu.memory_space<semaphore_mem>>)
        %dma_wait3A_512 = arith.constant 0 : i32
        %dma_wait3A_513 = tpu.memref_slice %arg4[%add3A_30, %dma_wait3A_512] : memref<2560x128xi32, #tpu.memory_space<hbm>> -> memref<8x128xi32, #tpu.memory_space<hbm>>
        %dma_wait3A_514 = arith.constant 0 : i32
        %dma_wait3A_515 = tpu.memref_slice %arg4[%add3A_30, %dma_wait3A_514] : memref<2560x128xi32, #tpu.memory_space<hbm>> -> memref<8x128xi32, #tpu.memory_space<hbm>>
        tpu.wait_dma2 semaphore(%run_scoped3A : memref<!tpu.dma_semaphore, #tpu.memory_space<semaphore_mem>>) src(%dma_wait3A_515 : memref<8x128xi32, #tpu.memory_space<hbm>>) dst(%arg10 : memref<8x128xi32, #tpu.memory_space<vmem>>)
        tpu.yield
      }) : () -> ()
      %dma_start3A = arith.constant 0 : i32
      %dma_start3A_31 = arith.constant 0 : i32
      %dma_start3A_32 = tpu.memref_slice %arg9[%dma_start3A, %dma_start3A_31] : memref<8x128xi32, #tpu.memory_space<vmem>> -> memref<1x128xi32, #tpu.memory_space<vmem>>
      %dma_start3A_33 = tpu.memref_squeeze %dma_start3A_32 : memref<1x128xi32, #tpu.memory_space<vmem>> -> memref<128xi32, #tpu.memory_space<vmem>>
      %dma_start3A_34 = arith.constant 0 : i32
      %dma_start3A_35 = arith.constant 0 : i32
      %dma_start3A_36 = tpu.memref_slice %arg2[%dma_start3A_34, %dma_start3A_35] : memref<10240x128xf32, #tpu.memory_space<hbm>> -> memref<10240x128xf32, #tpu.memory_space<hbm>>
      tpu.enqueue_indirect_dma source(%dma_start3A_36 : memref<10240x128xf32, #tpu.memory_space<hbm>>) target(%arg11 : memref<128x128xf32, #tpu.memory_space<vmem>>) offsets(%dma_start3A_33 : memref<128xi32, #tpu.memory_space<vmem>>) semaphore(%arg15 : memref<!tpu.dma_semaphore, #tpu.memory_space<semaphore_mem>>)
      %dma_start3A_37 = arith.constant 1 : i32
      %dma_start3A_38 = arith.constant 0 : i32
      %dma_start3A_39 = tpu.memref_slice %arg9[%dma_start3A_37, %dma_start3A_38] : memref<8x128xi32, #tpu.memory_space<vmem>> -> memref<1x128xi32, #tpu.memory_space<vmem>>
      %dma_start3A_40 = tpu.memref_squeeze %dma_start3A_39 : memref<1x128xi32, #tpu.memory_space<vmem>> -> memref<128xi32, #tpu.memory_space<vmem>>
      %dma_start3A_41 = arith.constant 0 : i32
      %dma_start3A_42 = arith.constant 0 : i32
      %dma_start3A_43 = tpu.memref_slice %arg2[%dma_start3A_41, %dma_start3A_42] : memref<10240x128xf32, #tpu.memory_space<hbm>> -> memref<10240x128xf32, #tpu.memory_space<hbm>>
      tpu.enqueue_indirect_dma source(%dma_start3A_43 : memref<10240x128xf32, #tpu.memory_space<hbm>>) target(%arg12 : memref<128x128xf32, #tpu.memory_space<vmem>>) offsets(%dma_start3A_40 : memref<128xi32, #tpu.memory_space<vmem>>) semaphore(%arg16 : memref<!tpu.dma_semaphore, #tpu.memory_space<semaphore_mem>>)
      %get3A = arith.constant 0 : i32
      %get3A_44 = arith.index_cast %get3A : i32 to index
      %get3A_45 = arith.constant 0 : index
      %get3A_46 = tpu.vector_load %arg10[%get3A_44, %get3A_45] {strides = array<i32>} : memref<8x128xi32, #tpu.memory_space<vmem>>, vector<16xi32>,
      tpu.vector_store_idx %arg13[%get3A_46], %broadcast_in_dim3A_3 {add = true} : memref<10240xf32, #tpu.memory_space<vmem>>[vector<16xi32>], vector<16xf32>,
      %get3A_47 = arith.constant 0 : i32
      %get3A_48 = arith.index_cast %get3A_47 : i32 to index
      %get3A_49 = arith.constant 16 : index
      %get3A_50 = tpu.vector_load %arg10[%get3A_48, %get3A_49] {strides = array<i32>} : memref<8x128xi32, #tpu.memory_space<vmem>>, vector<16xi32>,
      tpu.vector_store_idx %arg13[%get3A_50], %broadcast_in_dim3A_3 {add = true} : memref<10240xf32, #tpu.memory_space<vmem>>[vector<16xi32>], vector<16xf32>,
      %get3A_51 = arith.constant 0 : i32
      %get3A_52 = arith.index_cast %get3A_51 : i32 to index
      %get3A_53 = arith.constant 32 : index
      %get3A_54 = tpu.vector_load %arg10[%get3A_52, %get3A_53] {strides = array<i32>} : memref<8x128xi32, #tpu.memory_space<vmem>>, vector<16xi32>,
      tpu.vector_store_idx %arg13[%get3A_54], %broadcast_in_dim3A_3 {add = true} : memref<10240xf32, #tpu.memory_space<vmem>>[vector<16xi32>], vector<16xf32>,
      %get3A_55 = arith.constant 0 : i32
      %get3A_56 = arith.index_cast %get3A_55 : i32 to index
      %get3A_57 = arith.constant 48 : index
      %get3A_58 = tpu.vector_load %arg10[%get3A_56, %get3A_57] {strides = array<i32>} : memref<8x128xi32, #tpu.memory_space<vmem>>, vector<16xi32>,
      tpu.vector_store_idx %arg13[%get3A_58], %broadcast_in_dim3A_3 {add = true} : memref<10240xf32, #tpu.memory_space<vmem>>[vector<16xi32>], vector<16xf32>,
      %get3A_59 = arith.constant 0 : i32
      %get3A_60 = arith.index_cast %get3A_59 : i32 to index
      %get3A_61 = arith.constant 64 : index
      %get3A_62 = tpu.vector_load %arg10[%get3A_60, %get3A_61] {strides = array<i32>} : memref<8x128xi32, #tpu.memory_space<vmem>>, vector<16xi32>,
      tpu.vector_store_idx %arg13[%get3A_62], %broadcast_in_dim3A_3 {add = true} : memref<10240xf32, #tpu.memory_space<vmem>>[vector<16xi32>], vector<16xf32>,
      %get3A_63 = arith.constant 0 : i32
      %get3A_64 = arith.index_cast %get3A_63 : i32 to index
      %get3A_65 = arith.constant 80 : index
      %get3A_66 = tpu.vector_load %arg10[%get3A_64, %get3A_65] {strides = array<i32>} : memref<8x128xi32, #tpu.memory_space<vmem>>, vector<16xi32>,
      tpu.vector_store_idx %arg13[%get3A_66], %broadcast_in_dim3A_3 {add = true} : memref<10240xf32, #tpu.memory_space<vmem>>[vector<16xi32>], vector<16xf32>,
      %get3A_67 = arith.constant 0 : i32
      %get3A_68 = arith.index_cast %get3A_67 : i32 to index
      %get3A_69 = arith.constant 96 : index
      %get3A_70 = tpu.vector_load %arg10[%get3A_68, %get3A_69] {strides = array<i32>} : memref<8x128xi32, #tpu.memory_space<vmem>>, vector<16xi32>,
      tpu.vector_store_idx %arg13[%get3A_70], %broadcast_in_dim3A_3 {add = true} : memref<10240xf32, #tpu.memory_space<vmem>>[vector<16xi32>], vector<16xf32>,
      %get3A_71 = arith.constant 0 : i32
      %get3A_72 = arith.index_cast %get3A_71 : i32 to index
      %get3A_73 = arith.constant 112 : index
      %get3A_74 = tpu.vector_load %arg10[%get3A_72, %get3A_73] {strides = array<i32>} : memref<8x128xi32, #tpu.memory_space<vmem>>, vector<16xi32>,
      tpu.vector_store_idx %arg13[%get3A_74], %broadcast_in_dim3A_3 {add = true} : memref<10240xf32, #tpu.memory_space<vmem>>[vector<16xi32>], vector<16xf32>,
      %dma_wait3A = arith.constant 0 : i32
      %dma_wait3A_75 = arith.constant 0 : i32
      %dma_wait3A_76 = tpu.memref_slice %arg9[%dma_wait3A, %dma_wait3A_75] : memref<8x128xi32, #tpu.memory_space<vmem>> -> memref<1x128xi32, #tpu.memory_space<vmem>>
      %dma_wait3A_77 = tpu.memref_squeeze %dma_wait3A_76 : memref<1x128xi32, #tpu.memory_space<vmem>> -> memref<128xi32, #tpu.memory_space<vmem>>
      %dma_wait3A_78 = arith.constant 0 : i32
      %dma_wait3A_79 = arith.constant 0 : i32
      %dma_wait3A_80 = tpu.memref_slice %arg2[%dma_wait3A_78, %dma_wait3A_79] : memref<10240x128xf32, #tpu.memory_space<hbm>> -> memref<10240x128xf32, #tpu.memory_space<hbm>>
      tpu.wait_indirect_dma semaphore(%arg15 : memref<!tpu.dma_semaphore, #tpu.memory_space<semaphore_mem>>) src(%dma_wait3A_80 : memref<10240x128xf32, #tpu.memory_space<hbm>>) dst(%arg11 : memref<128x128xf32, #tpu.memory_space<vmem>>)
      %dma_start3A_81 = arith.constant 0 : i32
      %dma_start3A_82 = arith.constant 0 : i32
      %dma_start3A_83 = tpu.memref_slice %arg10[%dma_start3A_81, %dma_start3A_82] : memref<8x128xi32, #tpu.memory_space<vmem>> -> memref<1x128xi32, #tpu.memory_space<vmem>>
      %dma_start3A_84 = tpu.memref_squeeze %dma_start3A_83 : memref<1x128xi32, #tpu.memory_space<vmem>> -> memref<128xi32, #tpu.memory_space<vmem>>
      %dma_start3A_85 = arith.constant 0 : i32
      %dma_start3A_86 = arith.constant 0 : i32
      %dma_start3A_87 = tpu.memref_slice %arg14[%dma_start3A_85, %dma_start3A_86] : memref<10240x128xf32, #tpu.memory_space<vmem_shared>> -> memref<10240x128xf32, #tpu.memory_space<vmem_shared>>
      tpu.enqueue_indirect_dma source(%arg11 : memref<128x128xf32, #tpu.memory_space<vmem>>) target(%dma_start3A_87 : memref<10240x128xf32, #tpu.memory_space<vmem_shared>>) offsets(%dma_start3A_84 : memref<128xi32, #tpu.memory_space<vmem>>) semaphore(%arg17 : memref<!tpu.dma_semaphore, #tpu.memory_space<semaphore_mem>>) {add = true}
      %dma_wait3A_88 = arith.constant 0 : i32
      %dma_wait3A_89 = arith.constant 0 : i32
      %dma_wait3A_90 = tpu.memref_slice %arg10[%dma_wait3A_88, %dma_wait3A_89] : memref<8x128xi32, #tpu.memory_space<vmem>> -> memref<1x128xi32, #tpu.memory_space<vmem>>
      %dma_wait3A_91 = tpu.memref_squeeze %dma_wait3A_90 : memref<1x128xi32, #tpu.memory_space<vmem>> -> memref<128xi32, #tpu.memory_space<vmem>>
      %dma_wait3A_92 = arith.constant 0 : i32
      %dma_wait3A_93 = arith.constant 0 : i32
      %dma_wait3A_94 = tpu.memref_slice %arg14[%dma_wait3A_92, %dma_wait3A_93] : memref<10240x128xf32, #tpu.memory_space<vmem_shared>> -> memref<10240x128xf32, #tpu.memory_space<vmem_shared>>
      tpu.wait_indirect_dma semaphore(%arg17 : memref<!tpu.dma_semaphore, #tpu.memory_space<semaphore_mem>>) src(%arg11 : memref<128x128xf32, #tpu.memory_space<vmem>>) dst(%dma_wait3A_94 : memref<10240x128xf32, #tpu.memory_space<vmem_shared>>)
      %dma_start3A_95 = arith.constant 2 : i32
      %dma_start3A_96 = arith.constant 0 : i32
      %dma_start3A_97 = tpu.memref_slice %arg9[%dma_start3A_95, %dma_start3A_96] : memref<8x128xi32, #tpu.memory_space<vmem>> -> memref<1x128xi32, #tpu.memory_space<vmem>>
      %dma_start3A_98 = tpu.memref_squeeze %dma_start3A_97 : memref<1x128xi32, #tpu.memory_space<vmem>> -> memref<128xi32, #tpu.memory_space<vmem>>
      %dma_start3A_99 = arith.constant 0 : i32
      %dma_start3A_100 = arith.constant 0 : i32
      %dma_start3A_101 = tpu.memref_slice %arg2[%dma_start3A_99, %dma_start3A_100] : memref<10240x128xf32, #tpu.memory_space<hbm>> -> memref<10240x128xf32, #tpu.memory_space<hbm>>
      tpu.enqueue_indirect_dma source(%dma_start3A_101 : memref<10240x128xf32, #tpu.memory_space<hbm>>) target(%arg11 : memref<128x128xf32, #tpu.memory_space<vmem>>) offsets(%dma_start3A_98 : memref<128xi32, #tpu.memory_space<vmem>>) semaphore(%arg15 : memref<!tpu.dma_semaphore, #tpu.memory_space<semaphore_mem>>)
      %get3A_102 = arith.constant 1 : i32
      %get3A_103 = arith.index_cast %get3A_102 : i32 to index
      %get3A_104 = arith.constant 0 : index
      %get3A_105 = tpu.vector_load %arg10[%get3A_103, %get3A_104] {strides = array<i32>} : memref<8x128xi32, #tpu.memory_space<vmem>>, vector<16xi32>,
      tpu.vector_store_idx %arg13[%get3A_105], %broadcast_in_dim3A_3 {add = true} : memref<10240xf32, #tpu.memory_space<vmem>>[vector<16xi32>], vector<16xf32>,
      %get3A_106 = arith.constant 1 : i32
      %get3A_107 = arith.index_cast %get3A_106 : i32 to index
      %get3A_108 = arith.constant 16 : index
      %get3A_109 = tpu.vector_load %arg10[%get3A_107, %get3A_108] {strides = array<i32>} : memref<8x128xi32, #tpu.memory_space<vmem>>, vector<16xi32>,
      tpu.vector_store_idx %arg13[%get3A_109], %broadcast_in_dim3A_3 {add = true} : memref<10240xf32, #tpu.memory_space<vmem>>[vector<16xi32>], vector<16xf32>,
      %get3A_110 = arith.constant 1 : i32
      %get3A_111 = arith.index_cast %get3A_110 : i32 to index
      %get3A_112 = arith.constant 32 : index
      %get3A_113 = tpu.vector_load %arg10[%get3A_111, %get3A_112] {strides = array<i32>} : memref<8x128xi32, #tpu.memory_space<vmem>>, vector<16xi32>,
      tpu.vector_store_idx %arg13[%get3A_113], %broadcast_in_dim3A_3 {add = true} : memref<10240xf32, #tpu.memory_space<vmem>>[vector<16xi32>], vector<16xf32>,
      %get3A_114 = arith.constant 1 : i32
      %get3A_115 = arith.index_cast %get3A_114 : i32 to index
      %get3A_116 = arith.constant 48 : index
      %get3A_117 = tpu.vector_load %arg10[%get3A_115, %get3A_116] {strides = array<i32>} : memref<8x128xi32, #tpu.memory_space<vmem>>, vector<16xi32>,
      tpu.vector_store_idx %arg13[%get3A_117], %broadcast_in_dim3A_3 {add = true} : memref<10240xf32, #tpu.memory_space<vmem>>[vector<16xi32>], vector<16xf32>,
      %get3A_118 = arith.constant 1 : i32
      %get3A_119 = arith.index_cast %get3A_118 : i32 to index
      %get3A_120 = arith.constant 64 : index
      %get3A_121 = tpu.vector_load %arg10[%get3A_119, %get3A_120] {strides = array<i32>} : memref<8x128xi32, #tpu.memory_space<vmem>>, vector<16xi32>,
      tpu.vector_store_idx %arg13[%get3A_121], %broadcast_in_dim3A_3 {add = true} : memref<10240xf32, #tpu.memory_space<vmem>>[vector<16xi32>], vector<16xf32>,
      %get3A_122 = arith.constant 1 : i32
      %get3A_123 = arith.index_cast %get3A_122 : i32 to index
      %get3A_124 = arith.constant 80 : index
      %get3A_125 = tpu.vector_load %arg10[%get3A_123, %get3A_124] {strides = array<i32>} : memref<8x128xi32, #tpu.memory_space<vmem>>, vector<16xi32>,
      tpu.vector_store_idx %arg13[%get3A_125], %broadcast_in_dim3A_3 {add = true} : memref<10240xf32, #tpu.memory_space<vmem>>[vector<16xi32>], vector<16xf32>,
      %get3A_126 = arith.constant 1 : i32
      %get3A_127 = arith.index_cast %get3A_126 : i32 to index
      %get3A_128 = arith.constant 96 : index
      %get3A_129 = tpu.vector_load %arg10[%get3A_127, %get3A_128] {strides = array<i32>} : memref<8x128xi32, #tpu.memory_space<vmem>>, vector<16xi32>,
      tpu.vector_store_idx %arg13[%get3A_129], %broadcast_in_dim3A_3 {add = true} : memref<10240xf32, #tpu.memory_space<vmem>>[vector<16xi32>], vector<16xf32>,
      %get3A_130 = arith.constant 1 : i32
      %get3A_131 = arith.index_cast %get3A_130 : i32 to index
      %get3A_132 = arith.constant 112 : index
      %get3A_133 = tpu.vector_load %arg10[%get3A_131, %get3A_132] {strides = array<i32>} : memref<8x128xi32, #tpu.memory_space<vmem>>, vector<16xi32>,
      tpu.vector_store_idx %arg13[%get3A_133], %broadcast_in_dim3A_3 {add = true} : memref<10240xf32, #tpu.memory_space<vmem>>[vector<16xi32>], vector<16xf32>,
      %dma_wait3A_134 = arith.constant 1 : i32
      %dma_wait3A_135 = arith.constant 0 : i32
      %dma_wait3A_136 = tpu.memref_slice %arg9[%dma_wait3A_134, %dma_wait3A_135] : memref<8x128xi32, #tpu.memory_space<vmem>> -> memref<1x128xi32, #tpu.memory_space<vmem>>
      %dma_wait3A_137 = tpu.memref_squeeze %dma_wait3A_136 : memref<1x128xi32, #tpu.memory_space<vmem>> -> memref<128xi32, #tpu.memory_space<vmem>>
      %dma_wait3A_138 = arith.constant 0 : i32
      %dma_wait3A_139 = arith.constant 0 : i32
      %dma_wait3A_140 = tpu.memref_slice %arg2[%dma_wait3A_138, %dma_wait3A_139] : memref<10240x128xf32, #tpu.memory_space<hbm>> -> memref<10240x128xf32, #tpu.memory_space<hbm>>
      tpu.wait_indirect_dma semaphore(%arg16 : memref<!tpu.dma_semaphore, #tpu.memory_space<semaphore_mem>>) src(%dma_wait3A_140 : memref<10240x128xf32, #tpu.memory_space<hbm>>) dst(%arg12 : memref<128x128xf32, #tpu.memory_space<vmem>>)
      %dma_start3A_141 = arith.constant 1 : i32
      %dma_start3A_142 = arith.constant 0 : i32
      %dma_start3A_143 = tpu.memref_slice %arg10[%dma_start3A_141, %dma_start3A_142] : memref<8x128xi32, #tpu.memory_space<vmem>> -> memref<1x128xi32, #tpu.memory_space<vmem>>
      %dma_start3A_144 = tpu.memref_squeeze %dma_start3A_143 : memref<1x128xi32, #tpu.memory_space<vmem>> -> memref<128xi32, #tpu.memory_space<vmem>>
      %dma_start3A_145 = arith.constant 0 : i32
      %dma_start3A_146 = arith.constant 0 : i32
      %dma_start3A_147 = tpu.memref_slice %arg14[%dma_start3A_145, %dma_start3A_146] : memref<10240x128xf32, #tpu.memory_space<vmem_shared>> -> memref<10240x128xf32, #tpu.memory_space<vmem_shared>>
      tpu.enqueue_indirect_dma source(%arg12 : memref<128x128xf32, #tpu.memory_space<vmem>>) target(%dma_start3A_147 : memref<10240x128xf32, #tpu.memory_space<vmem_shared>>) offsets(%dma_start3A_144 : memref<128xi32, #tpu.memory_space<vmem>>) semaphore(%arg18 : memref<!tpu.dma_semaphore, #tpu.memory_space<semaphore_mem>>) {add = true}
      %dma_wait3A_148 = arith.constant 1 : i32
      %dma_wait3A_149 = arith.constant 0 : i32
      %dma_wait3A_150 = tpu.memref_slice %arg10[%dma_wait3A_148, %dma_wait3A_149] : memref<8x128xi32, #tpu.memory_space<vmem>> -> memref<1x128xi32, #tpu.memory_space<vmem>>
      %dma_wait3A_151 = tpu.memref_squeeze %dma_wait3A_150 : memref<1x128xi32, #tpu.memory_space<vmem>> -> memref<128xi32, #tpu.memory_space<vmem>>
      %dma_wait3A_152 = arith.constant 0 : i32
      %dma_wait3A_153 = arith.constant 0 : i32
      %dma_wait3A_154 = tpu.memref_slice %arg14[%dma_wait3A_152, %dma_wait3A_153] : memref<10240x128xf32, #tpu.memory_space<vmem_shared>> -> memref<10240x128xf32, #tpu.memory_space<vmem_shared>>
      tpu.wait_indirect_dma semaphore(%arg18 : memref<!tpu.dma_semaphore, #tpu.memory_space<semaphore_mem>>) src(%arg12 : memref<128x128xf32, #tpu.memory_space<vmem>>) dst(%dma_wait3A_154 : memref<10240x128xf32, #tpu.memory_space<vmem_shared>>)
      %dma_start3A_155 = arith.constant 3 : i32
      %dma_start3A_156 = arith.constant 0 : i32
      %dma_start3A_157 = tpu.memref_slice %arg9[%dma_start3A_155, %dma_start3A_156] : memref<8x128xi32, #tpu.memory_space<vmem>> -> memref<1x128xi32, #tpu.memory_space<vmem>>
      %dma_start3A_158 = tpu.memref_squeeze %dma_start3A_157 : memref<1x128xi32, #tpu.memory_space<vmem>> -> memref<128xi32, #tpu.memory_space<vmem>>
      %dma_start3A_159 = arith.constant 0 : i32
      %dma_start3A_160 = arith.constant 0 : i32
      %dma_start3A_161 = tpu.memref_slice %arg2[%dma_start3A_159, %dma_start3A_160] : memref<10240x128xf32, #tpu.memory_space<hbm>> -> memref<10240x128xf32, #tpu.memory_space<hbm>>
      tpu.enqueue_indirect_dma source(%dma_start3A_161 : memref<10240x128xf32, #tpu.memory_space<hbm>>) target(%arg12 : memref<128x128xf32, #tpu.memory_space<vmem>>) offsets(%dma_start3A_158 : memref<128xi32, #tpu.memory_space<vmem>>) semaphore(%arg16 : memref<!tpu.dma_semaphore, #tpu.memory_space<semaphore_mem>>)
      %get3A_162 = arith.constant 2 : i32
      %get3A_163 = arith.index_cast %get3A_162 : i32 to index
      %get3A_164 = arith.constant 0 : index
      %get3A_165 = tpu.vector_load %arg10[%get3A_163, %get3A_164] {strides = array<i32>} : memref<8x128xi32, #tpu.memory_space<vmem>>, vector<16xi32>,
      tpu.vector_store_idx %arg13[%get3A_165], %broadcast_in_dim3A_3 {add = true} : memref<10240xf32, #tpu.memory_space<vmem>>[vector<16xi32>], vector<16xf32>,
      %get3A_166 = arith.constant 2 : i32
      %get3A_167 = arith.index_cast %get3A_166 : i32 to index
      %get3A_168 = arith.constant 16 : index
      %get3A_169 = tpu.vector_load %arg10[%get3A_167, %get3A_168] {strides = array<i32>} : memref<8x128xi32, #tpu.memory_space<vmem>>, vector<16xi32>,
      tpu.vector_store_idx %arg13[%get3A_169], %broadcast_in_dim3A_3 {add = true} : memref<10240xf32, #tpu.memory_space<vmem>>[vector<16xi32>], vector<16xf32>,
      %get3A_170 = arith.constant 2 : i32
      %get3A_171 = arith.index_cast %get3A_170 : i32 to index
      %get3A_172 = arith.constant 32 : index
      %get3A_173 = tpu.vector_load %arg10[%get3A_171, %get3A_172] {strides = array<i32>} : memref<8x128xi32, #tpu.memory_space<vmem>>, vector<16xi32>,
      tpu.vector_store_idx %arg13[%get3A_173], %broadcast_in_dim3A_3 {add = true} : memref<10240xf32, #tpu.memory_space<vmem>>[vector<16xi32>], vector<16xf32>,
      %get3A_174 = arith.constant 2 : i32
      %get3A_175 = arith.index_cast %get3A_174 : i32 to index
      %get3A_176 = arith.constant 48 : index
      %get3A_177 = tpu.vector_load %arg10[%get3A_175, %get3A_176] {strides = array<i32>} : memref<8x128xi32, #tpu.memory_space<vmem>>, vector<16xi32>,
      tpu.vector_store_idx %arg13[%get3A_177], %broadcast_in_dim3A_3 {add = true} : memref<10240xf32, #tpu.memory_space<vmem>>[vector<16xi32>], vector<16xf32>,
      %get3A_178 = arith.constant 2 : i32
      %get3A_179 = arith.index_cast %get3A_178 : i32 to index
      %get3A_180 = arith.constant 64 : index
      %get3A_181 = tpu.vector_load %arg10[%get3A_179, %get3A_180] {strides = array<i32>} : memref<8x128xi32, #tpu.memory_space<vmem>>, vector<16xi32>,
      tpu.vector_store_idx %arg13[%get3A_181], %broadcast_in_dim3A_3 {add = true} : memref<10240xf32, #tpu.memory_space<vmem>>[vector<16xi32>], vector<16xf32>,
      %get3A_182 = arith.constant 2 : i32
      %get3A_183 = arith.index_cast %get3A_182 : i32 to index
      %get3A_184 = arith.constant 80 : index
      %get3A_185 = tpu.vector_load %arg10[%get3A_183, %get3A_184] {strides = array<i32>} : memref<8x128xi32, #tpu.memory_space<vmem>>, vector<16xi32>,
      tpu.vector_store_idx %arg13[%get3A_185], %broadcast_in_dim3A_3 {add = true} : memref<10240xf32, #tpu.memory_space<vmem>>[vector<16xi32>], vector<16xf32>,
      %get3A_186 = arith.constant 2 : i32
      %get3A_187 = arith.index_cast %get3A_186 : i32 to index
      %get3A_188 = arith.constant 96 : index
      %get3A_189 = tpu.vector_load %arg10[%get3A_187, %get3A_188] {strides = array<i32>} : memref<8x128xi32, #tpu.memory_space<vmem>>, vector<16xi32>,
      tpu.vector_store_idx %arg13[%get3A_189], %broadcast_in_dim3A_3 {add = true} : memref<10240xf32, #tpu.memory_space<vmem>>[vector<16xi32>], vector<16xf32>,
      %get3A_190 = arith.constant 2 : i32
      %get3A_191 = arith.index_cast %get3A_190 : i32 to index
      %get3A_192 = arith.constant 112 : index
      %get3A_193 = tpu.vector_load %arg10[%get3A_191, %get3A_192] {strides = array<i32>} : memref<8x128xi32, #tpu.memory_space<vmem>>, vector<16xi32>,
      tpu.vector_store_idx %arg13[%get3A_193], %broadcast_in_dim3A_3 {add = true} : memref<10240xf32, #tpu.memory_space<vmem>>[vector<16xi32>], vector<16xf32>,
      %dma_wait3A_194 = arith.constant 2 : i32
      %dma_wait3A_195 = arith.constant 0 : i32
      %dma_wait3A_196 = tpu.memref_slice %arg9[%dma_wait3A_194, %dma_wait3A_195] : memref<8x128xi32, #tpu.memory_space<vmem>> -> memref<1x128xi32, #tpu.memory_space<vmem>>
      %dma_wait3A_197 = tpu.memref_squeeze %dma_wait3A_196 : memref<1x128xi32, #tpu.memory_space<vmem>> -> memref<128xi32, #tpu.memory_space<vmem>>
      %dma_wait3A_198 = arith.constant 0 : i32
      %dma_wait3A_199 = arith.constant 0 : i32
      %dma_wait3A_200 = tpu.memref_slice %arg2[%dma_wait3A_198, %dma_wait3A_199] : memref<10240x128xf32, #tpu.memory_space<hbm>> -> memref<10240x128xf32, #tpu.memory_space<hbm>>
      tpu.wait_indirect_dma semaphore(%arg15 : memref<!tpu.dma_semaphore, #tpu.memory_space<semaphore_mem>>) src(%dma_wait3A_200 : memref<10240x128xf32, #tpu.memory_space<hbm>>) dst(%arg11 : memref<128x128xf32, #tpu.memory_space<vmem>>)
      %dma_start3A_201 = arith.constant 2 : i32
      %dma_start3A_202 = arith.constant 0 : i32
      %dma_start3A_203 = tpu.memref_slice %arg10[%dma_start3A_201, %dma_start3A_202] : memref<8x128xi32, #tpu.memory_space<vmem>> -> memref<1x128xi32, #tpu.memory_space<vmem>>
      %dma_start3A_204 = tpu.memref_squeeze %dma_start3A_203 : memref<1x128xi32, #tpu.memory_space<vmem>> -> memref<128xi32, #tpu.memory_space<vmem>>
      %dma_start3A_205 = arith.constant 0 : i32
      %dma_start3A_206 = arith.constant 0 : i32
      %dma_start3A_207 = tpu.memref_slice %arg14[%dma_start3A_205, %dma_start3A_206] : memref<10240x128xf32, #tpu.memory_space<vmem_shared>> -> memref<10240x128xf32, #tpu.memory_space<vmem_shared>>
      tpu.enqueue_indirect_dma source(%arg11 : memref<128x128xf32, #tpu.memory_space<vmem>>) target(%dma_start3A_207 : memref<10240x128xf32, #tpu.memory_space<vmem_shared>>) offsets(%dma_start3A_204 : memref<128xi32, #tpu.memory_space<vmem>>) semaphore(%arg17 : memref<!tpu.dma_semaphore, #tpu.memory_space<semaphore_mem>>) {add = true}
      %dma_wait3A_208 = arith.constant 2 : i32
      %dma_wait3A_209 = arith.constant 0 : i32
      %dma_wait3A_210 = tpu.memref_slice %arg10[%dma_wait3A_208, %dma_wait3A_209] : memref<8x128xi32, #tpu.memory_space<vmem>> -> memref<1x128xi32, #tpu.memory_space<vmem>>
      %dma_wait3A_211 = tpu.memref_squeeze %dma_wait3A_210 : memref<1x128xi32, #tpu.memory_space<vmem>> -> memref<128xi32, #tpu.memory_space<vmem>>
      %dma_wait3A_212 = arith.constant 0 : i32
      %dma_wait3A_213 = arith.constant 0 : i32
      %dma_wait3A_214 = tpu.memref_slice %arg14[%dma_wait3A_212, %dma_wait3A_213] : memref<10240x128xf32, #tpu.memory_space<vmem_shared>> -> memref<10240x128xf32, #tpu.memory_space<vmem_shared>>
      tpu.wait_indirect_dma semaphore(%arg17 : memref<!tpu.dma_semaphore, #tpu.memory_space<semaphore_mem>>) src(%arg11 : memref<128x128xf32, #tpu.memory_space<vmem>>) dst(%dma_wait3A_214 : memref<10240x128xf32, #tpu.memory_space<vmem_shared>>)
      %dma_start3A_215 = arith.constant 4 : i32
      %dma_start3A_216 = arith.constant 0 : i32
      %dma_start3A_217 = tpu.memref_slice %arg9[%dma_start3A_215, %dma_start3A_216] : memref<8x128xi32, #tpu.memory_space<vmem>> -> memref<1x128xi32, #tpu.memory_space<vmem>>
      %dma_start3A_218 = tpu.memref_squeeze %dma_start3A_217 : memref<1x128xi32, #tpu.memory_space<vmem>> -> memref<128xi32, #tpu.memory_space<vmem>>
      %dma_start3A_219 = arith.constant 0 : i32
      %dma_start3A_220 = arith.constant 0 : i32
      %dma_start3A_221 = tpu.memref_slice %arg2[%dma_start3A_219, %dma_start3A_220] : memref<10240x128xf32, #tpu.memory_space<hbm>> -> memref<10240x128xf32, #tpu.memory_space<hbm>>
      tpu.enqueue_indirect_dma source(%dma_start3A_221 : memref<10240x128xf32, #tpu.memory_space<hbm>>) target(%arg11 : memref<128x128xf32, #tpu.memory_space<vmem>>) offsets(%dma_start3A_218 : memref<128xi32, #tpu.memory_space<vmem>>) semaphore(%arg15 : memref<!tpu.dma_semaphore, #tpu.memory_space<semaphore_mem>>)
      %get3A_222 = arith.constant 3 : i32
      %get3A_223 = arith.index_cast %get3A_222 : i32 to index
      %get3A_224 = arith.constant 0 : index
      %get3A_225 = tpu.vector_load %arg10[%get3A_223, %get3A_224] {strides = array<i32>} : memref<8x128xi32, #tpu.memory_space<vmem>>, vector<16xi32>,
      tpu.vector_store_idx %arg13[%get3A_225], %broadcast_in_dim3A_3 {add = true} : memref<10240xf32, #tpu.memory_space<vmem>>[vector<16xi32>], vector<16xf32>,
      %get3A_226 = arith.constant 3 : i32
      %get3A_227 = arith.index_cast %get3A_226 : i32 to index
      %get3A_228 = arith.constant 16 : index
      %get3A_229 = tpu.vector_load %arg10[%get3A_227, %get3A_228] {strides = array<i32>} : memref<8x128xi32, #tpu.memory_space<vmem>>, vector<16xi32>,
      tpu.vector_store_idx %arg13[%get3A_229], %broadcast_in_dim3A_3 {add = true} : memref<10240xf32, #tpu.memory_space<vmem>>[vector<16xi32>], vector<16xf32>,
      %get3A_230 = arith.constant 3 : i32
      %get3A_231 = arith.index_cast %get3A_230 : i32 to index
      %get3A_232 = arith.constant 32 : index
      %get3A_233 = tpu.vector_load %arg10[%get3A_231, %get3A_232] {strides = array<i32>} : memref<8x128xi32, #tpu.memory_space<vmem>>, vector<16xi32>,
      tpu.vector_store_idx %arg13[%get3A_233], %broadcast_in_dim3A_3 {add = true} : memref<10240xf32, #tpu.memory_space<vmem>>[vector<16xi32>], vector<16xf32>,
      %get3A_234 = arith.constant 3 : i32
      %get3A_235 = arith.index_cast %get3A_234 : i32 to index
      %get3A_236 = arith.constant 48 : index
      %get3A_237 = tpu.vector_load %arg10[%get3A_235, %get3A_236] {strides = array<i32>} : memref<8x128xi32, #tpu.memory_space<vmem>>, vector<16xi32>,
      tpu.vector_store_idx %arg13[%get3A_237], %broadcast_in_dim3A_3 {add = true} : memref<10240xf32, #tpu.memory_space<vmem>>[vector<16xi32>], vector<16xf32>,
      %get3A_238 = arith.constant 3 : i32
      %get3A_239 = arith.index_cast %get3A_238 : i32 to index
      %get3A_240 = arith.constant 64 : index
      %get3A_241 = tpu.vector_load %arg10[%get3A_239, %get3A_240] {strides = array<i32>} : memref<8x128xi32, #tpu.memory_space<vmem>>, vector<16xi32>,
      tpu.vector_store_idx %arg13[%get3A_241], %broadcast_in_dim3A_3 {add = true} : memref<10240xf32, #tpu.memory_space<vmem>>[vector<16xi32>], vector<16xf32>,
      %get3A_242 = arith.constant 3 : i32
      %get3A_243 = arith.index_cast %get3A_242 : i32 to index
      %get3A_244 = arith.constant 80 : index
      %get3A_245 = tpu.vector_load %arg10[%get3A_243, %get3A_244] {strides = array<i32>} : memref<8x128xi32, #tpu.memory_space<vmem>>, vector<16xi32>,
      tpu.vector_store_idx %arg13[%get3A_245], %broadcast_in_dim3A_3 {add = true} : memref<10240xf32, #tpu.memory_space<vmem>>[vector<16xi32>], vector<16xf32>,
      %get3A_246 = arith.constant 3 : i32
      %get3A_247 = arith.index_cast %get3A_246 : i32 to index
      %get3A_248 = arith.constant 96 : index
      %get3A_249 = tpu.vector_load %arg10[%get3A_247, %get3A_248] {strides = array<i32>} : memref<8x128xi32, #tpu.memory_space<vmem>>, vector<16xi32>,
      tpu.vector_store_idx %arg13[%get3A_249], %broadcast_in_dim3A_3 {add = true} : memref<10240xf32, #tpu.memory_space<vmem>>[vector<16xi32>], vector<16xf32>,
      %get3A_250 = arith.constant 3 : i32
      %get3A_251 = arith.index_cast %get3A_250 : i32 to index
      %get3A_252 = arith.constant 112 : index
      %get3A_253 = tpu.vector_load %arg10[%get3A_251, %get3A_252] {strides = array<i32>} : memref<8x128xi32, #tpu.memory_space<vmem>>, vector<16xi32>,
      tpu.vector_store_idx %arg13[%get3A_253], %broadcast_in_dim3A_3 {add = true} : memref<10240xf32, #tpu.memory_space<vmem>>[vector<16xi32>], vector<16xf32>,
      %dma_wait3A_254 = arith.constant 3 : i32
      %dma_wait3A_255 = arith.constant 0 : i32
      %dma_wait3A_256 = tpu.memref_slice %arg9[%dma_wait3A_254, %dma_wait3A_255] : memref<8x128xi32, #tpu.memory_space<vmem>> -> memref<1x128xi32, #tpu.memory_space<vmem>>
      %dma_wait3A_257 = tpu.memref_squeeze %dma_wait3A_256 : memref<1x128xi32, #tpu.memory_space<vmem>> -> memref<128xi32, #tpu.memory_space<vmem>>
      %dma_wait3A_258 = arith.constant 0 : i32
      %dma_wait3A_259 = arith.constant 0 : i32
      %dma_wait3A_260 = tpu.memref_slice %arg2[%dma_wait3A_258, %dma_wait3A_259] : memref<10240x128xf32, #tpu.memory_space<hbm>> -> memref<10240x128xf32, #tpu.memory_space<hbm>>
      tpu.wait_indirect_dma semaphore(%arg16 : memref<!tpu.dma_semaphore, #tpu.memory_space<semaphore_mem>>) src(%dma_wait3A_260 : memref<10240x128xf32, #tpu.memory_space<hbm>>) dst(%arg12 : memref<128x128xf32, #tpu.memory_space<vmem>>)
      %dma_start3A_261 = arith.constant 3 : i32
      %dma_start3A_262 = arith.constant 0 : i32
      %dma_start3A_263 = tpu.memref_slice %arg10[%dma_start3A_261, %dma_start3A_262] : memref<8x128xi32, #tpu.memory_space<vmem>> -> memref<1x128xi32, #tpu.memory_space<vmem>>
      %dma_start3A_264 = tpu.memref_squeeze %dma_start3A_263 : memref<1x128xi32, #tpu.memory_space<vmem>> -> memref<128xi32, #tpu.memory_space<vmem>>
      %dma_start3A_265 = arith.constant 0 : i32
      %dma_start3A_266 = arith.constant 0 : i32
      %dma_start3A_267 = tpu.memref_slice %arg14[%dma_start3A_265, %dma_start3A_266] : memref<10240x128xf32, #tpu.memory_space<vmem_shared>> -> memref<10240x128xf32, #tpu.memory_space<vmem_shared>>
      tpu.enqueue_indirect_dma source(%arg12 : memref<128x128xf32, #tpu.memory_space<vmem>>) target(%dma_start3A_267 : memref<10240x128xf32, #tpu.memory_space<vmem_shared>>) offsets(%dma_start3A_264 : memref<128xi32, #tpu.memory_space<vmem>>) semaphore(%arg18 : memref<!tpu.dma_semaphore, #tpu.memory_space<semaphore_mem>>) {add = true}
      %dma_wait3A_268 = arith.constant 3 : i32
      %dma_wait3A_269 = arith.constant 0 : i32
      %dma_wait3A_270 = tpu.memref_slice %arg10[%dma_wait3A_268, %dma_wait3A_269] : memref<8x128xi32, #tpu.memory_space<vmem>> -> memref<1x128xi32, #tpu.memory_space<vmem>>
      %dma_wait3A_271 = tpu.memref_squeeze %dma_wait3A_270 : memref<1x128xi32, #tpu.memory_space<vmem>> -> memref<128xi32, #tpu.memory_space<vmem>>
      %dma_wait3A_272 = arith.constant 0 : i32
      %dma_wait3A_273 = arith.constant 0 : i32
      %dma_wait3A_274 = tpu.memref_slice %arg14[%dma_wait3A_272, %dma_wait3A_273] : memref<10240x128xf32, #tpu.memory_space<vmem_shared>> -> memref<10240x128xf32, #tpu.memory_space<vmem_shared>>
      tpu.wait_indirect_dma semaphore(%arg18 : memref<!tpu.dma_semaphore, #tpu.memory_space<semaphore_mem>>) src(%arg12 : memref<128x128xf32, #tpu.memory_space<vmem>>) dst(%dma_wait3A_274 : memref<10240x128xf32, #tpu.memory_space<vmem_shared>>)
      %dma_start3A_275 = arith.constant 5 : i32
      %dma_start3A_276 = arith.constant 0 : i32
      %dma_start3A_277 = tpu.memref_slice %arg9[%dma_start3A_275, %dma_start3A_276] : memref<8x128xi32, #tpu.memory_space<vmem>> -> memref<1x128xi32, #tpu.memory_space<vmem>>
      %dma_start3A_278 = tpu.memref_squeeze %dma_start3A_277 : memref<1x128xi32, #tpu.memory_space<vmem>> -> memref<128xi32, #tpu.memory_space<vmem>>
      %dma_start3A_279 = arith.constant 0 : i32
      %dma_start3A_280 = arith.constant 0 : i32
      %dma_start3A_281 = tpu.memref_slice %arg2[%dma_start3A_279, %dma_start3A_280] : memref<10240x128xf32, #tpu.memory_space<hbm>> -> memref<10240x128xf32, #tpu.memory_space<hbm>>
      tpu.enqueue_indirect_dma source(%dma_start3A_281 : memref<10240x128xf32, #tpu.memory_space<hbm>>) target(%arg12 : memref<128x128xf32, #tpu.memory_space<vmem>>) offsets(%dma_start3A_278 : memref<128xi32, #tpu.memory_space<vmem>>) semaphore(%arg16 : memref<!tpu.dma_semaphore, #tpu.memory_space<semaphore_mem>>)
      %get3A_282 = arith.constant 4 : i32
      %get3A_283 = arith.index_cast %get3A_282 : i32 to index
      %get3A_284 = arith.constant 0 : index
      %get3A_285 = tpu.vector_load %arg10[%get3A_283, %get3A_284] {strides = array<i32>} : memref<8x128xi32, #tpu.memory_space<vmem>>, vector<16xi32>,
      tpu.vector_store_idx %arg13[%get3A_285], %broadcast_in_dim3A_3 {add = true} : memref<10240xf32, #tpu.memory_space<vmem>>[vector<16xi32>], vector<16xf32>,
      %get3A_286 = arith.constant 4 : i32
      %get3A_287 = arith.index_cast %get3A_286 : i32 to index
      %get3A_288 = arith.constant 16 : index
      %get3A_289 = tpu.vector_load %arg10[%get3A_287, %get3A_288] {strides = array<i32>} : memref<8x128xi32, #tpu.memory_space<vmem>>, vector<16xi32>,
      tpu.vector_store_idx %arg13[%get3A_289], %broadcast_in_dim3A_3 {add = true} : memref<10240xf32, #tpu.memory_space<vmem>>[vector<16xi32>], vector<16xf32>,
      %get3A_290 = arith.constant 4 : i32
      %get3A_291 = arith.index_cast %get3A_290 : i32 to index
      %get3A_292 = arith.constant 32 : index
      %get3A_293 = tpu.vector_load %arg10[%get3A_291, %get3A_292] {strides = array<i32>} : memref<8x128xi32, #tpu.memory_space<vmem>>, vector<16xi32>,
      tpu.vector_store_idx %arg13[%get3A_293], %broadcast_in_dim3A_3 {add = true} : memref<10240xf32, #tpu.memory_space<vmem>>[vector<16xi32>], vector<16xf32>,
      %get3A_294 = arith.constant 4 : i32
      %get3A_295 = arith.index_cast %get3A_294 : i32 to index
      %get3A_296 = arith.constant 48 : index
      %get3A_297 = tpu.vector_load %arg10[%get3A_295, %get3A_296] {strides = array<i32>} : memref<8x128xi32, #tpu.memory_space<vmem>>, vector<16xi32>,
      tpu.vector_store_idx %arg13[%get3A_297], %broadcast_in_dim3A_3 {add = true} : memref<10240xf32, #tpu.memory_space<vmem>>[vector<16xi32>], vector<16xf32>,
      %get3A_298 = arith.constant 4 : i32
      %get3A_299 = arith.index_cast %get3A_298 : i32 to index
      %get3A_300 = arith.constant 64 : index
      %get3A_301 = tpu.vector_load %arg10[%get3A_299, %get3A_300] {strides = array<i32>} : memref<8x128xi32, #tpu.memory_space<vmem>>, vector<16xi32>,
      tpu.vector_store_idx %arg13[%get3A_301], %broadcast_in_dim3A_3 {add = true} : memref<10240xf32, #tpu.memory_space<vmem>>[vector<16xi32>], vector<16xf32>,
      %get3A_302 = arith.constant 4 : i32
      %get3A_303 = arith.index_cast %get3A_302 : i32 to index
      %get3A_304 = arith.constant 80 : index
      %get3A_305 = tpu.vector_load %arg10[%get3A_303, %get3A_304] {strides = array<i32>} : memref<8x128xi32, #tpu.memory_space<vmem>>, vector<16xi32>,
      tpu.vector_store_idx %arg13[%get3A_305], %broadcast_in_dim3A_3 {add = true} : memref<10240xf32, #tpu.memory_space<vmem>>[vector<16xi32>], vector<16xf32>,
      %get3A_306 = arith.constant 4 : i32
      %get3A_307 = arith.index_cast %get3A_306 : i32 to index
      %get3A_308 = arith.constant 96 : index
      %get3A_309 = tpu.vector_load %arg10[%get3A_307, %get3A_308] {strides = array<i32>} : memref<8x128xi32, #tpu.memory_space<vmem>>, vector<16xi32>,
      tpu.vector_store_idx %arg13[%get3A_309], %broadcast_in_dim3A_3 {add = true} : memref<10240xf32, #tpu.memory_space<vmem>>[vector<16xi32>], vector<16xf32>,
      %get3A_310 = arith.constant 4 : i32
      %get3A_311 = arith.index_cast %get3A_310 : i32 to index
      %get3A_312 = arith.constant 112 : index
      %get3A_313 = tpu.vector_load %arg10[%get3A_311, %get3A_312] {strides = array<i32>} : memref<8x128xi32, #tpu.memory_space<vmem>>, vector<16xi32>,
      tpu.vector_store_idx %arg13[%get3A_313], %broadcast_in_dim3A_3 {add = true} : memref<10240xf32, #tpu.memory_space<vmem>>[vector<16xi32>], vector<16xf32>,
      %dma_wait3A_314 = arith.constant 4 : i32
      %dma_wait3A_315 = arith.constant 0 : i32
      %dma_wait3A_316 = tpu.memref_slice %arg9[%dma_wait3A_314, %dma_wait3A_315] : memref<8x128xi32, #tpu.memory_space<vmem>> -> memref<1x128xi32, #tpu.memory_space<vmem>>
      %dma_wait3A_317 = tpu.memref_squeeze %dma_wait3A_316 : memref<1x128xi32, #tpu.memory_space<vmem>> -> memref<128xi32, #tpu.memory_space<vmem>>
      %dma_wait3A_318 = arith.constant 0 : i32
      %dma_wait3A_319 = arith.constant 0 : i32
      %dma_wait3A_320 = tpu.memref_slice %arg2[%dma_wait3A_318, %dma_wait3A_319] : memref<10240x128xf32, #tpu.memory_space<hbm>> -> memref<10240x128xf32, #tpu.memory_space<hbm>>
      tpu.wait_indirect_dma semaphore(%arg15 : memref<!tpu.dma_semaphore, #tpu.memory_space<semaphore_mem>>) src(%dma_wait3A_320 : memref<10240x128xf32, #tpu.memory_space<hbm>>) dst(%arg11 : memref<128x128xf32, #tpu.memory_space<vmem>>)
      %dma_start3A_321 = arith.constant 4 : i32
      %dma_start3A_322 = arith.constant 0 : i32
      %dma_start3A_323 = tpu.memref_slice %arg10[%dma_start3A_321, %dma_start3A_322] : memref<8x128xi32, #tpu.memory_space<vmem>> -> memref<1x128xi32, #tpu.memory_space<vmem>>
      %dma_start3A_324 = tpu.memref_squeeze %dma_start3A_323 : memref<1x128xi32, #tpu.memory_space<vmem>> -> memref<128xi32, #tpu.memory_space<vmem>>
      %dma_start3A_325 = arith.constant 0 : i32
      %dma_start3A_326 = arith.constant 0 : i32
      %dma_start3A_327 = tpu.memref_slice %arg14[%dma_start3A_325, %dma_start3A_326] : memref<10240x128xf32, #tpu.memory_space<vmem_shared>> -> memref<10240x128xf32, #tpu.memory_space<vmem_shared>>
      tpu.enqueue_indirect_dma source(%arg11 : memref<128x128xf32, #tpu.memory_space<vmem>>) target(%dma_start3A_327 : memref<10240x128xf32, #tpu.memory_space<vmem_shared>>) offsets(%dma_start3A_324 : memref<128xi32, #tpu.memory_space<vmem>>) semaphore(%arg17 : memref<!tpu.dma_semaphore, #tpu.memory_space<semaphore_mem>>) {add = true}
      %dma_wait3A_328 = arith.constant 4 : i32
      %dma_wait3A_329 = arith.constant 0 : i32
      %dma_wait3A_330 = tpu.memref_slice %arg10[%dma_wait3A_328, %dma_wait3A_329] : memref<8x128xi32, #tpu.memory_space<vmem>> -> memref<1x128xi32, #tpu.memory_space<vmem>>
      %dma_wait3A_331 = tpu.memref_squeeze %dma_wait3A_330 : memref<1x128xi32, #tpu.memory_space<vmem>> -> memref<128xi32, #tpu.memory_space<vmem>>
      %dma_wait3A_332 = arith.constant 0 : i32
      %dma_wait3A_333 = arith.constant 0 : i32
      %dma_wait3A_334 = tpu.memref_slice %arg14[%dma_wait3A_332, %dma_wait3A_333] : memref<10240x128xf32, #tpu.memory_space<vmem_shared>> -> memref<10240x128xf32, #tpu.memory_space<vmem_shared>>
      tpu.wait_indirect_dma semaphore(%arg17 : memref<!tpu.dma_semaphore, #tpu.memory_space<semaphore_mem>>) src(%arg11 : memref<128x128xf32, #tpu.memory_space<vmem>>) dst(%dma_wait3A_334 : memref<10240x128xf32, #tpu.memory_space<vmem_shared>>)
      %dma_start3A_335 = arith.constant 6 : i32
      %dma_start3A_336 = arith.constant 0 : i32
      %dma_start3A_337 = tpu.memref_slice %arg9[%dma_start3A_335, %dma_start3A_336] : memref<8x128xi32, #tpu.memory_space<vmem>> -> memref<1x128xi32, #tpu.memory_space<vmem>>
      %dma_start3A_338 = tpu.memref_squeeze %dma_start3A_337 : memref<1x128xi32, #tpu.memory_space<vmem>> -> memref<128xi32, #tpu.memory_space<vmem>>
      %dma_start3A_339 = arith.constant 0 : i32
      %dma_start3A_340 = arith.constant 0 : i32
      %dma_start3A_341 = tpu.memref_slice %arg2[%dma_start3A_339, %dma_start3A_340] : memref<10240x128xf32, #tpu.memory_space<hbm>> -> memref<10240x128xf32, #tpu.memory_space<hbm>>
      tpu.enqueue_indirect_dma source(%dma_start3A_341 : memref<10240x128xf32, #tpu.memory_space<hbm>>) target(%arg11 : memref<128x128xf32, #tpu.memory_space<vmem>>) offsets(%dma_start3A_338 : memref<128xi32, #tpu.memory_space<vmem>>) semaphore(%arg15 : memref<!tpu.dma_semaphore, #tpu.memory_space<semaphore_mem>>)
      %get3A_342 = arith.constant 5 : i32
      %get3A_343 = arith.index_cast %get3A_342 : i32 to index
      %get3A_344 = arith.constant 0 : index
      %get3A_345 = tpu.vector_load %arg10[%get3A_343, %get3A_344] {strides = array<i32>} : memref<8x128xi32, #tpu.memory_space<vmem>>, vector<16xi32>,
      tpu.vector_store_idx %arg13[%get3A_345], %broadcast_in_dim3A_3 {add = true} : memref<10240xf32, #tpu.memory_space<vmem>>[vector<16xi32>], vector<16xf32>,
      %get3A_346 = arith.constant 5 : i32
      %get3A_347 = arith.index_cast %get3A_346 : i32 to index
      %get3A_348 = arith.constant 16 : index
      %get3A_349 = tpu.vector_load %arg10[%get3A_347, %get3A_348] {strides = array<i32>} : memref<8x128xi32, #tpu.memory_space<vmem>>, vector<16xi32>,
      tpu.vector_store_idx %arg13[%get3A_349], %broadcast_in_dim3A_3 {add = true} : memref<10240xf32, #tpu.memory_space<vmem>>[vector<16xi32>], vector<16xf32>,
      %get3A_350 = arith.constant 5 : i32
      %get3A_351 = arith.index_cast %get3A_350 : i32 to index
      %get3A_352 = arith.constant 32 : index
      %get3A_353 = tpu.vector_load %arg10[%get3A_351, %get3A_352] {strides = array<i32>} : memref<8x128xi32, #tpu.memory_space<vmem>>, vector<16xi32>,
      tpu.vector_store_idx %arg13[%get3A_353], %broadcast_in_dim3A_3 {add = true} : memref<10240xf32, #tpu.memory_space<vmem>>[vector<16xi32>], vector<16xf32>,
      %get3A_354 = arith.constant 5 : i32
      %get3A_355 = arith.index_cast %get3A_354 : i32 to index
      %get3A_356 = arith.constant 48 : index
      %get3A_357 = tpu.vector_load %arg10[%get3A_355, %get3A_356] {strides = array<i32>} : memref<8x128xi32, #tpu.memory_space<vmem>>, vector<16xi32>,
      tpu.vector_store_idx %arg13[%get3A_357], %broadcast_in_dim3A_3 {add = true} : memref<10240xf32, #tpu.memory_space<vmem>>[vector<16xi32>], vector<16xf32>,
      %get3A_358 = arith.constant 5 : i32
      %get3A_359 = arith.index_cast %get3A_358 : i32 to index
      %get3A_360 = arith.constant 64 : index
      %get3A_361 = tpu.vector_load %arg10[%get3A_359, %get3A_360] {strides = array<i32>} : memref<8x128xi32, #tpu.memory_space<vmem>>, vector<16xi32>,
      tpu.vector_store_idx %arg13[%get3A_361], %broadcast_in_dim3A_3 {add = true} : memref<10240xf32, #tpu.memory_space<vmem>>[vector<16xi32>], vector<16xf32>,
      %get3A_362 = arith.constant 5 : i32
      %get3A_363 = arith.index_cast %get3A_362 : i32 to index
      %get3A_364 = arith.constant 80 : index
      %get3A_365 = tpu.vector_load %arg10[%get3A_363, %get3A_364] {strides = array<i32>} : memref<8x128xi32, #tpu.memory_space<vmem>>, vector<16xi32>,
      tpu.vector_store_idx %arg13[%get3A_365], %broadcast_in_dim3A_3 {add = true} : memref<10240xf32, #tpu.memory_space<vmem>>[vector<16xi32>], vector<16xf32>,
      %get3A_366 = arith.constant 5 : i32
      %get3A_367 = arith.index_cast %get3A_366 : i32 to index
      %get3A_368 = arith.constant 96 : index
      %get3A_369 = tpu.vector_load %arg10[%get3A_367, %get3A_368] {strides = array<i32>} : memref<8x128xi32, #tpu.memory_space<vmem>>, vector<16xi32>,
      tpu.vector_store_idx %arg13[%get3A_369], %broadcast_in_dim3A_3 {add = true} : memref<10240xf32, #tpu.memory_space<vmem>>[vector<16xi32>], vector<16xf32>,
      %get3A_370 = arith.constant 5 : i32
      %get3A_371 = arith.index_cast %get3A_370 : i32 to index
      %get3A_372 = arith.constant 112 : index
      %get3A_373 = tpu.vector_load %arg10[%get3A_371, %get3A_372] {strides = array<i32>} : memref<8x128xi32, #tpu.memory_space<vmem>>, vector<16xi32>,
      tpu.vector_store_idx %arg13[%get3A_373], %broadcast_in_dim3A_3 {add = true} : memref<10240xf32, #tpu.memory_space<vmem>>[vector<16xi32>], vector<16xf32>,
      %dma_wait3A_374 = arith.constant 5 : i32
      %dma_wait3A_375 = arith.constant 0 : i32
      %dma_wait3A_376 = tpu.memref_slice %arg9[%dma_wait3A_374, %dma_wait3A_375] : memref<8x128xi32, #tpu.memory_space<vmem>> -> memref<1x128xi32, #tpu.memory_space<vmem>>
      %dma_wait3A_377 = tpu.memref_squeeze %dma_wait3A_376 : memref<1x128xi32, #tpu.memory_space<vmem>> -> memref<128xi32, #tpu.memory_space<vmem>>
      %dma_wait3A_378 = arith.constant 0 : i32
      %dma_wait3A_379 = arith.constant 0 : i32
      %dma_wait3A_380 = tpu.memref_slice %arg2[%dma_wait3A_378, %dma_wait3A_379] : memref<10240x128xf32, #tpu.memory_space<hbm>> -> memref<10240x128xf32, #tpu.memory_space<hbm>>
      tpu.wait_indirect_dma semaphore(%arg16 : memref<!tpu.dma_semaphore, #tpu.memory_space<semaphore_mem>>) src(%dma_wait3A_380 : memref<10240x128xf32, #tpu.memory_space<hbm>>) dst(%arg12 : memref<128x128xf32, #tpu.memory_space<vmem>>)
      %dma_start3A_381 = arith.constant 5 : i32
      %dma_start3A_382 = arith.constant 0 : i32
      %dma_start3A_383 = tpu.memref_slice %arg10[%dma_start3A_381, %dma_start3A_382] : memref<8x128xi32, #tpu.memory_space<vmem>> -> memref<1x128xi32, #tpu.memory_space<vmem>>
      %dma_start3A_384 = tpu.memref_squeeze %dma_start3A_383 : memref<1x128xi32, #tpu.memory_space<vmem>> -> memref<128xi32, #tpu.memory_space<vmem>>
      %dma_start3A_385 = arith.constant 0 : i32
      %dma_start3A_386 = arith.constant 0 : i32
      %dma_start3A_387 = tpu.memref_slice %arg14[%dma_start3A_385, %dma_start3A_386] : memref<10240x128xf32, #tpu.memory_space<vmem_shared>> -> memref<10240x128xf32, #tpu.memory_space<vmem_shared>>
      tpu.enqueue_indirect_dma source(%arg12 : memref<128x128xf32, #tpu.memory_space<vmem>>) target(%dma_start3A_387 : memref<10240x128xf32, #tpu.memory_space<vmem_shared>>) offsets(%dma_start3A_384 : memref<128xi32, #tpu.memory_space<vmem>>) semaphore(%arg18 : memref<!tpu.dma_semaphore, #tpu.memory_space<semaphore_mem>>) {add = true}
      %dma_wait3A_388 = arith.constant 5 : i32
      %dma_wait3A_389 = arith.constant 0 : i32
      %dma_wait3A_390 = tpu.memref_slice %arg10[%dma_wait3A_388, %dma_wait3A_389] : memref<8x128xi32, #tpu.memory_space<vmem>> -> memref<1x128xi32, #tpu.memory_space<vmem>>
      %dma_wait3A_391 = tpu.memref_squeeze %dma_wait3A_390 : memref<1x128xi32, #tpu.memory_space<vmem>> -> memref<128xi32, #tpu.memory_space<vmem>>
      %dma_wait3A_392 = arith.constant 0 : i32
      %dma_wait3A_393 = arith.constant 0 : i32
      %dma_wait3A_394 = tpu.memref_slice %arg14[%dma_wait3A_392, %dma_wait3A_393] : memref<10240x128xf32, #tpu.memory_space<vmem_shared>> -> memref<10240x128xf32, #tpu.memory_space<vmem_shared>>
      tpu.wait_indirect_dma semaphore(%arg18 : memref<!tpu.dma_semaphore, #tpu.memory_space<semaphore_mem>>) src(%arg12 : memref<128x128xf32, #tpu.memory_space<vmem>>) dst(%dma_wait3A_394 : memref<10240x128xf32, #tpu.memory_space<vmem_shared>>)
      %dma_start3A_395 = arith.constant 7 : i32
      %dma_start3A_396 = arith.constant 0 : i32
      %dma_start3A_397 = tpu.memref_slice %arg9[%dma_start3A_395, %dma_start3A_396] : memref<8x128xi32, #tpu.memory_space<vmem>> -> memref<1x128xi32, #tpu.memory_space<vmem>>
      %dma_start3A_398 = tpu.memref_squeeze %dma_start3A_397 : memref<1x128xi32, #tpu.memory_space<vmem>> -> memref<128xi32, #tpu.memory_space<vmem>>
      %dma_start3A_399 = arith.constant 0 : i32
      %dma_start3A_400 = arith.constant 0 : i32
      %dma_start3A_401 = tpu.memref_slice %arg2[%dma_start3A_399, %dma_start3A_400] : memref<10240x128xf32, #tpu.memory_space<hbm>> -> memref<10240x128xf32, #tpu.memory_space<hbm>>
      tpu.enqueue_indirect_dma source(%dma_start3A_401 : memref<10240x128xf32, #tpu.memory_space<hbm>>) target(%arg12 : memref<128x128xf32, #tpu.memory_space<vmem>>) offsets(%dma_start3A_398 : memref<128xi32, #tpu.memory_space<vmem>>) semaphore(%arg16 : memref<!tpu.dma_semaphore, #tpu.memory_space<semaphore_mem>>)
      %get3A_402 = arith.constant 6 : i32
      %get3A_403 = arith.index_cast %get3A_402 : i32 to index
      %get3A_404 = arith.constant 0 : index
      %get3A_405 = tpu.vector_load %arg10[%get3A_403, %get3A_404] {strides = array<i32>} : memref<8x128xi32, #tpu.memory_space<vmem>>, vector<16xi32>,
      tpu.vector_store_idx %arg13[%get3A_405], %broadcast_in_dim3A_3 {add = true} : memref<10240xf32, #tpu.memory_space<vmem>>[vector<16xi32>], vector<16xf32>,
      %get3A_406 = arith.constant 6 : i32
      %get3A_407 = arith.index_cast %get3A_406 : i32 to index
      %get3A_408 = arith.constant 16 : index
      %get3A_409 = tpu.vector_load %arg10[%get3A_407, %get3A_408] {strides = array<i32>} : memref<8x128xi32, #tpu.memory_space<vmem>>, vector<16xi32>,
      tpu.vector_store_idx %arg13[%get3A_409], %broadcast_in_dim3A_3 {add = true} : memref<10240xf32, #tpu.memory_space<vmem>>[vector<16xi32>], vector<16xf32>,
      %get3A_410 = arith.constant 6 : i32
      %get3A_411 = arith.index_cast %get3A_410 : i32 to index
      %get3A_412 = arith.constant 32 : index
      %get3A_413 = tpu.vector_load %arg10[%get3A_411, %get3A_412] {strides = array<i32>} : memref<8x128xi32, #tpu.memory_space<vmem>>, vector<16xi32>,
      tpu.vector_store_idx %arg13[%get3A_413], %broadcast_in_dim3A_3 {add = true} : memref<10240xf32, #tpu.memory_space<vmem>>[vector<16xi32>], vector<16xf32>,
      %get3A_414 = arith.constant 6 : i32
      %get3A_415 = arith.index_cast %get3A_414 : i32 to index
      %get3A_416 = arith.constant 48 : index
      %get3A_417 = tpu.vector_load %arg10[%get3A_415, %get3A_416] {strides = array<i32>} : memref<8x128xi32, #tpu.memory_space<vmem>>, vector<16xi32>,
      tpu.vector_store_idx %arg13[%get3A_417], %broadcast_in_dim3A_3 {add = true} : memref<10240xf32, #tpu.memory_space<vmem>>[vector<16xi32>], vector<16xf32>,
      %get3A_418 = arith.constant 6 : i32
      %get3A_419 = arith.index_cast %get3A_418 : i32 to index
      %get3A_420 = arith.constant 64 : index
      %get3A_421 = tpu.vector_load %arg10[%get3A_419, %get3A_420] {strides = array<i32>} : memref<8x128xi32, #tpu.memory_space<vmem>>, vector<16xi32>,
      tpu.vector_store_idx %arg13[%get3A_421], %broadcast_in_dim3A_3 {add = true} : memref<10240xf32, #tpu.memory_space<vmem>>[vector<16xi32>], vector<16xf32>,
      %get3A_422 = arith.constant 6 : i32
      %get3A_423 = arith.index_cast %get3A_422 : i32 to index
      %get3A_424 = arith.constant 80 : index
      %get3A_425 = tpu.vector_load %arg10[%get3A_423, %get3A_424] {strides = array<i32>} : memref<8x128xi32, #tpu.memory_space<vmem>>, vector<16xi32>,
      tpu.vector_store_idx %arg13[%get3A_425], %broadcast_in_dim3A_3 {add = true} : memref<10240xf32, #tpu.memory_space<vmem>>[vector<16xi32>], vector<16xf32>,
      %get3A_426 = arith.constant 6 : i32
      %get3A_427 = arith.index_cast %get3A_426 : i32 to index
      %get3A_428 = arith.constant 96 : index
      %get3A_429 = tpu.vector_load %arg10[%get3A_427, %get3A_428] {strides = array<i32>} : memref<8x128xi32, #tpu.memory_space<vmem>>, vector<16xi32>,
      tpu.vector_store_idx %arg13[%get3A_429], %broadcast_in_dim3A_3 {add = true} : memref<10240xf32, #tpu.memory_space<vmem>>[vector<16xi32>], vector<16xf32>,
      %get3A_430 = arith.constant 6 : i32
      %get3A_431 = arith.index_cast %get3A_430 : i32 to index
      %get3A_432 = arith.constant 112 : index
      %get3A_433 = tpu.vector_load %arg10[%get3A_431, %get3A_432] {strides = array<i32>} : memref<8x128xi32, #tpu.memory_space<vmem>>, vector<16xi32>,
      tpu.vector_store_idx %arg13[%get3A_433], %broadcast_in_dim3A_3 {add = true} : memref<10240xf32, #tpu.memory_space<vmem>>[vector<16xi32>], vector<16xf32>,
      %dma_wait3A_434 = arith.constant 6 : i32
      %dma_wait3A_435 = arith.constant 0 : i32
      %dma_wait3A_436 = tpu.memref_slice %arg9[%dma_wait3A_434, %dma_wait3A_435] : memref<8x128xi32, #tpu.memory_space<vmem>> -> memref<1x128xi32, #tpu.memory_space<vmem>>
      %dma_wait3A_437 = tpu.memref_squeeze %dma_wait3A_436 : memref<1x128xi32, #tpu.memory_space<vmem>> -> memref<128xi32, #tpu.memory_space<vmem>>
      %dma_wait3A_438 = arith.constant 0 : i32
      %dma_wait3A_439 = arith.constant 0 : i32
      %dma_wait3A_440 = tpu.memref_slice %arg2[%dma_wait3A_438, %dma_wait3A_439] : memref<10240x128xf32, #tpu.memory_space<hbm>> -> memref<10240x128xf32, #tpu.memory_space<hbm>>
      tpu.wait_indirect_dma semaphore(%arg15 : memref<!tpu.dma_semaphore, #tpu.memory_space<semaphore_mem>>) src(%dma_wait3A_440 : memref<10240x128xf32, #tpu.memory_space<hbm>>) dst(%arg11 : memref<128x128xf32, #tpu.memory_space<vmem>>)
      %dma_start3A_441 = arith.constant 6 : i32
      %dma_start3A_442 = arith.constant 0 : i32
      %dma_start3A_443 = tpu.memref_slice %arg10[%dma_start3A_441, %dma_start3A_442] : memref<8x128xi32, #tpu.memory_space<vmem>> -> memref<1x128xi32, #tpu.memory_space<vmem>>
      %dma_start3A_444 = tpu.memref_squeeze %dma_start3A_443 : memref<1x128xi32, #tpu.memory_space<vmem>> -> memref<128xi32, #tpu.memory_space<vmem>>
      %dma_start3A_445 = arith.constant 0 : i32
      %dma_start3A_446 = arith.constant 0 : i32
      %dma_start3A_447 = tpu.memref_slice %arg14[%dma_start3A_445, %dma_start3A_446] : memref<10240x128xf32, #tpu.memory_space<vmem_shared>> -> memref<10240x128xf32, #tpu.memory_space<vmem_shared>>
      tpu.enqueue_indirect_dma source(%arg11 : memref<128x128xf32, #tpu.memory_space<vmem>>) target(%dma_start3A_447 : memref<10240x128xf32, #tpu.memory_space<vmem_shared>>) offsets(%dma_start3A_444 : memref<128xi32, #tpu.memory_space<vmem>>) semaphore(%arg17 : memref<!tpu.dma_semaphore, #tpu.memory_space<semaphore_mem>>) {add = true}
      %get3A_448 = arith.constant 7 : i32
      %get3A_449 = arith.index_cast %get3A_448 : i32 to index
      %get3A_450 = arith.constant 0 : index
      %get3A_451 = tpu.vector_load %arg10[%get3A_449, %get3A_450] {strides = array<i32>} : memref<8x128xi32, #tpu.memory_space<vmem>>, vector<16xi32>,
      tpu.vector_store_idx %arg13[%get3A_451], %broadcast_in_dim3A_3 {add = true} : memref<10240xf32, #tpu.memory_space<vmem>>[vector<16xi32>], vector<16xf32>,
      %get3A_452 = arith.constant 7 : i32
      %get3A_453 = arith.index_cast %get3A_452 : i32 to index
      %get3A_454 = arith.constant 16 : index
      %get3A_455 = tpu.vector_load %arg10[%get3A_453, %get3A_454] {strides = array<i32>} : memref<8x128xi32, #tpu.memory_space<vmem>>, vector<16xi32>,
      tpu.vector_store_idx %arg13[%get3A_455], %broadcast_in_dim3A_3 {add = true} : memref<10240xf32, #tpu.memory_space<vmem>>[vector<16xi32>], vector<16xf32>,
      %get3A_456 = arith.constant 7 : i32
      %get3A_457 = arith.index_cast %get3A_456 : i32 to index
      %get3A_458 = arith.constant 32 : index
      %get3A_459 = tpu.vector_load %arg10[%get3A_457, %get3A_458] {strides = array<i32>} : memref<8x128xi32, #tpu.memory_space<vmem>>, vector<16xi32>,
      tpu.vector_store_idx %arg13[%get3A_459], %broadcast_in_dim3A_3 {add = true} : memref<10240xf32, #tpu.memory_space<vmem>>[vector<16xi32>], vector<16xf32>,
      %get3A_460 = arith.constant 7 : i32
      %get3A_461 = arith.index_cast %get3A_460 : i32 to index
      %get3A_462 = arith.constant 48 : index
      %get3A_463 = tpu.vector_load %arg10[%get3A_461, %get3A_462] {strides = array<i32>} : memref<8x128xi32, #tpu.memory_space<vmem>>, vector<16xi32>,
      tpu.vector_store_idx %arg13[%get3A_463], %broadcast_in_dim3A_3 {add = true} : memref<10240xf32, #tpu.memory_space<vmem>>[vector<16xi32>], vector<16xf32>,
      %get3A_464 = arith.constant 7 : i32
      %get3A_465 = arith.index_cast %get3A_464 : i32 to index
      %get3A_466 = arith.constant 64 : index
      %get3A_467 = tpu.vector_load %arg10[%get3A_465, %get3A_466] {strides = array<i32>} : memref<8x128xi32, #tpu.memory_space<vmem>>, vector<16xi32>,
      tpu.vector_store_idx %arg13[%get3A_467], %broadcast_in_dim3A_3 {add = true} : memref<10240xf32, #tpu.memory_space<vmem>>[vector<16xi32>], vector<16xf32>,
      %get3A_468 = arith.constant 7 : i32
      %get3A_469 = arith.index_cast %get3A_468 : i32 to index
      %get3A_470 = arith.constant 80 : index
      %get3A_471 = tpu.vector_load %arg10[%get3A_469, %get3A_470] {strides = array<i32>} : memref<8x128xi32, #tpu.memory_space<vmem>>, vector<16xi32>,
      tpu.vector_store_idx %arg13[%get3A_471], %broadcast_in_dim3A_3 {add = true} : memref<10240xf32, #tpu.memory_space<vmem>>[vector<16xi32>], vector<16xf32>,
      %get3A_472 = arith.constant 7 : i32
      %get3A_473 = arith.index_cast %get3A_472 : i32 to index
      %get3A_474 = arith.constant 96 : index
      %get3A_475 = tpu.vector_load %arg10[%get3A_473, %get3A_474] {strides = array<i32>} : memref<8x128xi32, #tpu.memory_space<vmem>>, vector<16xi32>,
      tpu.vector_store_idx %arg13[%get3A_475], %broadcast_in_dim3A_3 {add = true} : memref<10240xf32, #tpu.memory_space<vmem>>[vector<16xi32>], vector<16xf32>,
      %get3A_476 = arith.constant 7 : i32
      %get3A_477 = arith.index_cast %get3A_476 : i32 to index
      %get3A_478 = arith.constant 112 : index
      %get3A_479 = tpu.vector_load %arg10[%get3A_477, %get3A_478] {strides = array<i32>} : memref<8x128xi32, #tpu.memory_space<vmem>>, vector<16xi32>,
      tpu.vector_store_idx %arg13[%get3A_479], %broadcast_in_dim3A_3 {add = true} : memref<10240xf32, #tpu.memory_space<vmem>>[vector<16xi32>], vector<16xf32>,
      %dma_wait3A_480 = arith.constant 7 : i32
      %dma_wait3A_481 = arith.constant 0 : i32
      %dma_wait3A_482 = tpu.memref_slice %arg9[%dma_wait3A_480, %dma_wait3A_481] : memref<8x128xi32, #tpu.memory_space<vmem>> -> memref<1x128xi32, #tpu.memory_space<vmem>>
      %dma_wait3A_483 = tpu.memref_squeeze %dma_wait3A_482 : memref<1x128xi32, #tpu.memory_space<vmem>> -> memref<128xi32, #tpu.memory_space<vmem>>
      %dma_wait3A_484 = arith.constant 0 : i32
      %dma_wait3A_485 = arith.constant 0 : i32
      %dma_wait3A_486 = tpu.memref_slice %arg2[%dma_wait3A_484, %dma_wait3A_485] : memref<10240x128xf32, #tpu.memory_space<hbm>> -> memref<10240x128xf32, #tpu.memory_space<hbm>>
      tpu.wait_indirect_dma semaphore(%arg16 : memref<!tpu.dma_semaphore, #tpu.memory_space<semaphore_mem>>) src(%dma_wait3A_486 : memref<10240x128xf32, #tpu.memory_space<hbm>>) dst(%arg12 : memref<128x128xf32, #tpu.memory_space<vmem>>)
      %dma_start3A_487 = arith.constant 7 : i32
      %dma_start3A_488 = arith.constant 0 : i32
      %dma_start3A_489 = tpu.memref_slice %arg10[%dma_start3A_487, %dma_start3A_488] : memref<8x128xi32, #tpu.memory_space<vmem>> -> memref<1x128xi32, #tpu.memory_space<vmem>>
      %dma_start3A_490 = tpu.memref_squeeze %dma_start3A_489 : memref<1x128xi32, #tpu.memory_space<vmem>> -> memref<128xi32, #tpu.memory_space<vmem>>
      %dma_start3A_491 = arith.constant 0 : i32
      %dma_start3A_492 = arith.constant 0 : i32
      %dma_start3A_493 = tpu.memref_slice %arg14[%dma_start3A_491, %dma_start3A_492] : memref<10240x128xf32, #tpu.memory_space<vmem_shared>> -> memref<10240x128xf32, #tpu.memory_space<vmem_shared>>
      tpu.enqueue_indirect_dma source(%arg12 : memref<128x128xf32, #tpu.memory_space<vmem>>) target(%dma_start3A_493 : memref<10240x128xf32, #tpu.memory_space<vmem_shared>>) offsets(%dma_start3A_490 : memref<128xi32, #tpu.memory_space<vmem>>) semaphore(%arg18 : memref<!tpu.dma_semaphore, #tpu.memory_space<semaphore_mem>>) {add = true}
      %dma_wait3A_494 = arith.constant 6 : i32
      %dma_wait3A_495 = arith.constant 0 : i32
      %dma_wait3A_496 = tpu.memref_slice %arg10[%dma_wait3A_494, %dma_wait3A_495] : memref<8x128xi32, #tpu.memory_space<vmem>> -> memref<1x128xi32, #tpu.memory_space<vmem>>
      %dma_wait3A_497 = tpu.memref_squeeze %dma_wait3A_496 : memref<1x128xi32, #tpu.memory_space<vmem>> -> memref<128xi32, #tpu.memory_space<vmem>>
      %dma_wait3A_498 = arith.constant 0 : i32
      %dma_wait3A_499 = arith.constant 0 : i32
      %dma_wait3A_500 = tpu.memref_slice %arg14[%dma_wait3A_498, %dma_wait3A_499] : memref<10240x128xf32, #tpu.memory_space<vmem_shared>> -> memref<10240x128xf32, #tpu.memory_space<vmem_shared>>
      tpu.wait_indirect_dma semaphore(%arg17 : memref<!tpu.dma_semaphore, #tpu.memory_space<semaphore_mem>>) src(%arg11 : memref<128x128xf32, #tpu.memory_space<vmem>>) dst(%dma_wait3A_500 : memref<10240x128xf32, #tpu.memory_space<vmem_shared>>)
      %dma_wait3A_501 = arith.constant 7 : i32
      %dma_wait3A_502 = arith.constant 0 : i32
      %dma_wait3A_503 = tpu.memref_slice %arg10[%dma_wait3A_501, %dma_wait3A_502] : memref<8x128xi32, #tpu.memory_space<vmem>> -> memref<1x128xi32, #tpu.memory_space<vmem>>
      %dma_wait3A_504 = tpu.memref_squeeze %dma_wait3A_503 : memref<1x128xi32, #tpu.memory_space<vmem>> -> memref<128xi32, #tpu.memory_space<vmem>>
      %dma_wait3A_505 = arith.constant 0 : i32
      %dma_wait3A_506 = arith.constant 0 : i32
      %dma_wait3A_507 = tpu.memref_slice %arg14[%dma_wait3A_505, %dma_wait3A_506] : memref<10240x128xf32, #tpu.memory_space<vmem_shared>> -> memref<10240x128xf32, #tpu.memory_space<vmem_shared>>
      tpu.wait_indirect_dma semaphore(%arg18 : memref<!tpu.dma_semaphore, #tpu.memory_space<semaphore_mem>>) src(%arg12 : memref<128x128xf32, #tpu.memory_space<vmem>>) dst(%dma_wait3A_507 : memref<10240x128xf32, #tpu.memory_space<vmem_shared>>)
    }
    %barrier3A_24 = arith.constant 0 : index
    tpu.barrier barrier_id(%barrier3A_24)
    "tpu.region"() ({
      %run_scoped3A = tpu.sem_alloc : memref<!tpu.dma_semaphore, #tpu.memory_space<semaphore_mem>>
      %dma_start3A = arith.constant 0 : i32
      %dma_start3A_27 = tpu.memref_slice %arg7[%arg0, %mul3A_2, %dma_start3A] : memref<2x10240x128xf32, #tpu.memory_space<hbm>> -> memref<1x640x128xf32, #tpu.memory_space<hbm>>
      %dma_start3A_28 = tpu.memref_squeeze %dma_start3A_27 : memref<1x640x128xf32, #tpu.memory_space<hbm>> -> memref<640x128xf32, #tpu.memory_space<hbm>>
      %dma_start3A_29 = arith.constant 0 : i32
      %dma_start3A_30 = tpu.memref_slice %arg14[%mul3A_2, %dma_start3A_29] : memref<10240x128xf32, #tpu.memory_space<vmem_shared>> -> memref<640x128xf32, #tpu.memory_space<vmem_shared>>
      tpu.enqueue_dma source(%dma_start3A_30 : memref<640x128xf32, #tpu.memory_space<vmem_shared>>) target(%dma_start3A_28 : memref<640x128xf32, #tpu.memory_space<hbm>>) target_semaphore(%run_scoped3A : memref<!tpu.dma_semaphore, #tpu.memory_space<semaphore_mem>>)
      %dma_wait3A = arith.constant 0 : i32
      %dma_wait3A_31 = tpu.memref_slice %arg7[%arg0, %mul3A_2, %dma_wait3A] : memref<2x10240x128xf32, #tpu.memory_space<hbm>> -> memref<1x640x128xf32, #tpu.memory_space<hbm>>
      %dma_wait3A_32 = tpu.memref_squeeze %dma_wait3A_31 : memref<1x640x128xf32, #tpu.memory_space<hbm>> -> memref<640x128xf32, #tpu.memory_space<hbm>>
      %dma_wait3A_33 = arith.constant 0 : i32
      %dma_wait3A_34 = tpu.memref_slice %arg14[%mul3A_2, %dma_wait3A_33] : memref<10240x128xf32, #tpu.memory_space<vmem_shared>> -> memref<640x128xf32, #tpu.memory_space<vmem_shared>>
      tpu.wait_dma2 semaphore(%run_scoped3A : memref<!tpu.dma_semaphore, #tpu.memory_space<semaphore_mem>>) src(%dma_wait3A_34 : memref<640x128xf32, #tpu.memory_space<vmem_shared>>) dst(%dma_wait3A_32 : memref<640x128xf32, #tpu.memory_space<hbm>>)
      tpu.yield
    }) : () -> ()
    %mul3A_25 = arith.constant 10240 : i32
    %mul3A_26 = arith.muli %add3A, %mul3A_25 : i32
    "tpu.region"() ({
      %run_scoped3A = tpu.sem_alloc : memref<!tpu.dma_semaphore, #tpu.memory_space<semaphore_mem>>
      %dma_start3A = tpu.memref_slice %arg8[%mul3A_26] : memref<327680xf32, #tpu.memory_space<hbm>> -> memref<10240xf32, #tpu.memory_space<hbm>>
      %dma_start3A_27 = tpu.memref_slice %arg8[%mul3A_26] : memref<327680xf32, #tpu.memory_space<hbm>> -> memref<10240xf32, #tpu.memory_space<hbm>>
      tpu.enqueue_dma source(%arg13 : memref<10240xf32, #tpu.memory_space<vmem>>) target(%dma_start3A_27 : memref<10240xf32, #tpu.memory_space<hbm>>) target_semaphore(%run_scoped3A : memref<!tpu.dma_semaphore, #tpu.memory_space<semaphore_mem>>)
      %dma_wait3A = tpu.memref_slice %arg8[%mul3A_26] : memref<327680xf32, #tpu.memory_space<hbm>> -> memref<10240xf32, #tpu.memory_space<hbm>>
      %dma_wait3A_28 = tpu.memref_slice %arg8[%mul3A_26] : memref<327680xf32, #tpu.memory_space<hbm>> -> memref<10240xf32, #tpu.memory_space<hbm>>
      tpu.wait_dma2 semaphore(%run_scoped3A : memref<!tpu.dma_semaphore, #tpu.memory_space<semaphore_mem>>) src(%arg13 : memref<10240xf32, #tpu.memory_space<vmem>>) dst(%dma_wait3A_28 : memref<10240xf32, #tpu.memory_space<hbm>>)
      tpu.yield
    }) : () -> ()
    return
  }
}

module attributes {stable_mosaic.version = 14 : i64} {
  func.func @_tc1_body(%arg0: i32, %arg1: memref<2x1280x128xf32, #tpu.memory_space<vmem>>, %arg2: memref<32x10x1x128xf32, #tpu.memory_space<vmem>>, %arg3: memref<1280x128xf32, #tpu.memory_space<vmem>>, %arg4: memref<128x128xf32, #tpu.memory_space<vmem>>, %arg5: memref<1x128xf32, #tpu.memory_space<vmem>>, %arg6: memref<128x128xf32, #tpu.memory_space<vmem>>, %arg7: memref<1280x128xf32, #tpu.memory_space<vmem>>) attributes {dimension_semantics = [#tpu.dimension_semantics<arbitrary>], iteration_bounds = array<i64: 8>, scalar_prefetch = 0 : i64, scratch_operands = 0 : i64, tpu.core_type = #tpu.core_type<tc>, window_params = [{transform_indices = @transform_0, window_bounds = array<i64: 2, 1280, 128>}, {transform_indices = @transform_1, window_bounds = array<i64: 32, 10, 1, 128>}, {transform_indices = @transform_2, window_bounds = array<i64: 1280, 128>}, {pipeline_mode = #tpu.pipeline_mode<synchronous>, transform_indices = @transform_3, window_bounds = array<i64: 128, 128>}, {pipeline_mode = #tpu.pipeline_mode<synchronous>, transform_indices = @transform_4, window_bounds = array<i64: 1, 128>}, {pipeline_mode = #tpu.pipeline_mode<synchronous>, transform_indices = @transform_5, window_bounds = array<i64: 128, 128>}, {transform_indices = @transform_6, window_bounds = array<i64: 1280, 128>}]} {
    %get3A = arith.constant 0 : index
    %get3A_0 = arith.constant 0 : index
    %get3A_1 = arith.constant 0 : index
    %get3A_2 = vector.load %arg1[%get3A, %get3A_0, %get3A_1] : memref<2x1280x128xf32, #tpu.memory_space<vmem>>, vector<1x1280x128xf32>
    %get3A_3 = vector.shape_cast %get3A_2 : vector<1x1280x128xf32> to vector<1280x128xf32>
    %get3A_4 = arith.constant 1 : index
    %get3A_5 = arith.constant 0 : index
    %get3A_6 = arith.constant 0 : index
    %get3A_7 = vector.load %arg1[%get3A_4, %get3A_5, %get3A_6] : memref<2x1280x128xf32, #tpu.memory_space<vmem>>, vector<1x1280x128xf32>
    %get3A_8 = vector.shape_cast %get3A_7 : vector<1x1280x128xf32> to vector<1280x128xf32>
    %add3A = arith.addf %get3A_3, %get3A_8 : vector<1280x128xf32>
    %get3A_9 = arith.constant 0 : index
    %get3A_10 = arith.constant 0 : index
    %get3A_11 = arith.constant 0 : index
    %get3A_12 = arith.constant 0 : index
    %get3A_13 = vector.load %arg2[%get3A_9, %get3A_10, %get3A_11, %get3A_12] : memref<32x10x1x128xf32, #tpu.memory_space<vmem>>, vector<32x10x1x128xf32>
    %get3A_14 = vector.shape_cast %get3A_13 : vector<32x10x1x128xf32> to vector<32x10x128xf32>
    %reduce_sum3A = arith.constant dense<0.000000e+00> : vector<10x128xf32>
    %reduce_sum3A_15 = vector.multi_reduction <add>, %get3A_14, %reduce_sum3A [0] : vector<32x10x128xf32> to vector<10x128xf32>
    %mul3A = arith.constant 1280 : i32
    %mul3A_16 = arith.muli %arg0, %mul3A : i32
    %add3A_17 = arith.constant 0 : i32
    %add3A_18 = arith.addi %mul3A_16, %add3A_17 : i32
    %iota3A = tpu.iota {dimensions = array<i32: 1>} : vector<1x128xi32>
    %iota3A_19 = vector.shape_cast %iota3A : vector<1x128xi32> to vector<128xi32>
    %add3A_20 = vector.broadcast %add3A_18 : i32 to vector<128xi32>
    %add3A_21 = arith.addi %add3A_20, %iota3A_19 : vector<128xi32>
    %slice3A = vector.extract_strided_slice %reduce_sum3A_15 {offsets = [0, 0], sizes = [1, 128], strides = [1, 1]} : vector<10x128xf32> to vector<1x128xf32>
    %squeeze3A = vector.shape_cast %slice3A : vector<1x128xf32> to vector<128xf32>
    %lt3A = arith.constant 7680 : i32
    %lt3A_22 = vector.broadcast %lt3A : i32 to vector<128xi32>
    %lt3A_23 = arith.cmpi slt, %add3A_21, %lt3A_22 : vector<128xi32>
    %jit3A = arith.constant 1.000000e+00 : f32
    %jit3A_24 = arith.constant 0.000000e+00 : f32
    %broadcast_in_dim3A = vector.broadcast %jit3A : f32 to vector<128xf32>
    %broadcast_in_dim3A_25 = vector.broadcast %jit3A_24 : f32 to vector<128xf32>
    %select_n3A = arith.select %lt3A_23, %broadcast_in_dim3A, %broadcast_in_dim3A_25 : vector<128xi1>, vector<128xf32>
    %sub3A = arith.subf %squeeze3A, %select_n3A : vector<128xf32>
    %max3A = arith.constant 1.000000e+00 : f32
    %max3A_26 = vector.broadcast %max3A : f32 to vector<128xf32>
    %max3A_27 = arith.maximumf %sub3A, %max3A_26 : vector<128xf32>
    %reshape3A = vector.shape_cast %max3A_27 : vector<128xf32> to vector<128x1xf32>
    %add3A_28 = arith.constant 128 : i32
    %add3A_29 = arith.addi %mul3A_16, %add3A_28 : i32
    %iota3A_30 = tpu.iota {dimensions = array<i32: 1>} : vector<1x128xi32>
    %iota3A_31 = vector.shape_cast %iota3A_30 : vector<1x128xi32> to vector<128xi32>
    %add3A_32 = vector.broadcast %add3A_29 : i32 to vector<128xi32>
    %add3A_33 = arith.addi %add3A_32, %iota3A_31 : vector<128xi32>
    %slice3A_34 = vector.extract_strided_slice %reduce_sum3A_15 {offsets = [1, 0], sizes = [1, 128], strides = [1, 1]} : vector<10x128xf32> to vector<1x128xf32>
    %squeeze3A_35 = vector.shape_cast %slice3A_34 : vector<1x128xf32> to vector<128xf32>
    %lt3A_36 = arith.constant 7680 : i32
    %lt3A_37 = vector.broadcast %lt3A_36 : i32 to vector<128xi32>
    %lt3A_38 = arith.cmpi slt, %add3A_33, %lt3A_37 : vector<128xi32>
    %jit3A_39 = arith.constant 1.000000e+00 : f32
    %jit3A_40 = arith.constant 0.000000e+00 : f32
    %broadcast_in_dim3A_41 = vector.broadcast %jit3A_39 : f32 to vector<128xf32>
    %broadcast_in_dim3A_42 = vector.broadcast %jit3A_40 : f32 to vector<128xf32>
    %select_n3A_43 = arith.select %lt3A_38, %broadcast_in_dim3A_41, %broadcast_in_dim3A_42 : vector<128xi1>, vector<128xf32>
    %sub3A_44 = arith.subf %squeeze3A_35, %select_n3A_43 : vector<128xf32>
    %max3A_45 = arith.constant 1.000000e+00 : f32
    %max3A_46 = vector.broadcast %max3A_45 : f32 to vector<128xf32>
    %max3A_47 = arith.maximumf %sub3A_44, %max3A_46 : vector<128xf32>
    %reshape3A_48 = vector.shape_cast %max3A_47 : vector<128xf32> to vector<128x1xf32>
    %add3A_49 = arith.constant 256 : i32
    %add3A_50 = arith.addi %mul3A_16, %add3A_49 : i32
    %iota3A_51 = tpu.iota {dimensions = array<i32: 1>} : vector<1x128xi32>
    %iota3A_52 = vector.shape_cast %iota3A_51 : vector<1x128xi32> to vector<128xi32>
    %add3A_53 = vector.broadcast %add3A_50 : i32 to vector<128xi32>
    %add3A_54 = arith.addi %add3A_53, %iota3A_52 : vector<128xi32>
    %slice3A_55 = vector.extract_strided_slice %reduce_sum3A_15 {offsets = [2, 0], sizes = [1, 128], strides = [1, 1]} : vector<10x128xf32> to vector<1x128xf32>
    %squeeze3A_56 = vector.shape_cast %slice3A_55 : vector<1x128xf32> to vector<128xf32>
    %lt3A_57 = arith.constant 7680 : i32
    %lt3A_58 = vector.broadcast %lt3A_57 : i32 to vector<128xi32>
    %lt3A_59 = arith.cmpi slt, %add3A_54, %lt3A_58 : vector<128xi32>
    %jit3A_60 = arith.constant 1.000000e+00 : f32
    %jit3A_61 = arith.constant 0.000000e+00 : f32
    %broadcast_in_dim3A_62 = vector.broadcast %jit3A_60 : f32 to vector<128xf32>
    %broadcast_in_dim3A_63 = vector.broadcast %jit3A_61 : f32 to vector<128xf32>
    %select_n3A_64 = arith.select %lt3A_59, %broadcast_in_dim3A_62, %broadcast_in_dim3A_63 : vector<128xi1>, vector<128xf32>
    %sub3A_65 = arith.subf %squeeze3A_56, %select_n3A_64 : vector<128xf32>
    %max3A_66 = arith.constant 1.000000e+00 : f32
    %max3A_67 = vector.broadcast %max3A_66 : f32 to vector<128xf32>
    %max3A_68 = arith.maximumf %sub3A_65, %max3A_67 : vector<128xf32>
    %reshape3A_69 = vector.shape_cast %max3A_68 : vector<128xf32> to vector<128x1xf32>
    %add3A_70 = arith.constant 384 : i32
    %add3A_71 = arith.addi %mul3A_16, %add3A_70 : i32
    %iota3A_72 = tpu.iota {dimensions = array<i32: 1>} : vector<1x128xi32>
    %iota3A_73 = vector.shape_cast %iota3A_72 : vector<1x128xi32> to vector<128xi32>
    %add3A_74 = vector.broadcast %add3A_71 : i32 to vector<128xi32>
    %add3A_75 = arith.addi %add3A_74, %iota3A_73 : vector<128xi32>
    %slice3A_76 = vector.extract_strided_slice %reduce_sum3A_15 {offsets = [3, 0], sizes = [1, 128], strides = [1, 1]} : vector<10x128xf32> to vector<1x128xf32>
    %squeeze3A_77 = vector.shape_cast %slice3A_76 : vector<1x128xf32> to vector<128xf32>
    %lt3A_78 = arith.constant 7680 : i32
    %lt3A_79 = vector.broadcast %lt3A_78 : i32 to vector<128xi32>
    %lt3A_80 = arith.cmpi slt, %add3A_75, %lt3A_79 : vector<128xi32>
    %jit3A_81 = arith.constant 1.000000e+00 : f32
    %jit3A_82 = arith.constant 0.000000e+00 : f32
    %broadcast_in_dim3A_83 = vector.broadcast %jit3A_81 : f32 to vector<128xf32>
    %broadcast_in_dim3A_84 = vector.broadcast %jit3A_82 : f32 to vector<128xf32>
    %select_n3A_85 = arith.select %lt3A_80, %broadcast_in_dim3A_83, %broadcast_in_dim3A_84 : vector<128xi1>, vector<128xf32>
    %sub3A_86 = arith.subf %squeeze3A_77, %select_n3A_85 : vector<128xf32>
    %max3A_87 = arith.constant 1.000000e+00 : f32
    %max3A_88 = vector.broadcast %max3A_87 : f32 to vector<128xf32>
    %max3A_89 = arith.maximumf %sub3A_86, %max3A_88 : vector<128xf32>
    %reshape3A_90 = vector.shape_cast %max3A_89 : vector<128xf32> to vector<128x1xf32>
    %add3A_91 = arith.constant 512 : i32
    %add3A_92 = arith.addi %mul3A_16, %add3A_91 : i32
    %iota3A_93 = tpu.iota {dimensions = array<i32: 1>} : vector<1x128xi32>
    %iota3A_94 = vector.shape_cast %iota3A_93 : vector<1x128xi32> to vector<128xi32>
    %add3A_95 = vector.broadcast %add3A_92 : i32 to vector<128xi32>
    %add3A_96 = arith.addi %add3A_95, %iota3A_94 : vector<128xi32>
    %slice3A_97 = vector.extract_strided_slice %reduce_sum3A_15 {offsets = [4, 0], sizes = [1, 128], strides = [1, 1]} : vector<10x128xf32> to vector<1x128xf32>
    %squeeze3A_98 = vector.shape_cast %slice3A_97 : vector<1x128xf32> to vector<128xf32>
    %lt3A_99 = arith.constant 7680 : i32
    %lt3A_100 = vector.broadcast %lt3A_99 : i32 to vector<128xi32>
    %lt3A_101 = arith.cmpi slt, %add3A_96, %lt3A_100 : vector<128xi32>
    %jit3A_102 = arith.constant 1.000000e+00 : f32
    %jit3A_103 = arith.constant 0.000000e+00 : f32
    %broadcast_in_dim3A_104 = vector.broadcast %jit3A_102 : f32 to vector<128xf32>
    %broadcast_in_dim3A_105 = vector.broadcast %jit3A_103 : f32 to vector<128xf32>
    %select_n3A_106 = arith.select %lt3A_101, %broadcast_in_dim3A_104, %broadcast_in_dim3A_105 : vector<128xi1>, vector<128xf32>
    %sub3A_107 = arith.subf %squeeze3A_98, %select_n3A_106 : vector<128xf32>
    %max3A_108 = arith.constant 1.000000e+00 : f32
    %max3A_109 = vector.broadcast %max3A_108 : f32 to vector<128xf32>
    %max3A_110 = arith.maximumf %sub3A_107, %max3A_109 : vector<128xf32>
    %reshape3A_111 = vector.shape_cast %max3A_110 : vector<128xf32> to vector<128x1xf32>
    %add3A_112 = arith.constant 640 : i32
    %add3A_113 = arith.addi %mul3A_16, %add3A_112 : i32
    %iota3A_114 = tpu.iota {dimensions = array<i32: 1>} : vector<1x128xi32>
    %iota3A_115 = vector.shape_cast %iota3A_114 : vector<1x128xi32> to vector<128xi32>
    %add3A_116 = vector.broadcast %add3A_113 : i32 to vector<128xi32>
    %add3A_117 = arith.addi %add3A_116, %iota3A_115 : vector<128xi32>
    %slice3A_118 = vector.extract_strided_slice %reduce_sum3A_15 {offsets = [5, 0], sizes = [1, 128], strides = [1, 1]} : vector<10x128xf32> to vector<1x128xf32>
    %squeeze3A_119 = vector.shape_cast %slice3A_118 : vector<1x128xf32> to vector<128xf32>
    %lt3A_120 = arith.constant 7680 : i32
    %lt3A_121 = vector.broadcast %lt3A_120 : i32 to vector<128xi32>
    %lt3A_122 = arith.cmpi slt, %add3A_117, %lt3A_121 : vector<128xi32>
    %jit3A_123 = arith.constant 1.000000e+00 : f32
    %jit3A_124 = arith.constant 0.000000e+00 : f32
    %broadcast_in_dim3A_125 = vector.broadcast %jit3A_123 : f32 to vector<128xf32>
    %broadcast_in_dim3A_126 = vector.broadcast %jit3A_124 : f32 to vector<128xf32>
    %select_n3A_127 = arith.select %lt3A_122, %broadcast_in_dim3A_125, %broadcast_in_dim3A_126 : vector<128xi1>, vector<128xf32>
    %sub3A_128 = arith.subf %squeeze3A_119, %select_n3A_127 : vector<128xf32>
    %max3A_129 = arith.constant 1.000000e+00 : f32
    %max3A_130 = vector.broadcast %max3A_129 : f32 to vector<128xf32>
    %max3A_131 = arith.maximumf %sub3A_128, %max3A_130 : vector<128xf32>
    %reshape3A_132 = vector.shape_cast %max3A_131 : vector<128xf32> to vector<128x1xf32>
    %add3A_133 = arith.constant 768 : i32
    %add3A_134 = arith.addi %mul3A_16, %add3A_133 : i32
    %iota3A_135 = tpu.iota {dimensions = array<i32: 1>} : vector<1x128xi32>
    %iota3A_136 = vector.shape_cast %iota3A_135 : vector<1x128xi32> to vector<128xi32>
    %add3A_137 = vector.broadcast %add3A_134 : i32 to vector<128xi32>
    %add3A_138 = arith.addi %add3A_137, %iota3A_136 : vector<128xi32>
    %slice3A_139 = vector.extract_strided_slice %reduce_sum3A_15 {offsets = [6, 0], sizes = [1, 128], strides = [1, 1]} : vector<10x128xf32> to vector<1x128xf32>
    %squeeze3A_140 = vector.shape_cast %slice3A_139 : vector<1x128xf32> to vector<128xf32>
    %lt3A_141 = arith.constant 7680 : i32
    %lt3A_142 = vector.broadcast %lt3A_141 : i32 to vector<128xi32>
    %lt3A_143 = arith.cmpi slt, %add3A_138, %lt3A_142 : vector<128xi32>
    %jit3A_144 = arith.constant 1.000000e+00 : f32
    %jit3A_145 = arith.constant 0.000000e+00 : f32
    %broadcast_in_dim3A_146 = vector.broadcast %jit3A_144 : f32 to vector<128xf32>
    %broadcast_in_dim3A_147 = vector.broadcast %jit3A_145 : f32 to vector<128xf32>
    %select_n3A_148 = arith.select %lt3A_143, %broadcast_in_dim3A_146, %broadcast_in_dim3A_147 : vector<128xi1>, vector<128xf32>
    %sub3A_149 = arith.subf %squeeze3A_140, %select_n3A_148 : vector<128xf32>
    %max3A_150 = arith.constant 1.000000e+00 : f32
    %max3A_151 = vector.broadcast %max3A_150 : f32 to vector<128xf32>
    %max3A_152 = arith.maximumf %sub3A_149, %max3A_151 : vector<128xf32>
    %reshape3A_153 = vector.shape_cast %max3A_152 : vector<128xf32> to vector<128x1xf32>
    %add3A_154 = arith.constant 896 : i32
    %add3A_155 = arith.addi %mul3A_16, %add3A_154 : i32
    %iota3A_156 = tpu.iota {dimensions = array<i32: 1>} : vector<1x128xi32>
    %iota3A_157 = vector.shape_cast %iota3A_156 : vector<1x128xi32> to vector<128xi32>
    %add3A_158 = vector.broadcast %add3A_155 : i32 to vector<128xi32>
    %add3A_159 = arith.addi %add3A_158, %iota3A_157 : vector<128xi32>
    %slice3A_160 = vector.extract_strided_slice %reduce_sum3A_15 {offsets = [7, 0], sizes = [1, 128], strides = [1, 1]} : vector<10x128xf32> to vector<1x128xf32>
    %squeeze3A_161 = vector.shape_cast %slice3A_160 : vector<1x128xf32> to vector<128xf32>
    %lt3A_162 = arith.constant 7680 : i32
    %lt3A_163 = vector.broadcast %lt3A_162 : i32 to vector<128xi32>
    %lt3A_164 = arith.cmpi slt, %add3A_159, %lt3A_163 : vector<128xi32>
    %jit3A_165 = arith.constant 1.000000e+00 : f32
    %jit3A_166 = arith.constant 0.000000e+00 : f32
    %broadcast_in_dim3A_167 = vector.broadcast %jit3A_165 : f32 to vector<128xf32>
    %broadcast_in_dim3A_168 = vector.broadcast %jit3A_166 : f32 to vector<128xf32>
    %select_n3A_169 = arith.select %lt3A_164, %broadcast_in_dim3A_167, %broadcast_in_dim3A_168 : vector<128xi1>, vector<128xf32>
    %sub3A_170 = arith.subf %squeeze3A_161, %select_n3A_169 : vector<128xf32>
    %max3A_171 = arith.constant 1.000000e+00 : f32
    %max3A_172 = vector.broadcast %max3A_171 : f32 to vector<128xf32>
    %max3A_173 = arith.maximumf %sub3A_170, %max3A_172 : vector<128xf32>
    %reshape3A_174 = vector.shape_cast %max3A_173 : vector<128xf32> to vector<128x1xf32>
    %add3A_175 = arith.constant 1024 : i32
    %add3A_176 = arith.addi %mul3A_16, %add3A_175 : i32
    %iota3A_177 = tpu.iota {dimensions = array<i32: 1>} : vector<1x128xi32>
    %iota3A_178 = vector.shape_cast %iota3A_177 : vector<1x128xi32> to vector<128xi32>
    %add3A_179 = vector.broadcast %add3A_176 : i32 to vector<128xi32>
    %add3A_180 = arith.addi %add3A_179, %iota3A_178 : vector<128xi32>
    %slice3A_181 = vector.extract_strided_slice %reduce_sum3A_15 {offsets = [8, 0], sizes = [1, 128], strides = [1, 1]} : vector<10x128xf32> to vector<1x128xf32>
    %squeeze3A_182 = vector.shape_cast %slice3A_181 : vector<1x128xf32> to vector<128xf32>
    %lt3A_183 = arith.constant 7680 : i32
    %lt3A_184 = vector.broadcast %lt3A_183 : i32 to vector<128xi32>
    %lt3A_185 = arith.cmpi slt, %add3A_180, %lt3A_184 : vector<128xi32>
    %jit3A_186 = arith.constant 1.000000e+00 : f32
    %jit3A_187 = arith.constant 0.000000e+00 : f32
    %broadcast_in_dim3A_188 = vector.broadcast %jit3A_186 : f32 to vector<128xf32>
    %broadcast_in_dim3A_189 = vector.broadcast %jit3A_187 : f32 to vector<128xf32>
    %select_n3A_190 = arith.select %lt3A_185, %broadcast_in_dim3A_188, %broadcast_in_dim3A_189 : vector<128xi1>, vector<128xf32>
    %sub3A_191 = arith.subf %squeeze3A_182, %select_n3A_190 : vector<128xf32>
    %max3A_192 = arith.constant 1.000000e+00 : f32
    %max3A_193 = vector.broadcast %max3A_192 : f32 to vector<128xf32>
    %max3A_194 = arith.maximumf %sub3A_191, %max3A_193 : vector<128xf32>
    %reshape3A_195 = vector.shape_cast %max3A_194 : vector<128xf32> to vector<128x1xf32>
    %add3A_196 = arith.constant 1152 : i32
    %add3A_197 = arith.addi %mul3A_16, %add3A_196 : i32
    %iota3A_198 = tpu.iota {dimensions = array<i32: 1>} : vector<1x128xi32>
    %iota3A_199 = vector.shape_cast %iota3A_198 : vector<1x128xi32> to vector<128xi32>
    %add3A_200 = vector.broadcast %add3A_197 : i32 to vector<128xi32>
    %add3A_201 = arith.addi %add3A_200, %iota3A_199 : vector<128xi32>
    %slice3A_202 = vector.extract_strided_slice %reduce_sum3A_15 {offsets = [9, 0], sizes = [1, 128], strides = [1, 1]} : vector<10x128xf32> to vector<1x128xf32>
    %squeeze3A_203 = vector.shape_cast %slice3A_202 : vector<1x128xf32> to vector<128xf32>
    %lt3A_204 = arith.constant 7680 : i32
    %lt3A_205 = vector.broadcast %lt3A_204 : i32 to vector<128xi32>
    %lt3A_206 = arith.cmpi slt, %add3A_201, %lt3A_205 : vector<128xi32>
    %jit3A_207 = arith.constant 1.000000e+00 : f32
    %jit3A_208 = arith.constant 0.000000e+00 : f32
    %broadcast_in_dim3A_209 = vector.broadcast %jit3A_207 : f32 to vector<128xf32>
    %broadcast_in_dim3A_210 = vector.broadcast %jit3A_208 : f32 to vector<128xf32>
    %select_n3A_211 = arith.select %lt3A_206, %broadcast_in_dim3A_209, %broadcast_in_dim3A_210 : vector<128xi1>, vector<128xf32>
    %sub3A_212 = arith.subf %squeeze3A_203, %select_n3A_211 : vector<128xf32>
    %max3A_213 = arith.constant 1.000000e+00 : f32
    %max3A_214 = vector.broadcast %max3A_213 : f32 to vector<128xf32>
    %max3A_215 = arith.maximumf %sub3A_212, %max3A_214 : vector<128xf32>
    %reshape3A_216 = vector.shape_cast %max3A_215 : vector<128xf32> to vector<128x1xf32>
    %concatenate3A = tpu.concatenate %reshape3A, %reshape3A_48, %reshape3A_69, %reshape3A_90, %reshape3A_111, %reshape3A_132, %reshape3A_153, %reshape3A_174, %reshape3A_195, %reshape3A_216 in 0 : vector<128x1xf32>, vector<128x1xf32>, vector<128x1xf32>, vector<128x1xf32>, vector<128x1xf32>, vector<128x1xf32>, vector<128x1xf32>, vector<128x1xf32>, vector<128x1xf32>, vector<128x1xf32> -> vector<1280x1xf32>
    %div3A = vector.broadcast %concatenate3A : vector<1280x1xf32> to vector<1280x128xf32>
    %div3A_217 = arith.divf %add3A, %div3A : vector<1280x128xf32>
    %get3A_218 = arith.constant 0 : index
    %get3A_219 = arith.constant 0 : index
    %get3A_220 = vector.load %arg4[%get3A_218, %get3A_219] : memref<128x128xf32, #tpu.memory_space<vmem>>, vector<128x128xf32>
    %dot_general3A = arith.constant dense<0.000000e+00> : vector<1280x128xf32>
    %dot_general3A_221 = tpu.matmul %div3A_217, %get3A_220, %dot_general3A {dimension_numbers = #tpu.dot_dimension_numbers<[1], [1], [0], [0], [0, 0, 1, 0], [], []>, transpose_lhs_hint = false} : vector<1280x128xf32>, vector<128x128xf32>, vector<1280x128xf32> -> vector<1280x128xf32>
    %get3A_222 = arith.constant 0 : index
    %get3A_223 = arith.constant 0 : index
    %get3A_224 = vector.load %arg5[%get3A_222, %get3A_223] : memref<1x128xf32, #tpu.memory_space<vmem>>, vector<1x128xf32>
    %add3A_225 = vector.broadcast %get3A_224 : vector<1x128xf32> to vector<1280x128xf32>
    %add3A_226 = arith.addf %dot_general3A_221, %add3A_225 : vector<1280x128xf32>
    %get3A_227 = arith.constant 0 : index
    %get3A_228 = arith.constant 0 : index
    %get3A_229 = vector.load %arg3[%get3A_227, %get3A_228] : memref<1280x128xf32, #tpu.memory_space<vmem>>, vector<1280x128xf32>
    %get3A_230 = arith.constant 0 : index
    %get3A_231 = arith.constant 0 : index
    %get3A_232 = vector.load %arg6[%get3A_230, %get3A_231] : memref<128x128xf32, #tpu.memory_space<vmem>>, vector<128x128xf32>
    %dot_general3A_233 = arith.constant dense<0.000000e+00> : vector<1280x128xf32>
    %dot_general3A_234 = tpu.matmul %get3A_229, %get3A_232, %dot_general3A_233 {dimension_numbers = #tpu.dot_dimension_numbers<[1], [1], [0], [0], [0, 0, 1, 0], [], []>, transpose_lhs_hint = false} : vector<1280x128xf32>, vector<128x128xf32>, vector<1280x128xf32> -> vector<1280x128xf32>
    %add3A_235 = arith.addf %add3A_226, %dot_general3A_234 : vector<1280x128xf32>
    %mul3A_236 = arith.constant 1280 : i32
    %mul3A_237 = arith.muli %arg0, %mul3A_236 : i32
    %iota3A_238 = tpu.iota {dimensions = array<i32: 0>} : vector<1280x1xi32>
    %add3A_239 = vector.broadcast %mul3A_237 : i32 to vector<1280x1xi32>
    %add3A_240 = arith.addi %add3A_239, %iota3A_238 : vector<1280x1xi32>
    %lt3A_241 = arith.constant 10000 : i32
    %lt3A_242 = vector.broadcast %lt3A_241 : i32 to vector<1280x1xi32>
    %lt3A_243 = arith.cmpi slt, %add3A_240, %lt3A_242 : vector<1280x1xi32>
    %max3A_244 = arith.constant 0.000000e+00 : f32
    %max3A_245 = vector.broadcast %max3A_244 : f32 to vector<1280x128xf32>
    %max3A_246 = arith.maximumf %add3A_235, %max3A_245 : vector<1280x128xf32>
    %jit3A_247 = arith.constant 0.000000e+00 : f32
    %broadcast_in_dim3A_248 = vector.shape_cast %lt3A_243 : vector<1280x1xi1> to vector<1280x1xi1>
    %broadcast_in_dim3A_249 = vector.broadcast %broadcast_in_dim3A_248 : vector<1280x1xi1> to vector<1280x128xi1>
    %broadcast_in_dim3A_250 = vector.broadcast %jit3A_247 : f32 to vector<1280x128xf32>
    %select_n3A_251 = arith.select %broadcast_in_dim3A_249, %max3A_246, %broadcast_in_dim3A_250 : vector<1280x128xi1>, vector<1280x128xf32>
    %swap3A = arith.constant 0 : index
    %swap3A_252 = arith.constant 0 : index
    %swap3A_253 = vector.load %arg7[%swap3A, %swap3A_252] : memref<1280x128xf32, #tpu.memory_space<vmem>>, vector<1280x128xf32>
    tpu.vector_store %arg7[%swap3A, %swap3A_252], %select_n3A_251 {strides = array<i32>} : memref<1280x128xf32, #tpu.memory_space<vmem>>, vector<1280x128xf32>,
    return
  }
  func.func @transform_0(%arg0: i32) -> (i32, i32, i32) {
    %c0_i32 = arith.constant 0 : i32
    %c0_i32_0 = arith.constant 0 : i32
    %c0_i32_1 = arith.constant 0 : i32
    return %c0_i32, %arg0, %c0_i32_0 : i32, i32, i32
  }
  func.func @transform_1(%arg0: i32) -> (i32, i32, i32, i32) {
    %c0_i32 = arith.constant 0 : i32
    %c0_i32_0 = arith.constant 0 : i32
    %c0_i32_1 = arith.constant 0 : i32
    %c0_i32_2 = arith.constant 0 : i32
    return %c0_i32, %arg0, %c0_i32_0, %c0_i32_1 : i32, i32, i32, i32
  }
  func.func @transform_2(%arg0: i32) -> (i32, i32) {
    %c0_i32 = arith.constant 0 : i32
    %c0_i32_0 = arith.constant 0 : i32
    return %arg0, %c0_i32 : i32, i32
  }
  func.func @transform_3(%arg0: i32) -> (i32, i32) {
    %c0_i32 = arith.constant 0 : i32
    %c0_i32_0 = arith.constant 0 : i32
    %c0_i32_1 = arith.constant 0 : i32
    return %c0_i32, %c0_i32_0 : i32, i32
  }
  func.func @transform_4(%arg0: i32) -> (i32, i32) {
    %c0_i32 = arith.constant 0 : i32
    %c0_i32_0 = arith.constant 0 : i32
    %c0_i32_1 = arith.constant 0 : i32
    return %c0_i32, %c0_i32_0 : i32, i32
  }
  func.func @transform_5(%arg0: i32) -> (i32, i32) {
    %c0_i32 = arith.constant 0 : i32
    %c0_i32_0 = arith.constant 0 : i32
    %c0_i32_1 = arith.constant 0 : i32
    return %c0_i32, %c0_i32_0 : i32, i32
  }
  func.func @transform_6(%arg0: i32) -> (i32, i32) {
    %c0_i32 = arith.constant 0 : i32
    %c0_i32_0 = arith.constant 0 : i32
    return %arg0, %c0_i32 : i32, i32
  }
}

module attributes {stable_mosaic.version = 14 : i64} {
  func.func @_tc2_body(%arg0: i32, %arg1: memref<2x1280x128xf32, #tpu.memory_space<vmem>>, %arg2: memref<32x10x1x128xf32, #tpu.memory_space<vmem>>, %arg3: memref<1280x128xf32, #tpu.memory_space<vmem>>, %arg4: memref<128x128xf32, #tpu.memory_space<vmem>>, %arg5: memref<1x128xf32, #tpu.memory_space<vmem>>, %arg6: memref<128x128xf32, #tpu.memory_space<vmem>>, %arg7: memref<64x128xf32, #tpu.memory_space<vmem>>, %arg8: memref<1x64xf32, #tpu.memory_space<vmem>>, %arg9: memref<1280x64xf32, #tpu.memory_space<vmem>>) attributes {dimension_semantics = [#tpu.dimension_semantics<arbitrary>], iteration_bounds = array<i64: 8>, scalar_prefetch = 0 : i64, scratch_operands = 0 : i64, tpu.core_type = #tpu.core_type<tc>, window_params = [{transform_indices = @transform_0, window_bounds = array<i64: 2, 1280, 128>}, {transform_indices = @transform_1, window_bounds = array<i64: 32, 10, 1, 128>}, {transform_indices = @transform_2, window_bounds = array<i64: 1280, 128>}, {pipeline_mode = #tpu.pipeline_mode<synchronous>, transform_indices = @transform_3, window_bounds = array<i64: 128, 128>}, {pipeline_mode = #tpu.pipeline_mode<synchronous>, transform_indices = @transform_4, window_bounds = array<i64: 1, 128>}, {pipeline_mode = #tpu.pipeline_mode<synchronous>, transform_indices = @transform_5, window_bounds = array<i64: 128, 128>}, {pipeline_mode = #tpu.pipeline_mode<synchronous>, transform_indices = @transform_6, window_bounds = array<i64: 64, 128>}, {pipeline_mode = #tpu.pipeline_mode<synchronous>, transform_indices = @transform_7, window_bounds = array<i64: 1, 64>}, {transform_indices = @transform_8, window_bounds = array<i64: 1280, 64>}]} {
    %get3A = arith.constant 0 : index
    %get3A_0 = arith.constant 0 : index
    %get3A_1 = arith.constant 0 : index
    %get3A_2 = vector.load %arg1[%get3A, %get3A_0, %get3A_1] : memref<2x1280x128xf32, #tpu.memory_space<vmem>>, vector<1x1280x128xf32>
    %get3A_3 = vector.shape_cast %get3A_2 : vector<1x1280x128xf32> to vector<1280x128xf32>
    %get3A_4 = arith.constant 1 : index
    %get3A_5 = arith.constant 0 : index
    %get3A_6 = arith.constant 0 : index
    %get3A_7 = vector.load %arg1[%get3A_4, %get3A_5, %get3A_6] : memref<2x1280x128xf32, #tpu.memory_space<vmem>>, vector<1x1280x128xf32>
    %get3A_8 = vector.shape_cast %get3A_7 : vector<1x1280x128xf32> to vector<1280x128xf32>
    %add3A = arith.addf %get3A_3, %get3A_8 : vector<1280x128xf32>
    %get3A_9 = arith.constant 0 : index
    %get3A_10 = arith.constant 0 : index
    %get3A_11 = arith.constant 0 : index
    %get3A_12 = arith.constant 0 : index
    %get3A_13 = vector.load %arg2[%get3A_9, %get3A_10, %get3A_11, %get3A_12] : memref<32x10x1x128xf32, #tpu.memory_space<vmem>>, vector<32x10x1x128xf32>
    %get3A_14 = vector.shape_cast %get3A_13 : vector<32x10x1x128xf32> to vector<32x10x128xf32>
    %reduce_sum3A = arith.constant dense<0.000000e+00> : vector<10x128xf32>
    %reduce_sum3A_15 = vector.multi_reduction <add>, %get3A_14, %reduce_sum3A [0] : vector<32x10x128xf32> to vector<10x128xf32>
    %mul3A = arith.constant 1280 : i32
    %mul3A_16 = arith.muli %arg0, %mul3A : i32
    %add3A_17 = arith.constant 0 : i32
    %add3A_18 = arith.addi %mul3A_16, %add3A_17 : i32
    %iota3A = tpu.iota {dimensions = array<i32: 1>} : vector<1x128xi32>
    %iota3A_19 = vector.shape_cast %iota3A : vector<1x128xi32> to vector<128xi32>
    %add3A_20 = vector.broadcast %add3A_18 : i32 to vector<128xi32>
    %add3A_21 = arith.addi %add3A_20, %iota3A_19 : vector<128xi32>
    %slice3A = vector.extract_strided_slice %reduce_sum3A_15 {offsets = [0, 0], sizes = [1, 128], strides = [1, 1]} : vector<10x128xf32> to vector<1x128xf32>
    %squeeze3A = vector.shape_cast %slice3A : vector<1x128xf32> to vector<128xf32>
    %lt3A = arith.constant 7680 : i32
    %lt3A_22 = vector.broadcast %lt3A : i32 to vector<128xi32>
    %lt3A_23 = arith.cmpi slt, %add3A_21, %lt3A_22 : vector<128xi32>
    %jit3A = arith.constant 1.000000e+00 : f32
    %jit3A_24 = arith.constant 0.000000e+00 : f32
    %broadcast_in_dim3A = vector.broadcast %jit3A : f32 to vector<128xf32>
    %broadcast_in_dim3A_25 = vector.broadcast %jit3A_24 : f32 to vector<128xf32>
    %select_n3A = arith.select %lt3A_23, %broadcast_in_dim3A, %broadcast_in_dim3A_25 : vector<128xi1>, vector<128xf32>
    %sub3A = arith.subf %squeeze3A, %select_n3A : vector<128xf32>
    %max3A = arith.constant 1.000000e+00 : f32
    %max3A_26 = vector.broadcast %max3A : f32 to vector<128xf32>
    %max3A_27 = arith.maximumf %sub3A, %max3A_26 : vector<128xf32>
    %reshape3A = vector.shape_cast %max3A_27 : vector<128xf32> to vector<128x1xf32>
    %add3A_28 = arith.constant 128 : i32
    %add3A_29 = arith.addi %mul3A_16, %add3A_28 : i32
    %iota3A_30 = tpu.iota {dimensions = array<i32: 1>} : vector<1x128xi32>
    %iota3A_31 = vector.shape_cast %iota3A_30 : vector<1x128xi32> to vector<128xi32>
    %add3A_32 = vector.broadcast %add3A_29 : i32 to vector<128xi32>
    %add3A_33 = arith.addi %add3A_32, %iota3A_31 : vector<128xi32>
    %slice3A_34 = vector.extract_strided_slice %reduce_sum3A_15 {offsets = [1, 0], sizes = [1, 128], strides = [1, 1]} : vector<10x128xf32> to vector<1x128xf32>
    %squeeze3A_35 = vector.shape_cast %slice3A_34 : vector<1x128xf32> to vector<128xf32>
    %lt3A_36 = arith.constant 7680 : i32
    %lt3A_37 = vector.broadcast %lt3A_36 : i32 to vector<128xi32>
    %lt3A_38 = arith.cmpi slt, %add3A_33, %lt3A_37 : vector<128xi32>
    %jit3A_39 = arith.constant 1.000000e+00 : f32
    %jit3A_40 = arith.constant 0.000000e+00 : f32
    %broadcast_in_dim3A_41 = vector.broadcast %jit3A_39 : f32 to vector<128xf32>
    %broadcast_in_dim3A_42 = vector.broadcast %jit3A_40 : f32 to vector<128xf32>
    %select_n3A_43 = arith.select %lt3A_38, %broadcast_in_dim3A_41, %broadcast_in_dim3A_42 : vector<128xi1>, vector<128xf32>
    %sub3A_44 = arith.subf %squeeze3A_35, %select_n3A_43 : vector<128xf32>
    %max3A_45 = arith.constant 1.000000e+00 : f32
    %max3A_46 = vector.broadcast %max3A_45 : f32 to vector<128xf32>
    %max3A_47 = arith.maximumf %sub3A_44, %max3A_46 : vector<128xf32>
    %reshape3A_48 = vector.shape_cast %max3A_47 : vector<128xf32> to vector<128x1xf32>
    %add3A_49 = arith.constant 256 : i32
    %add3A_50 = arith.addi %mul3A_16, %add3A_49 : i32
    %iota3A_51 = tpu.iota {dimensions = array<i32: 1>} : vector<1x128xi32>
    %iota3A_52 = vector.shape_cast %iota3A_51 : vector<1x128xi32> to vector<128xi32>
    %add3A_53 = vector.broadcast %add3A_50 : i32 to vector<128xi32>
    %add3A_54 = arith.addi %add3A_53, %iota3A_52 : vector<128xi32>
    %slice3A_55 = vector.extract_strided_slice %reduce_sum3A_15 {offsets = [2, 0], sizes = [1, 128], strides = [1, 1]} : vector<10x128xf32> to vector<1x128xf32>
    %squeeze3A_56 = vector.shape_cast %slice3A_55 : vector<1x128xf32> to vector<128xf32>
    %lt3A_57 = arith.constant 7680 : i32
    %lt3A_58 = vector.broadcast %lt3A_57 : i32 to vector<128xi32>
    %lt3A_59 = arith.cmpi slt, %add3A_54, %lt3A_58 : vector<128xi32>
    %jit3A_60 = arith.constant 1.000000e+00 : f32
    %jit3A_61 = arith.constant 0.000000e+00 : f32
    %broadcast_in_dim3A_62 = vector.broadcast %jit3A_60 : f32 to vector<128xf32>
    %broadcast_in_dim3A_63 = vector.broadcast %jit3A_61 : f32 to vector<128xf32>
    %select_n3A_64 = arith.select %lt3A_59, %broadcast_in_dim3A_62, %broadcast_in_dim3A_63 : vector<128xi1>, vector<128xf32>
    %sub3A_65 = arith.subf %squeeze3A_56, %select_n3A_64 : vector<128xf32>
    %max3A_66 = arith.constant 1.000000e+00 : f32
    %max3A_67 = vector.broadcast %max3A_66 : f32 to vector<128xf32>
    %max3A_68 = arith.maximumf %sub3A_65, %max3A_67 : vector<128xf32>
    %reshape3A_69 = vector.shape_cast %max3A_68 : vector<128xf32> to vector<128x1xf32>
    %add3A_70 = arith.constant 384 : i32
    %add3A_71 = arith.addi %mul3A_16, %add3A_70 : i32
    %iota3A_72 = tpu.iota {dimensions = array<i32: 1>} : vector<1x128xi32>
    %iota3A_73 = vector.shape_cast %iota3A_72 : vector<1x128xi32> to vector<128xi32>
    %add3A_74 = vector.broadcast %add3A_71 : i32 to vector<128xi32>
    %add3A_75 = arith.addi %add3A_74, %iota3A_73 : vector<128xi32>
    %slice3A_76 = vector.extract_strided_slice %reduce_sum3A_15 {offsets = [3, 0], sizes = [1, 128], strides = [1, 1]} : vector<10x128xf32> to vector<1x128xf32>
    %squeeze3A_77 = vector.shape_cast %slice3A_76 : vector<1x128xf32> to vector<128xf32>
    %lt3A_78 = arith.constant 7680 : i32
    %lt3A_79 = vector.broadcast %lt3A_78 : i32 to vector<128xi32>
    %lt3A_80 = arith.cmpi slt, %add3A_75, %lt3A_79 : vector<128xi32>
    %jit3A_81 = arith.constant 1.000000e+00 : f32
    %jit3A_82 = arith.constant 0.000000e+00 : f32
    %broadcast_in_dim3A_83 = vector.broadcast %jit3A_81 : f32 to vector<128xf32>
    %broadcast_in_dim3A_84 = vector.broadcast %jit3A_82 : f32 to vector<128xf32>
    %select_n3A_85 = arith.select %lt3A_80, %broadcast_in_dim3A_83, %broadcast_in_dim3A_84 : vector<128xi1>, vector<128xf32>
    %sub3A_86 = arith.subf %squeeze3A_77, %select_n3A_85 : vector<128xf32>
    %max3A_87 = arith.constant 1.000000e+00 : f32
    %max3A_88 = vector.broadcast %max3A_87 : f32 to vector<128xf32>
    %max3A_89 = arith.maximumf %sub3A_86, %max3A_88 : vector<128xf32>
    %reshape3A_90 = vector.shape_cast %max3A_89 : vector<128xf32> to vector<128x1xf32>
    %add3A_91 = arith.constant 512 : i32
    %add3A_92 = arith.addi %mul3A_16, %add3A_91 : i32
    %iota3A_93 = tpu.iota {dimensions = array<i32: 1>} : vector<1x128xi32>
    %iota3A_94 = vector.shape_cast %iota3A_93 : vector<1x128xi32> to vector<128xi32>
    %add3A_95 = vector.broadcast %add3A_92 : i32 to vector<128xi32>
    %add3A_96 = arith.addi %add3A_95, %iota3A_94 : vector<128xi32>
    %slice3A_97 = vector.extract_strided_slice %reduce_sum3A_15 {offsets = [4, 0], sizes = [1, 128], strides = [1, 1]} : vector<10x128xf32> to vector<1x128xf32>
    %squeeze3A_98 = vector.shape_cast %slice3A_97 : vector<1x128xf32> to vector<128xf32>
    %lt3A_99 = arith.constant 7680 : i32
    %lt3A_100 = vector.broadcast %lt3A_99 : i32 to vector<128xi32>
    %lt3A_101 = arith.cmpi slt, %add3A_96, %lt3A_100 : vector<128xi32>
    %jit3A_102 = arith.constant 1.000000e+00 : f32
    %jit3A_103 = arith.constant 0.000000e+00 : f32
    %broadcast_in_dim3A_104 = vector.broadcast %jit3A_102 : f32 to vector<128xf32>
    %broadcast_in_dim3A_105 = vector.broadcast %jit3A_103 : f32 to vector<128xf32>
    %select_n3A_106 = arith.select %lt3A_101, %broadcast_in_dim3A_104, %broadcast_in_dim3A_105 : vector<128xi1>, vector<128xf32>
    %sub3A_107 = arith.subf %squeeze3A_98, %select_n3A_106 : vector<128xf32>
    %max3A_108 = arith.constant 1.000000e+00 : f32
    %max3A_109 = vector.broadcast %max3A_108 : f32 to vector<128xf32>
    %max3A_110 = arith.maximumf %sub3A_107, %max3A_109 : vector<128xf32>
    %reshape3A_111 = vector.shape_cast %max3A_110 : vector<128xf32> to vector<128x1xf32>
    %add3A_112 = arith.constant 640 : i32
    %add3A_113 = arith.addi %mul3A_16, %add3A_112 : i32
    %iota3A_114 = tpu.iota {dimensions = array<i32: 1>} : vector<1x128xi32>
    %iota3A_115 = vector.shape_cast %iota3A_114 : vector<1x128xi32> to vector<128xi32>
    %add3A_116 = vector.broadcast %add3A_113 : i32 to vector<128xi32>
    %add3A_117 = arith.addi %add3A_116, %iota3A_115 : vector<128xi32>
    %slice3A_118 = vector.extract_strided_slice %reduce_sum3A_15 {offsets = [5, 0], sizes = [1, 128], strides = [1, 1]} : vector<10x128xf32> to vector<1x128xf32>
    %squeeze3A_119 = vector.shape_cast %slice3A_118 : vector<1x128xf32> to vector<128xf32>
    %lt3A_120 = arith.constant 7680 : i32
    %lt3A_121 = vector.broadcast %lt3A_120 : i32 to vector<128xi32>
    %lt3A_122 = arith.cmpi slt, %add3A_117, %lt3A_121 : vector<128xi32>
    %jit3A_123 = arith.constant 1.000000e+00 : f32
    %jit3A_124 = arith.constant 0.000000e+00 : f32
    %broadcast_in_dim3A_125 = vector.broadcast %jit3A_123 : f32 to vector<128xf32>
    %broadcast_in_dim3A_126 = vector.broadcast %jit3A_124 : f32 to vector<128xf32>
    %select_n3A_127 = arith.select %lt3A_122, %broadcast_in_dim3A_125, %broadcast_in_dim3A_126 : vector<128xi1>, vector<128xf32>
    %sub3A_128 = arith.subf %squeeze3A_119, %select_n3A_127 : vector<128xf32>
    %max3A_129 = arith.constant 1.000000e+00 : f32
    %max3A_130 = vector.broadcast %max3A_129 : f32 to vector<128xf32>
    %max3A_131 = arith.maximumf %sub3A_128, %max3A_130 : vector<128xf32>
    %reshape3A_132 = vector.shape_cast %max3A_131 : vector<128xf32> to vector<128x1xf32>
    %add3A_133 = arith.constant 768 : i32
    %add3A_134 = arith.addi %mul3A_16, %add3A_133 : i32
    %iota3A_135 = tpu.iota {dimensions = array<i32: 1>} : vector<1x128xi32>
    %iota3A_136 = vector.shape_cast %iota3A_135 : vector<1x128xi32> to vector<128xi32>
    %add3A_137 = vector.broadcast %add3A_134 : i32 to vector<128xi32>
    %add3A_138 = arith.addi %add3A_137, %iota3A_136 : vector<128xi32>
    %slice3A_139 = vector.extract_strided_slice %reduce_sum3A_15 {offsets = [6, 0], sizes = [1, 128], strides = [1, 1]} : vector<10x128xf32> to vector<1x128xf32>
    %squeeze3A_140 = vector.shape_cast %slice3A_139 : vector<1x128xf32> to vector<128xf32>
    %lt3A_141 = arith.constant 7680 : i32
    %lt3A_142 = vector.broadcast %lt3A_141 : i32 to vector<128xi32>
    %lt3A_143 = arith.cmpi slt, %add3A_138, %lt3A_142 : vector<128xi32>
    %jit3A_144 = arith.constant 1.000000e+00 : f32
    %jit3A_145 = arith.constant 0.000000e+00 : f32
    %broadcast_in_dim3A_146 = vector.broadcast %jit3A_144 : f32 to vector<128xf32>
    %broadcast_in_dim3A_147 = vector.broadcast %jit3A_145 : f32 to vector<128xf32>
    %select_n3A_148 = arith.select %lt3A_143, %broadcast_in_dim3A_146, %broadcast_in_dim3A_147 : vector<128xi1>, vector<128xf32>
    %sub3A_149 = arith.subf %squeeze3A_140, %select_n3A_148 : vector<128xf32>
    %max3A_150 = arith.constant 1.000000e+00 : f32
    %max3A_151 = vector.broadcast %max3A_150 : f32 to vector<128xf32>
    %max3A_152 = arith.maximumf %sub3A_149, %max3A_151 : vector<128xf32>
    %reshape3A_153 = vector.shape_cast %max3A_152 : vector<128xf32> to vector<128x1xf32>
    %add3A_154 = arith.constant 896 : i32
    %add3A_155 = arith.addi %mul3A_16, %add3A_154 : i32
    %iota3A_156 = tpu.iota {dimensions = array<i32: 1>} : vector<1x128xi32>
    %iota3A_157 = vector.shape_cast %iota3A_156 : vector<1x128xi32> to vector<128xi32>
    %add3A_158 = vector.broadcast %add3A_155 : i32 to vector<128xi32>
    %add3A_159 = arith.addi %add3A_158, %iota3A_157 : vector<128xi32>
    %slice3A_160 = vector.extract_strided_slice %reduce_sum3A_15 {offsets = [7, 0], sizes = [1, 128], strides = [1, 1]} : vector<10x128xf32> to vector<1x128xf32>
    %squeeze3A_161 = vector.shape_cast %slice3A_160 : vector<1x128xf32> to vector<128xf32>
    %lt3A_162 = arith.constant 7680 : i32
    %lt3A_163 = vector.broadcast %lt3A_162 : i32 to vector<128xi32>
    %lt3A_164 = arith.cmpi slt, %add3A_159, %lt3A_163 : vector<128xi32>
    %jit3A_165 = arith.constant 1.000000e+00 : f32
    %jit3A_166 = arith.constant 0.000000e+00 : f32
    %broadcast_in_dim3A_167 = vector.broadcast %jit3A_165 : f32 to vector<128xf32>
    %broadcast_in_dim3A_168 = vector.broadcast %jit3A_166 : f32 to vector<128xf32>
    %select_n3A_169 = arith.select %lt3A_164, %broadcast_in_dim3A_167, %broadcast_in_dim3A_168 : vector<128xi1>, vector<128xf32>
    %sub3A_170 = arith.subf %squeeze3A_161, %select_n3A_169 : vector<128xf32>
    %max3A_171 = arith.constant 1.000000e+00 : f32
    %max3A_172 = vector.broadcast %max3A_171 : f32 to vector<128xf32>
    %max3A_173 = arith.maximumf %sub3A_170, %max3A_172 : vector<128xf32>
    %reshape3A_174 = vector.shape_cast %max3A_173 : vector<128xf32> to vector<128x1xf32>
    %add3A_175 = arith.constant 1024 : i32
    %add3A_176 = arith.addi %mul3A_16, %add3A_175 : i32
    %iota3A_177 = tpu.iota {dimensions = array<i32: 1>} : vector<1x128xi32>
    %iota3A_178 = vector.shape_cast %iota3A_177 : vector<1x128xi32> to vector<128xi32>
    %add3A_179 = vector.broadcast %add3A_176 : i32 to vector<128xi32>
    %add3A_180 = arith.addi %add3A_179, %iota3A_178 : vector<128xi32>
    %slice3A_181 = vector.extract_strided_slice %reduce_sum3A_15 {offsets = [8, 0], sizes = [1, 128], strides = [1, 1]} : vector<10x128xf32> to vector<1x128xf32>
    %squeeze3A_182 = vector.shape_cast %slice3A_181 : vector<1x128xf32> to vector<128xf32>
    %lt3A_183 = arith.constant 7680 : i32
    %lt3A_184 = vector.broadcast %lt3A_183 : i32 to vector<128xi32>
    %lt3A_185 = arith.cmpi slt, %add3A_180, %lt3A_184 : vector<128xi32>
    %jit3A_186 = arith.constant 1.000000e+00 : f32
    %jit3A_187 = arith.constant 0.000000e+00 : f32
    %broadcast_in_dim3A_188 = vector.broadcast %jit3A_186 : f32 to vector<128xf32>
    %broadcast_in_dim3A_189 = vector.broadcast %jit3A_187 : f32 to vector<128xf32>
    %select_n3A_190 = arith.select %lt3A_185, %broadcast_in_dim3A_188, %broadcast_in_dim3A_189 : vector<128xi1>, vector<128xf32>
    %sub3A_191 = arith.subf %squeeze3A_182, %select_n3A_190 : vector<128xf32>
    %max3A_192 = arith.constant 1.000000e+00 : f32
    %max3A_193 = vector.broadcast %max3A_192 : f32 to vector<128xf32>
    %max3A_194 = arith.maximumf %sub3A_191, %max3A_193 : vector<128xf32>
    %reshape3A_195 = vector.shape_cast %max3A_194 : vector<128xf32> to vector<128x1xf32>
    %add3A_196 = arith.constant 1152 : i32
    %add3A_197 = arith.addi %mul3A_16, %add3A_196 : i32
    %iota3A_198 = tpu.iota {dimensions = array<i32: 1>} : vector<1x128xi32>
    %iota3A_199 = vector.shape_cast %iota3A_198 : vector<1x128xi32> to vector<128xi32>
    %add3A_200 = vector.broadcast %add3A_197 : i32 to vector<128xi32>
    %add3A_201 = arith.addi %add3A_200, %iota3A_199 : vector<128xi32>
    %slice3A_202 = vector.extract_strided_slice %reduce_sum3A_15 {offsets = [9, 0], sizes = [1, 128], strides = [1, 1]} : vector<10x128xf32> to vector<1x128xf32>
    %squeeze3A_203 = vector.shape_cast %slice3A_202 : vector<1x128xf32> to vector<128xf32>
    %lt3A_204 = arith.constant 7680 : i32
    %lt3A_205 = vector.broadcast %lt3A_204 : i32 to vector<128xi32>
    %lt3A_206 = arith.cmpi slt, %add3A_201, %lt3A_205 : vector<128xi32>
    %jit3A_207 = arith.constant 1.000000e+00 : f32
    %jit3A_208 = arith.constant 0.000000e+00 : f32
    %broadcast_in_dim3A_209 = vector.broadcast %jit3A_207 : f32 to vector<128xf32>
    %broadcast_in_dim3A_210 = vector.broadcast %jit3A_208 : f32 to vector<128xf32>
    %select_n3A_211 = arith.select %lt3A_206, %broadcast_in_dim3A_209, %broadcast_in_dim3A_210 : vector<128xi1>, vector<128xf32>
    %sub3A_212 = arith.subf %squeeze3A_203, %select_n3A_211 : vector<128xf32>
    %max3A_213 = arith.constant 1.000000e+00 : f32
    %max3A_214 = vector.broadcast %max3A_213 : f32 to vector<128xf32>
    %max3A_215 = arith.maximumf %sub3A_212, %max3A_214 : vector<128xf32>
    %reshape3A_216 = vector.shape_cast %max3A_215 : vector<128xf32> to vector<128x1xf32>
    %concatenate3A = tpu.concatenate %reshape3A, %reshape3A_48, %reshape3A_69, %reshape3A_90, %reshape3A_111, %reshape3A_132, %reshape3A_153, %reshape3A_174, %reshape3A_195, %reshape3A_216 in 0 : vector<128x1xf32>, vector<128x1xf32>, vector<128x1xf32>, vector<128x1xf32>, vector<128x1xf32>, vector<128x1xf32>, vector<128x1xf32>, vector<128x1xf32>, vector<128x1xf32>, vector<128x1xf32> -> vector<1280x1xf32>
    %div3A = vector.broadcast %concatenate3A : vector<1280x1xf32> to vector<1280x128xf32>
    %div3A_217 = arith.divf %add3A, %div3A : vector<1280x128xf32>
    %get3A_218 = arith.constant 0 : index
    %get3A_219 = arith.constant 0 : index
    %get3A_220 = vector.load %arg4[%get3A_218, %get3A_219] : memref<128x128xf32, #tpu.memory_space<vmem>>, vector<128x128xf32>
    %dot_general3A = arith.constant dense<0.000000e+00> : vector<1280x128xf32>
    %dot_general3A_221 = tpu.matmul %div3A_217, %get3A_220, %dot_general3A {dimension_numbers = #tpu.dot_dimension_numbers<[1], [1], [0], [0], [0, 0, 1, 0], [], []>, transpose_lhs_hint = false} : vector<1280x128xf32>, vector<128x128xf32>, vector<1280x128xf32> -> vector<1280x128xf32>
    %get3A_222 = arith.constant 0 : index
    %get3A_223 = arith.constant 0 : index
    %get3A_224 = vector.load %arg5[%get3A_222, %get3A_223] : memref<1x128xf32, #tpu.memory_space<vmem>>, vector<1x128xf32>
    %add3A_225 = vector.broadcast %get3A_224 : vector<1x128xf32> to vector<1280x128xf32>
    %add3A_226 = arith.addf %dot_general3A_221, %add3A_225 : vector<1280x128xf32>
    %get3A_227 = arith.constant 0 : index
    %get3A_228 = arith.constant 0 : index
    %get3A_229 = vector.load %arg3[%get3A_227, %get3A_228] : memref<1280x128xf32, #tpu.memory_space<vmem>>, vector<1280x128xf32>
    %get3A_230 = arith.constant 0 : index
    %get3A_231 = arith.constant 0 : index
    %get3A_232 = vector.load %arg6[%get3A_230, %get3A_231] : memref<128x128xf32, #tpu.memory_space<vmem>>, vector<128x128xf32>
    %dot_general3A_233 = arith.constant dense<0.000000e+00> : vector<1280x128xf32>
    %dot_general3A_234 = tpu.matmul %get3A_229, %get3A_232, %dot_general3A_233 {dimension_numbers = #tpu.dot_dimension_numbers<[1], [1], [0], [0], [0, 0, 1, 0], [], []>, transpose_lhs_hint = false} : vector<1280x128xf32>, vector<128x128xf32>, vector<1280x128xf32> -> vector<1280x128xf32>
    %add3A_235 = arith.addf %add3A_226, %dot_general3A_234 : vector<1280x128xf32>
    %get3A_236 = arith.constant 0 : index
    %get3A_237 = arith.constant 0 : index
    %get3A_238 = vector.load %arg7[%get3A_236, %get3A_237] : memref<64x128xf32, #tpu.memory_space<vmem>>, vector<64x128xf32>
    %dot_general3A_239 = arith.constant dense<0.000000e+00> : vector<1280x64xf32>
    %dot_general3A_240 = tpu.matmul %add3A_235, %get3A_238, %dot_general3A_239 {dimension_numbers = #tpu.dot_dimension_numbers<[1], [1], [0], [0], [0, 0, 1, 0], [], []>, transpose_lhs_hint = false} : vector<1280x128xf32>, vector<64x128xf32>, vector<1280x64xf32> -> vector<1280x64xf32>
    %get3A_241 = arith.constant 0 : index
    %get3A_242 = arith.constant 0 : index
    %get3A_243 = vector.load %arg8[%get3A_241, %get3A_242] : memref<1x64xf32, #tpu.memory_space<vmem>>, vector<1x64xf32>
    %add3A_244 = vector.broadcast %get3A_243 : vector<1x64xf32> to vector<1280x64xf32>
    %add3A_245 = arith.addf %dot_general3A_240, %add3A_244 : vector<1280x64xf32>
    %reduce_max3A = arith.constant dense<0xFF800000> : vector<1280xf32>
    %reduce_max3A_246 = vector.multi_reduction <maximumf>, %add3A_245, %reduce_max3A [1] : vector<1280x64xf32> to vector<1280xf32>
    %broadcast_in_dim3A_247 = vector.shape_cast %reduce_max3A_246 : vector<1280xf32> to vector<1280x1xf32>
    %sub3A_248 = vector.broadcast %broadcast_in_dim3A_247 : vector<1280x1xf32> to vector<1280x64xf32>
    %sub3A_249 = arith.subf %add3A_245, %sub3A_248 : vector<1280x64xf32>
    %exp3A = math.exp %sub3A_249 : vector<1280x64xf32>
    %reduce_sum3A_250 = arith.constant dense<0.000000e+00> : vector<1280xf32>
    %reduce_sum3A_251 = vector.multi_reduction <add>, %exp3A, %reduce_sum3A_250 [1] : vector<1280x64xf32> to vector<1280xf32>
    %broadcast_in_dim3A_252 = vector.shape_cast %reduce_sum3A_251 : vector<1280xf32> to vector<1280x1xf32>
    %log3A = math.log %broadcast_in_dim3A_252 : vector<1280x1xf32>
    %add3A_253 = arith.addf %log3A, %broadcast_in_dim3A_247 : vector<1280x1xf32>
    %sub3A_254 = vector.broadcast %add3A_253 : vector<1280x1xf32> to vector<1280x64xf32>
    %sub3A_255 = arith.subf %add3A_245, %sub3A_254 : vector<1280x64xf32>
    %swap3A = arith.constant 0 : index
    %swap3A_256 = arith.constant 0 : index
    %swap3A_257 = vector.load %arg9[%swap3A, %swap3A_256] : memref<1280x64xf32, #tpu.memory_space<vmem>>, vector<1280x64xf32>
    tpu.vector_store %arg9[%swap3A, %swap3A_256], %sub3A_255 {strides = array<i32>} : memref<1280x64xf32, #tpu.memory_space<vmem>>, vector<1280x64xf32>,
    return
  }
  func.func @transform_0(%arg0: i32) -> (i32, i32, i32) {
    %c0_i32 = arith.constant 0 : i32
    %c0_i32_0 = arith.constant 0 : i32
    %c0_i32_1 = arith.constant 0 : i32
    return %c0_i32, %arg0, %c0_i32_0 : i32, i32, i32
  }
  func.func @transform_1(%arg0: i32) -> (i32, i32, i32, i32) {
    %c0_i32 = arith.constant 0 : i32
    %c0_i32_0 = arith.constant 0 : i32
    %c0_i32_1 = arith.constant 0 : i32
    %c0_i32_2 = arith.constant 0 : i32
    return %c0_i32, %arg0, %c0_i32_0, %c0_i32_1 : i32, i32, i32, i32
  }
  func.func @transform_2(%arg0: i32) -> (i32, i32) {
    %c0_i32 = arith.constant 0 : i32
    %c0_i32_0 = arith.constant 0 : i32
    return %arg0, %c0_i32 : i32, i32
  }
  func.func @transform_3(%arg0: i32) -> (i32, i32) {
    %c0_i32 = arith.constant 0 : i32
    %c0_i32_0 = arith.constant 0 : i32
    %c0_i32_1 = arith.constant 0 : i32
    return %c0_i32, %c0_i32_0 : i32, i32
  }
  func.func @transform_4(%arg0: i32) -> (i32, i32) {
    %c0_i32 = arith.constant 0 : i32
    %c0_i32_0 = arith.constant 0 : i32
    %c0_i32_1 = arith.constant 0 : i32
    return %c0_i32, %c0_i32_0 : i32, i32
  }
  func.func @transform_5(%arg0: i32) -> (i32, i32) {
    %c0_i32 = arith.constant 0 : i32
    %c0_i32_0 = arith.constant 0 : i32
    %c0_i32_1 = arith.constant 0 : i32
    return %c0_i32, %c0_i32_0 : i32, i32
  }
  func.func @transform_6(%arg0: i32) -> (i32, i32) {
    %c0_i32 = arith.constant 0 : i32
    %c0_i32_0 = arith.constant 0 : i32
    %c0_i32_1 = arith.constant 0 : i32
    return %c0_i32, %c0_i32_0 : i32, i32
  }
  func.func @transform_7(%arg0: i32) -> (i32, i32) {
    %c0_i32 = arith.constant 0 : i32
    %c0_i32_0 = arith.constant 0 : i32
    %c0_i32_1 = arith.constant 0 : i32
    return %c0_i32, %c0_i32_0 : i32, i32
  }
  func.func @transform_8(%arg0: i32) -> (i32, i32) {
    %c0_i32 = arith.constant 0 : i32
    %c0_i32_0 = arith.constant 0 : i32
    return %arg0, %c0_i32 : i32, i32
  }
}

</mosaic_0001>

<sc_bundles>
// kernel: kernel.6.cloned.1.call-start
scs
__scs_entry_jumppad:
0x0: {  	(pc) =	sbr.rel $0x88, $3  }
0x1: {  	(tag) =	ssettag $0x0;
	lr =	simm.s32 $0x1  }
0x2: {  	[smem:$0x3F97] =	sst lr;
	_ =	strace $0xD0000000  }
0x3: {  	_ = 	snop  }
0x4: {  	_ = 	snop  }
0x5: {  	_ = 	snop  }
0x6: {  	_ = 	snop  }
0x7: {  	_ = 	snop  }
__scs_overlays_trampoline_lowered:
0x8: {  	[smem:$0x3FA6] =	sst s0  }
0x9: {  	[smem:$0x3FA7] =	sst s1  }
0xa: {  	[smem:$0x3FA8] =	sst s2  }
0xb: {  	[smem:$0x3FA9] =	sst s3  }
0xc: {  	[smem:$0x3FAA] =	sst s4  }
0xd: {  	[smem:$0x3FAB] =	sst s5  }
0xe: {  	[smem:$0x3FAC] =	sst s6  }
0xf: {  	[smem:$0x3FAD] =	sst s7  }
0x10: {  	[smem:$0x3FAE] =	sst s8  }
0x11: {  	[smem:$0x3FAF] =	sst s9;
	s0 =	simm.s32 @!p0 $0x0  }
0x12: {  	s1 =	sld [smem:$0x3F95];
	s0 =	simm.s32 @p0 $0x1  }
0x13: {  	[smem:$0x3FB0] =	sst s0;
	s0 =	simm.s32 @!p1 $0x0  }
0x14: {  	s2 =	sld [smem:$0x3F94];
	s0 =	simm.s32 @p1 $0x1  }
0x15: {  	[smem:$0x3FB1] =	sst s0;
	s0 =	simm.s32 @!p2 $0x0  }
0x16: {  	s3 =	sld [smem:$0x3FDB];
	s0 =	simm.s32 @p2 $0x1  }
0x17: {  	s4 =	simm.s32 $0x1BF5;
	[smem:$0x3FB3] =	sst s0  }
0x18: {  	s0 =	sld [smem:$0x3F96];
	_ =	swait.ge [sflag:s4], $0x0  }
0x19: {  	s7 =	sld [smem:$0x3F97]  }
0x1a: {  	s8 =	sadd.s32 $0xFFFFE003, lr  }
0x1b: {  	s9 =	sadd.s32 $0xFFFFFEF7, lr;
	s5 =	simm.s32 $0xFFFFFFFF;
	p2 =	slt.u32 s8, $0xFFFFF086  }
0x1c: {  	p1 =	slt.u32 s9, $0xF7A;
	s5 =	simm.s32 @!p2 $0x0  }
0x1d: {  	s5 =	simm.s32 @p1 $0x1;
	p0 =	seq.s32 s7, s2  }
0x1e: {  	s7 =	smul.u32 @!p0 $0xF7A, s2;
	p2 =	seq.s32 @!p0 s5, $0x0  }
0x1f: {  	s9 =	smul.u32 $0xF7A, s1;
	s8 =	simm.s32 @!p0 $0x1BF5;
	p2 =	por !p2, p0  }
0x20: {  	[sflag:s8] =	ssyncset.s32 @!p0 $0xFFFFF086;
	s6 =	sadd.s32 @!p0 s3, s7;
	s7 =	simm.s32 @!p0 $0x108  }
0x21: {  	s3 =	sadd.s32 s3, s9;
	s6 =	sadd.s32 @!p0 $0x88, s6;
	s7 =	simm.s32 @p2 $0x1082  }
0x22: {  	[simem:s7], [sflag:s8] =	dma.local @!p0 [hbm:s6], $0xF7A  }
0x23: {  	s9 =	sor.u32 $0xD0000000, s2;
	s6 =	simm.s32 $0x108;
	_ =	swait.ge @!p0 [sflag:s8], $0x0  }
0x24: {  	s3 =	sadd.s32 $0x88, s3;
	s6 =	simm.s32 @!p1 $0x1082;
	[sflag:s4] =	ssyncset.s32 $0xFFFFF086  }
0x25: {  	[simem:s6], [sflag:s4] =	dma.local [hbm:s3], $0xF7A  }
0x26: {  	[smem:$0x3F97] =	sst s1;
	(tag) =	ssettag s2;
	_ =	strace s9  }
0x27: {  	s1 =	sld [smem:$0x3FA7]  }
0x28: {  	s2 =	sld [smem:$0x3FA8]  }
0x29: {  	s4 =	sld [smem:$0x3FAA]  }
0x2a: {  	p0 =	seq.s32 s5, $0x0;
	s5 =	sld [smem:$0x3FAB]  }
0x2b: {  	s6 =	sld [smem:$0x3FAC]  }
0x2c: {  	s7 =	sld [smem:$0x3FAD]  }
0x2d: {  	s3 =	simm.s32 $0x108;
	s8 =	sld [smem:$0x3FAE]  }
0x2e: {  	s3 =	simm.s32 @!p0 $0x1082;
	s9 =	sld [smem:$0x3FAF]  }
0x2f: {  	lr =	sadd.s32 s0, s3;
	s0 =	sld [smem:$0x3FA6]  }
0x30: {  	s3 =	sld [smem:$0x3FA9]  }
0x31: {  	[smem:$0x3FB2] =	sst s10  }
0x32: {  	s10 =	sld [smem:$0x3FB0];
	_ =	sdelay $0x3  }
0x33: {  	p0 =	seq.s32 s10, $0x1;
	s10 =	sld [smem:$0x3FB2];
	_ =	sdelay $0x3  }
0x34: {  	[smem:$0x3FB2] =	sst s10  }
0x35: {  	s10 =	sld [smem:$0x3FB1];
	_ =	sdelay $0x3  }
0x36: {  	p1 =	seq.s32 s10, $0x1;
	s10 =	sld [smem:$0x3FB2];
	_ =	sdelay $0x3  }
0x37: {  	[smem:$0x3FB2] =	sst s10  }
0x38: {  	s10 =	sld [smem:$0x3FB3]  }
0x39: {  	_ = 	snop;
	(pc) =	sbr.ind lr, $3  }
0x3a: {  	_ = 	snop  }
0x3b: {  	_ = 	snop  }
0x3c: {  	p2 =	seq.s32 s10, $0x1;
	s10 =	sld [smem:$0x3FB2]  }
0x3d: {  	_ =	shalt  }
0x3e: {  	_ =	shalt  }
0x3f: {  	_ =	shalt  }
0x40: {  	_ =	shalt  }
0x41: {  	_ =	shalt  }
0x42: {  	_ =	shalt  }
0x43: {  	_ =	shalt  }
0x44: {  	_ =	shalt  }
0x45: {  	_ =	shalt  }
0x46: {  	_ =	shalt  }
0x47: {  	_ =	shalt  }
0x48: {  	_ =	shalt  }
0x49: {  	_ =	shalt  }
0x4a: {  	_ =	shalt  }
0x4b: {  	_ =	shalt  }
0x4c: {  	_ =	shalt  }
0x4d: {  	_ =	shalt  }
0x4e: {  	_ =	shalt  }
0x4f: {  	_ =	shalt  }
0x50: {  	_ =	shalt  }
0x51: {  	_ =	shalt  }
0x52: {  	_ =	shalt  }
0x53: {  	_ =	shalt  }
0x54: {  	_ =	shalt  }
0x55: {  	_ =	shalt  }
0x56: {  	_ =	shalt  }
0x57: {  	_ =	shalt  }
0x58: {  	_ =	shalt  }
0x59: {  	_ =	shalt  }
0x5a: {  	_ =	shalt  }
0x5b: {  	_ =	shalt  }
0x5c: {  	_ =	shalt  }
0x5d: {  	_ =	shalt  }
0x5e: {  	_ =	shalt  }
0x5f: {  	_ =	shalt  }
0x60: {  	_ =	shalt  }
0x61: {  	_ =	shalt  }
0x62: {  	_ =	shalt  }
0x63: {  	_ =	shalt  }
0x64: {  	_ =	shalt  }
0x65: {  	_ =	shalt  }
0x66: {  	_ =	shalt  }
0x67: {  	_ =	shalt  }
0x68: {  	_ =	shalt  }
0x69: {  	_ =	shalt  }
0x6a: {  	_ =	shalt  }
0x6b: {  	_ =	shalt  }
0x6c: {  	_ =	shalt  }
0x6d: {  	_ =	shalt  }
0x6e: {  	_ =	shalt  }
0x6f: {  	_ =	shalt  }
0x70: {  	_ =	shalt  }
0x71: {  	_ =	shalt  }
0x72: {  	_ =	shalt  }
0x73: {  	_ =	shalt  }
0x74: {  	_ =	shalt  }
0x75: {  	_ =	shalt  }
0x76: {  	_ =	shalt  }
0x77: {  	_ =	shalt  }
0x78: {  	_ =	shalt  }
0x79: {  	_ =	shalt  }
0x7a: {  	_ =	shalt  }
0x7b: {  	_ =	shalt  }
0x7c: {  	_ =	shalt  }
0x7d: {  	_ =	shalt  }
0x7e: {  	_ =	shalt  }
0x7f: {  	_ =	shalt  }
0x80: {  	_ =	shalt  }
0x81: {  	_ =	shalt  }
0x82: {  	_ =	shalt  }
0x83: {  	_ =	shalt  }
0x84: {  	_ =	shalt  }
0x85: {  	_ =	shalt  }
0x86: {  	_ =	shalt  }
0x87: {  	_ =	shalt  }
.Lfunc_end0:
.L_simem_size_0:
called_computation_lowered:
.L_overlay_start_0:
0x88: {  	s2 =	sld [smem:$0x3FD9]  }
0x89: {  	s3 =	sld [smem:$0x3FFE];
	_ =	sdelay $0x1  }
0x8a: {  	s1 =	srdreg.scid  }
0x8b: {  	s0 =	sand.u32 $0x1, s1  }
0x8c: {  	s17 =	sshll.u32 s0, $0xA;
	s2 =	sadd.s32 s3, s2  }
0x8d: {  	s2 =	sadd.s32 s2, s17  }
0x8e: {  	[smem:$0x3FBE] =	sst s2  }
0x8f: {  	_ = 	snop  }
0x90: {  	s2 =	sld [smem:$0x3FD0];
	(tm) =	ssettm $0x1  }
0x91: {  	s18 =	sld [smem:$0x3FFB];
	_ =	sdelay $0x3  }
0x92: {  	_ =	strace s18  }
0x93: {  	s3 =	sld [smem:$0x3FFC];
	_ =	sdelay $0x3  }
0x94: {  	_ =	strace s3  }
0x95: {  	s3 =	sld [smem:$0x3FFD];
	_ =	sdelay $0x3  }
0x96: {  	_ =	strace s3  }
0x97: {  	_ =	strace $0x8FFFFFFF  }
0x98: {  	s19 =	sld [smem:$0x3FDB];
	_ =	sdelay $0x1  }
0x99: {  	s4 =	simm.s32 $_scs_section_size  }
0x9a: {  	s5 =	simm.s32 $_size__tile_overlayer_lowered;
	s6 =	simm.s32 $_tile_overlayer_lowered  }
0x9b: {  	s22 =	simm.s32 $0x1BFF;
	s21 =	sshll.u32 s6, $0x1;
	s3 =	sadd.s32 s4, s19  }
0x9c: {  	s7 =	simm.s32 $0x0;
	s20 =	sshll.u32 s5, $0x1;
	s5 =	sadd.s32 s21, s3  }
0x9d: {  	[timem:s7], [sflag:s22] =	dma.local [hbm:s5], s20  }
0x9e: {  	_ =	swait.ge [sflag:s22], s20  }
0x9f: {  	s4 =	ssub.s32 $0x0, s20;
	[sflag:s22] =	ssyncset.done $0x0  }
0xa0: {  	[sflag:s22] =	ssyncadd.s32 s4;
	_ =	sdelay $0x1  }
0xa1: {  	s23 =	simm.s32 $0x1B8B  }
0xa2: {  	_ =	swait.ge [sflag:s23], $0x1  }
0xa3: {  	[sflag:s23] =	ssyncset.done $0x0  }
0xa4: {  	s25 =	simm.s32 $0x1B8E;
	s24 =	sld [smem:$0x3FFE];
	[sflag:s23] =	ssyncadd.s32 $0xFFFFFFFF  }
0xa5: {  	s26 =	simm.s32 $execute0_lowered;
	[smem:$0x3FD2] =	sst s25  }
0xa6: {  	s5 =	sshll.u32 s26, $0x1;
	_ =	strace $0x80000046;
	[dreg:$0x1] =	wrdreg $0xFFFFFFFF  }
0xa7: {  	s28 =	simm.s32 $_size_execute0_lowered;
	s3 =	sadd.s32 s3, s5;
	[dreg:$0x0] =	wrdreg $0x0  }
0xa8: {  	s5 =	sshll.u32 s28, $0x1;
	[dreg:$0x2] =	wrdreg s3  }
0xa9: {  	[dreg:$0x3] =	wrdreg s5  }
0xaa: {  	[dreg:$0x4] =	wrdreg $0xC0  }
0xab: {  	_ =	task [dreg:s7], $0x5FFFF  }
0xac: {  	[dreg:$0x1] =	wrdreg $0xFFFFFFFF  }
0xad: {  	[dreg:$0x0] =	wrdreg $0x60  }
0xae: {  	[dreg:$0x2] =	wrdreg s24  }
0xaf: {  	[dreg:$0x3] =	wrdreg s2  }
0xb0: {  	[dreg:$0x4] =	wrdreg $0xB0000  }
0xb1: {  	[dreg:$0x5] =	wrdreg $0x9  }
0xb2: {  	_ =	task.clear_ibuf [dreg:s7], $0x6FFFF;
	_ =	strace $0x90000046  }
0xb3: {  	s29 =	simm.s32 $0x9;
	_ =	strace $0x80000048  }
0xb4: {  	_ =	swait.ge [sflag:s29], $0x1  }
0xb5: {  	[sflag:s29] =	ssyncadd.s32 $0xFFFFFFFF  }
0xb6: {  	_ =	strace $0x90000048  }
0xb7: {  	_ =	sfence  }
0xb8: {  	s30 =	sld [smem:$0x0];
	_ =	sdelay $0x2  }
0xb9: {  	s31 =	sshll.u32 s1, $0xD;
	s1 =	sshrl.u32 s1, $0x2  }
0xba: {  	s3 =	sand.u32 $0x4000, s31;
	s1 =	sadd.s32 s1, s30  }
0xbb: {  	s0 =	sor.u32 s3, s0;
	s1 =	sshll.u32 s1, $0x11  }
0xbc: {  	s0 =	sor.u32 s1, s0  }
0xbd: {  	s0 =	sadd.s32 $0x8F2B, s0  }
0xbe: {  	[sflag:s0] =	ssyncadd.remote.s32 $0x1  }
0xbf: {  	_ =	sfence.sel $0xFFFF  }
0xc0: {  	[dreg:$0x0] =	wrdreg $0xFFFFFFFF;
	(pc) =	sbr.abs _section_cstart, $3  }
0xc1: {  	[dreg:$0x1] =	wrdreg $0xFFFFFFFF  }
0xc2: {  	_ =	task.clear_ibuf [dreg:s7], $0x2FFFF;
	_ =	strace $0x9FFFFFFF  }
0xc3: {  	(tm) =	ssettm $0x7FFFFFFF  }
tec
execute0_lowered:
.L_overlay_start_1:
0x0: {  	(tag) =	ssettag $0x1  }
0x1: {  	s0 =	rddreg [dreg:$0x0]  }
0x2: {  	s1 =	rddreg [dreg:$0x1]  }
0x3: {  	s2 =	rddreg [dreg:$0x2];
	s13 =	stileid.u32  }
0x4: {  	s4 =	srdreg.scid;
	s3 =	simm.s32 $0x0;
	s14 =	simm.s32 $0x8800  }
0x5: {  	s15 =	simm.s32 $0x400;
	s16 =	simm.s32 $0x80;
	s17 =	simm.s32 $0x800  }
0x6: {  	s28 =	simm.s32 $0x200;
	s29 =	simm.s32 $0x580;
	s5 =	smul.u32 $0x50, s13  }
0x7: {  	s30 =	simm.s32 $0x280;
	s31 =	simm.s32 $0x600;
	s18 =	smul.u32 $0x14000, s13  }
0x8: {  	s6 =	sand.u32 $0x1, s4;
	[smem:$0x7FF] =	sst s3;
	s21 =	smul.u32 $0x50000, s13  }
0x9: {  	s12 =	sadd.s32 $0x35200, s0;
	s24 =	sshll.u32 s13, $0x6;
	p0 =	seq.s32 s6, $0x0  }
0xa: {  	_ =	strace $0x80000047;
	s7 =	smul.u32 $0x140000, s6;
	s9 =	sshll.u32 s6, $0x4  }
0xb: {  	[dreg:$0x5] =	wrdreg s12;
	s6 =	ssub.s32 $0x2, s6;
	s4 =	sadd.s32 $0x500, s5  }
0xc: {  	s9 =	sor.u32 s13, s9;
	s11 =	sshrl.u32 s18, $0x3;
	s22 =	sshrl.u32 s6, $0x1  }
0xd: {  	s13 =	simm.s32 $0x5;
	s4 =	smov.u32 @p0 s5;
	s5 =	sadd.s32 s18, s7  }
0xe: {  	s19 =	smul.u32 $0x500, s9;
	s20 =	sadd.s32 s11, s0;
	s11 =	sshrl.u32 s21, $0x2  }
0xf: {  	s6 =	ssub.s32 s6, s22;
	s7 =	sor.u32 $0x1C05, s24;
	s18 =	simm.s32 $0x4800  }
0x10: {  	s21 =	simm.s32 $0x100;
	s22 =	simm.s32 $0x2;
	s24 =	simm.s32 $0x4  }
0x11: {  	s8 =	sshll.u32 s4, $0x4;
	s4 =	sadd.s32 $0xD200, s0;
	s5 =	sshrl.u32 s5, $0x3  }
0x12: {  	s23 =	sadd.s32 s11, s2;
	s9 =	sadd.s32 $0x35800, s20;
	s25 =	smax.u32 s6, $0x1  }
0x13: {  	s20 =	simm.s32 $0x3;
	s6 =	simm.s32 $0x700;
	s10 =	sadd.s32 s8, s0  }
0x14: {  	s5 =	sadd.s32 s5, s0;
	s0 =	sadd.s32 s19, s0;
	[dreg:$0x6] =	wrdreg s9  }
0x15: {  	[dreg:$0x9] =	wrdreg s25;
	s11 =	sadd.s32 s8, s1;
	s12 =	sshrl.u32 s23, $0x3  }
0x16: {  	s19 =	simm.s32 $0x1;
	s23 =	simm.s32 $0x480;
	s25 =	simm.s32 $0x180  }
0x17: {  	s1 =	simm.s32 $0x300;
	s5 =	sadd.s32 $0x5D800, s5;
	[dreg:$0xb] =	wrdreg s12  }
0x18: {  	s8 =	simm.s32 $0x780;
	s0 =	sadd.s32 $0xAD800, s0;
	[dreg:$0x7] =	wrdreg s5  }
0x19: {  	s9 =	simm.s32 $0x0;
	s26 =	sadd.s32 $0x3200, s10;
	[dreg:$0x8] =	wrdreg s0  }
0x1a: {  	s10 =	smov.u32 s7;
	[dreg:$0x4] =	wrdreg s26;
	s26 =	simm.s32 $0x500  }
0x1b: {  	v0 =	vimm.f32 $1.000000000e+00;
	s0 =	simm.s32 $0x680;
	s5 =	simm.s32 $0x380;
	[dreg:$0xa] =	wrdreg s10  }
.LBB2_1:
0x1c: {  	s7 =	rddreg [dreg:$0x6]  }
0x1d: {  	[spmem:s12], [sflag:s10] =	dma.local [hbm:s7], $0x2800  }
0x1e: {  	_ =	swait.ge [sflag:s13], $0x2800  }
0x1f: {  	[sflag:s13] =	ssyncset.done $0x0  }
0x20: {  	s12 =	rddreg [dreg:$0x5];
	[sflag:s13] =	ssyncadd.s32 $0xFFFFD800  }
0x21: {  	[tilespmem:s14], [sflag:$0x5] =	stream.linear.gather [hbm4b:s12+s3], $0x2800, $0x38;
	[tilespmem:$0x1F000] =	vst v63  }
0x22: {  	_ =	swait.ge [sflag:s13], $0x2800  }
0x23: {  	[sflag:s13] =	ssyncset.done $0x0  }
0x24: {  	[sflag:s13] =	ssyncadd.s32 $0xFFFFD800  }
0x25: {  	s10 =	simm.s32 $0x0;
	[bflag:$0x0] =	sbarrier.arrive $0xFFFF  }
.LBB2_2:
0x26: {  	s7 =	sadd.s32 s10, s11  }
0x27: {  	[tilespmem:s3], [sflag:$0x5] =	stream.linear.gather [hbm4b:s7+s3], $0x400, $0x38;
	[tilespmem:$0x1F000] =	vst v63  }
0x28: {  	_ =	swait.ge [sflag:s13], $0x400  }
0x29: {  	s12 =	rddreg [dreg:$0x4];
	[sflag:s13] =	ssyncset.done $0x0  }
0x2a: {  	[sflag:s13] =	ssyncadd.s32 $0xFFFFFC00;
	s7 =	sadd.s32 s10, s12  }
0x2b: {  	[tilespmem:s15], [sflag:$0x5] =	stream.linear.gather [hbm4b:s7+s3], $0x400, $0x38;
	[tilespmem:$0x1F000] =	vst v63  }
0x2c: {  	_ =	swait.ge [sflag:s13], $0x400  }
0x2d: {  	[sflag:s13] =	ssyncset.done $0x0  }
0x2e: {  	[sflag:s13] =	ssyncadd.s32 $0xFFFFFC00  }
0x2f: {  	[tilespmem:s17], [sflag:$0x1] =	stream.indirect.gather [hbm4b:s4+s16], $0x80, s3, s16, $0xb8;
	[tilespmem:$0x1F000] =	vst v63  }
0x30: {  	_ = 	snop  }
0x31: {  	[tilespmem:s18], [sflag:$0x2] =	stream.indirect.gather [hbm4b:s4+s16], $0x80, s16, s16, $0xb8;
	[tilespmem:$0x1F000] =	vst v63  }
0x32: {  	v1 =	vld [tilespmem:$0x400];
	_ =	sdelay $0x7  }
0x33: {  	[tilespmem:v1+s14+$0x0] =	vst.idx.add.f32.msk $0xffff, v0  }
0x34: {  	v1 =	vld [tilespmem:$0x410];
	_ =	sdelay $0x7  }
0x35: {  	[tilespmem:v1+s14+$0x0] =	vst.idx.add.f32.msk $0xffff, v0  }
0x36: {  	v1 =	vld [tilespmem:$0x420];
	_ =	sdelay $0x7  }
0x37: {  	[tilespmem:v1+s14+$0x0] =	vst.idx.add.f32.msk $0xffff, v0  }
0x38: {  	v1 =	vld [tilespmem:$0x430];
	_ =	sdelay $0x7  }
0x39: {  	[tilespmem:v1+s14+$0x0] =	vst.idx.add.f32.msk $0xffff, v0  }
0x3a: {  	v1 =	vld [tilespmem:$0x440];
	_ =	sdelay $0x7  }
0x3b: {  	[tilespmem:v1+s14+$0x0] =	vst.idx.add.f32.msk $0xffff, v0  }
0x3c: {  	v1 =	vld [tilespmem:$0x450];
	_ =	sdelay $0x7  }
0x3d: {  	[tilespmem:v1+s14+$0x0] =	vst.idx.add.f32.msk $0xffff, v0  }
0x3e: {  	v1 =	vld [tilespmem:$0x460];
	_ =	sdelay $0x7  }
0x3f: {  	[tilespmem:v1+s14+$0x0] =	vst.idx.add.f32.msk $0xffff, v0  }
0x40: {  	v1 =	vld [tilespmem:$0x470];
	_ =	sdelay $0x7  }
0x41: {  	[tilespmem:v1+s14+$0x0] =	vst.idx.add.f32.msk $0xffff, v0  }
0x42: {  	_ =	swait.ge [sflag:s19], $0x4000  }
0x43: {  	[sflag:s19] =	ssyncset.done $0x0  }
0x44: {  	[sflag:s19] =	ssyncadd.s32 $0xFFFFC000  }
0x45: {  	[spmem:s2] =	stream.indirect.scatter.add.f32 [tilespmem:s17], [sflag:$0x3], $0x80, s15, s16, $0xb8;
	[tilespmem:$0x1F000] =	vst v63  }
0x46: {  	_ =	swait.ge [sflag:s20], $0x4000  }
0x47: {  	[sflag:s20] =	ssyncset.done $0x0  }
0x48: {  	[sflag:s20] =	ssyncadd.s32 $0xFFFFC000  }
0x49: {  	[tilespmem:s17], [sflag:$0x1] =	stream.indirect.gather [hbm4b:s4+s16], $0x80, s21, s16, $0xb8;
	[tilespmem:$0x1F000] =	vst v63  }
0x4a: {  	v1 =	vld [tilespmem:$0x480];
	_ =	sdelay $0x7  }
0x4b: {  	[tilespmem:v1+s14+$0x0] =	vst.idx.add.f32.msk $0xffff, v0  }
0x4c: {  	v1 =	vld [tilespmem:$0x490];
	_ =	sdelay $0x7  }
0x4d: {  	[tilespmem:v1+s14+$0x0] =	vst.idx.add.f32.msk $0xffff, v0  }
0x4e: {  	v1 =	vld [tilespmem:$0x4A0];
	_ =	sdelay $0x7  }
0x4f: {  	[tilespmem:v1+s14+$0x0] =	vst.idx.add.f32.msk $0xffff, v0  }
0x50: {  	v1 =	vld [tilespmem:$0x4B0];
	_ =	sdelay $0x7  }
0x51: {  	[tilespmem:v1+s14+$0x0] =	vst.idx.add.f32.msk $0xffff, v0  }
0x52: {  	v1 =	vld [tilespmem:$0x4C0];
	_ =	sdelay $0x7  }
0x53: {  	[tilespmem:v1+s14+$0x0] =	vst.idx.add.f32.msk $0xffff, v0  }
0x54: {  	v1 =	vld [tilespmem:$0x4D0];
	_ =	sdelay $0x7  }
0x55: {  	[tilespmem:v1+s14+$0x0] =	vst.idx.add.f32.msk $0xffff, v0  }
0x56: {  	v1 =	vld [tilespmem:$0x4E0];
	_ =	sdelay $0x7  }
0x57: {  	[tilespmem:v1+s14+$0x0] =	vst.idx.add.f32.msk $0xffff, v0  }
0x58: {  	v1 =	vld [tilespmem:$0x4F0];
	_ =	sdelay $0x7  }
0x59: {  	[tilespmem:v1+s14+$0x0] =	vst.idx.add.f32.msk $0xffff, v0  }
0x5a: {  	_ =	swait.ge [sflag:s22], $0x4000  }
0x5b: {  	[sflag:s22] =	ssyncset.done $0x0  }
0x5c: {  	[sflag:s22] =	ssyncadd.s32 $0xFFFFC000  }
0x5d: {  	[spmem:s2] =	stream.indirect.scatter.add.f32 [tilespmem:s18], [sflag:$0x4], $0x80, s23, s16, $0xb8;
	[tilespmem:$0x1F000] =	vst v63  }
0x5e: {  	_ =	swait.ge [sflag:s24], $0x4000  }
0x5f: {  	[sflag:s24] =	ssyncset.done $0x0  }
0x60: {  	[sflag:s24] =	ssyncadd.s32 $0xFFFFC000  }
0x61: {  	[tilespmem:s18], [sflag:$0x2] =	stream.indirect.gather [hbm4b:s4+s16], $0x80, s25, s16, $0xb8;
	[tilespmem:$0x1F000] =	vst v63  }
0x62: {  	v1 =	vld [tilespmem:$0x500];
	_ =	sdelay $0x7  }
0x63: {  	[tilespmem:v1+s14+$0x0] =	vst.idx.add.f32.msk $0xffff, v0  }
0x64: {  	v1 =	vld [tilespmem:$0x510];
	_ =	sdelay $0x7  }
0x65: {  	[tilespmem:v1+s14+$0x0] =	vst.idx.add.f32.msk $0xffff, v0  }
0x66: {  	v1 =	vld [tilespmem:$0x520];
	_ =	sdelay $0x7  }
0x67: {  	[tilespmem:v1+s14+$0x0] =	vst.idx.add.f32.msk $0xffff, v0  }
0x68: {  	v1 =	vld [tilespmem:$0x530];
	_ =	sdelay $0x7  }
0x69: {  	[tilespmem:v1+s14+$0x0] =	vst.idx.add.f32.msk $0xffff, v0  }
0x6a: {  	v1 =	vld [tilespmem:$0x540];
	_ =	sdelay $0x7  }
0x6b: {  	[tilespmem:v1+s14+$0x0] =	vst.idx.add.f32.msk $0xffff, v0  }
0x6c: {  	v1 =	vld [tilespmem:$0x550];
	_ =	sdelay $0x7  }
0x6d: {  	[tilespmem:v1+s14+$0x0] =	vst.idx.add.f32.msk $0xffff, v0  }
0x6e: {  	v1 =	vld [tilespmem:$0x560];
	_ =	sdelay $0x7  }
0x6f: {  	[tilespmem:v1+s14+$0x0] =	vst.idx.add.f32.msk $0xffff, v0  }
0x70: {  	v1 =	vld [tilespmem:$0x570];
	_ =	sdelay $0x7  }
0x71: {  	[tilespmem:v1+s14+$0x0] =	vst.idx.add.f32.msk $0xffff, v0  }
0x72: {  	_ =	swait.ge [sflag:s19], $0x4000  }
0x73: {  	[sflag:s19] =	ssyncset.done $0x0  }
0x74: {  	[sflag:s19] =	ssyncadd.s32 $0xFFFFC000  }
0x75: {  	[spmem:s2] =	stream.indirect.scatter.add.f32 [tilespmem:s17], [sflag:$0x3], $0x80, s26, s16, $0xb8;
	[tilespmem:$0x1F000] =	vst v63  }
0x76: {  	_ =	swait.ge [sflag:s20], $0x4000  }
0x77: {  	[sflag:s20] =	ssyncset.done $0x0  }
0x78: {  	[sflag:s20] =	ssyncadd.s32 $0xFFFFC000  }
0x79: {  	[tilespmem:s17], [sflag:$0x1] =	stream.indirect.gather [hbm4b:s4+s16], $0x80, s28, s16, $0xb8;
	[tilespmem:$0x1F000] =	vst v63  }
0x7a: {  	v1 =	vld [tilespmem:$0x580];
	_ =	sdelay $0x7  }
0x7b: {  	[tilespmem:v1+s14+$0x0] =	vst.idx.add.f32.msk $0xffff, v0  }
0x7c: {  	v1 =	vld [tilespmem:$0x590];
	_ =	sdelay $0x7  }
0x7d: {  	[tilespmem:v1+s14+$0x0] =	vst.idx.add.f32.msk $0xffff, v0  }
0x7e: {  	v1 =	vld [tilespmem:$0x5A0];
	_ =	sdelay $0x7  }
0x7f: {  	[tilespmem:v1+s14+$0x0] =	vst.idx.add.f32.msk $0xffff, v0  }
0x80: {  	v1 =	vld [tilespmem:$0x5B0];
	_ =	sdelay $0x7  }
0x81: {  	[tilespmem:v1+s14+$0x0] =	vst.idx.add.f32.msk $0xffff, v0  }
0x82: {  	v1 =	vld [tilespmem:$0x5C0];
	_ =	sdelay $0x7  }
0x83: {  	[tilespmem:v1+s14+$0x0] =	vst.idx.add.f32.msk $0xffff, v0  }
0x84: {  	v1 =	vld [tilespmem:$0x5D0];
	_ =	sdelay $0x7  }
0x85: {  	[tilespmem:v1+s14+$0x0] =	vst.idx.add.f32.msk $0xffff, v0  }
0x86: {  	v1 =	vld [tilespmem:$0x5E0];
	_ =	sdelay $0x7  }
0x87: {  	[tilespmem:v1+s14+$0x0] =	vst.idx.add.f32.msk $0xffff, v0  }
0x88: {  	v1 =	vld [tilespmem:$0x5F0];
	_ =	sdelay $0x7  }
0x89: {  	[tilespmem:v1+s14+$0x0] =	vst.idx.add.f32.msk $0xffff, v0  }
0x8a: {  	_ =	swait.ge [sflag:s22], $0x4000  }
0x8b: {  	[sflag:s22] =	ssyncset.done $0x0  }
0x8c: {  	[sflag:s22] =	ssyncadd.s32 $0xFFFFC000  }
0x8d: {  	[spmem:s2] =	stream.indirect.scatter.add.f32 [tilespmem:s18], [sflag:$0x4], $0x80, s29, s16, $0xb8;
	[tilespmem:$0x1F000] =	vst v63  }
0x8e: {  	_ =	swait.ge [sflag:s24], $0x4000  }
0x8f: {  	[sflag:s24] =	ssyncset.done $0x0  }
0x90: {  	[sflag:s24] =	ssyncadd.s32 $0xFFFFC000  }
0x91: {  	[tilespmem:s18], [sflag:$0x2] =	stream.indirect.gather [hbm4b:s4+s16], $0x80, s30, s16, $0xb8;
	[tilespmem:$0x1F000] =	vst v63  }
0x92: {  	v1 =	vld [tilespmem:$0x600];
	_ =	sdelay $0x7  }
0x93: {  	[tilespmem:v1+s14+$0x0] =	vst.idx.add.f32.msk $0xffff, v0  }
0x94: {  	v1 =	vld [tilespmem:$0x610];
	_ =	sdelay $0x7  }
0x95: {  	[tilespmem:v1+s14+$0x0] =	vst.idx.add.f32.msk $0xffff, v0  }
0x96: {  	v1 =	vld [tilespmem:$0x620];
	_ =	sdelay $0x7  }
0x97: {  	[tilespmem:v1+s14+$0x0] =	vst.idx.add.f32.msk $0xffff, v0  }
0x98: {  	v1 =	vld [tilespmem:$0x630];
	_ =	sdelay $0x7  }
0x99: {  	[tilespmem:v1+s14+$0x0] =	vst.idx.add.f32.msk $0xffff, v0  }
0x9a: {  	v1 =	vld [tilespmem:$0x640];
	_ =	sdelay $0x7  }
0x9b: {  	[tilespmem:v1+s14+$0x0] =	vst.idx.add.f32.msk $0xffff, v0  }
0x9c: {  	v1 =	vld [tilespmem:$0x650];
	_ =	sdelay $0x7  }
0x9d: {  	[tilespmem:v1+s14+$0x0] =	vst.idx.add.f32.msk $0xffff, v0  }
0x9e: {  	v1 =	vld [tilespmem:$0x660];
	_ =	sdelay $0x7  }
0x9f: {  	[tilespmem:v1+s14+$0x0] =	vst.idx.add.f32.msk $0xffff, v0  }
0xa0: {  	v1 =	vld [tilespmem:$0x670];
	_ =	sdelay $0x7  }
0xa1: {  	[tilespmem:v1+s14+$0x0] =	vst.idx.add.f32.msk $0xffff, v0  }
0xa2: {  	_ =	swait.ge [sflag:s19], $0x4000  }
0xa3: {  	[sflag:s19] =	ssyncset.done $0x0  }
0xa4: {  	[sflag:s19] =	ssyncadd.s32 $0xFFFFC000  }
0xa5: {  	[spmem:s2] =	stream.indirect.scatter.add.f32 [tilespmem:s17], [sflag:$0x3], $0x80, s31, s16, $0xb8;
	[tilespmem:$0x1F000] =	vst v63  }
0xa6: {  	_ =	swait.ge [sflag:s20], $0x4000  }
0xa7: {  	[sflag:s20] =	ssyncset.done $0x0  }
0xa8: {  	[sflag:s20] =	ssyncadd.s32 $0xFFFFC000  }
0xa9: {  	[tilespmem:s17], [sflag:$0x1] =	stream.indirect.gather [hbm4b:s4+s16], $0x80, s1, s16, $0xb8;
	[tilespmem:$0x1F000] =	vst v63  }
0xaa: {  	v1 =	vld [tilespmem:$0x680];
	_ =	sdelay $0x7  }
0xab: {  	[tilespmem:v1+s14+$0x0] =	vst.idx.add.f32.msk $0xffff, v0  }
0xac: {  	v1 =	vld [tilespmem:$0x690];
	_ =	sdelay $0x7  }
0xad: {  	[tilespmem:v1+s14+$0x0] =	vst.idx.add.f32.msk $0xffff, v0  }
0xae: {  	v1 =	vld [tilespmem:$0x6A0];
	_ =	sdelay $0x7  }
0xaf: {  	[tilespmem:v1+s14+$0x0] =	vst.idx.add.f32.msk $0xffff, v0  }
0xb0: {  	v1 =	vld [tilespmem:$0x6B0];
	_ =	sdelay $0x7  }
0xb1: {  	[tilespmem:v1+s14+$0x0] =	vst.idx.add.f32.msk $0xffff, v0  }
0xb2: {  	v1 =	vld [tilespmem:$0x6C0];
	_ =	sdelay $0x7  }
0xb3: {  	[tilespmem:v1+s14+$0x0] =	vst.idx.add.f32.msk $0xffff, v0  }
0xb4: {  	v1 =	vld [tilespmem:$0x6D0];
	_ =	sdelay $0x7  }
0xb5: {  	[tilespmem:v1+s14+$0x0] =	vst.idx.add.f32.msk $0xffff, v0  }
0xb6: {  	v1 =	vld [tilespmem:$0x6E0];
	_ =	sdelay $0x7  }
0xb7: {  	[tilespmem:v1+s14+$0x0] =	vst.idx.add.f32.msk $0xffff, v0  }
0xb8: {  	v1 =	vld [tilespmem:$0x6F0];
	_ =	sdelay $0x7  }
0xb9: {  	[tilespmem:v1+s14+$0x0] =	vst.idx.add.f32.msk $0xffff, v0  }
0xba: {  	_ =	swait.ge [sflag:s22], $0x4000  }
0xbb: {  	[sflag:s22] =	ssyncset.done $0x0  }
0xbc: {  	[sflag:s22] =	ssyncadd.s32 $0xFFFFC000  }
0xbd: {  	[spmem:s2] =	stream.indirect.scatter.add.f32 [tilespmem:s18], [sflag:$0x4], $0x80, s0, s16, $0xb8;
	[tilespmem:$0x1F000] =	vst v63  }
0xbe: {  	_ =	swait.ge [sflag:s24], $0x4000  }
0xbf: {  	[sflag:s24] =	ssyncset.done $0x0  }
0xc0: {  	[sflag:s24] =	ssyncadd.s32 $0xFFFFC000  }
0xc1: {  	[tilespmem:s18], [sflag:$0x2] =	stream.indirect.gather [hbm4b:s4+s16], $0x80, s5, s16, $0xb8;
	[tilespmem:$0x1F000] =	vst v63  }
0xc2: {  	v1 =	vld [tilespmem:$0x700];
	_ =	sdelay $0x7  }
0xc3: {  	[tilespmem:v1+s14+$0x0] =	vst.idx.add.f32.msk $0xffff, v0  }
0xc4: {  	v1 =	vld [tilespmem:$0x710];
	_ =	sdelay $0x7  }
0xc5: {  	[tilespmem:v1+s14+$0x0] =	vst.idx.add.f32.msk $0xffff, v0  }
0xc6: {  	v1 =	vld [tilespmem:$0x720];
	_ =	sdelay $0x7  }
0xc7: {  	[tilespmem:v1+s14+$0x0] =	vst.idx.add.f32.msk $0xffff, v0  }
0xc8: {  	v1 =	vld [tilespmem:$0x730];
	_ =	sdelay $0x7  }
0xc9: {  	[tilespmem:v1+s14+$0x0] =	vst.idx.add.f32.msk $0xffff, v0  }
0xca: {  	v1 =	vld [tilespmem:$0x740];
	_ =	sdelay $0x7  }
0xcb: {  	[tilespmem:v1+s14+$0x0] =	vst.idx.add.f32.msk $0xffff, v0  }
0xcc: {  	v1 =	vld [tilespmem:$0x750];
	_ =	sdelay $0x7  }
0xcd: {  	[tilespmem:v1+s14+$0x0] =	vst.idx.add.f32.msk $0xffff, v0  }
0xce: {  	v1 =	vld [tilespmem:$0x760];
	_ =	sdelay $0x7  }
0xcf: {  	[tilespmem:v1+s14+$0x0] =	vst.idx.add.f32.msk $0xffff, v0  }
0xd0: {  	v1 =	vld [tilespmem:$0x770];
	_ =	sdelay $0x7  }
0xd1: {  	[tilespmem:v1+s14+$0x0] =	vst.idx.add.f32.msk $0xffff, v0  }
0xd2: {  	_ =	swait.ge [sflag:s19], $0x4000  }
0xd3: {  	[sflag:s19] =	ssyncset.done $0x0  }
0xd4: {  	[sflag:s19] =	ssyncadd.s32 $0xFFFFC000  }
0xd5: {  	[spmem:s2] =	stream.indirect.scatter.add.f32 [tilespmem:s17], [sflag:$0x3], $0x80, s6, s16, $0xb8;
	[tilespmem:$0x1F000] =	vst v63  }
0xd6: {  	v1 =	vld [tilespmem:$0x780];
	_ =	sdelay $0x7  }
0xd7: {  	[tilespmem:v1+s14+$0x0] =	vst.idx.add.f32.msk $0xffff, v0  }
0xd8: {  	v1 =	vld [tilespmem:$0x790];
	_ =	sdelay $0x7  }
0xd9: {  	[tilespmem:v1+s14+$0x0] =	vst.idx.add.f32.msk $0xffff, v0  }
0xda: {  	v1 =	vld [tilespmem:$0x7A0];
	_ =	sdelay $0x7  }
0xdb: {  	[tilespmem:v1+s14+$0x0] =	vst.idx.add.f32.msk $0xffff, v0  }
0xdc: {  	v1 =	vld [tilespmem:$0x7B0];
	_ =	sdelay $0x7  }
0xdd: {  	[tilespmem:v1+s14+$0x0] =	vst.idx.add.f32.msk $0xffff, v0  }
0xde: {  	v1 =	vld [tilespmem:$0x7C0];
	_ =	sdelay $0x7  }
0xdf: {  	[tilespmem:v1+s14+$0x0] =	vst.idx.add.f32.msk $0xffff, v0  }
0xe0: {  	v1 =	vld [tilespmem:$0x7D0];
	_ =	sdelay $0x7  }
0xe1: {  	[tilespmem:v1+s14+$0x0] =	vst.idx.add.f32.msk $0xffff, v0  }
0xe2: {  	v1 =	vld [tilespmem:$0x7E0];
	_ =	sdelay $0x7  }
0xe3: {  	[tilespmem:v1+s14+$0x0] =	vst.idx.add.f32.msk $0xffff, v0  }
0xe4: {  	v1 =	vld [tilespmem:$0x7F0];
	_ =	sdelay $0x7  }
0xe5: {  	[tilespmem:v1+s14+$0x0] =	vst.idx.add.f32.msk $0xffff, v0  }
0xe6: {  	_ =	swait.ge [sflag:s22], $0x4000  }
0xe7: {  	[sflag:s22] =	ssyncset.done $0x0  }
0xe8: {  	[sflag:s22] =	ssyncadd.s32 $0xFFFFC000  }
0xe9: {  	[spmem:s2] =	stream.indirect.scatter.add.f32 [tilespmem:s18], [sflag:$0x4], $0x80, s8, s16, $0xb8;
	[tilespmem:$0x1F000] =	vst v63  }
0xea: {  	p0 =	sne.s32 s10, $0x480;
	_ =	swait.ge [sflag:s20], $0x4000  }
.Ltmp0:
0xeb: {  	[sflag:s20] =	ssyncset.done $0x0;
	(pc) =	sbr.rel @p0 .LBB2_2-.Ltmp0, $4  }
0xec: {  	[sflag:s20] =	ssyncadd.s32 $0xFFFFC000  }
0xed: {  	_ =	swait.ge [sflag:s24], $0x4000  }
0xee: {  	[sflag:s24] =	ssyncset.done $0x0  }
0xef: {  	s10 =	sadd.s32 $0x80, s10;
	[sflag:s24] =	ssyncadd.s32 $0xFFFFC000  }
0xf0: {  	[bflag:$0x0] =	sbarrier.arrive $0xFFFF  }
0xf1: {  	s10 =	rddreg [dreg:$0xa]  }
0xf2: {  	s7 =	rddreg [dreg:$0x7]  }
0xf3: {  	s12 =	rddreg [dreg:$0xb]  }
0xf4: {  	[hbm:s7], [sflag:s10] =	dma.local [spmem:s12], $0x2800  }
0xf5: {  	_ =	swait.ge [sflag:s13], $0x2800  }
0xf6: {  	[sflag:s13] =	ssyncset.done $0x0  }
0xf7: {  	s7 =	rddreg [dreg:$0x8];
	[sflag:s13] =	ssyncadd.s32 $0xFFFFD800  }
0xf8: {  	[hbm4b:s7+s3] =	stream.linear.scatter [tilespmem:s14], [sflag:$0x5], $0x2800, $0x38;
	[tilespmem:$0x1F000] =	vst v63  }
0xf9: {  	_ =	swait.ge [sflag:s13], $0x2800  }
0xfa: {  	s9 =	sadd.s32 $0x1, s9;
	s7 =	rddreg [dreg:$0x9]  }
0xfb: {  	p0 =	sne.s32 s9, s7  }
.Ltmp1:
0xfc: {  	_ = 	snop;
	(pc) =	sbr.rel @p0 .LBB2_1-.Ltmp1, $3  }
0xfd: {  	_ =	sdelay $0x1  }
0xfe: {  	[sflag:s13] =	ssyncset.done $0x0  }
0xff: {  	[sflag:s13] =	ssyncadd.s32 $0xFFFFD800  }
0x100: {  	_ =	sfence.sel $0x180000  }
0x101: {  	[bflag:$0x0] =	sbarrier.arrive $0xFFFF  }
0x102: {  	_ =	strace $0x90000047  }
0x103: {  	s0 =	stileid.u32;
	[bflag:$0x2] =	sbarrier.arrive $0xFFFF  }
0x104: {  	p0 =	sne.s32 s0, $0x0;
	s0 =	rddreg [dreg:$0x3]  }
0x105: {  	s0 =	sadd.s32 @!p0 $0x100000, s0  }
0x106: {  	[sflag:s0] =	ssyncadd.tile.s32 @!p0 $0x1;
	_ =	shalt  }
.Lfunc_end2:
_tile_overlayer_lowered:
.L_overlay_start_2:
0x107: {  	(tag) =	ssettag $0x2  }
0x108: {  	s0 =	rddreg [dreg:$0x0];
	s2 =	stileid.u32  }
0x109: {  	s1 =	rddreg [dreg:$0x1];
	p0 =	sne.s32 s2, $0x0  }
0x10a: {  	s3 =	rddreg [dreg:$0x2];
	[bflag:$0x3] =	sbarrier.arrive $0xFFFF;
	s2 =	simm.s32 @!p0 $0x1C05  }
0x10b: {  	[timem:s3], [sflag:s2] =	dma.local @!p0 [hbm:s0], s1  }
0x10c: {  	s0 =	simm.s32 @!p0 $0x5  }
0x10d: {  	_ =	swait.ge @!p0 [sflag:s0], s1  }
0x10e: {  	s1 =	ssub.s32 @!p0 $0x0, s1;
	[sflag:s0] =	ssyncset.done @!p0 $0x0  }
0x10f: {  	[sflag:s0] =	ssyncadd.s32 @!p0 s1  }
0x110: {  	[bflag:$0x3] =	sbarrier.arrive $0xFFFF  }
0x111: {  	_ =	shalt  }

// kernel: kernel.9.cloned.1.call-start
scs
__scs_entry_jumppad:
0x0: {  	(pc) =	sbr.rel $0x88, $3  }
0x1: {  	(tag) =	ssettag $0x0;
	lr =	simm.s32 $0x1  }
0x2: {  	[smem:$0x3F97] =	sst lr;
	_ =	strace $0xD0000000  }
0x3: {  	_ = 	snop  }
0x4: {  	_ = 	snop  }
0x5: {  	_ = 	snop  }
0x6: {  	_ = 	snop  }
0x7: {  	_ = 	snop  }
__scs_overlays_trampoline_lowered:
0x8: {  	[smem:$0x3FA6] =	sst s0  }
0x9: {  	[smem:$0x3FA7] =	sst s1  }
0xa: {  	[smem:$0x3FA8] =	sst s2  }
0xb: {  	[smem:$0x3FA9] =	sst s3  }
0xc: {  	[smem:$0x3FAA] =	sst s4  }
0xd: {  	[smem:$0x3FAB] =	sst s5  }
0xe: {  	[smem:$0x3FAC] =	sst s6  }
0xf: {  	[smem:$0x3FAD] =	sst s7  }
0x10: {  	[smem:$0x3FAE] =	sst s8  }
0x11: {  	[smem:$0x3FAF] =	sst s9;
	s0 =	simm.s32 @!p0 $0x0  }
0x12: {  	s1 =	sld [smem:$0x3F95];
	s0 =	simm.s32 @p0 $0x1  }
0x13: {  	[smem:$0x3FB0] =	sst s0;
	s0 =	simm.s32 @!p1 $0x0  }
0x14: {  	s2 =	sld [smem:$0x3F94];
	s0 =	simm.s32 @p1 $0x1  }
0x15: {  	[smem:$0x3FB1] =	sst s0;
	s0 =	simm.s32 @!p2 $0x0  }
0x16: {  	s3 =	sld [smem:$0x3FDB];
	s0 =	simm.s32 @p2 $0x1  }
0x17: {  	s4 =	simm.s32 $0x1BF5;
	[smem:$0x3FB3] =	sst s0  }
0x18: {  	s0 =	sld [smem:$0x3F96];
	_ =	swait.ge [sflag:s4], $0x0  }
0x19: {  	s7 =	sld [smem:$0x3F97]  }
0x1a: {  	s8 =	sadd.s32 $0xFFFFE003, lr  }
0x1b: {  	s9 =	sadd.s32 $0xFFFFFEF7, lr;
	s5 =	simm.s32 $0xFFFFFFFF;
	p2 =	slt.u32 s8, $0xFFFFF086  }
0x1c: {  	p1 =	slt.u32 s9, $0xF7A;
	s5 =	simm.s32 @!p2 $0x0  }
0x1d: {  	s5 =	simm.s32 @p1 $0x1;
	p0 =	seq.s32 s7, s2  }
0x1e: {  	s7 =	smul.u32 @!p0 $0xF7A, s2;
	p2 =	seq.s32 @!p0 s5, $0x0  }
0x1f: {  	s9 =	smul.u32 $0xF7A, s1;
	s8 =	simm.s32 @!p0 $0x1BF5;
	p2 =	por !p2, p0  }
0x20: {  	[sflag:s8] =	ssyncset.s32 @!p0 $0xFFFFF086;
	s6 =	sadd.s32 @!p0 s3, s7;
	s7 =	simm.s32 @!p0 $0x108  }
0x21: {  	s3 =	sadd.s32 s3, s9;
	s6 =	sadd.s32 @!p0 $0x88, s6;
	s7 =	simm.s32 @p2 $0x1082  }
0x22: {  	[simem:s7], [sflag:s8] =	dma.local @!p0 [hbm:s6], $0xF7A  }
0x23: {  	s9 =	sor.u32 $0xD0000000, s2;
	s6 =	simm.s32 $0x108;
	_ =	swait.ge @!p0 [sflag:s8], $0x0  }
0x24: {  	s3 =	sadd.s32 $0x88, s3;
	s6 =	simm.s32 @!p1 $0x1082;
	[sflag:s4] =	ssyncset.s32 $0xFFFFF086  }
0x25: {  	[simem:s6], [sflag:s4] =	dma.local [hbm:s3], $0xF7A  }
0x26: {  	[smem:$0x3F97] =	sst s1;
	(tag) =	ssettag s2;
	_ =	strace s9  }
0x27: {  	s1 =	sld [smem:$0x3FA7]  }
0x28: {  	s2 =	sld [smem:$0x3FA8]  }
0x29: {  	s4 =	sld [smem:$0x3FAA]  }
0x2a: {  	p0 =	seq.s32 s5, $0x0;
	s5 =	sld [smem:$0x3FAB]  }
0x2b: {  	s6 =	sld [smem:$0x3FAC]  }
0x2c: {  	s7 =	sld [smem:$0x3FAD]  }
0x2d: {  	s3 =	simm.s32 $0x108;
	s8 =	sld [smem:$0x3FAE]  }
0x2e: {  	s3 =	simm.s32 @!p0 $0x1082;
	s9 =	sld [smem:$0x3FAF]  }
0x2f: {  	lr =	sadd.s32 s0, s3;
	s0 =	sld [smem:$0x3FA6]  }
0x30: {  	s3 =	sld [smem:$0x3FA9]  }
0x31: {  	[smem:$0x3FB2] =	sst s10  }
0x32: {  	s10 =	sld [smem:$0x3FB0];
	_ =	sdelay $0x3  }
0x33: {  	p0 =	seq.s32 s10, $0x1;
	s10 =	sld [smem:$0x3FB2];
	_ =	sdelay $0x3  }
0x34: {  	[smem:$0x3FB2] =	sst s10  }
0x35: {  	s10 =	sld [smem:$0x3FB1];
	_ =	sdelay $0x3  }
0x36: {  	p1 =	seq.s32 s10, $0x1;
	s10 =	sld [smem:$0x3FB2];
	_ =	sdelay $0x3  }
0x37: {  	[smem:$0x3FB2] =	sst s10  }
0x38: {  	s10 =	sld [smem:$0x3FB3]  }
0x39: {  	_ = 	snop;
	(pc) =	sbr.ind lr, $3  }
0x3a: {  	_ = 	snop  }
0x3b: {  	_ = 	snop  }
0x3c: {  	p2 =	seq.s32 s10, $0x1;
	s10 =	sld [smem:$0x3FB2]  }
0x3d: {  	_ =	shalt  }
0x3e: {  	_ =	shalt  }
0x3f: {  	_ =	shalt  }
0x40: {  	_ =	shalt  }
0x41: {  	_ =	shalt  }
0x42: {  	_ =	shalt  }
0x43: {  	_ =	shalt  }
0x44: {  	_ =	shalt  }
0x45: {  	_ =	shalt  }
0x46: {  	_ =	shalt  }
0x47: {  	_ =	shalt  }
0x48: {  	_ =	shalt  }
0x49: {  	_ =	shalt  }
0x4a: {  	_ =	shalt  }
0x4b: {  	_ =	shalt  }
0x4c: {  	_ =	shalt  }
0x4d: {  	_ =	shalt  }
0x4e: {  	_ =	shalt  }
0x4f: {  	_ =	shalt  }
0x50: {  	_ =	shalt  }
0x51: {  	_ =	shalt  }
0x52: {  	_ =	shalt  }
0x53: {  	_ =	shalt  }
0x54: {  	_ =	shalt  }
0x55: {  	_ =	shalt  }
0x56: {  	_ =	shalt  }
0x57: {  	_ =	shalt  }
0x58: {  	_ =	shalt  }
0x59: {  	_ =	shalt  }
0x5a: {  	_ =	shalt  }
0x5b: {  	_ =	shalt  }
0x5c: {  	_ =	shalt  }
0x5d: {  	_ =	shalt  }
0x5e: {  	_ =	shalt  }
0x5f: {  	_ =	shalt  }
0x60: {  	_ =	shalt  }
0x61: {  	_ =	shalt  }
0x62: {  	_ =	shalt  }
0x63: {  	_ =	shalt  }
0x64: {  	_ =	shalt  }
0x65: {  	_ =	shalt  }
0x66: {  	_ =	shalt  }
0x67: {  	_ =	shalt  }
0x68: {  	_ =	shalt  }
0x69: {  	_ =	shalt  }
0x6a: {  	_ =	shalt  }
0x6b: {  	_ =	shalt  }
0x6c: {  	_ =	shalt  }
0x6d: {  	_ =	shalt  }
0x6e: {  	_ =	shalt  }
0x6f: {  	_ =	shalt  }
0x70: {  	_ =	shalt  }
0x71: {  	_ =	shalt  }
0x72: {  	_ =	shalt  }
0x73: {  	_ =	shalt  }
0x74: {  	_ =	shalt  }
0x75: {  	_ =	shalt  }
0x76: {  	_ =	shalt  }
0x77: {  	_ =	shalt  }
0x78: {  	_ =	shalt  }
0x79: {  	_ =	shalt  }
0x7a: {  	_ =	shalt  }
0x7b: {  	_ =	shalt  }
0x7c: {  	_ =	shalt  }
0x7d: {  	_ =	shalt  }
0x7e: {  	_ =	shalt  }
0x7f: {  	_ =	shalt  }
0x80: {  	_ =	shalt  }
0x81: {  	_ =	shalt  }
0x82: {  	_ =	shalt  }
0x83: {  	_ =	shalt  }
0x84: {  	_ =	shalt  }
0x85: {  	_ =	shalt  }
0x86: {  	_ =	shalt  }
0x87: {  	_ =	shalt  }
.Lfunc_end0:
.L_simem_size_0:
called_computation.1_lowered:
.L_overlay_start_0:
0x88: {  	s2 =	sld [smem:$0x3FD9]  }
0x89: {  	s3 =	sld [smem:$0x3FFE];
	_ =	sdelay $0x1  }
0x8a: {  	s1 =	srdreg.scid  }
0x8b: {  	s0 =	sand.u32 $0x1, s1  }
0x8c: {  	s17 =	sshll.u32 s0, $0xA;
	s2 =	sadd.s32 s3, s2  }
0x8d: {  	s2 =	sadd.s32 s2, s17  }
0x8e: {  	[smem:$0x3FBE] =	sst s2  }
0x8f: {  	_ = 	snop  }
0x90: {  	s2 =	sld [smem:$0x3FD0];
	(tm) =	ssettm $0x1  }
0x91: {  	s18 =	sld [smem:$0x3FFB];
	_ =	sdelay $0x3  }
0x92: {  	_ =	strace s18  }
0x93: {  	s3 =	sld [smem:$0x3FFC];
	_ =	sdelay $0x3  }
0x94: {  	_ =	strace s3  }
0x95: {  	s3 =	sld [smem:$0x3FFD];
	_ =	sdelay $0x3  }
0x96: {  	_ =	strace s3  }
0x97: {  	_ =	strace $0x8FFFFFFF  }
0x98: {  	s19 =	sld [smem:$0x3FDB];
	_ =	sdelay $0x1  }
0x99: {  	s4 =	simm.s32 $_scs_section_size  }
0x9a: {  	s5 =	simm.s32 $_size__tile_overlayer_lowered;
	s6 =	simm.s32 $_tile_overlayer_lowered  }
0x9b: {  	s22 =	simm.s32 $0x1BFF;
	s21 =	sshll.u32 s6, $0x1;
	s3 =	sadd.s32 s4, s19  }
0x9c: {  	s7 =	simm.s32 $0x0;
	s20 =	sshll.u32 s5, $0x1;
	s5 =	sadd.s32 s21, s3  }
0x9d: {  	[timem:s7], [sflag:s22] =	dma.local [hbm:s5], s20  }
0x9e: {  	_ =	swait.ge [sflag:s22], s20  }
0x9f: {  	s4 =	ssub.s32 $0x0, s20;
	[sflag:s22] =	ssyncset.done $0x0  }
0xa0: {  	[sflag:s22] =	ssyncadd.s32 s4;
	_ =	sdelay $0x1  }
0xa1: {  	s23 =	simm.s32 $0x1B8B  }
0xa2: {  	_ =	swait.ge [sflag:s23], $0x1  }
0xa3: {  	[sflag:s23] =	ssyncset.done $0x0  }
0xa4: {  	s25 =	simm.s32 $0x1B8E;
	s24 =	sld [smem:$0x3FFE];
	[sflag:s23] =	ssyncadd.s32 $0xFFFFFFFF  }
0xa5: {  	s26 =	simm.s32 $execute0_lowered;
	[smem:$0x3FD2] =	sst s25  }
0xa6: {  	s5 =	sshll.u32 s26, $0x1;
	_ =	strace $0x80000049;
	[dreg:$0x1] =	wrdreg $0xFFFFFFFF  }
0xa7: {  	s28 =	simm.s32 $_size_execute0_lowered;
	s3 =	sadd.s32 s3, s5;
	[dreg:$0x0] =	wrdreg $0x0  }
0xa8: {  	s5 =	sshll.u32 s28, $0x1;
	[dreg:$0x2] =	wrdreg s3  }
0xa9: {  	[dreg:$0x3] =	wrdreg s5  }
0xaa: {  	[dreg:$0x4] =	wrdreg $0xC0  }
0xab: {  	_ =	task [dreg:s7], $0x5FFFF  }
0xac: {  	[dreg:$0x1] =	wrdreg $0xFFFFFFFF  }
0xad: {  	[dreg:$0x0] =	wrdreg $0x60  }
0xae: {  	[dreg:$0x2] =	wrdreg s24  }
0xaf: {  	[dreg:$0x3] =	wrdreg s2  }
0xb0: {  	[dreg:$0x4] =	wrdreg $0x88000  }
0xb1: {  	[dreg:$0x5] =	wrdreg $0x9  }
0xb2: {  	_ =	task.clear_ibuf [dreg:s7], $0x6FFFF;
	_ =	strace $0x90000049  }
0xb3: {  	s29 =	simm.s32 $0x9;
	_ =	strace $0x8000004B  }
0xb4: {  	_ =	swait.ge [sflag:s29], $0x1  }
0xb5: {  	[sflag:s29] =	ssyncadd.s32 $0xFFFFFFFF  }
0xb6: {  	_ =	strace $0x9000004B  }
0xb7: {  	_ =	sfence  }
0xb8: {  	s30 =	sld [smem:$0x0];
	_ =	sdelay $0x2  }
0xb9: {  	s31 =	sshll.u32 s1, $0xD;
	s1 =	sshrl.u32 s1, $0x2  }
0xba: {  	s3 =	sand.u32 $0x4000, s31;
	s1 =	sadd.s32 s1, s30  }
0xbb: {  	s0 =	sor.u32 s3, s0;
	s1 =	sshll.u32 s1, $0x11  }
0xbc: {  	s0 =	sor.u32 s1, s0  }
0xbd: {  	s0 =	sadd.s32 $0x8F2B, s0  }
0xbe: {  	[sflag:s0] =	ssyncadd.remote.s32 $0x1  }
0xbf: {  	_ =	sfence.sel $0xFFFF  }
0xc0: {  	[dreg:$0x0] =	wrdreg $0xFFFFFFFF;
	(pc) =	sbr.abs _section_cstart, $3  }
0xc1: {  	[dreg:$0x1] =	wrdreg $0xFFFFFFFF  }
0xc2: {  	_ =	task.clear_ibuf [dreg:s7], $0x2FFFF;
	_ =	strace $0x9FFFFFFF  }
0xc3: {  	(tm) =	ssettm $0x7FFFFFFF  }
tec
execute0_lowered:
.L_overlay_start_1:
0x0: {  	(tag) =	ssettag $0x1  }
0x1: {  	s0 =	rddreg [dreg:$0x0]  }
0x2: {  	s1 =	rddreg [dreg:$0x1]  }
0x3: {  	s2 =	rddreg [dreg:$0x2]  }
0x4: {  	s12 =	stileid.u32;
	s4 =	srdreg.scid;
	s3 =	simm.s32 $0x0  }
0x5: {  	s13 =	simm.s32 $0x80;
	s14 =	simm.s32 $0x800;
	s15 =	simm.s32 $0x4800  }
0x6: {  	s16 =	simm.s32 $0x1;
	s17 =	simm.s32 $0x3;
	s18 =	simm.s32 $0x100  }
0x7: {  	s19 =	simm.s32 $0x2;
	s28 =	simm.s32 $0x600;
	s29 =	simm.s32 $0x300  }
0x8: {  	s30 =	simm.s32 $0x680;
	s31 =	simm.s32 $0x380;
	s5 =	smul.u32 $0x50, s12  }
0x9: {  	s6 =	sand.u32 $0x1, s4;
	[smem:$0x7FF] =	sst s3;
	s20 =	smul.u32 $0x14000, s12  }
0xa: {  	s21 =	smul.u32 $0x50000, s12;
	s25 =	sshll.u32 s12, $0x6;
	s12 =	simm.s32 $0x400  }
0xb: {  	p0 =	seq.s32 s6, $0x0;
	_ =	strace $0x8000004A;
	s8 =	smul.u32 $0x140000, s6  }
0xc: {  	s6 =	ssub.s32 $0x2, s6;
	s4 =	sadd.s32 $0x500, s5;
	s10 =	sshrl.u32 s20, $0x3  }
0xd: {  	s11 =	sshrl.u32 s6, $0x1;
	s23 =	sshrl.u32 s21, $0x2;
	s21 =	simm.s32 $0x4  }
0xe: {  	s4 =	smov.u32 @p0 s5;
	s5 =	sadd.s32 s20, s8;
	s10 =	sadd.s32 s10, s0  }
0xf: {  	s22 =	ssub.s32 s6, s11;
	s6 =	sadd.s32 s23, s2;
	s8 =	sor.u32 $0x1C05, s25  }
0x10: {  	s11 =	simm.s32 $0x5;
	s20 =	simm.s32 $0x480;
	s23 =	simm.s32 $0x500  }
0x11: {  	s25 =	simm.s32 $0x580;
	s7 =	sshll.u32 s4, $0x4;
	s4 =	sadd.s32 $0xD200, s0  }
0x12: {  	s5 =	sshrl.u32 s5, $0x3;
	s24 =	sadd.s32 $0x35800, s10;
	s6 =	sshrl.u32 s6, $0x3  }
0x13: {  	[dreg:$0x6] =	wrdreg s8;
	s9 =	sadd.s32 s7, s0;
	s0 =	sadd.s32 s5, s0  }
0x14: {  	[dreg:$0x5] =	wrdreg s24;
	s5 =	smax.u32 s22, $0x1;
	s22 =	simm.s32 $0x180  }
0x15: {  	s24 =	simm.s32 $0x200;
	[dreg:$0x9] =	wrdreg s6;
	s0 =	sadd.s32 $0x5D800, s0  }
0x16: {  	s26 =	sadd.s32 $0x3200, s9;
	[dreg:$0x8] =	wrdreg s5;
	s9 =	sadd.s32 s7, s1  }
0x17: {  	s1 =	simm.s32 $0x700;
	s7 =	simm.s32 $0x0;
	[dreg:$0x7] =	wrdreg s0  }
0x18: {  	[dreg:$0x4] =	wrdreg s26;
	s26 =	simm.s32 $0x280;
	s0 =	simm.s32 $0x780  }
.LBB2_1:
0x19: {  	[dreg:$0xa] =	wrdreg s7  }
0x1a: {  	s5 =	rddreg [dreg:$0x5]  }
0x1b: {  	[spmem:s6], [sflag:s8] =	dma.local [hbm:s5], $0x2800  }
0x1c: {  	_ =	swait.ge [sflag:s11], $0x2800  }
0x1d: {  	[sflag:s11] =	ssyncset.done $0x0  }
0x1e: {  	[sflag:s11] =	ssyncadd.s32 $0xFFFFD800  }
0x1f: {  	s8 =	sadd.s32 $0x0, s9;
	[bflag:$0x0] =	sbarrier.arrive $0xFFFF  }
0x20: {  	[tilespmem:s3], [sflag:$0x5] =	stream.linear.gather [hbm4b:s8+s3], $0x400, $0x38;
	[tilespmem:$0x1C800] =	vst v63  }
0x21: {  	_ =	swait.ge [sflag:s11], $0x400  }
0x22: {  	s10 =	rddreg [dreg:$0x4];
	[sflag:s11] =	ssyncset.done $0x0  }
0x23: {  	[sflag:s11] =	ssyncadd.s32 $0xFFFFFC00;
	s6 =	sadd.s32 $0x0, s10  }
0x24: {  	[tilespmem:s12], [sflag:$0x5] =	stream.linear.gather [hbm4b:s6+s3], $0x400, $0x38;
	[tilespmem:$0x1C800] =	vst v63  }
0x25: {  	_ =	swait.ge [sflag:s11], $0x400  }
0x26: {  	[sflag:s11] =	ssyncset.done $0x0  }
0x27: {  	[sflag:s11] =	ssyncadd.s32 $0xFFFFFC00  }
0x28: {  	[tilespmem:s14], [sflag:$0x1] =	stream.indirect.gather [hbm4b:s4+s13], $0x80, s3, s13, $0xb8;
	[tilespmem:$0x1C800] =	vst v63  }
0x29: {  	_ = 	snop  }
0x2a: {  	[tilespmem:s15], [sflag:$0x2] =	stream.indirect.gather [hbm4b:s4+s13], $0x80, s13, s13, $0xb8;
	[tilespmem:$0x1C800] =	vst v63  }
0x2b: {  	_ =	swait.ge [sflag:s16], $0x4000  }
0x2c: {  	[sflag:s16] =	ssyncset.done $0x0  }
0x2d: {  	[sflag:s16] =	ssyncadd.s32 $0xFFFFC000  }
0x2e: {  	[spmem:s2] =	stream.indirect.scatter.add.f32 [tilespmem:s14], [sflag:$0x3], $0x80, s12, s13, $0xb8;
	[tilespmem:$0x1C800] =	vst v63  }
0x2f: {  	_ =	swait.ge [sflag:s17], $0x4000  }
0x30: {  	[sflag:s17] =	ssyncset.done $0x0  }
0x31: {  	[sflag:s17] =	ssyncadd.s32 $0xFFFFC000  }
0x32: {  	[tilespmem:s14], [sflag:$0x1] =	stream.indirect.gather [hbm4b:s4+s13], $0x80, s18, s13, $0xb8;
	[tilespmem:$0x1C800] =	vst v63  }
0x33: {  	_ =	swait.ge [sflag:s19], $0x4000  }
0x34: {  	[sflag:s19] =	ssyncset.done $0x0  }
0x35: {  	[sflag:s19] =	ssyncadd.s32 $0xFFFFC000  }
0x36: {  	[spmem:s2] =	stream.indirect.scatter.add.f32 [tilespmem:s15], [sflag:$0x4], $0x80, s20, s13, $0xb8;
	[tilespmem:$0x1C800] =	vst v63  }
0x37: {  	_ =	swait.ge [sflag:s21], $0x4000  }
0x38: {  	[sflag:s21] =	ssyncset.done $0x0  }
0x39: {  	[sflag:s21] =	ssyncadd.s32 $0xFFFFC000  }
0x3a: {  	[tilespmem:s15], [sflag:$0x2] =	stream.indirect.gather [hbm4b:s4+s13], $0x80, s22, s13, $0xb8;
	[tilespmem:$0x1C800] =	vst v63  }
0x3b: {  	_ =	swait.ge [sflag:s16], $0x4000  }
0x3c: {  	[sflag:s16] =	ssyncset.done $0x0  }
0x3d: {  	[sflag:s16] =	ssyncadd.s32 $0xFFFFC000  }
0x3e: {  	[spmem:s2] =	stream.indirect.scatter.add.f32 [tilespmem:s14], [sflag:$0x3], $0x80, s23, s13, $0xb8;
	[tilespmem:$0x1C800] =	vst v63  }
0x3f: {  	_ =	swait.ge [sflag:s17], $0x4000  }
0x40: {  	[sflag:s17] =	ssyncset.done $0x0  }
0x41: {  	[sflag:s17] =	ssyncadd.s32 $0xFFFFC000  }
0x42: {  	[tilespmem:s14], [sflag:$0x1] =	stream.indirect.gather [hbm4b:s4+s13], $0x80, s24, s13, $0xb8;
	[tilespmem:$0x1C800] =	vst v63  }
0x43: {  	_ =	swait.ge [sflag:s19], $0x4000  }
0x44: {  	[sflag:s19] =	ssyncset.done $0x0  }
0x45: {  	[sflag:s19] =	ssyncadd.s32 $0xFFFFC000  }
0x46: {  	[spmem:s2] =	stream.indirect.scatter.add.f32 [tilespmem:s15], [sflag:$0x4], $0x80, s25, s13, $0xb8;
	[tilespmem:$0x1C800] =	vst v63  }
0x47: {  	_ =	swait.ge [sflag:s21], $0x4000  }
0x48: {  	[sflag:s21] =	ssyncset.done $0x0  }
0x49: {  	[sflag:s21] =	ssyncadd.s32 $0xFFFFC000  }
0x4a: {  	[tilespmem:s15], [sflag:$0x2] =	stream.indirect.gather [hbm4b:s4+s13], $0x80, s26, s13, $0xb8;
	[tilespmem:$0x1C800] =	vst v63  }
0x4b: {  	_ =	swait.ge [sflag:s16], $0x4000  }
0x4c: {  	[sflag:s16] =	ssyncset.done $0x0  }
0x4d: {  	[sflag:s16] =	ssyncadd.s32 $0xFFFFC000  }
0x4e: {  	[spmem:s2] =	stream.indirect.scatter.add.f32 [tilespmem:s14], [sflag:$0x3], $0x80, s28, s13, $0xb8;
	[tilespmem:$0x1C800] =	vst v63  }
0x4f: {  	_ =	swait.ge [sflag:s17], $0x4000  }
0x50: {  	[sflag:s17] =	ssyncset.done $0x0  }
0x51: {  	[sflag:s17] =	ssyncadd.s32 $0xFFFFC000  }
0x52: {  	[tilespmem:s14], [sflag:$0x1] =	stream.indirect.gather [hbm4b:s4+s13], $0x80, s29, s13, $0xb8;
	[tilespmem:$0x1C800] =	vst v63  }
0x53: {  	_ =	swait.ge [sflag:s19], $0x4000  }
0x54: {  	[sflag:s19] =	ssyncset.done $0x0  }
0x55: {  	[sflag:s19] =	ssyncadd.s32 $0xFFFFC000  }
0x56: {  	[spmem:s2] =	stream.indirect.scatter.add.f32 [tilespmem:s15], [sflag:$0x4], $0x80, s30, s13, $0xb8;
	[tilespmem:$0x1C800] =	vst v63  }
0x57: {  	_ =	swait.ge [sflag:s21], $0x4000  }
0x58: {  	[sflag:s21] =	ssyncset.done $0x0  }
0x59: {  	[sflag:s21] =	ssyncadd.s32 $0xFFFFC000  }
0x5a: {  	[tilespmem:s15], [sflag:$0x2] =	stream.indirect.gather [hbm4b:s4+s13], $0x80, s31, s13, $0xb8;
	[tilespmem:$0x1C800] =	vst v63  }
0x5b: {  	_ =	swait.ge [sflag:s16], $0x4000  }
0x5c: {  	[sflag:s16] =	ssyncset.done $0x0  }
0x5d: {  	[sflag:s16] =	ssyncadd.s32 $0xFFFFC000  }
0x5e: {  	[spmem:s2] =	stream.indirect.scatter.add.f32 [tilespmem:s14], [sflag:$0x3], $0x80, s1, s13, $0xb8;
	[tilespmem:$0x1C800] =	vst v63  }
0x5f: {  	_ =	swait.ge [sflag:s19], $0x4000  }
0x60: {  	[sflag:s19] =	ssyncset.done $0x0  }
0x61: {  	[sflag:s19] =	ssyncadd.s32 $0xFFFFC000  }
0x62: {  	[spmem:s2] =	stream.indirect.scatter.add.f32 [tilespmem:s15], [sflag:$0x4], $0x80, s0, s13, $0xb8;
	[tilespmem:$0x1C800] =	vst v63  }
0x63: {  	_ =	swait.ge [sflag:s17], $0x4000  }
0x64: {  	[sflag:s17] =	ssyncset.done $0x0  }
0x65: {  	[sflag:s17] =	ssyncadd.s32 $0xFFFFC000  }
0x66: {  	_ =	swait.ge [sflag:s21], $0x4000  }
0x67: {  	s7 =	simm.s32 $0x80;
	s8 =	simm.s32 $0x100;
	[sflag:s21] =	ssyncset.done $0x0  }
.LBB2_2:
0x68: {  	s10 =	sadd.s32 s7, s9;
	[sflag:s21] =	ssyncadd.s32 $0xFFFFC000  }
0x69: {  	[tilespmem:s3], [sflag:$0x5] =	stream.linear.gather [hbm4b:s10+s3], $0x400, $0x38;
	[tilespmem:$0x1C800] =	vst v63  }
0x6a: {  	s5 =	smov.u32 s8;
	_ =	swait.ge [sflag:s11], $0x400  }
0x6b: {  	s6 =	sadd.s32 $0x80, s8;
	s10 =	rddreg [dreg:$0x4];
	[sflag:s11] =	ssyncset.done $0x0  }
0x6c: {  	p0 =	sne.s32 s8, $0x480;
	[sflag:s11] =	ssyncadd.s32 $0xFFFFFC00;
	s8 =	sadd.s32 s7, s10  }
0x6d: {  	[tilespmem:s12], [sflag:$0x5] =	stream.linear.gather [hbm4b:s8+s3], $0x400, $0x38;
	[tilespmem:$0x1C800] =	vst v63  }
0x6e: {  	_ =	swait.ge [sflag:s11], $0x400  }
0x6f: {  	[sflag:s11] =	ssyncset.done $0x0  }
0x70: {  	[sflag:s11] =	ssyncadd.s32 $0xFFFFFC00  }
0x71: {  	[tilespmem:s14], [sflag:$0x1] =	stream.indirect.gather [hbm4b:s4+s13], $0x80, s3, s13, $0xb8;
	[tilespmem:$0x1C800] =	vst v63  }
0x72: {  	_ = 	snop  }
0x73: {  	[tilespmem:s15], [sflag:$0x2] =	stream.indirect.gather [hbm4b:s4+s13], $0x80, s13, s13, $0xb8;
	[tilespmem:$0x1C800] =	vst v63  }
0x74: {  	_ =	swait.ge [sflag:s16], $0x4000  }
0x75: {  	[sflag:s16] =	ssyncset.done $0x0  }
0x76: {  	[sflag:s16] =	ssyncadd.s32 $0xFFFFC000  }
0x77: {  	[spmem:s2] =	stream.indirect.scatter.add.f32 [tilespmem:s14], [sflag:$0x3], $0x80, s12, s13, $0xb8;
	[tilespmem:$0x1C800] =	vst v63  }
0x78: {  	_ =	swait.ge [sflag:s17], $0x4000  }
0x79: {  	[sflag:s17] =	ssyncset.done $0x0  }
0x7a: {  	[sflag:s17] =	ssyncadd.s32 $0xFFFFC000  }
0x7b: {  	[tilespmem:s14], [sflag:$0x1] =	stream.indirect.gather [hbm4b:s4+s13], $0x80, s18, s13, $0xb8;
	[tilespmem:$0x1C800] =	vst v63  }
0x7c: {  	_ =	swait.ge [sflag:s19], $0x4000  }
0x7d: {  	[sflag:s19] =	ssyncset.done $0x0  }
0x7e: {  	[sflag:s19] =	ssyncadd.s32 $0xFFFFC000  }
0x7f: {  	[spmem:s2] =	stream.indirect.scatter.add.f32 [tilespmem:s15], [sflag:$0x4], $0x80, s20, s13, $0xb8;
	[tilespmem:$0x1C800] =	vst v63  }
0x80: {  	_ =	swait.ge [sflag:s21], $0x4000  }
0x81: {  	[sflag:s21] =	ssyncset.done $0x0  }
0x82: {  	[sflag:s21] =	ssyncadd.s32 $0xFFFFC000  }
0x83: {  	[tilespmem:s15], [sflag:$0x2] =	stream.indirect.gather [hbm4b:s4+s13], $0x80, s22, s13, $0xb8;
	[tilespmem:$0x1C800] =	vst v63  }
0x84: {  	_ =	swait.ge [sflag:s16], $0x4000  }
0x85: {  	[sflag:s16] =	ssyncset.done $0x0  }
0x86: {  	[sflag:s16] =	ssyncadd.s32 $0xFFFFC000  }
0x87: {  	[spmem:s2] =	stream.indirect.scatter.add.f32 [tilespmem:s14], [sflag:$0x3], $0x80, s23, s13, $0xb8;
	[tilespmem:$0x1C800] =	vst v63  }
0x88: {  	_ =	swait.ge [sflag:s17], $0x4000  }
0x89: {  	[sflag:s17] =	ssyncset.done $0x0  }
0x8a: {  	[sflag:s17] =	ssyncadd.s32 $0xFFFFC000  }
0x8b: {  	[tilespmem:s14], [sflag:$0x1] =	stream.indirect.gather [hbm4b:s4+s13], $0x80, s24, s13, $0xb8;
	[tilespmem:$0x1C800] =	vst v63  }
0x8c: {  	_ =	swait.ge [sflag:s19], $0x4000  }
0x8d: {  	[sflag:s19] =	ssyncset.done $0x0  }
0x8e: {  	[sflag:s19] =	ssyncadd.s32 $0xFFFFC000  }
0x8f: {  	[spmem:s2] =	stream.indirect.scatter.add.f32 [tilespmem:s15], [sflag:$0x4], $0x80, s25, s13, $0xb8;
	[tilespmem:$0x1C800] =	vst v63  }
0x90: {  	_ =	swait.ge [sflag:s21], $0x4000  }
0x91: {  	[sflag:s21] =	ssyncset.done $0x0  }
0x92: {  	[sflag:s21] =	ssyncadd.s32 $0xFFFFC000  }
0x93: {  	[tilespmem:s15], [sflag:$0x2] =	stream.indirect.gather [hbm4b:s4+s13], $0x80, s26, s13, $0xb8;
	[tilespmem:$0x1C800] =	vst v63  }
0x94: {  	_ =	swait.ge [sflag:s16], $0x4000  }
0x95: {  	[sflag:s16] =	ssyncset.done $0x0  }
0x96: {  	[sflag:s16] =	ssyncadd.s32 $0xFFFFC000  }
0x97: {  	[spmem:s2] =	stream.indirect.scatter.add.f32 [tilespmem:s14], [sflag:$0x3], $0x80, s28, s13, $0xb8;
	[tilespmem:$0x1C800] =	vst v63  }
0x98: {  	_ =	swait.ge [sflag:s17], $0x4000  }
0x99: {  	[sflag:s17] =	ssyncset.done $0x0  }
0x9a: {  	[sflag:s17] =	ssyncadd.s32 $0xFFFFC000  }
0x9b: {  	[tilespmem:s14], [sflag:$0x1] =	stream.indirect.gather [hbm4b:s4+s13], $0x80, s29, s13, $0xb8;
	[tilespmem:$0x1C800] =	vst v63  }
0x9c: {  	_ =	swait.ge [sflag:s19], $0x4000  }
0x9d: {  	[sflag:s19] =	ssyncset.done $0x0  }
0x9e: {  	[sflag:s19] =	ssyncadd.s32 $0xFFFFC000  }
0x9f: {  	[spmem:s2] =	stream.indirect.scatter.add.f32 [tilespmem:s15], [sflag:$0x4], $0x80, s30, s13, $0xb8;
	[tilespmem:$0x1C800] =	vst v63  }
0xa0: {  	_ =	swait.ge [sflag:s21], $0x4000  }
0xa1: {  	[sflag:s21] =	ssyncset.done $0x0  }
0xa2: {  	[sflag:s21] =	ssyncadd.s32 $0xFFFFC000  }
0xa3: {  	[tilespmem:s15], [sflag:$0x2] =	stream.indirect.gather [hbm4b:s4+s13], $0x80, s31, s13, $0xb8;
	[tilespmem:$0x1C800] =	vst v63  }
0xa4: {  	_ =	swait.ge [sflag:s16], $0x4000  }
0xa5: {  	[sflag:s16] =	ssyncset.done $0x0  }
0xa6: {  	[sflag:s16] =	ssyncadd.s32 $0xFFFFC000  }
0xa7: {  	[spmem:s2] =	stream.indirect.scatter.add.f32 [tilespmem:s14], [sflag:$0x3], $0x80, s1, s13, $0xb8;
	[tilespmem:$0x1C800] =	vst v63  }
0xa8: {  	_ =	swait.ge [sflag:s19], $0x4000  }
0xa9: {  	[sflag:s19] =	ssyncset.done $0x0  }
0xaa: {  	[sflag:s19] =	ssyncadd.s32 $0xFFFFC000  }
0xab: {  	[spmem:s2] =	stream.indirect.scatter.add.f32 [tilespmem:s15], [sflag:$0x4], $0x80, s0, s13, $0xb8;
	[tilespmem:$0x1C800] =	vst v63  }
.Ltmp0:
0xac: {  	_ =	swait.ge [sflag:s17], $0x4000;
	(pc) =	sbr.rel @p0 .LBB2_2-.Ltmp0, $4  }
0xad: {  	[sflag:s17] =	ssyncset.done $0x0  }
0xae: {  	[sflag:s17] =	ssyncadd.s32 $0xFFFFC000  }
0xaf: {  	_ =	swait.ge [sflag:s21], $0x4000  }
0xb0: {  	s7 =	smov.u32 s5;
	s8 =	smov.u32 s6;
	[sflag:s21] =	ssyncset.done $0x0  }
0xb1: {  	s5 =	sadd.s32 s7, s9;
	[sflag:s21] =	ssyncadd.s32 $0xFFFFC000  }
0xb2: {  	[tilespmem:s3], [sflag:$0x5] =	stream.linear.gather [hbm4b:s5+s3], $0x400, $0x38;
	[tilespmem:$0x1C800] =	vst v63  }
0xb3: {  	_ =	swait.ge [sflag:s11], $0x400  }
0xb4: {  	s8 =	rddreg [dreg:$0x4];
	[sflag:s11] =	ssyncset.done $0x0  }
0xb5: {  	s5 =	sadd.s32 s7, s8;
	[sflag:s11] =	ssyncadd.s32 $0xFFFFFC00  }
0xb6: {  	[tilespmem:s12], [sflag:$0x5] =	stream.linear.gather [hbm4b:s5+s3], $0x400, $0x38;
	[tilespmem:$0x1C800] =	vst v63  }
0xb7: {  	_ =	swait.ge [sflag:s11], $0x400  }
0xb8: {  	[sflag:s11] =	ssyncset.done $0x0  }
0xb9: {  	[sflag:s11] =	ssyncadd.s32 $0xFFFFFC00  }
0xba: {  	[tilespmem:s14], [sflag:$0x1] =	stream.indirect.gather [hbm4b:s4+s13], $0x80, s3, s13, $0xb8;
	[tilespmem:$0x1C800] =	vst v63  }
0xbb: {  	_ = 	snop  }
0xbc: {  	[tilespmem:s15], [sflag:$0x2] =	stream.indirect.gather [hbm4b:s4+s13], $0x80, s13, s13, $0xb8;
	[tilespmem:$0x1C800] =	vst v63  }
0xbd: {  	_ =	swait.ge [sflag:s16], $0x4000  }
0xbe: {  	[sflag:s16] =	ssyncset.done $0x0  }
0xbf: {  	[sflag:s16] =	ssyncadd.s32 $0xFFFFC000  }
0xc0: {  	[spmem:s2] =	stream.indirect.scatter.add.f32 [tilespmem:s14], [sflag:$0x3], $0x80, s12, s13, $0xb8;
	[tilespmem:$0x1C800] =	vst v63  }
0xc1: {  	_ =	swait.ge [sflag:s17], $0x4000  }
0xc2: {  	[sflag:s17] =	ssyncset.done $0x0  }
0xc3: {  	[sflag:s17] =	ssyncadd.s32 $0xFFFFC000  }
0xc4: {  	[tilespmem:s14], [sflag:$0x1] =	stream.indirect.gather [hbm4b:s4+s13], $0x80, s18, s13, $0xb8;
	[tilespmem:$0x1C800] =	vst v63  }
0xc5: {  	_ =	swait.ge [sflag:s19], $0x4000  }
0xc6: {  	[sflag:s19] =	ssyncset.done $0x0  }
0xc7: {  	[sflag:s19] =	ssyncadd.s32 $0xFFFFC000  }
0xc8: {  	[spmem:s2] =	stream.indirect.scatter.add.f32 [tilespmem:s15], [sflag:$0x4], $0x80, s20, s13, $0xb8;
	[tilespmem:$0x1C800] =	vst v63  }
0xc9: {  	_ =	swait.ge [sflag:s21], $0x4000  }
0xca: {  	[sflag:s21] =	ssyncset.done $0x0  }
0xcb: {  	[sflag:s21] =	ssyncadd.s32 $0xFFFFC000  }
0xcc: {  	[tilespmem:s15], [sflag:$0x2] =	stream.indirect.gather [hbm4b:s4+s13], $0x80, s22, s13, $0xb8;
	[tilespmem:$0x1C800] =	vst v63  }
0xcd: {  	_ =	swait.ge [sflag:s16], $0x4000  }
0xce: {  	[sflag:s16] =	ssyncset.done $0x0  }
0xcf: {  	[sflag:s16] =	ssyncadd.s32 $0xFFFFC000  }
0xd0: {  	[spmem:s2] =	stream.indirect.scatter.add.f32 [tilespmem:s14], [sflag:$0x3], $0x80, s23, s13, $0xb8;
	[tilespmem:$0x1C800] =	vst v63  }
0xd1: {  	_ =	swait.ge [sflag:s17], $0x4000  }
0xd2: {  	[sflag:s17] =	ssyncset.done $0x0  }
0xd3: {  	[sflag:s17] =	ssyncadd.s32 $0xFFFFC000  }
0xd4: {  	[tilespmem:s14], [sflag:$0x1] =	stream.indirect.gather [hbm4b:s4+s13], $0x80, s24, s13, $0xb8;
	[tilespmem:$0x1C800] =	vst v63  }
0xd5: {  	_ =	swait.ge [sflag:s19], $0x4000  }
0xd6: {  	[sflag:s19] =	ssyncset.done $0x0  }
0xd7: {  	[sflag:s19] =	ssyncadd.s32 $0xFFFFC000  }
0xd8: {  	[spmem:s2] =	stream.indirect.scatter.add.f32 [tilespmem:s15], [sflag:$0x4], $0x80, s25, s13, $0xb8;
	[tilespmem:$0x1C800] =	vst v63  }
0xd9: {  	_ =	swait.ge [sflag:s21], $0x4000  }
0xda: {  	[sflag:s21] =	ssyncset.done $0x0  }
0xdb: {  	[sflag:s21] =	ssyncadd.s32 $0xFFFFC000  }
0xdc: {  	[tilespmem:s15], [sflag:$0x2] =	stream.indirect.gather [hbm4b:s4+s13], $0x80, s26, s13, $0xb8;
	[tilespmem:$0x1C800] =	vst v63  }
0xdd: {  	_ =	swait.ge [sflag:s16], $0x4000  }
0xde: {  	[sflag:s16] =	ssyncset.done $0x0  }
0xdf: {  	[sflag:s16] =	ssyncadd.s32 $0xFFFFC000  }
0xe0: {  	[spmem:s2] =	stream.indirect.scatter.add.f32 [tilespmem:s14], [sflag:$0x3], $0x80, s28, s13, $0xb8;
	[tilespmem:$0x1C800] =	vst v63  }
0xe1: {  	_ =	swait.ge [sflag:s17], $0x4000  }
0xe2: {  	[sflag:s17] =	ssyncset.done $0x0  }
0xe3: {  	[sflag:s17] =	ssyncadd.s32 $0xFFFFC000  }
0xe4: {  	[tilespmem:s14], [sflag:$0x1] =	stream.indirect.gather [hbm4b:s4+s13], $0x80, s29, s13, $0xb8;
	[tilespmem:$0x1C800] =	vst v63  }
0xe5: {  	_ =	swait.ge [sflag:s19], $0x4000  }
0xe6: {  	[sflag:s19] =	ssyncset.done $0x0  }
0xe7: {  	[sflag:s19] =	ssyncadd.s32 $0xFFFFC000  }
0xe8: {  	[spmem:s2] =	stream.indirect.scatter.add.f32 [tilespmem:s15], [sflag:$0x4], $0x80, s30, s13, $0xb8;
	[tilespmem:$0x1C800] =	vst v63  }
0xe9: {  	_ =	swait.ge [sflag:s21], $0x4000  }
0xea: {  	[sflag:s21] =	ssyncset.done $0x0  }
0xeb: {  	[sflag:s21] =	ssyncadd.s32 $0xFFFFC000  }
0xec: {  	[tilespmem:s15], [sflag:$0x2] =	stream.indirect.gather [hbm4b:s4+s13], $0x80, s31, s13, $0xb8;
	[tilespmem:$0x1C800] =	vst v63  }
0xed: {  	_ =	swait.ge [sflag:s16], $0x4000  }
0xee: {  	[sflag:s16] =	ssyncset.done $0x0  }
0xef: {  	[sflag:s16] =	ssyncadd.s32 $0xFFFFC000  }
0xf0: {  	[spmem:s2] =	stream.indirect.scatter.add.f32 [tilespmem:s14], [sflag:$0x3], $0x80, s1, s13, $0xb8;
	[tilespmem:$0x1C800] =	vst v63  }
0xf1: {  	_ =	swait.ge [sflag:s19], $0x4000  }
0xf2: {  	[sflag:s19] =	ssyncset.done $0x0  }
0xf3: {  	[sflag:s19] =	ssyncadd.s32 $0xFFFFC000  }
0xf4: {  	[spmem:s2] =	stream.indirect.scatter.add.f32 [tilespmem:s15], [sflag:$0x4], $0x80, s0, s13, $0xb8;
	[tilespmem:$0x1C800] =	vst v63  }
0xf5: {  	_ =	swait.ge [sflag:s17], $0x4000  }
0xf6: {  	[sflag:s17] =	ssyncset.done $0x0  }
0xf7: {  	[sflag:s17] =	ssyncadd.s32 $0xFFFFC000  }
0xf8: {  	_ =	swait.ge [sflag:s21], $0x4000  }
0xf9: {  	[sflag:s21] =	ssyncset.done $0x0  }
0xfa: {  	[sflag:s21] =	ssyncadd.s32 $0xFFFFC000  }
0xfb: {  	[bflag:$0x0] =	sbarrier.arrive $0xFFFF  }
0xfc: {  	s8 =	rddreg [dreg:$0x6]  }
0xfd: {  	s10 =	rddreg [dreg:$0x7]  }
0xfe: {  	s6 =	rddreg [dreg:$0x9]  }
0xff: {  	[hbm:s10], [sflag:s8] =	dma.local [spmem:s6], $0x2800  }
0x100: {  	_ =	swait.ge [sflag:s11], $0x2800  }
0x101: {  	s5 =	rddreg [dreg:$0xa]  }
0x102: {  	s10 =	rddreg [dreg:$0x8];
	s7 =	sadd.s32 $0x1, s5  }
0x103: {  	p0 =	sne.s32 s7, s10  }
.Ltmp1:
0x104: {  	_ = 	snop;
	(pc) =	sbr.rel @p0 .LBB2_1-.Ltmp1, $3  }
0x105: {  	_ =	sdelay $0x1  }
0x106: {  	[sflag:s11] =	ssyncset.done $0x0  }
0x107: {  	[sflag:s11] =	ssyncadd.s32 $0xFFFFD800  }
0x108: {  	_ =	sfence.sel $0x180000  }
0x109: {  	[bflag:$0x0] =	sbarrier.arrive $0xFFFF  }
0x10a: {  	_ =	strace $0x9000004A  }
0x10b: {  	s0 =	stileid.u32;
	[bflag:$0x2] =	sbarrier.arrive $0xFFFF  }
0x10c: {  	p0 =	sne.s32 s0, $0x0;
	s0 =	rddreg [dreg:$0x3]  }
0x10d: {  	s0 =	sadd.s32 @!p0 $0x100000, s0  }
0x10e: {  	[sflag:s0] =	ssyncadd.tile.s32 @!p0 $0x1;
	_ =	shalt  }
.Lfunc_end2:
_tile_overlayer_lowered:
.L_overlay_start_2:
0x10f: {  	(tag) =	ssettag $0x2  }
0x110: {  	s0 =	rddreg [dreg:$0x0];
	s2 =	stileid.u32  }
0x111: {  	s1 =	rddreg [dreg:$0x1];
	p0 =	sne.s32 s2, $0x0  }
0x112: {  	s3 =	rddreg [dreg:$0x2];
	[bflag:$0x3] =	sbarrier.arrive $0xFFFF;
	s2 =	simm.s32 @!p0 $0x1C05  }
0x113: {  	[timem:s3], [sflag:s2] =	dma.local @!p0 [hbm:s0], s1  }
0x114: {  	s0 =	simm.s32 @!p0 $0x5  }
0x115: {  	_ =	swait.ge @!p0 [sflag:s0], s1  }
0x116: {  	s1 =	ssub.s32 @!p0 $0x0, s1;
	[sflag:s0] =	ssyncset.done @!p0 $0x0  }
0x117: {  	[sflag:s0] =	ssyncadd.s32 @!p0 s1  }
0x118: {  	[bflag:$0x3] =	sbarrier.arrive $0xFFFF  }
0x119: {  	_ =	shalt  }

</sc_bundles>
